<compile_context>
chip_gen: v7x
topology: tpu7x:2x2x1
jax: 0.10.2.dev20260603
libtpu: 0.0.44.dev20260713+nightly
codegen_flags: <defaults>
</compile_context>

<pallas_src>
import jax
import jax.numpy as jnp
from jax import lax
from jax.experimental import pallas as pl
from jax.experimental.pallas import tpu as pltpu
from jax.experimental.pallas import tpu_sc as plsc

VOCAB = 49408
MAX_POS = 128
D = 768
B = 1024
S = 64
C = 16
TOTAL = S + C

NC = 2
NS = 16
NW = NC * NS
BPW = B // NW
L = 16
DCH = D // L
R = 32


def _body(cbp_hbm, ids_hbm, ctx_hbm, tok_hbm, pos_hbm, out_hbm,
          cbp_v, ids_v, pidx0, pidx1, dst0, dst1, tidx0, tidx1,
          pos_vmem, buf0, buf1, sg0, sg1, so0, so1):
  wid = lax.axis_index("s") * NC + lax.axis_index("c")
  base = wid * BPW

  pltpu.sync_copy(cbp_hbm.at[pl.ds(base, BPW)], cbp_v)
  pltpu.sync_copy(ids_hbm.at[pl.ds(base, BPW)], ids_v)
  pltpu.sync_copy(pos_hbm.at[pl.ds(0, TOTAL)], pos_vmem)

  iota = lax.iota(jnp.int32, L)

  def splat(x):
    return jnp.full((L,), x, jnp.int32)

  def fire_tok(i, h, buf, pidx, dst, tidx, sg):
    b = base + i
    cbp = plsc.load_gather(cbp_v, [splat(i)])
    bt = splat(b * TOTAL)
    for k in range(R // L):
      t = iota + (h * R + k * L)
      pi = jnp.where(t >= cbp, t + C, t)
      pidx[pl.ds(k * L, L)] = pi
      dst[pl.ds(k * L, L)] = pi + bt
      tidx[pl.ds(k * L, L)] = plsc.load_gather(
          ids_v, [splat(i), iota + (h * R + k * L)])
    pltpu.async_copy(tok_hbm.at[tidx], buf, sg)

  def wait_g_tok(buf, tidx, sg):
    pltpu.make_async_copy(tok_hbm.at[tidx], buf, sg).wait()

  def fire_ctx(q, buf, pidx, dst, sg):
    i0 = 2 * q
    b0 = base + i0
    cbp0 = plsc.load_gather(cbp_v, [splat(i0)])
    cbp1 = plsc.load_gather(cbp_v, [splat(i0 + 1)])
    pidx[pl.ds(0, L)] = cbp0 + iota
    pidx[pl.ds(L, L)] = cbp1 + iota
    dst[pl.ds(0, L)] = splat(b0 * TOTAL) + cbp0 + iota
    dst[pl.ds(L, L)] = splat((b0 + 1) * TOTAL) + cbp1 + iota
    pltpu.async_copy(ctx_hbm.at[pl.ds(b0 * C, 2 * C)], buf, sg)

  def wait_g_ctx(buf, sg):
    pltpu.make_async_copy(ctx_hbm.at[pl.ds(0, 2 * C)], buf, sg).wait()

  def add_rows(buf, pidx):
    def row(r, carry):
      rs = splat(r)
      prow = plsc.load_gather(pidx, [rs])
      for k in range(DCH):
        col = iota + k * L
        pv = plsc.load_gather(pos_vmem, [prow, col])
        plsc.addupdate_scatter(buf, [rs, col], pv)
      return carry
    lax.fori_loop(0, R, row, 0)

  def fire_s(buf, dst, so):
    pltpu.async_copy(buf, out_hbm.at[dst], so)

  def wait_s(buf, dst, so):
    pltpu.make_async_copy(buf, out_hbm.at[dst], so).wait()

  bufs = (buf0, buf1)
  pidxs = (pidx0, pidx1)
  dsts = (dst0, dst1)
  tidxs = (tidx0, tidx1)
  sgs = (sg0, sg1)
  sos = (so0, so1)

  def phase_a(m, carry):
    for h in range(2):
      pl.when(m > 0)(lambda: wait_s(bufs[h], dsts[h], sos[h]))
      fire_tok(m, h, bufs[h], pidxs[h], dsts[h], tidxs[h], sgs[h])
      wait_g_tok(bufs[h], tidxs[h], sgs[h])
      add_rows(bufs[h], pidxs[h])
      fire_s(bufs[h], dsts[h], sos[h])
    return carry

  lax.fori_loop(0, BPW, phase_a, 0)
  wait_s(buf0, dst0, so0)
  wait_s(buf1, dst1, so1)

  def phase_b(n, carry):
    for h in range(2):
      pl.when(n > 0)(lambda: wait_s(bufs[h], dsts[h], sos[h]))
      fire_ctx(2 * n + h, bufs[h], pidxs[h], dsts[h], sgs[h])
      wait_g_ctx(bufs[h], sgs[h])
      add_rows(bufs[h], pidxs[h])
      fire_s(bufs[h], dsts[h], sos[h])
    return carry

  lax.fori_loop(0, BPW // 4, phase_b, 0)
  wait_s(buf0, dst0, so0)
  wait_s(buf1, dst1, so1)


@jax.jit
def _sc_embed(cbp, ids, ctx2, token_table, pos_table):
  mesh = plsc.VectorSubcoreMesh(
      core_axis_name="c", subcore_axis_name="s", num_cores=NC, num_subcores=NS)
  f = pl.kernel(
      _body,
      out_type=jax.ShapeDtypeStruct((B * TOTAL, D), jnp.float32),
      mesh=mesh,
      compiler_params=pltpu.CompilerParams(needs_layout_passes=False),
      scratch_types=[
          pltpu.VMEM((BPW,), jnp.int32),
          pltpu.VMEM((BPW, S), jnp.int32),
          pltpu.VMEM((R,), jnp.int32),
          pltpu.VMEM((R,), jnp.int32),
          pltpu.VMEM((R,), jnp.int32),
          pltpu.VMEM((R,), jnp.int32),
          pltpu.VMEM((R,), jnp.int32),
          pltpu.VMEM((R,), jnp.int32),
          pltpu.VMEM((TOTAL, D), jnp.float32),
          pltpu.VMEM((R, D), jnp.float32),
          pltpu.VMEM((R, D), jnp.float32),
          pltpu.SemaphoreType.DMA,
          pltpu.SemaphoreType.DMA,
          pltpu.SemaphoreType.DMA,
          pltpu.SemaphoreType.DMA,
      ],
  )
  return f(cbp, ids, ctx2, token_table, pos_table)


def kernel(ctx_embeddings, ctx_begin_pos, input_ids, token_table, pos_table):
  ctx2 = ctx_embeddings.reshape(B * C, D)
  ids = input_ids.astype(jnp.int32)
  cbp = ctx_begin_pos.astype(jnp.int32)
  out = _sc_embed(cbp, ids, ctx2, token_table, pos_table)
  return out.reshape(B, TOTAL, D)

# --- scband reference (transcript-rebuilt; emitter-appended) ---
"""Pipeline reference for scband-ctx-cliptext-embeddings-42649025249726 (READ-ONLY COPY).

The authoritative reference and input builder live on the scoring server;
editing this copy changes nothing except your own understanding.
"""

import jax, jax.numpy as jnp
import numpy as np

VOCAB = 49408
MAX_POS = 128
D = 768
B = 1024
S = 64
C = 16

def setup_inputs(seed: int = 0) -> dict:
    key = jax.random.key(seed)
    k1, k2, k3, k4, k5 = jax.random.split(key, 5)
    ctx_embeddings = jax.random.normal(k1, (B, C, D), dtype=jnp.float32)
    ctx_begin_pos = jax.random.randint(k2, (B,), 0, 32, dtype=jnp.int64 if jax.config.read('jax_enable_x64') else jnp.int32)
    input_ids = jax.random.randint(k3, (B, S), 0, VOCAB, dtype=jnp.int64 if jax.config.read('jax_enable_x64') else jnp.int32)
    token_table = jax.random.normal(k4, (VOCAB, D), dtype=jnp.float32) * 0.02
    pos_table = jax.random.normal(k5, (MAX_POS, D), dtype=jnp.float32) * 0.02
    return {"ctx_embeddings": ctx_embeddings, "ctx_begin_pos": ctx_begin_pos, "input_ids": input_ids, "token_table": token_table, "pos_table": pos_table}

def reference(ctx_embeddings, ctx_begin_pos, input_ids, token_table, pos_table):
    # token embedding lookup (gather)
    inputs_embeds = jnp.take(token_table, input_ids, axis=0)  # [B, S, D]
    b, s, d = inputs_embeds.shape
    c = ctx_embeddings.shape[1]
    total = s + c
    j = jnp.arange(total)[None, :]           # [1, total]
    cbp = ctx_begin_pos[:, None]             # [B, 1]
    is_ctx = (j >= cbp) & (j < cbp + c)      # [B, total]
    # position j maps to token j if before ctx, token j-c if after ctx
    tok_idx = jnp.where(j < cbp, j, jnp.clip(j - c, 0, s - 1))  # [B, total]
    ctx_idx = jnp.clip(j - cbp, 0, c - 1)                        # [B, total]
    tok_part = jnp.take_along_axis(inputs_embeds, tok_idx[:, :, None], axis=1)   # [B, total, D]
    ctx_part = jnp.take_along_axis(ctx_embeddings, ctx_idx[:, :, None], axis=1)  # [B, total, D]
    merged = jnp.where(is_ctx[:, :, None], ctx_part, tok_part)
    position_ids = jnp.arange(total)
    position_embeddings = jnp.take(pos_table, position_ids, axis=0)[None, :, :]  # [1, total, D]
    embeddings = merged + position_embeddings
    return embeddings

if __name__ == "__main__":
    import jax
    _d = setup_inputs()
    print(jax.jit(kernel)(*tuple(_d.values())))

</pallas_src>

<mosaic_0001>
#map = affine_map<(d0, d1) -> (0)>
#map1 = affine_map<(d0, d1) -> (0, 0)>
module attributes {stable_mosaic.version = 14 : i64} {
  func.func @_body(%arg0: i32, %arg1: i32, %arg2: memref<1024xi32, #tpu.memory_space<hbm>>, %arg3: memref<1024x64xi32, #tpu.memory_space<hbm>>, %arg4: memref<16384x768xf32, #tpu.memory_space<hbm>>, %arg5: memref<49408x768xf32, #tpu.memory_space<hbm>>, %arg6: memref<128x768xf32, #tpu.memory_space<hbm>>, %arg7: memref<81920x768xf32, #tpu.memory_space<hbm>>, %arg8: memref<32xi32, #tpu.memory_space<vmem>>, %arg9: memref<32x64xi32, #tpu.memory_space<vmem>>, %arg10: memref<32xi32, #tpu.memory_space<vmem>>, %arg11: memref<32xi32, #tpu.memory_space<vmem>>, %arg12: memref<32xi32, #tpu.memory_space<vmem>>, %arg13: memref<32xi32, #tpu.memory_space<vmem>>, %arg14: memref<32xi32, #tpu.memory_space<vmem>>, %arg15: memref<32xi32, #tpu.memory_space<vmem>>, %arg16: memref<80x768xf32, #tpu.memory_space<vmem>>, %arg17: memref<32x768xf32, #tpu.memory_space<vmem>>, %arg18: memref<32x768xf32, #tpu.memory_space<vmem>>, %arg19: memref<!tpu.dma_semaphore, #tpu.memory_space<semaphore_mem>>, %arg20: memref<!tpu.dma_semaphore, #tpu.memory_space<semaphore_mem>>, %arg21: memref<!tpu.dma_semaphore, #tpu.memory_space<semaphore_mem>>, %arg22: memref<!tpu.dma_semaphore, #tpu.memory_space<semaphore_mem>>) attributes {dimension_semantics = [#tpu.dimension_semantics<core_parallel>, #tpu.dimension_semantics<subcore_parallel>], iteration_bounds = array<i64: 2, 16>, scalar_prefetch = 0 : i64, scratch_operands = 15 : i64, tpu.core_type = #tpu.core_type<sc_vector_subcore>, window_params = [{transform_indices = #map}, {transform_indices = #map1}, {transform_indices = #map1}, {transform_indices = #map1}, {transform_indices = #map1}, {transform_indices = #map1}]} {
    %mul3A = arith.constant 2 : i32
    %mul3A_0 = arith.muli %arg1, %mul3A : i32
    %add3A = arith.addi %mul3A_0, %arg0 : i32
    %mul3A_1 = arith.constant 32 : i32
    %mul3A_2 = arith.muli %add3A, %mul3A_1 : i32
    "tpu.region"() ({
      %run_scoped3A = tpu.sem_alloc : memref<!tpu.dma_semaphore, #tpu.memory_space<semaphore_mem>>
      %dma_start3A = tpu.memref_slice %arg2[%mul3A_2] : memref<1024xi32, #tpu.memory_space<hbm>> -> memref<32xi32, #tpu.memory_space<hbm>>
      %dma_start3A_25 = tpu.memref_slice %arg2[%mul3A_2] : memref<1024xi32, #tpu.memory_space<hbm>> -> memref<32xi32, #tpu.memory_space<hbm>>
      tpu.enqueue_dma source(%dma_start3A_25 : memref<32xi32, #tpu.memory_space<hbm>>) target(%arg8 : memref<32xi32, #tpu.memory_space<vmem>>) target_semaphore(%run_scoped3A : memref<!tpu.dma_semaphore, #tpu.memory_space<semaphore_mem>>)
      %dma_wait3A_26 = tpu.memref_slice %arg2[%mul3A_2] : memref<1024xi32, #tpu.memory_space<hbm>> -> memref<32xi32, #tpu.memory_space<hbm>>
      %dma_wait3A_27 = tpu.memref_slice %arg2[%mul3A_2] : memref<1024xi32, #tpu.memory_space<hbm>> -> memref<32xi32, #tpu.memory_space<hbm>>
      tpu.wait_dma2 semaphore(%run_scoped3A : memref<!tpu.dma_semaphore, #tpu.memory_space<semaphore_mem>>) src(%dma_wait3A_27 : memref<32xi32, #tpu.memory_space<hbm>>) dst(%arg8 : memref<32xi32, #tpu.memory_space<vmem>>)
      tpu.yield
    }) : () -> ()
    "tpu.region"() ({
      %run_scoped3A = tpu.sem_alloc : memref<!tpu.dma_semaphore, #tpu.memory_space<semaphore_mem>>
      %dma_start3A = arith.constant 0 : i32
      %dma_start3A_25 = tpu.memref_slice %arg3[%mul3A_2, %dma_start3A] : memref<1024x64xi32, #tpu.memory_space<hbm>> -> memref<32x64xi32, #tpu.memory_space<hbm>>
      %dma_start3A_26 = arith.constant 0 : i32
      %dma_start3A_27 = tpu.memref_slice %arg3[%mul3A_2, %dma_start3A_26] : memref<1024x64xi32, #tpu.memory_space<hbm>> -> memref<32x64xi32, #tpu.memory_space<hbm>>
      tpu.enqueue_dma source(%dma_start3A_27 : memref<32x64xi32, #tpu.memory_space<hbm>>) target(%arg9 : memref<32x64xi32, #tpu.memory_space<vmem>>) target_semaphore(%run_scoped3A : memref<!tpu.dma_semaphore, #tpu.memory_space<semaphore_mem>>)
      %dma_wait3A_28 = arith.constant 0 : i32
      %dma_wait3A_29 = tpu.memref_slice %arg3[%mul3A_2, %dma_wait3A_28] : memref<1024x64xi32, #tpu.memory_space<hbm>> -> memref<32x64xi32, #tpu.memory_space<hbm>>
      %dma_wait3A_30 = arith.constant 0 : i32
      %dma_wait3A_31 = tpu.memref_slice %arg3[%mul3A_2, %dma_wait3A_30] : memref<1024x64xi32, #tpu.memory_space<hbm>> -> memref<32x64xi32, #tpu.memory_space<hbm>>
      tpu.wait_dma2 semaphore(%run_scoped3A : memref<!tpu.dma_semaphore, #tpu.memory_space<semaphore_mem>>) src(%dma_wait3A_31 : memref<32x64xi32, #tpu.memory_space<hbm>>) dst(%arg9 : memref<32x64xi32, #tpu.memory_space<vmem>>)
      tpu.yield
    }) : () -> ()
    "tpu.region"() ({
      %run_scoped3A = tpu.sem_alloc : memref<!tpu.dma_semaphore, #tpu.memory_space<semaphore_mem>>
      %dma_start3A = arith.constant 0 : i32
      %dma_start3A_25 = arith.constant 0 : i32
      %dma_start3A_26 = tpu.memref_slice %arg6[%dma_start3A, %dma_start3A_25] : memref<128x768xf32, #tpu.memory_space<hbm>> -> memref<80x768xf32, #tpu.memory_space<hbm>>
      %dma_start3A_27 = arith.constant 0 : i32
      %dma_start3A_28 = arith.constant 0 : i32
      %dma_start3A_29 = tpu.memref_slice %arg6[%dma_start3A_27, %dma_start3A_28] : memref<128x768xf32, #tpu.memory_space<hbm>> -> memref<80x768xf32, #tpu.memory_space<hbm>>
      tpu.enqueue_dma source(%dma_start3A_29 : memref<80x768xf32, #tpu.memory_space<hbm>>) target(%arg16 : memref<80x768xf32, #tpu.memory_space<vmem>>) target_semaphore(%run_scoped3A : memref<!tpu.dma_semaphore, #tpu.memory_space<semaphore_mem>>)
      %dma_wait3A_30 = arith.constant 0 : i32
      %dma_wait3A_31 = arith.constant 0 : i32
      %dma_wait3A_32 = tpu.memref_slice %arg6[%dma_wait3A_30, %dma_wait3A_31] : memref<128x768xf32, #tpu.memory_space<hbm>> -> memref<80x768xf32, #tpu.memory_space<hbm>>
      %dma_wait3A_33 = arith.constant 0 : i32
      %dma_wait3A_34 = arith.constant 0 : i32
      %dma_wait3A_35 = tpu.memref_slice %arg6[%dma_wait3A_33, %dma_wait3A_34] : memref<128x768xf32, #tpu.memory_space<hbm>> -> memref<80x768xf32, #tpu.memory_space<hbm>>
      tpu.wait_dma2 semaphore(%run_scoped3A : memref<!tpu.dma_semaphore, #tpu.memory_space<semaphore_mem>>) src(%dma_wait3A_35 : memref<80x768xf32, #tpu.memory_space<hbm>>) dst(%arg16 : memref<80x768xf32, #tpu.memory_space<vmem>>)
      tpu.yield
    }) : () -> ()
    %iota3A = tpu.iota {dimensions = array<i32: 0>} : vector<16xi32>
    %scan3A = arith.constant 0 : i32
    %scan3A_3 = arith.constant 0 : i32
    %scan3A_4 = arith.constant 32 : i32
    %scan3A_5 = arith.addi %scan3A_3, %scan3A_4 : i32
    %scan3A_6 = arith.constant 1 : i32
    scf.for %scan3A_25 = %scan3A_3 to %scan3A_5 step %scan3A_6  : i32 {
      %gt3A = arith.constant 0 : i32
      %gt3A_26 = arith.cmpi sgt, %scan3A_25, %gt3A : i32
      %convert_element_type3A = arith.extui %gt3A_26 : i1 to i32
      %cond3A = arith.constant 0 : i32
      %cond3A_27 = arith.cmpi ne, %convert_element_type3A, %cond3A : i32
      scf.if %cond3A_27 {
        %dma_wait3A_149 = arith.constant 0 : i32
        %dma_wait3A_150 = arith.constant 0 : i32
        %dma_wait3A_151 = tpu.memref_slice %arg7[%dma_wait3A_149, %dma_wait3A_150] : memref<81920x768xf32, #tpu.memory_space<hbm>> -> memref<81920x768xf32, #tpu.memory_space<hbm>>
        tpu.wait_indirect_dma semaphore(%arg21 : memref<!tpu.dma_semaphore, #tpu.memory_space<semaphore_mem>>) src(%arg17 : memref<32x768xf32, #tpu.memory_space<vmem>>) dst(%dma_wait3A_151 : memref<81920x768xf32, #tpu.memory_space<hbm>>)
      } else {
      }
      %add3A_28 = arith.addi %mul3A_2, %scan3A_25 : i32
      %broadcast_in_dim3A = vector.broadcast %scan3A_25 : i32 to vector<16xi32>
      %gather3A = tpu.vector_load_idx %arg8[%broadcast_in_dim3A] : memref<32xi32, #tpu.memory_space<vmem>>[vector<16xi32>], vector<16xi32>,
      %mul3A_29 = arith.constant 80 : i32
      %mul3A_30 = arith.muli %add3A_28, %mul3A_29 : i32
      %broadcast_in_dim3A_31 = vector.broadcast %mul3A_30 : i32 to vector<16xi32>
      %add3A_32 = arith.constant 0 : i32
      %add3A_33 = vector.broadcast %add3A_32 : i32 to vector<16xi32>
      %add3A_34 = arith.addi %iota3A, %add3A_33 : vector<16xi32>
      %ge3A = arith.cmpi sge, %add3A_34, %gather3A : vector<16xi32>
      %add3A_35 = arith.constant 16 : i32
      %add3A_36 = vector.broadcast %add3A_35 : i32 to vector<16xi32>
      %add3A_37 = arith.addi %add3A_34, %add3A_36 : vector<16xi32>
      %select_n3A = arith.select %ge3A, %add3A_37, %add3A_34 : vector<16xi1>, vector<16xi32>
      %swap3A = arith.constant 0 : index
      %swap3A_38 = tpu.vector_load %arg10[%swap3A] {strides = array<i32>} : memref<32xi32, #tpu.memory_space<vmem>>, vector<16xi32>,
      tpu.vector_store %arg10[%swap3A], %select_n3A {strides = array<i32>} : memref<32xi32, #tpu.memory_space<vmem>>, vector<16xi32>,
      %add3A_39 = arith.addi %select_n3A, %broadcast_in_dim3A_31 : vector<16xi32>
      %swap3A_40 = arith.constant 0 : index
      %swap3A_41 = tpu.vector_load %arg12[%swap3A_40] {strides = array<i32>} : memref<32xi32, #tpu.memory_space<vmem>>, vector<16xi32>,
      tpu.vector_store %arg12[%swap3A_40], %add3A_39 {strides = array<i32>} : memref<32xi32, #tpu.memory_space<vmem>>, vector<16xi32>,
      %broadcast_in_dim3A_42 = vector.broadcast %scan3A_25 : i32 to vector<16xi32>
      %add3A_43 = arith.constant 0 : i32
      %add3A_44 = vector.broadcast %add3A_43 : i32 to vector<16xi32>
      %add3A_45 = arith.addi %iota3A, %add3A_44 : vector<16xi32>
      %gather3A_46 = tpu.vector_load_idx %arg9[%broadcast_in_dim3A_42, %add3A_45] : memref<32x64xi32, #tpu.memory_space<vmem>>[vector<16xi32>, vector<16xi32>], vector<16xi32>,
      %swap3A_47 = arith.constant 0 : index
      %swap3A_48 = tpu.vector_load %arg14[%swap3A_47] {strides = array<i32>} : memref<32xi32, #tpu.memory_space<vmem>>, vector<16xi32>,
      tpu.vector_store %arg14[%swap3A_47], %gather3A_46 {strides = array<i32>} : memref<32xi32, #tpu.memory_space<vmem>>, vector<16xi32>,
      %add3A_49 = arith.constant 16 : i32
      %add3A_50 = vector.broadcast %add3A_49 : i32 to vector<16xi32>
      %add3A_51 = arith.addi %iota3A, %add3A_50 : vector<16xi32>
      %ge3A_52 = arith.cmpi sge, %add3A_51, %gather3A : vector<16xi32>
      %add3A_53 = arith.constant 16 : i32
      %add3A_54 = vector.broadcast %add3A_53 : i32 to vector<16xi32>
      %add3A_55 = arith.addi %add3A_51, %add3A_54 : vector<16xi32>
      %select_n3A_56 = arith.select %ge3A_52, %add3A_55, %add3A_51 : vector<16xi1>, vector<16xi32>
      %swap3A_57 = arith.constant 16 : index
      %swap3A_58 = tpu.vector_load %arg10[%swap3A_57] {strides = array<i32>} : memref<32xi32, #tpu.memory_space<vmem>>, vector<16xi32>,
      tpu.vector_store %arg10[%swap3A_57], %select_n3A_56 {strides = array<i32>} : memref<32xi32, #tpu.memory_space<vmem>>, vector<16xi32>,
      %add3A_59 = arith.addi %select_n3A_56, %broadcast_in_dim3A_31 : vector<16xi32>
      %swap3A_60 = arith.constant 16 : index
      %swap3A_61 = tpu.vector_load %arg12[%swap3A_60] {strides = array<i32>} : memref<32xi32, #tpu.memory_space<vmem>>, vector<16xi32>,
      tpu.vector_store %arg12[%swap3A_60], %add3A_59 {strides = array<i32>} : memref<32xi32, #tpu.memory_space<vmem>>, vector<16xi32>,
      %broadcast_in_dim3A_62 = vector.broadcast %scan3A_25 : i32 to vector<16xi32>
      %add3A_63 = arith.constant 16 : i32
      %add3A_64 = vector.broadcast %add3A_63 : i32 to vector<16xi32>
      %add3A_65 = arith.addi %iota3A, %add3A_64 : vector<16xi32>
      %gather3A_66 = tpu.vector_load_idx %arg9[%broadcast_in_dim3A_62, %add3A_65] : memref<32x64xi32, #tpu.memory_space<vmem>>[vector<16xi32>, vector<16xi32>], vector<16xi32>,
      %swap3A_67 = arith.constant 16 : index
      %swap3A_68 = tpu.vector_load %arg14[%swap3A_67] {strides = array<i32>} : memref<32xi32, #tpu.memory_space<vmem>>, vector<16xi32>,
      tpu.vector_store %arg14[%swap3A_67], %gather3A_66 {strides = array<i32>} : memref<32xi32, #tpu.memory_space<vmem>>, vector<16xi32>,
      %dma_start3A = arith.constant 0 : i32
      %dma_start3A_69 = arith.constant 0 : i32
      %dma_start3A_70 = tpu.memref_slice %arg5[%dma_start3A, %dma_start3A_69] : memref<49408x768xf32, #tpu.memory_space<hbm>> -> memref<49408x768xf32, #tpu.memory_space<hbm>>
      tpu.enqueue_indirect_dma source(%dma_start3A_70 : memref<49408x768xf32, #tpu.memory_space<hbm>>) target(%arg17 : memref<32x768xf32, #tpu.memory_space<vmem>>) offsets(%arg14 : memref<32xi32, #tpu.memory_space<vmem>>) semaphore(%arg19 : memref<!tpu.dma_semaphore, #tpu.memory_space<semaphore_mem>>)
      %dma_wait3A_71 = arith.constant 0 : i32
      %dma_wait3A_72 = arith.constant 0 : i32
      %dma_wait3A_73 = tpu.memref_slice %arg5[%dma_wait3A_71, %dma_wait3A_72] : memref<49408x768xf32, #tpu.memory_space<hbm>> -> memref<49408x768xf32, #tpu.memory_space<hbm>>
      tpu.wait_indirect_dma semaphore(%arg19 : memref<!tpu.dma_semaphore, #tpu.memory_space<semaphore_mem>>) src(%dma_wait3A_73 : memref<49408x768xf32, #tpu.memory_space<hbm>>) dst(%arg17 : memref<32x768xf32, #tpu.memory_space<vmem>>)
      %scan3A_74 = arith.constant 0 : i32
      %scan3A_75 = arith.constant 0 : i32
      %scan3A_76 = arith.constant 32 : i32
      %scan3A_77 = arith.addi %scan3A_75, %scan3A_76 : i32
      %scan3A_78 = arith.constant 1 : i32
      scf.for %scan3A_149 = %scan3A_75 to %scan3A_77 step %scan3A_78  : i32 {
        %broadcast_in_dim3A_150 = vector.broadcast %scan3A_149 : i32 to vector<16xi32>
        %gather3A_151 = tpu.vector_load_idx %arg10[%broadcast_in_dim3A_150] : memref<32xi32, #tpu.memory_space<vmem>>[vector<16xi32>], vector<16xi32>,
        %add3A_152 = arith.constant 0 : i32
        %add3A_153 = vector.broadcast %add3A_152 : i32 to vector<16xi32>
        %add3A_154 = arith.addi %iota3A, %add3A_153 : vector<16xi32>
        %gather3A_155 = tpu.vector_load_idx %arg16[%gather3A_151, %add3A_154] : memref<80x768xf32, #tpu.memory_space<vmem>>[vector<16xi32>, vector<16xi32>], vector<16xf32>,
        tpu.vector_store_idx %arg17[%broadcast_in_dim3A_150, %add3A_154], %gather3A_155 {add = true} : memref<32x768xf32, #tpu.memory_space<vmem>>[vector<16xi32>, vector<16xi32>], vector<16xf32>,
        %add3A_156 = arith.constant 16 : i32
        %add3A_157 = vector.broadcast %add3A_156 : i32 to vector<16xi32>
        %add3A_158 = arith.addi %iota3A, %add3A_157 : vector<16xi32>
        %gather3A_159 = tpu.vector_load_idx %arg16[%gather3A_151, %add3A_158] : memref<80x768xf32, #tpu.memory_space<vmem>>[vector<16xi32>, vector<16xi32>], vector<16xf32>,
        tpu.vector_store_idx %arg17[%broadcast_in_dim3A_150, %add3A_158], %gather3A_159 {add = true} : memref<32x768xf32, #tpu.memory_space<vmem>>[vector<16xi32>, vector<16xi32>], vector<16xf32>,
        %add3A_160 = arith.constant 32 : i32
        %add3A_161 = vector.broadcast %add3A_160 : i32 to vector<16xi32>
        %add3A_162 = arith.addi %iota3A, %add3A_161 : vector<16xi32>
        %gather3A_163 = tpu.vector_load_idx %arg16[%gather3A_151, %add3A_162] : memref<80x768xf32, #tpu.memory_space<vmem>>[vector<16xi32>, vector<16xi32>], vector<16xf32>,
        tpu.vector_store_idx %arg17[%broadcast_in_dim3A_150, %add3A_162], %gather3A_163 {add = true} : memref<32x768xf32, #tpu.memory_space<vmem>>[vector<16xi32>, vector<16xi32>], vector<16xf32>,
        %add3A_164 = arith.constant 48 : i32
        %add3A_165 = vector.broadcast %add3A_164 : i32 to vector<16xi32>
        %add3A_166 = arith.addi %iota3A, %add3A_165 : vector<16xi32>
        %gather3A_167 = tpu.vector_load_idx %arg16[%gather3A_151, %add3A_166] : memref<80x768xf32, #tpu.memory_space<vmem>>[vector<16xi32>, vector<16xi32>], vector<16xf32>,
        tpu.vector_store_idx %arg17[%broadcast_in_dim3A_150, %add3A_166], %gather3A_167 {add = true} : memref<32x768xf32, #tpu.memory_space<vmem>>[vector<16xi32>, vector<16xi32>], vector<16xf32>,
        %add3A_168 = arith.constant 64 : i32
        %add3A_169 = vector.broadcast %add3A_168 : i32 to vector<16xi32>
        %add3A_170 = arith.addi %iota3A, %add3A_169 : vector<16xi32>
        %gather3A_171 = tpu.vector_load_idx %arg16[%gather3A_151, %add3A_170] : memref<80x768xf32, #tpu.memory_space<vmem>>[vector<16xi32>, vector<16xi32>], vector<16xf32>,
        tpu.vector_store_idx %arg17[%broadcast_in_dim3A_150, %add3A_170], %gather3A_171 {add = true} : memref<32x768xf32, #tpu.memory_space<vmem>>[vector<16xi32>, vector<16xi32>], vector<16xf32>,
        %add3A_172 = arith.constant 80 : i32
        %add3A_173 = vector.broadcast %add3A_172 : i32 to vector<16xi32>
        %add3A_174 = arith.addi %iota3A, %add3A_173 : vector<16xi32>
        %gather3A_175 = tpu.vector_load_idx %arg16[%gather3A_151, %add3A_174] : memref<80x768xf32, #tpu.memory_space<vmem>>[vector<16xi32>, vector<16xi32>], vector<16xf32>,
        tpu.vector_store_idx %arg17[%broadcast_in_dim3A_150, %add3A_174], %gather3A_175 {add = true} : memref<32x768xf32, #tpu.memory_space<vmem>>[vector<16xi32>, vector<16xi32>], vector<16xf32>,
        %add3A_176 = arith.constant 96 : i32
        %add3A_177 = vector.broadcast %add3A_176 : i32 to vector<16xi32>
        %add3A_178 = arith.addi %iota3A, %add3A_177 : vector<16xi32>
        %gather3A_179 = tpu.vector_load_idx %arg16[%gather3A_151, %add3A_178] : memref<80x768xf32, #tpu.memory_space<vmem>>[vector<16xi32>, vector<16xi32>], vector<16xf32>,
        tpu.vector_store_idx %arg17[%broadcast_in_dim3A_150, %add3A_178], %gather3A_179 {add = true} : memref<32x768xf32, #tpu.memory_space<vmem>>[vector<16xi32>, vector<16xi32>], vector<16xf32>,
        %add3A_180 = arith.constant 112 : i32
        %add3A_181 = vector.broadcast %add3A_180 : i32 to vector<16xi32>
        %add3A_182 = arith.addi %iota3A, %add3A_181 : vector<16xi32>
        %gather3A_183 = tpu.vector_load_idx %arg16[%gather3A_151, %add3A_182] : memref<80x768xf32, #tpu.memory_space<vmem>>[vector<16xi32>, vector<16xi32>], vector<16xf32>,
        tpu.vector_store_idx %arg17[%broadcast_in_dim3A_150, %add3A_182], %gather3A_183 {add = true} : memref<32x768xf32, #tpu.memory_space<vmem>>[vector<16xi32>, vector<16xi32>], vector<16xf32>,
        %add3A_184 = arith.constant 128 : i32
        %add3A_185 = vector.broadcast %add3A_184 : i32 to vector<16xi32>
        %add3A_186 = arith.addi %iota3A, %add3A_185 : vector<16xi32>
        %gather3A_187 = tpu.vector_load_idx %arg16[%gather3A_151, %add3A_186] : memref<80x768xf32, #tpu.memory_space<vmem>>[vector<16xi32>, vector<16xi32>], vector<16xf32>,
        tpu.vector_store_idx %arg17[%broadcast_in_dim3A_150, %add3A_186], %gather3A_187 {add = true} : memref<32x768xf32, #tpu.memory_space<vmem>>[vector<16xi32>, vector<16xi32>], vector<16xf32>,
        %add3A_188 = arith.constant 144 : i32
        %add3A_189 = vector.broadcast %add3A_188 : i32 to vector<16xi32>
        %add3A_190 = arith.addi %iota3A, %add3A_189 : vector<16xi32>
        %gather3A_191 = tpu.vector_load_idx %arg16[%gather3A_151, %add3A_190] : memref<80x768xf32, #tpu.memory_space<vmem>>[vector<16xi32>, vector<16xi32>], vector<16xf32>,
        tpu.vector_store_idx %arg17[%broadcast_in_dim3A_150, %add3A_190], %gather3A_191 {add = true} : memref<32x768xf32, #tpu.memory_space<vmem>>[vector<16xi32>, vector<16xi32>], vector<16xf32>,
        %add3A_192 = arith.constant 160 : i32
        %add3A_193 = vector.broadcast %add3A_192 : i32 to vector<16xi32>
        %add3A_194 = arith.addi %iota3A, %add3A_193 : vector<16xi32>
        %gather3A_195 = tpu.vector_load_idx %arg16[%gather3A_151, %add3A_194] : memref<80x768xf32, #tpu.memory_space<vmem>>[vector<16xi32>, vector<16xi32>], vector<16xf32>,
        tpu.vector_store_idx %arg17[%broadcast_in_dim3A_150, %add3A_194], %gather3A_195 {add = true} : memref<32x768xf32, #tpu.memory_space<vmem>>[vector<16xi32>, vector<16xi32>], vector<16xf32>,
        %add3A_196 = arith.constant 176 : i32
        %add3A_197 = vector.broadcast %add3A_196 : i32 to vector<16xi32>
        %add3A_198 = arith.addi %iota3A, %add3A_197 : vector<16xi32>
        %gather3A_199 = tpu.vector_load_idx %arg16[%gather3A_151, %add3A_198] : memref<80x768xf32, #tpu.memory_space<vmem>>[vector<16xi32>, vector<16xi32>], vector<16xf32>,
        tpu.vector_store_idx %arg17[%broadcast_in_dim3A_150, %add3A_198], %gather3A_199 {add = true} : memref<32x768xf32, #tpu.memory_space<vmem>>[vector<16xi32>, vector<16xi32>], vector<16xf32>,
        %add3A_200 = arith.constant 192 : i32
        %add3A_201 = vector.broadcast %add3A_200 : i32 to vector<16xi32>
        %add3A_202 = arith.addi %iota3A, %add3A_201 : vector<16xi32>
        %gather3A_203 = tpu.vector_load_idx %arg16[%gather3A_151, %add3A_202] : memref<80x768xf32, #tpu.memory_space<vmem>>[vector<16xi32>, vector<16xi32>], vector<16xf32>,
        tpu.vector_store_idx %arg17[%broadcast_in_dim3A_150, %add3A_202], %gather3A_203 {add = true} : memref<32x768xf32, #tpu.memory_space<vmem>>[vector<16xi32>, vector<16xi32>], vector<16xf32>,
        %add3A_204 = arith.constant 208 : i32
        %add3A_205 = vector.broadcast %add3A_204 : i32 to vector<16xi32>
        %add3A_206 = arith.addi %iota3A, %add3A_205 : vector<16xi32>
        %gather3A_207 = tpu.vector_load_idx %arg16[%gather3A_151, %add3A_206] : memref<80x768xf32, #tpu.memory_space<vmem>>[vector<16xi32>, vector<16xi32>], vector<16xf32>,
        tpu.vector_store_idx %arg17[%broadcast_in_dim3A_150, %add3A_206], %gather3A_207 {add = true} : memref<32x768xf32, #tpu.memory_space<vmem>>[vector<16xi32>, vector<16xi32>], vector<16xf32>,
        %add3A_208 = arith.constant 224 : i32
        %add3A_209 = vector.broadcast %add3A_208 : i32 to vector<16xi32>
        %add3A_210 = arith.addi %iota3A, %add3A_209 : vector<16xi32>
        %gather3A_211 = tpu.vector_load_idx %arg16[%gather3A_151, %add3A_210] : memref<80x768xf32, #tpu.memory_space<vmem>>[vector<16xi32>, vector<16xi32>], vector<16xf32>,
        tpu.vector_store_idx %arg17[%broadcast_in_dim3A_150, %add3A_210], %gather3A_211 {add = true} : memref<32x768xf32, #tpu.memory_space<vmem>>[vector<16xi32>, vector<16xi32>], vector<16xf32>,
        %add3A_212 = arith.constant 240 : i32
        %add3A_213 = vector.broadcast %add3A_212 : i32 to vector<16xi32>
        %add3A_214 = arith.addi %iota3A, %add3A_213 : vector<16xi32>
        %gather3A_215 = tpu.vector_load_idx %arg16[%gather3A_151, %add3A_214] : memref<80x768xf32, #tpu.memory_space<vmem>>[vector<16xi32>, vector<16xi32>], vector<16xf32>,
        tpu.vector_store_idx %arg17[%broadcast_in_dim3A_150, %add3A_214], %gather3A_215 {add = true} : memref<32x768xf32, #tpu.memory_space<vmem>>[vector<16xi32>, vector<16xi32>], vector<16xf32>,
        %add3A_216 = arith.constant 256 : i32
        %add3A_217 = vector.broadcast %add3A_216 : i32 to vector<16xi32>
        %add3A_218 = arith.addi %iota3A, %add3A_217 : vector<16xi32>
        %gather3A_219 = tpu.vector_load_idx %arg16[%gather3A_151, %add3A_218] : memref<80x768xf32, #tpu.memory_space<vmem>>[vector<16xi32>, vector<16xi32>], vector<16xf32>,
        tpu.vector_store_idx %arg17[%broadcast_in_dim3A_150, %add3A_218], %gather3A_219 {add = true} : memref<32x768xf32, #tpu.memory_space<vmem>>[vector<16xi32>, vector<16xi32>], vector<16xf32>,
        %add3A_220 = arith.constant 272 : i32
        %add3A_221 = vector.broadcast %add3A_220 : i32 to vector<16xi32>
        %add3A_222 = arith.addi %iota3A, %add3A_221 : vector<16xi32>
        %gather3A_223 = tpu.vector_load_idx %arg16[%gather3A_151, %add3A_222] : memref<80x768xf32, #tpu.memory_space<vmem>>[vector<16xi32>, vector<16xi32>], vector<16xf32>,
        tpu.vector_store_idx %arg17[%broadcast_in_dim3A_150, %add3A_222], %gather3A_223 {add = true} : memref<32x768xf32, #tpu.memory_space<vmem>>[vector<16xi32>, vector<16xi32>], vector<16xf32>,
        %add3A_224 = arith.constant 288 : i32
        %add3A_225 = vector.broadcast %add3A_224 : i32 to vector<16xi32>
        %add3A_226 = arith.addi %iota3A, %add3A_225 : vector<16xi32>
        %gather3A_227 = tpu.vector_load_idx %arg16[%gather3A_151, %add3A_226] : memref<80x768xf32, #tpu.memory_space<vmem>>[vector<16xi32>, vector<16xi32>], vector<16xf32>,
        tpu.vector_store_idx %arg17[%broadcast_in_dim3A_150, %add3A_226], %gather3A_227 {add = true} : memref<32x768xf32, #tpu.memory_space<vmem>>[vector<16xi32>, vector<16xi32>], vector<16xf32>,
        %add3A_228 = arith.constant 304 : i32
        %add3A_229 = vector.broadcast %add3A_228 : i32 to vector<16xi32>
        %add3A_230 = arith.addi %iota3A, %add3A_229 : vector<16xi32>
        %gather3A_231 = tpu.vector_load_idx %arg16[%gather3A_151, %add3A_230] : memref<80x768xf32, #tpu.memory_space<vmem>>[vector<16xi32>, vector<16xi32>], vector<16xf32>,
        tpu.vector_store_idx %arg17[%broadcast_in_dim3A_150, %add3A_230], %gather3A_231 {add = true} : memref<32x768xf32, #tpu.memory_space<vmem>>[vector<16xi32>, vector<16xi32>], vector<16xf32>,
        %add3A_232 = arith.constant 320 : i32
        %add3A_233 = vector.broadcast %add3A_232 : i32 to vector<16xi32>
        %add3A_234 = arith.addi %iota3A, %add3A_233 : vector<16xi32>
        %gather3A_235 = tpu.vector_load_idx %arg16[%gather3A_151, %add3A_234] : memref<80x768xf32, #tpu.memory_space<vmem>>[vector<16xi32>, vector<16xi32>], vector<16xf32>,
        tpu.vector_store_idx %arg17[%broadcast_in_dim3A_150, %add3A_234], %gather3A_235 {add = true} : memref<32x768xf32, #tpu.memory_space<vmem>>[vector<16xi32>, vector<16xi32>], vector<16xf32>,
        %add3A_236 = arith.constant 336 : i32
        %add3A_237 = vector.broadcast %add3A_236 : i32 to vector<16xi32>
        %add3A_238 = arith.addi %iota3A, %add3A_237 : vector<16xi32>
        %gather3A_239 = tpu.vector_load_idx %arg16[%gather3A_151, %add3A_238] : memref<80x768xf32, #tpu.memory_space<vmem>>[vector<16xi32>, vector<16xi32>], vector<16xf32>,
        tpu.vector_store_idx %arg17[%broadcast_in_dim3A_150, %add3A_238], %gather3A_239 {add = true} : memref<32x768xf32, #tpu.memory_space<vmem>>[vector<16xi32>, vector<16xi32>], vector<16xf32>,
        %add3A_240 = arith.constant 352 : i32
        %add3A_241 = vector.broadcast %add3A_240 : i32 to vector<16xi32>
        %add3A_242 = arith.addi %iota3A, %add3A_241 : vector<16xi32>
        %gather3A_243 = tpu.vector_load_idx %arg16[%gather3A_151, %add3A_242] : memref<80x768xf32, #tpu.memory_space<vmem>>[vector<16xi32>, vector<16xi32>], vector<16xf32>,
        tpu.vector_store_idx %arg17[%broadcast_in_dim3A_150, %add3A_242], %gather3A_243 {add = true} : memref<32x768xf32, #tpu.memory_space<vmem>>[vector<16xi32>, vector<16xi32>], vector<16xf32>,
        %add3A_244 = arith.constant 368 : i32
        %add3A_245 = vector.broadcast %add3A_244 : i32 to vector<16xi32>
        %add3A_246 = arith.addi %iota3A, %add3A_245 : vector<16xi32>
        %gather3A_247 = tpu.vector_load_idx %arg16[%gather3A_151, %add3A_246] : memref<80x768xf32, #tpu.memory_space<vmem>>[vector<16xi32>, vector<16xi32>], vector<16xf32>,
        tpu.vector_store_idx %arg17[%broadcast_in_dim3A_150, %add3A_246], %gather3A_247 {add = true} : memref<32x768xf32, #tpu.memory_space<vmem>>[vector<16xi32>, vector<16xi32>], vector<16xf32>,
        %add3A_248 = arith.constant 384 : i32
        %add3A_249 = vector.broadcast %add3A_248 : i32 to vector<16xi32>
        %add3A_250 = arith.addi %iota3A, %add3A_249 : vector<16xi32>
        %gather3A_251 = tpu.vector_load_idx %arg16[%gather3A_151, %add3A_250] : memref<80x768xf32, #tpu.memory_space<vmem>>[vector<16xi32>, vector<16xi32>], vector<16xf32>,
        tpu.vector_store_idx %arg17[%broadcast_in_dim3A_150, %add3A_250], %gather3A_251 {add = true} : memref<32x768xf32, #tpu.memory_space<vmem>>[vector<16xi32>, vector<16xi32>], vector<16xf32>,
        %add3A_252 = arith.constant 400 : i32
        %add3A_253 = vector.broadcast %add3A_252 : i32 to vector<16xi32>
        %add3A_254 = arith.addi %iota3A, %add3A_253 : vector<16xi32>
        %gather3A_255 = tpu.vector_load_idx %arg16[%gather3A_151, %add3A_254] : memref<80x768xf32, #tpu.memory_space<vmem>>[vector<16xi32>, vector<16xi32>], vector<16xf32>,
        tpu.vector_store_idx %arg17[%broadcast_in_dim3A_150, %add3A_254], %gather3A_255 {add = true} : memref<32x768xf32, #tpu.memory_space<vmem>>[vector<16xi32>, vector<16xi32>], vector<16xf32>,
        %add3A_256 = arith.constant 416 : i32
        %add3A_257 = vector.broadcast %add3A_256 : i32 to vector<16xi32>
        %add3A_258 = arith.addi %iota3A, %add3A_257 : vector<16xi32>
        %gather3A_259 = tpu.vector_load_idx %arg16[%gather3A_151, %add3A_258] : memref<80x768xf32, #tpu.memory_space<vmem>>[vector<16xi32>, vector<16xi32>], vector<16xf32>,
        tpu.vector_store_idx %arg17[%broadcast_in_dim3A_150, %add3A_258], %gather3A_259 {add = true} : memref<32x768xf32, #tpu.memory_space<vmem>>[vector<16xi32>, vector<16xi32>], vector<16xf32>,
        %add3A_260 = arith.constant 432 : i32
        %add3A_261 = vector.broadcast %add3A_260 : i32 to vector<16xi32>
        %add3A_262 = arith.addi %iota3A, %add3A_261 : vector<16xi32>
        %gather3A_263 = tpu.vector_load_idx %arg16[%gather3A_151, %add3A_262] : memref<80x768xf32, #tpu.memory_space<vmem>>[vector<16xi32>, vector<16xi32>], vector<16xf32>,
        tpu.vector_store_idx %arg17[%broadcast_in_dim3A_150, %add3A_262], %gather3A_263 {add = true} : memref<32x768xf32, #tpu.memory_space<vmem>>[vector<16xi32>, vector<16xi32>], vector<16xf32>,
        %add3A_264 = arith.constant 448 : i32
        %add3A_265 = vector.broadcast %add3A_264 : i32 to vector<16xi32>
        %add3A_266 = arith.addi %iota3A, %add3A_265 : vector<16xi32>
        %gather3A_267 = tpu.vector_load_idx %arg16[%gather3A_151, %add3A_266] : memref<80x768xf32, #tpu.memory_space<vmem>>[vector<16xi32>, vector<16xi32>], vector<16xf32>,
        tpu.vector_store_idx %arg17[%broadcast_in_dim3A_150, %add3A_266], %gather3A_267 {add = true} : memref<32x768xf32, #tpu.memory_space<vmem>>[vector<16xi32>, vector<16xi32>], vector<16xf32>,
        %add3A_268 = arith.constant 464 : i32
        %add3A_269 = vector.broadcast %add3A_268 : i32 to vector<16xi32>
        %add3A_270 = arith.addi %iota3A, %add3A_269 : vector<16xi32>
        %gather3A_271 = tpu.vector_load_idx %arg16[%gather3A_151, %add3A_270] : memref<80x768xf32, #tpu.memory_space<vmem>>[vector<16xi32>, vector<16xi32>], vector<16xf32>,
        tpu.vector_store_idx %arg17[%broadcast_in_dim3A_150, %add3A_270], %gather3A_271 {add = true} : memref<32x768xf32, #tpu.memory_space<vmem>>[vector<16xi32>, vector<16xi32>], vector<16xf32>,
        %add3A_272 = arith.constant 480 : i32
        %add3A_273 = vector.broadcast %add3A_272 : i32 to vector<16xi32>
        %add3A_274 = arith.addi %iota3A, %add3A_273 : vector<16xi32>
        %gather3A_275 = tpu.vector_load_idx %arg16[%gather3A_151, %add3A_274] : memref<80x768xf32, #tpu.memory_space<vmem>>[vector<16xi32>, vector<16xi32>], vector<16xf32>,
        tpu.vector_store_idx %arg17[%broadcast_in_dim3A_150, %add3A_274], %gather3A_275 {add = true} : memref<32x768xf32, #tpu.memory_space<vmem>>[vector<16xi32>, vector<16xi32>], vector<16xf32>,
        %add3A_276 = arith.constant 496 : i32
        %add3A_277 = vector.broadcast %add3A_276 : i32 to vector<16xi32>
        %add3A_278 = arith.addi %iota3A, %add3A_277 : vector<16xi32>
        %gather3A_279 = tpu.vector_load_idx %arg16[%gather3A_151, %add3A_278] : memref<80x768xf32, #tpu.memory_space<vmem>>[vector<16xi32>, vector<16xi32>], vector<16xf32>,
        tpu.vector_store_idx %arg17[%broadcast_in_dim3A_150, %add3A_278], %gather3A_279 {add = true} : memref<32x768xf32, #tpu.memory_space<vmem>>[vector<16xi32>, vector<16xi32>], vector<16xf32>,
        %add3A_280 = arith.constant 512 : i32
        %add3A_281 = vector.broadcast %add3A_280 : i32 to vector<16xi32>
        %add3A_282 = arith.addi %iota3A, %add3A_281 : vector<16xi32>
        %gather3A_283 = tpu.vector_load_idx %arg16[%gather3A_151, %add3A_282] : memref<80x768xf32, #tpu.memory_space<vmem>>[vector<16xi32>, vector<16xi32>], vector<16xf32>,
        tpu.vector_store_idx %arg17[%broadcast_in_dim3A_150, %add3A_282], %gather3A_283 {add = true} : memref<32x768xf32, #tpu.memory_space<vmem>>[vector<16xi32>, vector<16xi32>], vector<16xf32>,
        %add3A_284 = arith.constant 528 : i32
        %add3A_285 = vector.broadcast %add3A_284 : i32 to vector<16xi32>
        %add3A_286 = arith.addi %iota3A, %add3A_285 : vector<16xi32>
        %gather3A_287 = tpu.vector_load_idx %arg16[%gather3A_151, %add3A_286] : memref<80x768xf32, #tpu.memory_space<vmem>>[vector<16xi32>, vector<16xi32>], vector<16xf32>,
        tpu.vector_store_idx %arg17[%broadcast_in_dim3A_150, %add3A_286], %gather3A_287 {add = true} : memref<32x768xf32, #tpu.memory_space<vmem>>[vector<16xi32>, vector<16xi32>], vector<16xf32>,
        %add3A_288 = arith.constant 544 : i32
        %add3A_289 = vector.broadcast %add3A_288 : i32 to vector<16xi32>
        %add3A_290 = arith.addi %iota3A, %add3A_289 : vector<16xi32>
        %gather3A_291 = tpu.vector_load_idx %arg16[%gather3A_151, %add3A_290] : memref<80x768xf32, #tpu.memory_space<vmem>>[vector<16xi32>, vector<16xi32>], vector<16xf32>,
        tpu.vector_store_idx %arg17[%broadcast_in_dim3A_150, %add3A_290], %gather3A_291 {add = true} : memref<32x768xf32, #tpu.memory_space<vmem>>[vector<16xi32>, vector<16xi32>], vector<16xf32>,
        %add3A_292 = arith.constant 560 : i32
        %add3A_293 = vector.broadcast %add3A_292 : i32 to vector<16xi32>
        %add3A_294 = arith.addi %iota3A, %add3A_293 : vector<16xi32>
        %gather3A_295 = tpu.vector_load_idx %arg16[%gather3A_151, %add3A_294] : memref<80x768xf32, #tpu.memory_space<vmem>>[vector<16xi32>, vector<16xi32>], vector<16xf32>,
        tpu.vector_store_idx %arg17[%broadcast_in_dim3A_150, %add3A_294], %gather3A_295 {add = true} : memref<32x768xf32, #tpu.memory_space<vmem>>[vector<16xi32>, vector<16xi32>], vector<16xf32>,
        %add3A_296 = arith.constant 576 : i32
        %add3A_297 = vector.broadcast %add3A_296 : i32 to vector<16xi32>
        %add3A_298 = arith.addi %iota3A, %add3A_297 : vector<16xi32>
        %gather3A_299 = tpu.vector_load_idx %arg16[%gather3A_151, %add3A_298] : memref<80x768xf32, #tpu.memory_space<vmem>>[vector<16xi32>, vector<16xi32>], vector<16xf32>,
        tpu.vector_store_idx %arg17[%broadcast_in_dim3A_150, %add3A_298], %gather3A_299 {add = true} : memref<32x768xf32, #tpu.memory_space<vmem>>[vector<16xi32>, vector<16xi32>], vector<16xf32>,
        %add3A_300 = arith.constant 592 : i32
        %add3A_301 = vector.broadcast %add3A_300 : i32 to vector<16xi32>
        %add3A_302 = arith.addi %iota3A, %add3A_301 : vector<16xi32>
        %gather3A_303 = tpu.vector_load_idx %arg16[%gather3A_151, %add3A_302] : memref<80x768xf32, #tpu.memory_space<vmem>>[vector<16xi32>, vector<16xi32>], vector<16xf32>,
        tpu.vector_store_idx %arg17[%broadcast_in_dim3A_150, %add3A_302], %gather3A_303 {add = true} : memref<32x768xf32, #tpu.memory_space<vmem>>[vector<16xi32>, vector<16xi32>], vector<16xf32>,
        %add3A_304 = arith.constant 608 : i32
        %add3A_305 = vector.broadcast %add3A_304 : i32 to vector<16xi32>
        %add3A_306 = arith.addi %iota3A, %add3A_305 : vector<16xi32>
        %gather3A_307 = tpu.vector_load_idx %arg16[%gather3A_151, %add3A_306] : memref<80x768xf32, #tpu.memory_space<vmem>>[vector<16xi32>, vector<16xi32>], vector<16xf32>,
        tpu.vector_store_idx %arg17[%broadcast_in_dim3A_150, %add3A_306], %gather3A_307 {add = true} : memref<32x768xf32, #tpu.memory_space<vmem>>[vector<16xi32>, vector<16xi32>], vector<16xf32>,
        %add3A_308 = arith.constant 624 : i32
        %add3A_309 = vector.broadcast %add3A_308 : i32 to vector<16xi32>
        %add3A_310 = arith.addi %iota3A, %add3A_309 : vector<16xi32>
        %gather3A_311 = tpu.vector_load_idx %arg16[%gather3A_151, %add3A_310] : memref<80x768xf32, #tpu.memory_space<vmem>>[vector<16xi32>, vector<16xi32>], vector<16xf32>,
        tpu.vector_store_idx %arg17[%broadcast_in_dim3A_150, %add3A_310], %gather3A_311 {add = true} : memref<32x768xf32, #tpu.memory_space<vmem>>[vector<16xi32>, vector<16xi32>], vector<16xf32>,
        %add3A_312 = arith.constant 640 : i32
        %add3A_313 = vector.broadcast %add3A_312 : i32 to vector<16xi32>
        %add3A_314 = arith.addi %iota3A, %add3A_313 : vector<16xi32>
        %gather3A_315 = tpu.vector_load_idx %arg16[%gather3A_151, %add3A_314] : memref<80x768xf32, #tpu.memory_space<vmem>>[vector<16xi32>, vector<16xi32>], vector<16xf32>,
        tpu.vector_store_idx %arg17[%broadcast_in_dim3A_150, %add3A_314], %gather3A_315 {add = true} : memref<32x768xf32, #tpu.memory_space<vmem>>[vector<16xi32>, vector<16xi32>], vector<16xf32>,
        %add3A_316 = arith.constant 656 : i32
        %add3A_317 = vector.broadcast %add3A_316 : i32 to vector<16xi32>
        %add3A_318 = arith.addi %iota3A, %add3A_317 : vector<16xi32>
        %gather3A_319 = tpu.vector_load_idx %arg16[%gather3A_151, %add3A_318] : memref<80x768xf32, #tpu.memory_space<vmem>>[vector<16xi32>, vector<16xi32>], vector<16xf32>,
        tpu.vector_store_idx %arg17[%broadcast_in_dim3A_150, %add3A_318], %gather3A_319 {add = true} : memref<32x768xf32, #tpu.memory_space<vmem>>[vector<16xi32>, vector<16xi32>], vector<16xf32>,
        %add3A_320 = arith.constant 672 : i32
        %add3A_321 = vector.broadcast %add3A_320 : i32 to vector<16xi32>
        %add3A_322 = arith.addi %iota3A, %add3A_321 : vector<16xi32>
        %gather3A_323 = tpu.vector_load_idx %arg16[%gather3A_151, %add3A_322] : memref<80x768xf32, #tpu.memory_space<vmem>>[vector<16xi32>, vector<16xi32>], vector<16xf32>,
        tpu.vector_store_idx %arg17[%broadcast_in_dim3A_150, %add3A_322], %gather3A_323 {add = true} : memref<32x768xf32, #tpu.memory_space<vmem>>[vector<16xi32>, vector<16xi32>], vector<16xf32>,
        %add3A_324 = arith.constant 688 : i32
        %add3A_325 = vector.broadcast %add3A_324 : i32 to vector<16xi32>
        %add3A_326 = arith.addi %iota3A, %add3A_325 : vector<16xi32>
        %gather3A_327 = tpu.vector_load_idx %arg16[%gather3A_151, %add3A_326] : memref<80x768xf32, #tpu.memory_space<vmem>>[vector<16xi32>, vector<16xi32>], vector<16xf32>,
        tpu.vector_store_idx %arg17[%broadcast_in_dim3A_150, %add3A_326], %gather3A_327 {add = true} : memref<32x768xf32, #tpu.memory_space<vmem>>[vector<16xi32>, vector<16xi32>], vector<16xf32>,
        %add3A_328 = arith.constant 704 : i32
        %add3A_329 = vector.broadcast %add3A_328 : i32 to vector<16xi32>
        %add3A_330 = arith.addi %iota3A, %add3A_329 : vector<16xi32>
        %gather3A_331 = tpu.vector_load_idx %arg16[%gather3A_151, %add3A_330] : memref<80x768xf32, #tpu.memory_space<vmem>>[vector<16xi32>, vector<16xi32>], vector<16xf32>,
        tpu.vector_store_idx %arg17[%broadcast_in_dim3A_150, %add3A_330], %gather3A_331 {add = true} : memref<32x768xf32, #tpu.memory_space<vmem>>[vector<16xi32>, vector<16xi32>], vector<16xf32>,
        %add3A_332 = arith.constant 720 : i32
        %add3A_333 = vector.broadcast %add3A_332 : i32 to vector<16xi32>
        %add3A_334 = arith.addi %iota3A, %add3A_333 : vector<16xi32>
        %gather3A_335 = tpu.vector_load_idx %arg16[%gather3A_151, %add3A_334] : memref<80x768xf32, #tpu.memory_space<vmem>>[vector<16xi32>, vector<16xi32>], vector<16xf32>,
        tpu.vector_store_idx %arg17[%broadcast_in_dim3A_150, %add3A_334], %gather3A_335 {add = true} : memref<32x768xf32, #tpu.memory_space<vmem>>[vector<16xi32>, vector<16xi32>], vector<16xf32>,
        %add3A_336 = arith.constant 736 : i32
        %add3A_337 = vector.broadcast %add3A_336 : i32 to vector<16xi32>
        %add3A_338 = arith.addi %iota3A, %add3A_337 : vector<16xi32>
        %gather3A_339 = tpu.vector_load_idx %arg16[%gather3A_151, %add3A_338] : memref<80x768xf32, #tpu.memory_space<vmem>>[vector<16xi32>, vector<16xi32>], vector<16xf32>,
        tpu.vector_store_idx %arg17[%broadcast_in_dim3A_150, %add3A_338], %gather3A_339 {add = true} : memref<32x768xf32, #tpu.memory_space<vmem>>[vector<16xi32>, vector<16xi32>], vector<16xf32>,
        %add3A_340 = arith.constant 752 : i32
        %add3A_341 = vector.broadcast %add3A_340 : i32 to vector<16xi32>
        %add3A_342 = arith.addi %iota3A, %add3A_341 : vector<16xi32>
        %gather3A_343 = tpu.vector_load_idx %arg16[%gather3A_151, %add3A_342] : memref<80x768xf32, #tpu.memory_space<vmem>>[vector<16xi32>, vector<16xi32>], vector<16xf32>,
        tpu.vector_store_idx %arg17[%broadcast_in_dim3A_150, %add3A_342], %gather3A_343 {add = true} : memref<32x768xf32, #tpu.memory_space<vmem>>[vector<16xi32>, vector<16xi32>], vector<16xf32>,
      }
      %scan3A_79 = arith.constant 32 : i32
      %dma_start3A_80 = arith.constant 0 : i32
      %dma_start3A_81 = arith.constant 0 : i32
      %dma_start3A_82 = tpu.memref_slice %arg7[%dma_start3A_80, %dma_start3A_81] : memref<81920x768xf32, #tpu.memory_space<hbm>> -> memref<81920x768xf32, #tpu.memory_space<hbm>>
      tpu.enqueue_indirect_dma source(%arg17 : memref<32x768xf32, #tpu.memory_space<vmem>>) target(%dma_start3A_82 : memref<81920x768xf32, #tpu.memory_space<hbm>>) offsets(%arg12 : memref<32xi32, #tpu.memory_space<vmem>>) semaphore(%arg21 : memref<!tpu.dma_semaphore, #tpu.memory_space<semaphore_mem>>)
      %gt3A_83 = arith.constant 0 : i32
      %gt3A_84 = arith.cmpi sgt, %scan3A_25, %gt3A_83 : i32
      %convert_element_type3A_85 = arith.extui %gt3A_84 : i1 to i32
      %cond3A_86 = arith.constant 0 : i32
      %cond3A_87 = arith.cmpi ne, %convert_element_type3A_85, %cond3A_86 : i32
      scf.if %cond3A_87 {
        %dma_wait3A_149 = arith.constant 0 : i32
        %dma_wait3A_150 = arith.constant 0 : i32
        %dma_wait3A_151 = tpu.memref_slice %arg7[%dma_wait3A_149, %dma_wait3A_150] : memref<81920x768xf32, #tpu.memory_space<hbm>> -> memref<81920x768xf32, #tpu.memory_space<hbm>>
        tpu.wait_indirect_dma semaphore(%arg22 : memref<!tpu.dma_semaphore, #tpu.memory_space<semaphore_mem>>) src(%arg18 : memref<32x768xf32, #tpu.memory_space<vmem>>) dst(%dma_wait3A_151 : memref<81920x768xf32, #tpu.memory_space<hbm>>)
      } else {
      }
      %add3A_88 = arith.addi %mul3A_2, %scan3A_25 : i32
      %broadcast_in_dim3A_89 = vector.broadcast %scan3A_25 : i32 to vector<16xi32>
      %gather3A_90 = tpu.vector_load_idx %arg8[%broadcast_in_dim3A_89] : memref<32xi32, #tpu.memory_space<vmem>>[vector<16xi32>], vector<16xi32>,
      %mul3A_91 = arith.constant 80 : i32
      %mul3A_92 = arith.muli %add3A_88, %mul3A_91 : i32
      %broadcast_in_dim3A_93 = vector.broadcast %mul3A_92 : i32 to vector<16xi32>
      %add3A_94 = arith.constant 32 : i32
      %add3A_95 = vector.broadcast %add3A_94 : i32 to vector<16xi32>
      %add3A_96 = arith.addi %iota3A, %add3A_95 : vector<16xi32>
      %ge3A_97 = arith.cmpi sge, %add3A_96, %gather3A_90 : vector<16xi32>
      %add3A_98 = arith.constant 16 : i32
      %add3A_99 = vector.broadcast %add3A_98 : i32 to vector<16xi32>
      %add3A_100 = arith.addi %add3A_96, %add3A_99 : vector<16xi32>
      %select_n3A_101 = arith.select %ge3A_97, %add3A_100, %add3A_96 : vector<16xi1>, vector<16xi32>
      %swap3A_102 = arith.constant 0 : index
      %swap3A_103 = tpu.vector_load %arg11[%swap3A_102] {strides = array<i32>} : memref<32xi32, #tpu.memory_space<vmem>>, vector<16xi32>,
      tpu.vector_store %arg11[%swap3A_102], %select_n3A_101 {strides = array<i32>} : memref<32xi32, #tpu.memory_space<vmem>>, vector<16xi32>,
      %add3A_104 = arith.addi %select_n3A_101, %broadcast_in_dim3A_93 : vector<16xi32>
      %swap3A_105 = arith.constant 0 : index
      %swap3A_106 = tpu.vector_load %arg13[%swap3A_105] {strides = array<i32>} : memref<32xi32, #tpu.memory_space<vmem>>, vector<16xi32>,
      tpu.vector_store %arg13[%swap3A_105], %add3A_104 {strides = array<i32>} : memref<32xi32, #tpu.memory_space<vmem>>, vector<16xi32>,
      %broadcast_in_dim3A_107 = vector.broadcast %scan3A_25 : i32 to vector<16xi32>
      %add3A_108 = arith.constant 32 : i32
      %add3A_109 = vector.broadcast %add3A_108 : i32 to vector<16xi32>
      %add3A_110 = arith.addi %iota3A, %add3A_109 : vector<16xi32>
      %gather3A_111 = tpu.vector_load_idx %arg9[%broadcast_in_dim3A_107, %add3A_110] : memref<32x64xi32, #tpu.memory_space<vmem>>[vector<16xi32>, vector<16xi32>], vector<16xi32>,
      %swap3A_112 = arith.constant 0 : index
      %swap3A_113 = tpu.vector_load %arg15[%swap3A_112] {strides = array<i32>} : memref<32xi32, #tpu.memory_space<vmem>>, vector<16xi32>,
      tpu.vector_store %arg15[%swap3A_112], %gather3A_111 {strides = array<i32>} : memref<32xi32, #tpu.memory_space<vmem>>, vector<16xi32>,
      %add3A_114 = arith.constant 48 : i32
      %add3A_115 = vector.broadcast %add3A_114 : i32 to vector<16xi32>
      %add3A_116 = arith.addi %iota3A, %add3A_115 : vector<16xi32>
      %ge3A_117 = arith.cmpi sge, %add3A_116, %gather3A_90 : vector<16xi32>
      %add3A_118 = arith.constant 16 : i32
      %add3A_119 = vector.broadcast %add3A_118 : i32 to vector<16xi32>
      %add3A_120 = arith.addi %add3A_116, %add3A_119 : vector<16xi32>
      %select_n3A_121 = arith.select %ge3A_117, %add3A_120, %add3A_116 : vector<16xi1>, vector<16xi32>
      %swap3A_122 = arith.constant 16 : index
      %swap3A_123 = tpu.vector_load %arg11[%swap3A_122] {strides = array<i32>} : memref<32xi32, #tpu.memory_space<vmem>>, vector<16xi32>,
      tpu.vector_store %arg11[%swap3A_122], %select_n3A_121 {strides = array<i32>} : memref<32xi32, #tpu.memory_space<vmem>>, vector<16xi32>,
      %add3A_124 = arith.addi %select_n3A_121, %broadcast_in_dim3A_93 : vector<16xi32>
      %swap3A_125 = arith.constant 16 : index
      %swap3A_126 = tpu.vector_load %arg13[%swap3A_125] {strides = array<i32>} : memref<32xi32, #tpu.memory_space<vmem>>, vector<16xi32>,
      tpu.vector_store %arg13[%swap3A_125], %add3A_124 {strides = array<i32>} : memref<32xi32, #tpu.memory_space<vmem>>, vector<16xi32>,
      %broadcast_in_dim3A_127 = vector.broadcast %scan3A_25 : i32 to vector<16xi32>
      %add3A_128 = arith.constant 48 : i32
      %add3A_129 = vector.broadcast %add3A_128 : i32 to vector<16xi32>
      %add3A_130 = arith.addi %iota3A, %add3A_129 : vector<16xi32>
      %gather3A_131 = tpu.vector_load_idx %arg9[%broadcast_in_dim3A_127, %add3A_130] : memref<32x64xi32, #tpu.memory_space<vmem>>[vector<16xi32>, vector<16xi32>], vector<16xi32>,
      %swap3A_132 = arith.constant 16 : index
      %swap3A_133 = tpu.vector_load %arg15[%swap3A_132] {strides = array<i32>} : memref<32xi32, #tpu.memory_space<vmem>>, vector<16xi32>,
      tpu.vector_store %arg15[%swap3A_132], %gather3A_131 {strides = array<i32>} : memref<32xi32, #tpu.memory_space<vmem>>, vector<16xi32>,
      %dma_start3A_134 = arith.constant 0 : i32
      %dma_start3A_135 = arith.constant 0 : i32
      %dma_start3A_136 = tpu.memref_slice %arg5[%dma_start3A_134, %dma_start3A_135] : memref<49408x768xf32, #tpu.memory_space<hbm>> -> memref<49408x768xf32, #tpu.memory_space<hbm>>
      tpu.enqueue_indirect_dma source(%dma_start3A_136 : memref<49408x768xf32, #tpu.memory_space<hbm>>) target(%arg18 : memref<32x768xf32, #tpu.memory_space<vmem>>) offsets(%arg15 : memref<32xi32, #tpu.memory_space<vmem>>) semaphore(%arg20 : memref<!tpu.dma_semaphore, #tpu.memory_space<semaphore_mem>>)
      %dma_wait3A_137 = arith.constant 0 : i32
      %dma_wait3A_138 = arith.constant 0 : i32
      %dma_wait3A_139 = tpu.memref_slice %arg5[%dma_wait3A_137, %dma_wait3A_138] : memref<49408x768xf32, #tpu.memory_space<hbm>> -> memref<49408x768xf32, #tpu.memory_space<hbm>>
      tpu.wait_indirect_dma semaphore(%arg20 : memref<!tpu.dma_semaphore, #tpu.memory_space<semaphore_mem>>) src(%dma_wait3A_139 : memref<49408x768xf32, #tpu.memory_space<hbm>>) dst(%arg18 : memref<32x768xf32, #tpu.memory_space<vmem>>)
      %scan3A_140 = arith.constant 0 : i32
      %scan3A_141 = arith.constant 0 : i32
      %scan3A_142 = arith.constant 32 : i32
      %scan3A_143 = arith.addi %scan3A_141, %scan3A_142 : i32
      %scan3A_144 = arith.constant 1 : i32
      scf.for %scan3A_149 = %scan3A_141 to %scan3A_143 step %scan3A_144  : i32 {
        %broadcast_in_dim3A_150 = vector.broadcast %scan3A_149 : i32 to vector<16xi32>
        %gather3A_151 = tpu.vector_load_idx %arg11[%broadcast_in_dim3A_150] : memref<32xi32, #tpu.memory_space<vmem>>[vector<16xi32>], vector<16xi32>,
        %add3A_152 = arith.constant 0 : i32
        %add3A_153 = vector.broadcast %add3A_152 : i32 to vector<16xi32>
        %add3A_154 = arith.addi %iota3A, %add3A_153 : vector<16xi32>
        %gather3A_155 = tpu.vector_load_idx %arg16[%gather3A_151, %add3A_154] : memref<80x768xf32, #tpu.memory_space<vmem>>[vector<16xi32>, vector<16xi32>], vector<16xf32>,
        tpu.vector_store_idx %arg18[%broadcast_in_dim3A_150, %add3A_154], %gather3A_155 {add = true} : memref<32x768xf32, #tpu.memory_space<vmem>>[vector<16xi32>, vector<16xi32>], vector<16xf32>,
        %add3A_156 = arith.constant 16 : i32
        %add3A_157 = vector.broadcast %add3A_156 : i32 to vector<16xi32>
        %add3A_158 = arith.addi %iota3A, %add3A_157 : vector<16xi32>
        %gather3A_159 = tpu.vector_load_idx %arg16[%gather3A_151, %add3A_158] : memref<80x768xf32, #tpu.memory_space<vmem>>[vector<16xi32>, vector<16xi32>], vector<16xf32>,
        tpu.vector_store_idx %arg18[%broadcast_in_dim3A_150, %add3A_158], %gather3A_159 {add = true} : memref<32x768xf32, #tpu.memory_space<vmem>>[vector<16xi32>, vector<16xi32>], vector<16xf32>,
        %add3A_160 = arith.constant 32 : i32
        %add3A_161 = vector.broadcast %add3A_160 : i32 to vector<16xi32>
        %add3A_162 = arith.addi %iota3A, %add3A_161 : vector<16xi32>
        %gather3A_163 = tpu.vector_load_idx %arg16[%gather3A_151, %add3A_162] : memref<80x768xf32, #tpu.memory_space<vmem>>[vector<16xi32>, vector<16xi32>], vector<16xf32>,
        tpu.vector_store_idx %arg18[%broadcast_in_dim3A_150, %add3A_162], %gather3A_163 {add = true} : memref<32x768xf32, #tpu.memory_space<vmem>>[vector<16xi32>, vector<16xi32>], vector<16xf32>,
        %add3A_164 = arith.constant 48 : i32
        %add3A_165 = vector.broadcast %add3A_164 : i32 to vector<16xi32>
        %add3A_166 = arith.addi %iota3A, %add3A_165 : vector<16xi32>
        %gather3A_167 = tpu.vector_load_idx %arg16[%gather3A_151, %add3A_166] : memref<80x768xf32, #tpu.memory_space<vmem>>[vector<16xi32>, vector<16xi32>], vector<16xf32>,
        tpu.vector_store_idx %arg18[%broadcast_in_dim3A_150, %add3A_166], %gather3A_167 {add = true} : memref<32x768xf32, #tpu.memory_space<vmem>>[vector<16xi32>, vector<16xi32>], vector<16xf32>,
        %add3A_168 = arith.constant 64 : i32
        %add3A_169 = vector.broadcast %add3A_168 : i32 to vector<16xi32>
        %add3A_170 = arith.addi %iota3A, %add3A_169 : vector<16xi32>
        %gather3A_171 = tpu.vector_load_idx %arg16[%gather3A_151, %add3A_170] : memref<80x768xf32, #tpu.memory_space<vmem>>[vector<16xi32>, vector<16xi32>], vector<16xf32>,
        tpu.vector_store_idx %arg18[%broadcast_in_dim3A_150, %add3A_170], %gather3A_171 {add = true} : memref<32x768xf32, #tpu.memory_space<vmem>>[vector<16xi32>, vector<16xi32>], vector<16xf32>,
        %add3A_172 = arith.constant 80 : i32
        %add3A_173 = vector.broadcast %add3A_172 : i32 to vector<16xi32>
        %add3A_174 = arith.addi %iota3A, %add3A_173 : vector<16xi32>
        %gather3A_175 = tpu.vector_load_idx %arg16[%gather3A_151, %add3A_174] : memref<80x768xf32, #tpu.memory_space<vmem>>[vector<16xi32>, vector<16xi32>], vector<16xf32>,
        tpu.vector_store_idx %arg18[%broadcast_in_dim3A_150, %add3A_174], %gather3A_175 {add = true} : memref<32x768xf32, #tpu.memory_space<vmem>>[vector<16xi32>, vector<16xi32>], vector<16xf32>,
        %add3A_176 = arith.constant 96 : i32
        %add3A_177 = vector.broadcast %add3A_176 : i32 to vector<16xi32>
        %add3A_178 = arith.addi %iota3A, %add3A_177 : vector<16xi32>
        %gather3A_179 = tpu.vector_load_idx %arg16[%gather3A_151, %add3A_178] : memref<80x768xf32, #tpu.memory_space<vmem>>[vector<16xi32>, vector<16xi32>], vector<16xf32>,
        tpu.vector_store_idx %arg18[%broadcast_in_dim3A_150, %add3A_178], %gather3A_179 {add = true} : memref<32x768xf32, #tpu.memory_space<vmem>>[vector<16xi32>, vector<16xi32>], vector<16xf32>,
        %add3A_180 = arith.constant 112 : i32
        %add3A_181 = vector.broadcast %add3A_180 : i32 to vector<16xi32>
        %add3A_182 = arith.addi %iota3A, %add3A_181 : vector<16xi32>
        %gather3A_183 = tpu.vector_load_idx %arg16[%gather3A_151, %add3A_182] : memref<80x768xf32, #tpu.memory_space<vmem>>[vector<16xi32>, vector<16xi32>], vector<16xf32>,
        tpu.vector_store_idx %arg18[%broadcast_in_dim3A_150, %add3A_182], %gather3A_183 {add = true} : memref<32x768xf32, #tpu.memory_space<vmem>>[vector<16xi32>, vector<16xi32>], vector<16xf32>,
        %add3A_184 = arith.constant 128 : i32
        %add3A_185 = vector.broadcast %add3A_184 : i32 to vector<16xi32>
        %add3A_186 = arith.addi %iota3A, %add3A_185 : vector<16xi32>
        %gather3A_187 = tpu.vector_load_idx %arg16[%gather3A_151, %add3A_186] : memref<80x768xf32, #tpu.memory_space<vmem>>[vector<16xi32>, vector<16xi32>], vector<16xf32>,
        tpu.vector_store_idx %arg18[%broadcast_in_dim3A_150, %add3A_186], %gather3A_187 {add = true} : memref<32x768xf32, #tpu.memory_space<vmem>>[vector<16xi32>, vector<16xi32>], vector<16xf32>,
        %add3A_188 = arith.constant 144 : i32
        %add3A_189 = vector.broadcast %add3A_188 : i32 to vector<16xi32>
        %add3A_190 = arith.addi %iota3A, %add3A_189 : vector<16xi32>
        %gather3A_191 = tpu.vector_load_idx %arg16[%gather3A_151, %add3A_190] : memref<80x768xf32, #tpu.memory_space<vmem>>[vector<16xi32>, vector<16xi32>], vector<16xf32>,
        tpu.vector_store_idx %arg18[%broadcast_in_dim3A_150, %add3A_190], %gather3A_191 {add = true} : memref<32x768xf32, #tpu.memory_space<vmem>>[vector<16xi32>, vector<16xi32>], vector<16xf32>,
        %add3A_192 = arith.constant 160 : i32
        %add3A_193 = vector.broadcast %add3A_192 : i32 to vector<16xi32>
        %add3A_194 = arith.addi %iota3A, %add3A_193 : vector<16xi32>
        %gather3A_195 = tpu.vector_load_idx %arg16[%gather3A_151, %add3A_194] : memref<80x768xf32, #tpu.memory_space<vmem>>[vector<16xi32>, vector<16xi32>], vector<16xf32>,
        tpu.vector_store_idx %arg18[%broadcast_in_dim3A_150, %add3A_194], %gather3A_195 {add = true} : memref<32x768xf32, #tpu.memory_space<vmem>>[vector<16xi32>, vector<16xi32>], vector<16xf32>,
        %add3A_196 = arith.constant 176 : i32
        %add3A_197 = vector.broadcast %add3A_196 : i32 to vector<16xi32>
        %add3A_198 = arith.addi %iota3A, %add3A_197 : vector<16xi32>
        %gather3A_199 = tpu.vector_load_idx %arg16[%gather3A_151, %add3A_198] : memref<80x768xf32, #tpu.memory_space<vmem>>[vector<16xi32>, vector<16xi32>], vector<16xf32>,
        tpu.vector_store_idx %arg18[%broadcast_in_dim3A_150, %add3A_198], %gather3A_199 {add = true} : memref<32x768xf32, #tpu.memory_space<vmem>>[vector<16xi32>, vector<16xi32>], vector<16xf32>,
        %add3A_200 = arith.constant 192 : i32
        %add3A_201 = vector.broadcast %add3A_200 : i32 to vector<16xi32>
        %add3A_202 = arith.addi %iota3A, %add3A_201 : vector<16xi32>
        %gather3A_203 = tpu.vector_load_idx %arg16[%gather3A_151, %add3A_202] : memref<80x768xf32, #tpu.memory_space<vmem>>[vector<16xi32>, vector<16xi32>], vector<16xf32>,
        tpu.vector_store_idx %arg18[%broadcast_in_dim3A_150, %add3A_202], %gather3A_203 {add = true} : memref<32x768xf32, #tpu.memory_space<vmem>>[vector<16xi32>, vector<16xi32>], vector<16xf32>,
        %add3A_204 = arith.constant 208 : i32
        %add3A_205 = vector.broadcast %add3A_204 : i32 to vector<16xi32>
        %add3A_206 = arith.addi %iota3A, %add3A_205 : vector<16xi32>
        %gather3A_207 = tpu.vector_load_idx %arg16[%gather3A_151, %add3A_206] : memref<80x768xf32, #tpu.memory_space<vmem>>[vector<16xi32>, vector<16xi32>], vector<16xf32>,
        tpu.vector_store_idx %arg18[%broadcast_in_dim3A_150, %add3A_206], %gather3A_207 {add = true} : memref<32x768xf32, #tpu.memory_space<vmem>>[vector<16xi32>, vector<16xi32>], vector<16xf32>,
        %add3A_208 = arith.constant 224 : i32
        %add3A_209 = vector.broadcast %add3A_208 : i32 to vector<16xi32>
        %add3A_210 = arith.addi %iota3A, %add3A_209 : vector<16xi32>
        %gather3A_211 = tpu.vector_load_idx %arg16[%gather3A_151, %add3A_210] : memref<80x768xf32, #tpu.memory_space<vmem>>[vector<16xi32>, vector<16xi32>], vector<16xf32>,
        tpu.vector_store_idx %arg18[%broadcast_in_dim3A_150, %add3A_210], %gather3A_211 {add = true} : memref<32x768xf32, #tpu.memory_space<vmem>>[vector<16xi32>, vector<16xi32>], vector<16xf32>,
        %add3A_212 = arith.constant 240 : i32
        %add3A_213 = vector.broadcast %add3A_212 : i32 to vector<16xi32>
        %add3A_214 = arith.addi %iota3A, %add3A_213 : vector<16xi32>
        %gather3A_215 = tpu.vector_load_idx %arg16[%gather3A_151, %add3A_214] : memref<80x768xf32, #tpu.memory_space<vmem>>[vector<16xi32>, vector<16xi32>], vector<16xf32>,
        tpu.vector_store_idx %arg18[%broadcast_in_dim3A_150, %add3A_214], %gather3A_215 {add = true} : memref<32x768xf32, #tpu.memory_space<vmem>>[vector<16xi32>, vector<16xi32>], vector<16xf32>,
        %add3A_216 = arith.constant 256 : i32
        %add3A_217 = vector.broadcast %add3A_216 : i32 to vector<16xi32>
        %add3A_218 = arith.addi %iota3A, %add3A_217 : vector<16xi32>
        %gather3A_219 = tpu.vector_load_idx %arg16[%gather3A_151, %add3A_218] : memref<80x768xf32, #tpu.memory_space<vmem>>[vector<16xi32>, vector<16xi32>], vector<16xf32>,
        tpu.vector_store_idx %arg18[%broadcast_in_dim3A_150, %add3A_218], %gather3A_219 {add = true} : memref<32x768xf32, #tpu.memory_space<vmem>>[vector<16xi32>, vector<16xi32>], vector<16xf32>,
        %add3A_220 = arith.constant 272 : i32
        %add3A_221 = vector.broadcast %add3A_220 : i32 to vector<16xi32>
        %add3A_222 = arith.addi %iota3A, %add3A_221 : vector<16xi32>
        %gather3A_223 = tpu.vector_load_idx %arg16[%gather3A_151, %add3A_222] : memref<80x768xf32, #tpu.memory_space<vmem>>[vector<16xi32>, vector<16xi32>], vector<16xf32>,
        tpu.vector_store_idx %arg18[%broadcast_in_dim3A_150, %add3A_222], %gather3A_223 {add = true} : memref<32x768xf32, #tpu.memory_space<vmem>>[vector<16xi32>, vector<16xi32>], vector<16xf32>,
        %add3A_224 = arith.constant 288 : i32
        %add3A_225 = vector.broadcast %add3A_224 : i32 to vector<16xi32>
        %add3A_226 = arith.addi %iota3A, %add3A_225 : vector<16xi32>
        %gather3A_227 = tpu.vector_load_idx %arg16[%gather3A_151, %add3A_226] : memref<80x768xf32, #tpu.memory_space<vmem>>[vector<16xi32>, vector<16xi32>], vector<16xf32>,
        tpu.vector_store_idx %arg18[%broadcast_in_dim3A_150, %add3A_226], %gather3A_227 {add = true} : memref<32x768xf32, #tpu.memory_space<vmem>>[vector<16xi32>, vector<16xi32>], vector<16xf32>,
        %add3A_228 = arith.constant 304 : i32
        %add3A_229 = vector.broadcast %add3A_228 : i32 to vector<16xi32>
        %add3A_230 = arith.addi %iota3A, %add3A_229 : vector<16xi32>
        %gather3A_231 = tpu.vector_load_idx %arg16[%gather3A_151, %add3A_230] : memref<80x768xf32, #tpu.memory_space<vmem>>[vector<16xi32>, vector<16xi32>], vector<16xf32>,
        tpu.vector_store_idx %arg18[%broadcast_in_dim3A_150, %add3A_230], %gather3A_231 {add = true} : memref<32x768xf32, #tpu.memory_space<vmem>>[vector<16xi32>, vector<16xi32>], vector<16xf32>,
        %add3A_232 = arith.constant 320 : i32
        %add3A_233 = vector.broadcast %add3A_232 : i32 to vector<16xi32>
        %add3A_234 = arith.addi %iota3A, %add3A_233 : vector<16xi32>
        %gather3A_235 = tpu.vector_load_idx %arg16[%gather3A_151, %add3A_234] : memref<80x768xf32, #tpu.memory_space<vmem>>[vector<16xi32>, vector<16xi32>], vector<16xf32>,
        tpu.vector_store_idx %arg18[%broadcast_in_dim3A_150, %add3A_234], %gather3A_235 {add = true} : memref<32x768xf32, #tpu.memory_space<vmem>>[vector<16xi32>, vector<16xi32>], vector<16xf32>,
        %add3A_236 = arith.constant 336 : i32
        %add3A_237 = vector.broadcast %add3A_236 : i32 to vector<16xi32>
        %add3A_238 = arith.addi %iota3A, %add3A_237 : vector<16xi32>
        %gather3A_239 = tpu.vector_load_idx %arg16[%gather3A_151, %add3A_238] : memref<80x768xf32, #tpu.memory_space<vmem>>[vector<16xi32>, vector<16xi32>], vector<16xf32>,
        tpu.vector_store_idx %arg18[%broadcast_in_dim3A_150, %add3A_238], %gather3A_239 {add = true} : memref<32x768xf32, #tpu.memory_space<vmem>>[vector<16xi32>, vector<16xi32>], vector<16xf32>,
        %add3A_240 = arith.constant 352 : i32
        %add3A_241 = vector.broadcast %add3A_240 : i32 to vector<16xi32>
        %add3A_242 = arith.addi %iota3A, %add3A_241 : vector<16xi32>
        %gather3A_243 = tpu.vector_load_idx %arg16[%gather3A_151, %add3A_242] : memref<80x768xf32, #tpu.memory_space<vmem>>[vector<16xi32>, vector<16xi32>], vector<16xf32>,
        tpu.vector_store_idx %arg18[%broadcast_in_dim3A_150, %add3A_242], %gather3A_243 {add = true} : memref<32x768xf32, #tpu.memory_space<vmem>>[vector<16xi32>, vector<16xi32>], vector<16xf32>,
        %add3A_244 = arith.constant 368 : i32
        %add3A_245 = vector.broadcast %add3A_244 : i32 to vector<16xi32>
        %add3A_246 = arith.addi %iota3A, %add3A_245 : vector<16xi32>
        %gather3A_247 = tpu.vector_load_idx %arg16[%gather3A_151, %add3A_246] : memref<80x768xf32, #tpu.memory_space<vmem>>[vector<16xi32>, vector<16xi32>], vector<16xf32>,
        tpu.vector_store_idx %arg18[%broadcast_in_dim3A_150, %add3A_246], %gather3A_247 {add = true} : memref<32x768xf32, #tpu.memory_space<vmem>>[vector<16xi32>, vector<16xi32>], vector<16xf32>,
        %add3A_248 = arith.constant 384 : i32
        %add3A_249 = vector.broadcast %add3A_248 : i32 to vector<16xi32>
        %add3A_250 = arith.addi %iota3A, %add3A_249 : vector<16xi32>
        %gather3A_251 = tpu.vector_load_idx %arg16[%gather3A_151, %add3A_250] : memref<80x768xf32, #tpu.memory_space<vmem>>[vector<16xi32>, vector<16xi32>], vector<16xf32>,
        tpu.vector_store_idx %arg18[%broadcast_in_dim3A_150, %add3A_250], %gather3A_251 {add = true} : memref<32x768xf32, #tpu.memory_space<vmem>>[vector<16xi32>, vector<16xi32>], vector<16xf32>,
        %add3A_252 = arith.constant 400 : i32
        %add3A_253 = vector.broadcast %add3A_252 : i32 to vector<16xi32>
        %add3A_254 = arith.addi %iota3A, %add3A_253 : vector<16xi32>
        %gather3A_255 = tpu.vector_load_idx %arg16[%gather3A_151, %add3A_254] : memref<80x768xf32, #tpu.memory_space<vmem>>[vector<16xi32>, vector<16xi32>], vector<16xf32>,
        tpu.vector_store_idx %arg18[%broadcast_in_dim3A_150, %add3A_254], %gather3A_255 {add = true} : memref<32x768xf32, #tpu.memory_space<vmem>>[vector<16xi32>, vector<16xi32>], vector<16xf32>,
        %add3A_256 = arith.constant 416 : i32
        %add3A_257 = vector.broadcast %add3A_256 : i32 to vector<16xi32>
        %add3A_258 = arith.addi %iota3A, %add3A_257 : vector<16xi32>
        %gather3A_259 = tpu.vector_load_idx %arg16[%gather3A_151, %add3A_258] : memref<80x768xf32, #tpu.memory_space<vmem>>[vector<16xi32>, vector<16xi32>], vector<16xf32>,
        tpu.vector_store_idx %arg18[%broadcast_in_dim3A_150, %add3A_258], %gather3A_259 {add = true} : memref<32x768xf32, #tpu.memory_space<vmem>>[vector<16xi32>, vector<16xi32>], vector<16xf32>,
        %add3A_260 = arith.constant 432 : i32
        %add3A_261 = vector.broadcast %add3A_260 : i32 to vector<16xi32>
        %add3A_262 = arith.addi %iota3A, %add3A_261 : vector<16xi32>
        %gather3A_263 = tpu.vector_load_idx %arg16[%gather3A_151, %add3A_262] : memref<80x768xf32, #tpu.memory_space<vmem>>[vector<16xi32>, vector<16xi32>], vector<16xf32>,
        tpu.vector_store_idx %arg18[%broadcast_in_dim3A_150, %add3A_262], %gather3A_263 {add = true} : memref<32x768xf32, #tpu.memory_space<vmem>>[vector<16xi32>, vector<16xi32>], vector<16xf32>,
        %add3A_264 = arith.constant 448 : i32
        %add3A_265 = vector.broadcast %add3A_264 : i32 to vector<16xi32>
        %add3A_266 = arith.addi %iota3A, %add3A_265 : vector<16xi32>
        %gather3A_267 = tpu.vector_load_idx %arg16[%gather3A_151, %add3A_266] : memref<80x768xf32, #tpu.memory_space<vmem>>[vector<16xi32>, vector<16xi32>], vector<16xf32>,
        tpu.vector_store_idx %arg18[%broadcast_in_dim3A_150, %add3A_266], %gather3A_267 {add = true} : memref<32x768xf32, #tpu.memory_space<vmem>>[vector<16xi32>, vector<16xi32>], vector<16xf32>,
        %add3A_268 = arith.constant 464 : i32
        %add3A_269 = vector.broadcast %add3A_268 : i32 to vector<16xi32>
        %add3A_270 = arith.addi %iota3A, %add3A_269 : vector<16xi32>
        %gather3A_271 = tpu.vector_load_idx %arg16[%gather3A_151, %add3A_270] : memref<80x768xf32, #tpu.memory_space<vmem>>[vector<16xi32>, vector<16xi32>], vector<16xf32>,
        tpu.vector_store_idx %arg18[%broadcast_in_dim3A_150, %add3A_270], %gather3A_271 {add = true} : memref<32x768xf32, #tpu.memory_space<vmem>>[vector<16xi32>, vector<16xi32>], vector<16xf32>,
        %add3A_272 = arith.constant 480 : i32
        %add3A_273 = vector.broadcast %add3A_272 : i32 to vector<16xi32>
        %add3A_274 = arith.addi %iota3A, %add3A_273 : vector<16xi32>
        %gather3A_275 = tpu.vector_load_idx %arg16[%gather3A_151, %add3A_274] : memref<80x768xf32, #tpu.memory_space<vmem>>[vector<16xi32>, vector<16xi32>], vector<16xf32>,
        tpu.vector_store_idx %arg18[%broadcast_in_dim3A_150, %add3A_274], %gather3A_275 {add = true} : memref<32x768xf32, #tpu.memory_space<vmem>>[vector<16xi32>, vector<16xi32>], vector<16xf32>,
        %add3A_276 = arith.constant 496 : i32
        %add3A_277 = vector.broadcast %add3A_276 : i32 to vector<16xi32>
        %add3A_278 = arith.addi %iota3A, %add3A_277 : vector<16xi32>
        %gather3A_279 = tpu.vector_load_idx %arg16[%gather3A_151, %add3A_278] : memref<80x768xf32, #tpu.memory_space<vmem>>[vector<16xi32>, vector<16xi32>], vector<16xf32>,
        tpu.vector_store_idx %arg18[%broadcast_in_dim3A_150, %add3A_278], %gather3A_279 {add = true} : memref<32x768xf32, #tpu.memory_space<vmem>>[vector<16xi32>, vector<16xi32>], vector<16xf32>,
        %add3A_280 = arith.constant 512 : i32
        %add3A_281 = vector.broadcast %add3A_280 : i32 to vector<16xi32>
        %add3A_282 = arith.addi %iota3A, %add3A_281 : vector<16xi32>
        %gather3A_283 = tpu.vector_load_idx %arg16[%gather3A_151, %add3A_282] : memref<80x768xf32, #tpu.memory_space<vmem>>[vector<16xi32>, vector<16xi32>], vector<16xf32>,
        tpu.vector_store_idx %arg18[%broadcast_in_dim3A_150, %add3A_282], %gather3A_283 {add = true} : memref<32x768xf32, #tpu.memory_space<vmem>>[vector<16xi32>, vector<16xi32>], vector<16xf32>,
        %add3A_284 = arith.constant 528 : i32
        %add3A_285 = vector.broadcast %add3A_284 : i32 to vector<16xi32>
        %add3A_286 = arith.addi %iota3A, %add3A_285 : vector<16xi32>
        %gather3A_287 = tpu.vector_load_idx %arg16[%gather3A_151, %add3A_286] : memref<80x768xf32, #tpu.memory_space<vmem>>[vector<16xi32>, vector<16xi32>], vector<16xf32>,
        tpu.vector_store_idx %arg18[%broadcast_in_dim3A_150, %add3A_286], %gather3A_287 {add = true} : memref<32x768xf32, #tpu.memory_space<vmem>>[vector<16xi32>, vector<16xi32>], vector<16xf32>,
        %add3A_288 = arith.constant 544 : i32
        %add3A_289 = vector.broadcast %add3A_288 : i32 to vector<16xi32>
        %add3A_290 = arith.addi %iota3A, %add3A_289 : vector<16xi32>
        %gather3A_291 = tpu.vector_load_idx %arg16[%gather3A_151, %add3A_290] : memref<80x768xf32, #tpu.memory_space<vmem>>[vector<16xi32>, vector<16xi32>], vector<16xf32>,
        tpu.vector_store_idx %arg18[%broadcast_in_dim3A_150, %add3A_290], %gather3A_291 {add = true} : memref<32x768xf32, #tpu.memory_space<vmem>>[vector<16xi32>, vector<16xi32>], vector<16xf32>,
        %add3A_292 = arith.constant 560 : i32
        %add3A_293 = vector.broadcast %add3A_292 : i32 to vector<16xi32>
        %add3A_294 = arith.addi %iota3A, %add3A_293 : vector<16xi32>
        %gather3A_295 = tpu.vector_load_idx %arg16[%gather3A_151, %add3A_294] : memref<80x768xf32, #tpu.memory_space<vmem>>[vector<16xi32>, vector<16xi32>], vector<16xf32>,
        tpu.vector_store_idx %arg18[%broadcast_in_dim3A_150, %add3A_294], %gather3A_295 {add = true} : memref<32x768xf32, #tpu.memory_space<vmem>>[vector<16xi32>, vector<16xi32>], vector<16xf32>,
        %add3A_296 = arith.constant 576 : i32
        %add3A_297 = vector.broadcast %add3A_296 : i32 to vector<16xi32>
        %add3A_298 = arith.addi %iota3A, %add3A_297 : vector<16xi32>
        %gather3A_299 = tpu.vector_load_idx %arg16[%gather3A_151, %add3A_298] : memref<80x768xf32, #tpu.memory_space<vmem>>[vector<16xi32>, vector<16xi32>], vector<16xf32>,
        tpu.vector_store_idx %arg18[%broadcast_in_dim3A_150, %add3A_298], %gather3A_299 {add = true} : memref<32x768xf32, #tpu.memory_space<vmem>>[vector<16xi32>, vector<16xi32>], vector<16xf32>,
        %add3A_300 = arith.constant 592 : i32
        %add3A_301 = vector.broadcast %add3A_300 : i32 to vector<16xi32>
        %add3A_302 = arith.addi %iota3A, %add3A_301 : vector<16xi32>
        %gather3A_303 = tpu.vector_load_idx %arg16[%gather3A_151, %add3A_302] : memref<80x768xf32, #tpu.memory_space<vmem>>[vector<16xi32>, vector<16xi32>], vector<16xf32>,
        tpu.vector_store_idx %arg18[%broadcast_in_dim3A_150, %add3A_302], %gather3A_303 {add = true} : memref<32x768xf32, #tpu.memory_space<vmem>>[vector<16xi32>, vector<16xi32>], vector<16xf32>,
        %add3A_304 = arith.constant 608 : i32
        %add3A_305 = vector.broadcast %add3A_304 : i32 to vector<16xi32>
        %add3A_306 = arith.addi %iota3A, %add3A_305 : vector<16xi32>
        %gather3A_307 = tpu.vector_load_idx %arg16[%gather3A_151, %add3A_306] : memref<80x768xf32, #tpu.memory_space<vmem>>[vector<16xi32>, vector<16xi32>], vector<16xf32>,
        tpu.vector_store_idx %arg18[%broadcast_in_dim3A_150, %add3A_306], %gather3A_307 {add = true} : memref<32x768xf32, #tpu.memory_space<vmem>>[vector<16xi32>, vector<16xi32>], vector<16xf32>,
        %add3A_308 = arith.constant 624 : i32
        %add3A_309 = vector.broadcast %add3A_308 : i32 to vector<16xi32>
        %add3A_310 = arith.addi %iota3A, %add3A_309 : vector<16xi32>
        %gather3A_311 = tpu.vector_load_idx %arg16[%gather3A_151, %add3A_310] : memref<80x768xf32, #tpu.memory_space<vmem>>[vector<16xi32>, vector<16xi32>], vector<16xf32>,
        tpu.vector_store_idx %arg18[%broadcast_in_dim3A_150, %add3A_310], %gather3A_311 {add = true} : memref<32x768xf32, #tpu.memory_space<vmem>>[vector<16xi32>, vector<16xi32>], vector<16xf32>,
        %add3A_312 = arith.constant 640 : i32
        %add3A_313 = vector.broadcast %add3A_312 : i32 to vector<16xi32>
        %add3A_314 = arith.addi %iota3A, %add3A_313 : vector<16xi32>
        %gather3A_315 = tpu.vector_load_idx %arg16[%gather3A_151, %add3A_314] : memref<80x768xf32, #tpu.memory_space<vmem>>[vector<16xi32>, vector<16xi32>], vector<16xf32>,
        tpu.vector_store_idx %arg18[%broadcast_in_dim3A_150, %add3A_314], %gather3A_315 {add = true} : memref<32x768xf32, #tpu.memory_space<vmem>>[vector<16xi32>, vector<16xi32>], vector<16xf32>,
        %add3A_316 = arith.constant 656 : i32
        %add3A_317 = vector.broadcast %add3A_316 : i32 to vector<16xi32>
        %add3A_318 = arith.addi %iota3A, %add3A_317 : vector<16xi32>
        %gather3A_319 = tpu.vector_load_idx %arg16[%gather3A_151, %add3A_318] : memref<80x768xf32, #tpu.memory_space<vmem>>[vector<16xi32>, vector<16xi32>], vector<16xf32>,
        tpu.vector_store_idx %arg18[%broadcast_in_dim3A_150, %add3A_318], %gather3A_319 {add = true} : memref<32x768xf32, #tpu.memory_space<vmem>>[vector<16xi32>, vector<16xi32>], vector<16xf32>,
        %add3A_320 = arith.constant 672 : i32
        %add3A_321 = vector.broadcast %add3A_320 : i32 to vector<16xi32>
        %add3A_322 = arith.addi %iota3A, %add3A_321 : vector<16xi32>
        %gather3A_323 = tpu.vector_load_idx %arg16[%gather3A_151, %add3A_322] : memref<80x768xf32, #tpu.memory_space<vmem>>[vector<16xi32>, vector<16xi32>], vector<16xf32>,
        tpu.vector_store_idx %arg18[%broadcast_in_dim3A_150, %add3A_322], %gather3A_323 {add = true} : memref<32x768xf32, #tpu.memory_space<vmem>>[vector<16xi32>, vector<16xi32>], vector<16xf32>,
        %add3A_324 = arith.constant 688 : i32
        %add3A_325 = vector.broadcast %add3A_324 : i32 to vector<16xi32>
        %add3A_326 = arith.addi %iota3A, %add3A_325 : vector<16xi32>
        %gather3A_327 = tpu.vector_load_idx %arg16[%gather3A_151, %add3A_326] : memref<80x768xf32, #tpu.memory_space<vmem>>[vector<16xi32>, vector<16xi32>], vector<16xf32>,
        tpu.vector_store_idx %arg18[%broadcast_in_dim3A_150, %add3A_326], %gather3A_327 {add = true} : memref<32x768xf32, #tpu.memory_space<vmem>>[vector<16xi32>, vector<16xi32>], vector<16xf32>,
        %add3A_328 = arith.constant 704 : i32
        %add3A_329 = vector.broadcast %add3A_328 : i32 to vector<16xi32>
        %add3A_330 = arith.addi %iota3A, %add3A_329 : vector<16xi32>
        %gather3A_331 = tpu.vector_load_idx %arg16[%gather3A_151, %add3A_330] : memref<80x768xf32, #tpu.memory_space<vmem>>[vector<16xi32>, vector<16xi32>], vector<16xf32>,
        tpu.vector_store_idx %arg18[%broadcast_in_dim3A_150, %add3A_330], %gather3A_331 {add = true} : memref<32x768xf32, #tpu.memory_space<vmem>>[vector<16xi32>, vector<16xi32>], vector<16xf32>,
        %add3A_332 = arith.constant 720 : i32
        %add3A_333 = vector.broadcast %add3A_332 : i32 to vector<16xi32>
        %add3A_334 = arith.addi %iota3A, %add3A_333 : vector<16xi32>
        %gather3A_335 = tpu.vector_load_idx %arg16[%gather3A_151, %add3A_334] : memref<80x768xf32, #tpu.memory_space<vmem>>[vector<16xi32>, vector<16xi32>], vector<16xf32>,
        tpu.vector_store_idx %arg18[%broadcast_in_dim3A_150, %add3A_334], %gather3A_335 {add = true} : memref<32x768xf32, #tpu.memory_space<vmem>>[vector<16xi32>, vector<16xi32>], vector<16xf32>,
        %add3A_336 = arith.constant 736 : i32
        %add3A_337 = vector.broadcast %add3A_336 : i32 to vector<16xi32>
        %add3A_338 = arith.addi %iota3A, %add3A_337 : vector<16xi32>
        %gather3A_339 = tpu.vector_load_idx %arg16[%gather3A_151, %add3A_338] : memref<80x768xf32, #tpu.memory_space<vmem>>[vector<16xi32>, vector<16xi32>], vector<16xf32>,
        tpu.vector_store_idx %arg18[%broadcast_in_dim3A_150, %add3A_338], %gather3A_339 {add = true} : memref<32x768xf32, #tpu.memory_space<vmem>>[vector<16xi32>, vector<16xi32>], vector<16xf32>,
        %add3A_340 = arith.constant 752 : i32
        %add3A_341 = vector.broadcast %add3A_340 : i32 to vector<16xi32>
        %add3A_342 = arith.addi %iota3A, %add3A_341 : vector<16xi32>
        %gather3A_343 = tpu.vector_load_idx %arg16[%gather3A_151, %add3A_342] : memref<80x768xf32, #tpu.memory_space<vmem>>[vector<16xi32>, vector<16xi32>], vector<16xf32>,
        tpu.vector_store_idx %arg18[%broadcast_in_dim3A_150, %add3A_342], %gather3A_343 {add = true} : memref<32x768xf32, #tpu.memory_space<vmem>>[vector<16xi32>, vector<16xi32>], vector<16xf32>,
      }
      %scan3A_145 = arith.constant 32 : i32
      %dma_start3A_146 = arith.constant 0 : i32
      %dma_start3A_147 = arith.constant 0 : i32
      %dma_start3A_148 = tpu.memref_slice %arg7[%dma_start3A_146, %dma_start3A_147] : memref<81920x768xf32, #tpu.memory_space<hbm>> -> memref<81920x768xf32, #tpu.memory_space<hbm>>
      tpu.enqueue_indirect_dma source(%arg18 : memref<32x768xf32, #tpu.memory_space<vmem>>) target(%dma_start3A_148 : memref<81920x768xf32, #tpu.memory_space<hbm>>) offsets(%arg13 : memref<32xi32, #tpu.memory_space<vmem>>) semaphore(%arg22 : memref<!tpu.dma_semaphore, #tpu.memory_space<semaphore_mem>>)
    }
    %scan3A_7 = arith.constant 32 : i32
    %dma_wait3A = arith.constant 0 : i32
    %dma_wait3A_8 = arith.constant 0 : i32
    %dma_wait3A_9 = tpu.memref_slice %arg7[%dma_wait3A, %dma_wait3A_8] : memref<81920x768xf32, #tpu.memory_space<hbm>> -> memref<81920x768xf32, #tpu.memory_space<hbm>>
    tpu.wait_indirect_dma semaphore(%arg21 : memref<!tpu.dma_semaphore, #tpu.memory_space<semaphore_mem>>) src(%arg17 : memref<32x768xf32, #tpu.memory_space<vmem>>) dst(%dma_wait3A_9 : memref<81920x768xf32, #tpu.memory_space<hbm>>)
    %dma_wait3A_10 = arith.constant 0 : i32
    %dma_wait3A_11 = arith.constant 0 : i32
    %dma_wait3A_12 = tpu.memref_slice %arg7[%dma_wait3A_10, %dma_wait3A_11] : memref<81920x768xf32, #tpu.memory_space<hbm>> -> memref<81920x768xf32, #tpu.memory_space<hbm>>
    tpu.wait_indirect_dma semaphore(%arg22 : memref<!tpu.dma_semaphore, #tpu.memory_space<semaphore_mem>>) src(%arg18 : memref<32x768xf32, #tpu.memory_space<vmem>>) dst(%dma_wait3A_12 : memref<81920x768xf32, #tpu.memory_space<hbm>>)
    %scan3A_13 = arith.constant 0 : i32
    %scan3A_14 = arith.constant 0 : i32
    %scan3A_15 = arith.constant 8 : i32
    %scan3A_16 = arith.addi %scan3A_14, %scan3A_15 : i32
    %scan3A_17 = arith.constant 1 : i32
    scf.for %scan3A_25 = %scan3A_14 to %scan3A_16 step %scan3A_17  : i32 {
      %gt3A = arith.constant 0 : i32
      %gt3A_26 = arith.cmpi sgt, %scan3A_25, %gt3A : i32
      %convert_element_type3A = arith.extui %gt3A_26 : i1 to i32
      %cond3A = arith.constant 0 : i32
      %cond3A_27 = arith.cmpi ne, %convert_element_type3A, %cond3A : i32
      scf.if %cond3A_27 {
        %dma_wait3A_141 = arith.constant 0 : i32
        %dma_wait3A_142 = arith.constant 0 : i32
        %dma_wait3A_143 = tpu.memref_slice %arg7[%dma_wait3A_141, %dma_wait3A_142] : memref<81920x768xf32, #tpu.memory_space<hbm>> -> memref<81920x768xf32, #tpu.memory_space<hbm>>
        tpu.wait_indirect_dma semaphore(%arg21 : memref<!tpu.dma_semaphore, #tpu.memory_space<semaphore_mem>>) src(%arg17 : memref<32x768xf32, #tpu.memory_space<vmem>>) dst(%dma_wait3A_143 : memref<81920x768xf32, #tpu.memory_space<hbm>>)
      } else {
      }
      %mul3A_28 = arith.constant 2 : i32
      %mul3A_29 = arith.muli %mul3A_28, %scan3A_25 : i32
      %add3A_30 = arith.constant 0 : i32
      %add3A_31 = arith.addi %mul3A_29, %add3A_30 : i32
      %mul3A_32 = arith.constant 2 : i32
      %mul3A_33 = arith.muli %mul3A_32, %add3A_31 : i32
      %add3A_34 = arith.addi %mul3A_2, %mul3A_33 : i32
      %broadcast_in_dim3A = vector.broadcast %mul3A_33 : i32 to vector<16xi32>
      %gather3A = tpu.vector_load_idx %arg8[%broadcast_in_dim3A] : memref<32xi32, #tpu.memory_space<vmem>>[vector<16xi32>], vector<16xi32>,
      %add3A_35 = arith.constant 1 : i32
      %add3A_36 = arith.addi %mul3A_33, %add3A_35 : i32
      %broadcast_in_dim3A_37 = vector.broadcast %add3A_36 : i32 to vector<16xi32>
      %gather3A_38 = tpu.vector_load_idx %arg8[%broadcast_in_dim3A_37] : memref<32xi32, #tpu.memory_space<vmem>>[vector<16xi32>], vector<16xi32>,
      %add3A_39 = arith.addi %gather3A, %iota3A : vector<16xi32>
      %swap3A = arith.constant 0 : index
      %swap3A_40 = tpu.vector_load %arg10[%swap3A] {strides = array<i32>} : memref<32xi32, #tpu.memory_space<vmem>>, vector<16xi32>,
      tpu.vector_store %arg10[%swap3A], %add3A_39 {strides = array<i32>} : memref<32xi32, #tpu.memory_space<vmem>>, vector<16xi32>,
      %add3A_41 = arith.addi %gather3A_38, %iota3A : vector<16xi32>
      %swap3A_42 = arith.constant 16 : index
      %swap3A_43 = tpu.vector_load %arg10[%swap3A_42] {strides = array<i32>} : memref<32xi32, #tpu.memory_space<vmem>>, vector<16xi32>,
      tpu.vector_store %arg10[%swap3A_42], %add3A_41 {strides = array<i32>} : memref<32xi32, #tpu.memory_space<vmem>>, vector<16xi32>,
      %mul3A_44 = arith.constant 80 : i32
      %mul3A_45 = arith.muli %add3A_34, %mul3A_44 : i32
      %broadcast_in_dim3A_46 = vector.broadcast %mul3A_45 : i32 to vector<16xi32>
      %add3A_47 = arith.addi %broadcast_in_dim3A_46, %gather3A : vector<16xi32>
      %add3A_48 = arith.addi %add3A_47, %iota3A : vector<16xi32>
      %swap3A_49 = arith.constant 0 : index
      %swap3A_50 = tpu.vector_load %arg12[%swap3A_49] {strides = array<i32>} : memref<32xi32, #tpu.memory_space<vmem>>, vector<16xi32>,
      tpu.vector_store %arg12[%swap3A_49], %add3A_48 {strides = array<i32>} : memref<32xi32, #tpu.memory_space<vmem>>, vector<16xi32>,
      %add3A_51 = arith.constant 1 : i32
      %add3A_52 = arith.addi %add3A_34, %add3A_51 : i32
      %mul3A_53 = arith.constant 80 : i32
      %mul3A_54 = arith.muli %add3A_52, %mul3A_53 : i32
      %broadcast_in_dim3A_55 = vector.broadcast %mul3A_54 : i32 to vector<16xi32>
      %add3A_56 = arith.addi %broadcast_in_dim3A_55, %gather3A_38 : vector<16xi32>
      %add3A_57 = arith.addi %add3A_56, %iota3A : vector<16xi32>
      %swap3A_58 = arith.constant 16 : index
      %swap3A_59 = tpu.vector_load %arg12[%swap3A_58] {strides = array<i32>} : memref<32xi32, #tpu.memory_space<vmem>>, vector<16xi32>,
      tpu.vector_store %arg12[%swap3A_58], %add3A_57 {strides = array<i32>} : memref<32xi32, #tpu.memory_space<vmem>>, vector<16xi32>,
      %mul3A_60 = arith.constant 16 : i32
      %mul3A_61 = arith.muli %add3A_34, %mul3A_60 : i32
      %dma_start3A = arith.constant 0 : i32
      %dma_start3A_62 = tpu.memref_slice %arg4[%mul3A_61, %dma_start3A] : memref<16384x768xf32, #tpu.memory_space<hbm>> -> memref<32x768xf32, #tpu.memory_space<hbm>>
      %dma_start3A_63 = arith.constant 0 : i32
      %dma_start3A_64 = tpu.memref_slice %arg4[%mul3A_61, %dma_start3A_63] : memref<16384x768xf32, #tpu.memory_space<hbm>> -> memref<32x768xf32, #tpu.memory_space<hbm>>
      tpu.enqueue_dma source(%dma_start3A_64 : memref<32x768xf32, #tpu.memory_space<hbm>>) target(%arg17 : memref<32x768xf32, #tpu.memory_space<vmem>>) target_semaphore(%arg19 : memref<!tpu.dma_semaphore, #tpu.memory_space<semaphore_mem>>)
      %dma_wait3A_65 = arith.constant 0 : i32
      %dma_wait3A_66 = arith.constant 0 : i32
      %dma_wait3A_67 = tpu.memref_slice %arg4[%dma_wait3A_65, %dma_wait3A_66] : memref<16384x768xf32, #tpu.memory_space<hbm>> -> memref<32x768xf32, #tpu.memory_space<hbm>>
      %dma_wait3A_68 = arith.constant 0 : i32
      %dma_wait3A_69 = arith.constant 0 : i32
      %dma_wait3A_70 = tpu.memref_slice %arg4[%dma_wait3A_68, %dma_wait3A_69] : memref<16384x768xf32, #tpu.memory_space<hbm>> -> memref<32x768xf32, #tpu.memory_space<hbm>>
      tpu.wait_dma2 semaphore(%arg19 : memref<!tpu.dma_semaphore, #tpu.memory_space<semaphore_mem>>) src(%dma_wait3A_70 : memref<32x768xf32, #tpu.memory_space<hbm>>) dst(%arg17 : memref<32x768xf32, #tpu.memory_space<vmem>>)
      %scan3A_71 = arith.constant 0 : i32
      %scan3A_72 = arith.constant 0 : i32
      %scan3A_73 = arith.constant 32 : i32
      %scan3A_74 = arith.addi %scan3A_72, %scan3A_73 : i32
      %scan3A_75 = arith.constant 1 : i32
      scf.for %scan3A_141 = %scan3A_72 to %scan3A_74 step %scan3A_75  : i32 {
        %broadcast_in_dim3A_142 = vector.broadcast %scan3A_141 : i32 to vector<16xi32>
        %gather3A_143 = tpu.vector_load_idx %arg10[%broadcast_in_dim3A_142] : memref<32xi32, #tpu.memory_space<vmem>>[vector<16xi32>], vector<16xi32>,
        %add3A_144 = arith.constant 0 : i32
        %add3A_145 = vector.broadcast %add3A_144 : i32 to vector<16xi32>
        %add3A_146 = arith.addi %iota3A, %add3A_145 : vector<16xi32>
        %gather3A_147 = tpu.vector_load_idx %arg16[%gather3A_143, %add3A_146] : memref<80x768xf32, #tpu.memory_space<vmem>>[vector<16xi32>, vector<16xi32>], vector<16xf32>,
        tpu.vector_store_idx %arg17[%broadcast_in_dim3A_142, %add3A_146], %gather3A_147 {add = true} : memref<32x768xf32, #tpu.memory_space<vmem>>[vector<16xi32>, vector<16xi32>], vector<16xf32>,
        %add3A_148 = arith.constant 16 : i32
        %add3A_149 = vector.broadcast %add3A_148 : i32 to vector<16xi32>
        %add3A_150 = arith.addi %iota3A, %add3A_149 : vector<16xi32>
        %gather3A_151 = tpu.vector_load_idx %arg16[%gather3A_143, %add3A_150] : memref<80x768xf32, #tpu.memory_space<vmem>>[vector<16xi32>, vector<16xi32>], vector<16xf32>,
        tpu.vector_store_idx %arg17[%broadcast_in_dim3A_142, %add3A_150], %gather3A_151 {add = true} : memref<32x768xf32, #tpu.memory_space<vmem>>[vector<16xi32>, vector<16xi32>], vector<16xf32>,
        %add3A_152 = arith.constant 32 : i32
        %add3A_153 = vector.broadcast %add3A_152 : i32 to vector<16xi32>
        %add3A_154 = arith.addi %iota3A, %add3A_153 : vector<16xi32>
        %gather3A_155 = tpu.vector_load_idx %arg16[%gather3A_143, %add3A_154] : memref<80x768xf32, #tpu.memory_space<vmem>>[vector<16xi32>, vector<16xi32>], vector<16xf32>,
        tpu.vector_store_idx %arg17[%broadcast_in_dim3A_142, %add3A_154], %gather3A_155 {add = true} : memref<32x768xf32, #tpu.memory_space<vmem>>[vector<16xi32>, vector<16xi32>], vector<16xf32>,
        %add3A_156 = arith.constant 48 : i32
        %add3A_157 = vector.broadcast %add3A_156 : i32 to vector<16xi32>
        %add3A_158 = arith.addi %iota3A, %add3A_157 : vector<16xi32>
        %gather3A_159 = tpu.vector_load_idx %arg16[%gather3A_143, %add3A_158] : memref<80x768xf32, #tpu.memory_space<vmem>>[vector<16xi32>, vector<16xi32>], vector<16xf32>,
        tpu.vector_store_idx %arg17[%broadcast_in_dim3A_142, %add3A_158], %gather3A_159 {add = true} : memref<32x768xf32, #tpu.memory_space<vmem>>[vector<16xi32>, vector<16xi32>], vector<16xf32>,
        %add3A_160 = arith.constant 64 : i32
        %add3A_161 = vector.broadcast %add3A_160 : i32 to vector<16xi32>
        %add3A_162 = arith.addi %iota3A, %add3A_161 : vector<16xi32>
        %gather3A_163 = tpu.vector_load_idx %arg16[%gather3A_143, %add3A_162] : memref<80x768xf32, #tpu.memory_space<vmem>>[vector<16xi32>, vector<16xi32>], vector<16xf32>,
        tpu.vector_store_idx %arg17[%broadcast_in_dim3A_142, %add3A_162], %gather3A_163 {add = true} : memref<32x768xf32, #tpu.memory_space<vmem>>[vector<16xi32>, vector<16xi32>], vector<16xf32>,
        %add3A_164 = arith.constant 80 : i32
        %add3A_165 = vector.broadcast %add3A_164 : i32 to vector<16xi32>
        %add3A_166 = arith.addi %iota3A, %add3A_165 : vector<16xi32>
        %gather3A_167 = tpu.vector_load_idx %arg16[%gather3A_143, %add3A_166] : memref<80x768xf32, #tpu.memory_space<vmem>>[vector<16xi32>, vector<16xi32>], vector<16xf32>,
        tpu.vector_store_idx %arg17[%broadcast_in_dim3A_142, %add3A_166], %gather3A_167 {add = true} : memref<32x768xf32, #tpu.memory_space<vmem>>[vector<16xi32>, vector<16xi32>], vector<16xf32>,
        %add3A_168 = arith.constant 96 : i32
        %add3A_169 = vector.broadcast %add3A_168 : i32 to vector<16xi32>
        %add3A_170 = arith.addi %iota3A, %add3A_169 : vector<16xi32>
        %gather3A_171 = tpu.vector_load_idx %arg16[%gather3A_143, %add3A_170] : memref<80x768xf32, #tpu.memory_space<vmem>>[vector<16xi32>, vector<16xi32>], vector<16xf32>,
        tpu.vector_store_idx %arg17[%broadcast_in_dim3A_142, %add3A_170], %gather3A_171 {add = true} : memref<32x768xf32, #tpu.memory_space<vmem>>[vector<16xi32>, vector<16xi32>], vector<16xf32>,
        %add3A_172 = arith.constant 112 : i32
        %add3A_173 = vector.broadcast %add3A_172 : i32 to vector<16xi32>
        %add3A_174 = arith.addi %iota3A, %add3A_173 : vector<16xi32>
        %gather3A_175 = tpu.vector_load_idx %arg16[%gather3A_143, %add3A_174] : memref<80x768xf32, #tpu.memory_space<vmem>>[vector<16xi32>, vector<16xi32>], vector<16xf32>,
        tpu.vector_store_idx %arg17[%broadcast_in_dim3A_142, %add3A_174], %gather3A_175 {add = true} : memref<32x768xf32, #tpu.memory_space<vmem>>[vector<16xi32>, vector<16xi32>], vector<16xf32>,
        %add3A_176 = arith.constant 128 : i32
        %add3A_177 = vector.broadcast %add3A_176 : i32 to vector<16xi32>
        %add3A_178 = arith.addi %iota3A, %add3A_177 : vector<16xi32>
        %gather3A_179 = tpu.vector_load_idx %arg16[%gather3A_143, %add3A_178] : memref<80x768xf32, #tpu.memory_space<vmem>>[vector<16xi32>, vector<16xi32>], vector<16xf32>,
        tpu.vector_store_idx %arg17[%broadcast_in_dim3A_142, %add3A_178], %gather3A_179 {add = true} : memref<32x768xf32, #tpu.memory_space<vmem>>[vector<16xi32>, vector<16xi32>], vector<16xf32>,
        %add3A_180 = arith.constant 144 : i32
        %add3A_181 = vector.broadcast %add3A_180 : i32 to vector<16xi32>
        %add3A_182 = arith.addi %iota3A, %add3A_181 : vector<16xi32>
        %gather3A_183 = tpu.vector_load_idx %arg16[%gather3A_143, %add3A_182] : memref<80x768xf32, #tpu.memory_space<vmem>>[vector<16xi32>, vector<16xi32>], vector<16xf32>,
        tpu.vector_store_idx %arg17[%broadcast_in_dim3A_142, %add3A_182], %gather3A_183 {add = true} : memref<32x768xf32, #tpu.memory_space<vmem>>[vector<16xi32>, vector<16xi32>], vector<16xf32>,
        %add3A_184 = arith.constant 160 : i32
        %add3A_185 = vector.broadcast %add3A_184 : i32 to vector<16xi32>
        %add3A_186 = arith.addi %iota3A, %add3A_185 : vector<16xi32>
        %gather3A_187 = tpu.vector_load_idx %arg16[%gather3A_143, %add3A_186] : memref<80x768xf32, #tpu.memory_space<vmem>>[vector<16xi32>, vector<16xi32>], vector<16xf32>,
        tpu.vector_store_idx %arg17[%broadcast_in_dim3A_142, %add3A_186], %gather3A_187 {add = true} : memref<32x768xf32, #tpu.memory_space<vmem>>[vector<16xi32>, vector<16xi32>], vector<16xf32>,
        %add3A_188 = arith.constant 176 : i32
        %add3A_189 = vector.broadcast %add3A_188 : i32 to vector<16xi32>
        %add3A_190 = arith.addi %iota3A, %add3A_189 : vector<16xi32>
        %gather3A_191 = tpu.vector_load_idx %arg16[%gather3A_143, %add3A_190] : memref<80x768xf32, #tpu.memory_space<vmem>>[vector<16xi32>, vector<16xi32>], vector<16xf32>,
        tpu.vector_store_idx %arg17[%broadcast_in_dim3A_142, %add3A_190], %gather3A_191 {add = true} : memref<32x768xf32, #tpu.memory_space<vmem>>[vector<16xi32>, vector<16xi32>], vector<16xf32>,
        %add3A_192 = arith.constant 192 : i32
        %add3A_193 = vector.broadcast %add3A_192 : i32 to vector<16xi32>
        %add3A_194 = arith.addi %iota3A, %add3A_193 : vector<16xi32>
        %gather3A_195 = tpu.vector_load_idx %arg16[%gather3A_143, %add3A_194] : memref<80x768xf32, #tpu.memory_space<vmem>>[vector<16xi32>, vector<16xi32>], vector<16xf32>,
        tpu.vector_store_idx %arg17[%broadcast_in_dim3A_142, %add3A_194], %gather3A_195 {add = true} : memref<32x768xf32, #tpu.memory_space<vmem>>[vector<16xi32>, vector<16xi32>], vector<16xf32>,
        %add3A_196 = arith.constant 208 : i32
        %add3A_197 = vector.broadcast %add3A_196 : i32 to vector<16xi32>
        %add3A_198 = arith.addi %iota3A, %add3A_197 : vector<16xi32>
        %gather3A_199 = tpu.vector_load_idx %arg16[%gather3A_143, %add3A_198] : memref<80x768xf32, #tpu.memory_space<vmem>>[vector<16xi32>, vector<16xi32>], vector<16xf32>,
        tpu.vector_store_idx %arg17[%broadcast_in_dim3A_142, %add3A_198], %gather3A_199 {add = true} : memref<32x768xf32, #tpu.memory_space<vmem>>[vector<16xi32>, vector<16xi32>], vector<16xf32>,
        %add3A_200 = arith.constant 224 : i32
        %add3A_201 = vector.broadcast %add3A_200 : i32 to vector<16xi32>
        %add3A_202 = arith.addi %iota3A, %add3A_201 : vector<16xi32>
        %gather3A_203 = tpu.vector_load_idx %arg16[%gather3A_143, %add3A_202] : memref<80x768xf32, #tpu.memory_space<vmem>>[vector<16xi32>, vector<16xi32>], vector<16xf32>,
        tpu.vector_store_idx %arg17[%broadcast_in_dim3A_142, %add3A_202], %gather3A_203 {add = true} : memref<32x768xf32, #tpu.memory_space<vmem>>[vector<16xi32>, vector<16xi32>], vector<16xf32>,
        %add3A_204 = arith.constant 240 : i32
        %add3A_205 = vector.broadcast %add3A_204 : i32 to vector<16xi32>
        %add3A_206 = arith.addi %iota3A, %add3A_205 : vector<16xi32>
        %gather3A_207 = tpu.vector_load_idx %arg16[%gather3A_143, %add3A_206] : memref<80x768xf32, #tpu.memory_space<vmem>>[vector<16xi32>, vector<16xi32>], vector<16xf32>,
        tpu.vector_store_idx %arg17[%broadcast_in_dim3A_142, %add3A_206], %gather3A_207 {add = true} : memref<32x768xf32, #tpu.memory_space<vmem>>[vector<16xi32>, vector<16xi32>], vector<16xf32>,
        %add3A_208 = arith.constant 256 : i32
        %add3A_209 = vector.broadcast %add3A_208 : i32 to vector<16xi32>
        %add3A_210 = arith.addi %iota3A, %add3A_209 : vector<16xi32>
        %gather3A_211 = tpu.vector_load_idx %arg16[%gather3A_143, %add3A_210] : memref<80x768xf32, #tpu.memory_space<vmem>>[vector<16xi32>, vector<16xi32>], vector<16xf32>,
        tpu.vector_store_idx %arg17[%broadcast_in_dim3A_142, %add3A_210], %gather3A_211 {add = true} : memref<32x768xf32, #tpu.memory_space<vmem>>[vector<16xi32>, vector<16xi32>], vector<16xf32>,
        %add3A_212 = arith.constant 272 : i32
        %add3A_213 = vector.broadcast %add3A_212 : i32 to vector<16xi32>
        %add3A_214 = arith.addi %iota3A, %add3A_213 : vector<16xi32>
        %gather3A_215 = tpu.vector_load_idx %arg16[%gather3A_143, %add3A_214] : memref<80x768xf32, #tpu.memory_space<vmem>>[vector<16xi32>, vector<16xi32>], vector<16xf32>,
        tpu.vector_store_idx %arg17[%broadcast_in_dim3A_142, %add3A_214], %gather3A_215 {add = true} : memref<32x768xf32, #tpu.memory_space<vmem>>[vector<16xi32>, vector<16xi32>], vector<16xf32>,
        %add3A_216 = arith.constant 288 : i32
        %add3A_217 = vector.broadcast %add3A_216 : i32 to vector<16xi32>
        %add3A_218 = arith.addi %iota3A, %add3A_217 : vector<16xi32>
        %gather3A_219 = tpu.vector_load_idx %arg16[%gather3A_143, %add3A_218] : memref<80x768xf32, #tpu.memory_space<vmem>>[vector<16xi32>, vector<16xi32>], vector<16xf32>,
        tpu.vector_store_idx %arg17[%broadcast_in_dim3A_142, %add3A_218], %gather3A_219 {add = true} : memref<32x768xf32, #tpu.memory_space<vmem>>[vector<16xi32>, vector<16xi32>], vector<16xf32>,
        %add3A_220 = arith.constant 304 : i32
        %add3A_221 = vector.broadcast %add3A_220 : i32 to vector<16xi32>
        %add3A_222 = arith.addi %iota3A, %add3A_221 : vector<16xi32>
        %gather3A_223 = tpu.vector_load_idx %arg16[%gather3A_143, %add3A_222] : memref<80x768xf32, #tpu.memory_space<vmem>>[vector<16xi32>, vector<16xi32>], vector<16xf32>,
        tpu.vector_store_idx %arg17[%broadcast_in_dim3A_142, %add3A_222], %gather3A_223 {add = true} : memref<32x768xf32, #tpu.memory_space<vmem>>[vector<16xi32>, vector<16xi32>], vector<16xf32>,
        %add3A_224 = arith.constant 320 : i32
        %add3A_225 = vector.broadcast %add3A_224 : i32 to vector<16xi32>
        %add3A_226 = arith.addi %iota3A, %add3A_225 : vector<16xi32>
        %gather3A_227 = tpu.vector_load_idx %arg16[%gather3A_143, %add3A_226] : memref<80x768xf32, #tpu.memory_space<vmem>>[vector<16xi32>, vector<16xi32>], vector<16xf32>,
        tpu.vector_store_idx %arg17[%broadcast_in_dim3A_142, %add3A_226], %gather3A_227 {add = true} : memref<32x768xf32, #tpu.memory_space<vmem>>[vector<16xi32>, vector<16xi32>], vector<16xf32>,
        %add3A_228 = arith.constant 336 : i32
        %add3A_229 = vector.broadcast %add3A_228 : i32 to vector<16xi32>
        %add3A_230 = arith.addi %iota3A, %add3A_229 : vector<16xi32>
        %gather3A_231 = tpu.vector_load_idx %arg16[%gather3A_143, %add3A_230] : memref<80x768xf32, #tpu.memory_space<vmem>>[vector<16xi32>, vector<16xi32>], vector<16xf32>,
        tpu.vector_store_idx %arg17[%broadcast_in_dim3A_142, %add3A_230], %gather3A_231 {add = true} : memref<32x768xf32, #tpu.memory_space<vmem>>[vector<16xi32>, vector<16xi32>], vector<16xf32>,
        %add3A_232 = arith.constant 352 : i32
        %add3A_233 = vector.broadcast %add3A_232 : i32 to vector<16xi32>
        %add3A_234 = arith.addi %iota3A, %add3A_233 : vector<16xi32>
        %gather3A_235 = tpu.vector_load_idx %arg16[%gather3A_143, %add3A_234] : memref<80x768xf32, #tpu.memory_space<vmem>>[vector<16xi32>, vector<16xi32>], vector<16xf32>,
        tpu.vector_store_idx %arg17[%broadcast_in_dim3A_142, %add3A_234], %gather3A_235 {add = true} : memref<32x768xf32, #tpu.memory_space<vmem>>[vector<16xi32>, vector<16xi32>], vector<16xf32>,
        %add3A_236 = arith.constant 368 : i32
        %add3A_237 = vector.broadcast %add3A_236 : i32 to vector<16xi32>
        %add3A_238 = arith.addi %iota3A, %add3A_237 : vector<16xi32>
        %gather3A_239 = tpu.vector_load_idx %arg16[%gather3A_143, %add3A_238] : memref<80x768xf32, #tpu.memory_space<vmem>>[vector<16xi32>, vector<16xi32>], vector<16xf32>,
        tpu.vector_store_idx %arg17[%broadcast_in_dim3A_142, %add3A_238], %gather3A_239 {add = true} : memref<32x768xf32, #tpu.memory_space<vmem>>[vector<16xi32>, vector<16xi32>], vector<16xf32>,
        %add3A_240 = arith.constant 384 : i32
        %add3A_241 = vector.broadcast %add3A_240 : i32 to vector<16xi32>
        %add3A_242 = arith.addi %iota3A, %add3A_241 : vector<16xi32>
        %gather3A_243 = tpu.vector_load_idx %arg16[%gather3A_143, %add3A_242] : memref<80x768xf32, #tpu.memory_space<vmem>>[vector<16xi32>, vector<16xi32>], vector<16xf32>,
        tpu.vector_store_idx %arg17[%broadcast_in_dim3A_142, %add3A_242], %gather3A_243 {add = true} : memref<32x768xf32, #tpu.memory_space<vmem>>[vector<16xi32>, vector<16xi32>], vector<16xf32>,
        %add3A_244 = arith.constant 400 : i32
        %add3A_245 = vector.broadcast %add3A_244 : i32 to vector<16xi32>
        %add3A_246 = arith.addi %iota3A, %add3A_245 : vector<16xi32>
        %gather3A_247 = tpu.vector_load_idx %arg16[%gather3A_143, %add3A_246] : memref<80x768xf32, #tpu.memory_space<vmem>>[vector<16xi32>, vector<16xi32>], vector<16xf32>,
        tpu.vector_store_idx %arg17[%broadcast_in_dim3A_142, %add3A_246], %gather3A_247 {add = true} : memref<32x768xf32, #tpu.memory_space<vmem>>[vector<16xi32>, vector<16xi32>], vector<16xf32>,
        %add3A_248 = arith.constant 416 : i32
        %add3A_249 = vector.broadcast %add3A_248 : i32 to vector<16xi32>
        %add3A_250 = arith.addi %iota3A, %add3A_249 : vector<16xi32>
        %gather3A_251 = tpu.vector_load_idx %arg16[%gather3A_143, %add3A_250] : memref<80x768xf32, #tpu.memory_space<vmem>>[vector<16xi32>, vector<16xi32>], vector<16xf32>,
        tpu.vector_store_idx %arg17[%broadcast_in_dim3A_142, %add3A_250], %gather3A_251 {add = true} : memref<32x768xf32, #tpu.memory_space<vmem>>[vector<16xi32>, vector<16xi32>], vector<16xf32>,
        %add3A_252 = arith.constant 432 : i32
        %add3A_253 = vector.broadcast %add3A_252 : i32 to vector<16xi32>
        %add3A_254 = arith.addi %iota3A, %add3A_253 : vector<16xi32>
        %gather3A_255 = tpu.vector_load_idx %arg16[%gather3A_143, %add3A_254] : memref<80x768xf32, #tpu.memory_space<vmem>>[vector<16xi32>, vector<16xi32>], vector<16xf32>,
        tpu.vector_store_idx %arg17[%broadcast_in_dim3A_142, %add3A_254], %gather3A_255 {add = true} : memref<32x768xf32, #tpu.memory_space<vmem>>[vector<16xi32>, vector<16xi32>], vector<16xf32>,
        %add3A_256 = arith.constant 448 : i32
        %add3A_257 = vector.broadcast %add3A_256 : i32 to vector<16xi32>
        %add3A_258 = arith.addi %iota3A, %add3A_257 : vector<16xi32>
        %gather3A_259 = tpu.vector_load_idx %arg16[%gather3A_143, %add3A_258] : memref<80x768xf32, #tpu.memory_space<vmem>>[vector<16xi32>, vector<16xi32>], vector<16xf32>,
        tpu.vector_store_idx %arg17[%broadcast_in_dim3A_142, %add3A_258], %gather3A_259 {add = true} : memref<32x768xf32, #tpu.memory_space<vmem>>[vector<16xi32>, vector<16xi32>], vector<16xf32>,
        %add3A_260 = arith.constant 464 : i32
        %add3A_261 = vector.broadcast %add3A_260 : i32 to vector<16xi32>
        %add3A_262 = arith.addi %iota3A, %add3A_261 : vector<16xi32>
        %gather3A_263 = tpu.vector_load_idx %arg16[%gather3A_143, %add3A_262] : memref<80x768xf32, #tpu.memory_space<vmem>>[vector<16xi32>, vector<16xi32>], vector<16xf32>,
        tpu.vector_store_idx %arg17[%broadcast_in_dim3A_142, %add3A_262], %gather3A_263 {add = true} : memref<32x768xf32, #tpu.memory_space<vmem>>[vector<16xi32>, vector<16xi32>], vector<16xf32>,
        %add3A_264 = arith.constant 480 : i32
        %add3A_265 = vector.broadcast %add3A_264 : i32 to vector<16xi32>
        %add3A_266 = arith.addi %iota3A, %add3A_265 : vector<16xi32>
        %gather3A_267 = tpu.vector_load_idx %arg16[%gather3A_143, %add3A_266] : memref<80x768xf32, #tpu.memory_space<vmem>>[vector<16xi32>, vector<16xi32>], vector<16xf32>,
        tpu.vector_store_idx %arg17[%broadcast_in_dim3A_142, %add3A_266], %gather3A_267 {add = true} : memref<32x768xf32, #tpu.memory_space<vmem>>[vector<16xi32>, vector<16xi32>], vector<16xf32>,
        %add3A_268 = arith.constant 496 : i32
        %add3A_269 = vector.broadcast %add3A_268 : i32 to vector<16xi32>
        %add3A_270 = arith.addi %iota3A, %add3A_269 : vector<16xi32>
        %gather3A_271 = tpu.vector_load_idx %arg16[%gather3A_143, %add3A_270] : memref<80x768xf32, #tpu.memory_space<vmem>>[vector<16xi32>, vector<16xi32>], vector<16xf32>,
        tpu.vector_store_idx %arg17[%broadcast_in_dim3A_142, %add3A_270], %gather3A_271 {add = true} : memref<32x768xf32, #tpu.memory_space<vmem>>[vector<16xi32>, vector<16xi32>], vector<16xf32>,
        %add3A_272 = arith.constant 512 : i32
        %add3A_273 = vector.broadcast %add3A_272 : i32 to vector<16xi32>
        %add3A_274 = arith.addi %iota3A, %add3A_273 : vector<16xi32>
        %gather3A_275 = tpu.vector_load_idx %arg16[%gather3A_143, %add3A_274] : memref<80x768xf32, #tpu.memory_space<vmem>>[vector<16xi32>, vector<16xi32>], vector<16xf32>,
        tpu.vector_store_idx %arg17[%broadcast_in_dim3A_142, %add3A_274], %gather3A_275 {add = true} : memref<32x768xf32, #tpu.memory_space<vmem>>[vector<16xi32>, vector<16xi32>], vector<16xf32>,
        %add3A_276 = arith.constant 528 : i32
        %add3A_277 = vector.broadcast %add3A_276 : i32 to vector<16xi32>
        %add3A_278 = arith.addi %iota3A, %add3A_277 : vector<16xi32>
        %gather3A_279 = tpu.vector_load_idx %arg16[%gather3A_143, %add3A_278] : memref<80x768xf32, #tpu.memory_space<vmem>>[vector<16xi32>, vector<16xi32>], vector<16xf32>,
        tpu.vector_store_idx %arg17[%broadcast_in_dim3A_142, %add3A_278], %gather3A_279 {add = true} : memref<32x768xf32, #tpu.memory_space<vmem>>[vector<16xi32>, vector<16xi32>], vector<16xf32>,
        %add3A_280 = arith.constant 544 : i32
        %add3A_281 = vector.broadcast %add3A_280 : i32 to vector<16xi32>
        %add3A_282 = arith.addi %iota3A, %add3A_281 : vector<16xi32>
        %gather3A_283 = tpu.vector_load_idx %arg16[%gather3A_143, %add3A_282] : memref<80x768xf32, #tpu.memory_space<vmem>>[vector<16xi32>, vector<16xi32>], vector<16xf32>,
        tpu.vector_store_idx %arg17[%broadcast_in_dim3A_142, %add3A_282], %gather3A_283 {add = true} : memref<32x768xf32, #tpu.memory_space<vmem>>[vector<16xi32>, vector<16xi32>], vector<16xf32>,
        %add3A_284 = arith.constant 560 : i32
        %add3A_285 = vector.broadcast %add3A_284 : i32 to vector<16xi32>
        %add3A_286 = arith.addi %iota3A, %add3A_285 : vector<16xi32>
        %gather3A_287 = tpu.vector_load_idx %arg16[%gather3A_143, %add3A_286] : memref<80x768xf32, #tpu.memory_space<vmem>>[vector<16xi32>, vector<16xi32>], vector<16xf32>,
        tpu.vector_store_idx %arg17[%broadcast_in_dim3A_142, %add3A_286], %gather3A_287 {add = true} : memref<32x768xf32, #tpu.memory_space<vmem>>[vector<16xi32>, vector<16xi32>], vector<16xf32>,
        %add3A_288 = arith.constant 576 : i32
        %add3A_289 = vector.broadcast %add3A_288 : i32 to vector<16xi32>
        %add3A_290 = arith.addi %iota3A, %add3A_289 : vector<16xi32>
        %gather3A_291 = tpu.vector_load_idx %arg16[%gather3A_143, %add3A_290] : memref<80x768xf32, #tpu.memory_space<vmem>>[vector<16xi32>, vector<16xi32>], vector<16xf32>,
        tpu.vector_store_idx %arg17[%broadcast_in_dim3A_142, %add3A_290], %gather3A_291 {add = true} : memref<32x768xf32, #tpu.memory_space<vmem>>[vector<16xi32>, vector<16xi32>], vector<16xf32>,
        %add3A_292 = arith.constant 592 : i32
        %add3A_293 = vector.broadcast %add3A_292 : i32 to vector<16xi32>
        %add3A_294 = arith.addi %iota3A, %add3A_293 : vector<16xi32>
        %gather3A_295 = tpu.vector_load_idx %arg16[%gather3A_143, %add3A_294] : memref<80x768xf32, #tpu.memory_space<vmem>>[vector<16xi32>, vector<16xi32>], vector<16xf32>,
        tpu.vector_store_idx %arg17[%broadcast_in_dim3A_142, %add3A_294], %gather3A_295 {add = true} : memref<32x768xf32, #tpu.memory_space<vmem>>[vector<16xi32>, vector<16xi32>], vector<16xf32>,
        %add3A_296 = arith.constant 608 : i32
        %add3A_297 = vector.broadcast %add3A_296 : i32 to vector<16xi32>
        %add3A_298 = arith.addi %iota3A, %add3A_297 : vector<16xi32>
        %gather3A_299 = tpu.vector_load_idx %arg16[%gather3A_143, %add3A_298] : memref<80x768xf32, #tpu.memory_space<vmem>>[vector<16xi32>, vector<16xi32>], vector<16xf32>,
        tpu.vector_store_idx %arg17[%broadcast_in_dim3A_142, %add3A_298], %gather3A_299 {add = true} : memref<32x768xf32, #tpu.memory_space<vmem>>[vector<16xi32>, vector<16xi32>], vector<16xf32>,
        %add3A_300 = arith.constant 624 : i32
        %add3A_301 = vector.broadcast %add3A_300 : i32 to vector<16xi32>
        %add3A_302 = arith.addi %iota3A, %add3A_301 : vector<16xi32>
        %gather3A_303 = tpu.vector_load_idx %arg16[%gather3A_143, %add3A_302] : memref<80x768xf32, #tpu.memory_space<vmem>>[vector<16xi32>, vector<16xi32>], vector<16xf32>,
        tpu.vector_store_idx %arg17[%broadcast_in_dim3A_142, %add3A_302], %gather3A_303 {add = true} : memref<32x768xf32, #tpu.memory_space<vmem>>[vector<16xi32>, vector<16xi32>], vector<16xf32>,
        %add3A_304 = arith.constant 640 : i32
        %add3A_305 = vector.broadcast %add3A_304 : i32 to vector<16xi32>
        %add3A_306 = arith.addi %iota3A, %add3A_305 : vector<16xi32>
        %gather3A_307 = tpu.vector_load_idx %arg16[%gather3A_143, %add3A_306] : memref<80x768xf32, #tpu.memory_space<vmem>>[vector<16xi32>, vector<16xi32>], vector<16xf32>,
        tpu.vector_store_idx %arg17[%broadcast_in_dim3A_142, %add3A_306], %gather3A_307 {add = true} : memref<32x768xf32, #tpu.memory_space<vmem>>[vector<16xi32>, vector<16xi32>], vector<16xf32>,
        %add3A_308 = arith.constant 656 : i32
        %add3A_309 = vector.broadcast %add3A_308 : i32 to vector<16xi32>
        %add3A_310 = arith.addi %iota3A, %add3A_309 : vector<16xi32>
        %gather3A_311 = tpu.vector_load_idx %arg16[%gather3A_143, %add3A_310] : memref<80x768xf32, #tpu.memory_space<vmem>>[vector<16xi32>, vector<16xi32>], vector<16xf32>,
        tpu.vector_store_idx %arg17[%broadcast_in_dim3A_142, %add3A_310], %gather3A_311 {add = true} : memref<32x768xf32, #tpu.memory_space<vmem>>[vector<16xi32>, vector<16xi32>], vector<16xf32>,
        %add3A_312 = arith.constant 672 : i32
        %add3A_313 = vector.broadcast %add3A_312 : i32 to vector<16xi32>
        %add3A_314 = arith.addi %iota3A, %add3A_313 : vector<16xi32>
        %gather3A_315 = tpu.vector_load_idx %arg16[%gather3A_143, %add3A_314] : memref<80x768xf32, #tpu.memory_space<vmem>>[vector<16xi32>, vector<16xi32>], vector<16xf32>,
        tpu.vector_store_idx %arg17[%broadcast_in_dim3A_142, %add3A_314], %gather3A_315 {add = true} : memref<32x768xf32, #tpu.memory_space<vmem>>[vector<16xi32>, vector<16xi32>], vector<16xf32>,
        %add3A_316 = arith.constant 688 : i32
        %add3A_317 = vector.broadcast %add3A_316 : i32 to vector<16xi32>
        %add3A_318 = arith.addi %iota3A, %add3A_317 : vector<16xi32>
        %gather3A_319 = tpu.vector_load_idx %arg16[%gather3A_143, %add3A_318] : memref<80x768xf32, #tpu.memory_space<vmem>>[vector<16xi32>, vector<16xi32>], vector<16xf32>,
        tpu.vector_store_idx %arg17[%broadcast_in_dim3A_142, %add3A_318], %gather3A_319 {add = true} : memref<32x768xf32, #tpu.memory_space<vmem>>[vector<16xi32>, vector<16xi32>], vector<16xf32>,
        %add3A_320 = arith.constant 704 : i32
        %add3A_321 = vector.broadcast %add3A_320 : i32 to vector<16xi32>
        %add3A_322 = arith.addi %iota3A, %add3A_321 : vector<16xi32>
        %gather3A_323 = tpu.vector_load_idx %arg16[%gather3A_143, %add3A_322] : memref<80x768xf32, #tpu.memory_space<vmem>>[vector<16xi32>, vector<16xi32>], vector<16xf32>,
        tpu.vector_store_idx %arg17[%broadcast_in_dim3A_142, %add3A_322], %gather3A_323 {add = true} : memref<32x768xf32, #tpu.memory_space<vmem>>[vector<16xi32>, vector<16xi32>], vector<16xf32>,
        %add3A_324 = arith.constant 720 : i32
        %add3A_325 = vector.broadcast %add3A_324 : i32 to vector<16xi32>
        %add3A_326 = arith.addi %iota3A, %add3A_325 : vector<16xi32>
        %gather3A_327 = tpu.vector_load_idx %arg16[%gather3A_143, %add3A_326] : memref<80x768xf32, #tpu.memory_space<vmem>>[vector<16xi32>, vector<16xi32>], vector<16xf32>,
        tpu.vector_store_idx %arg17[%broadcast_in_dim3A_142, %add3A_326], %gather3A_327 {add = true} : memref<32x768xf32, #tpu.memory_space<vmem>>[vector<16xi32>, vector<16xi32>], vector<16xf32>,
        %add3A_328 = arith.constant 736 : i32
        %add3A_329 = vector.broadcast %add3A_328 : i32 to vector<16xi32>
        %add3A_330 = arith.addi %iota3A, %add3A_329 : vector<16xi32>
        %gather3A_331 = tpu.vector_load_idx %arg16[%gather3A_143, %add3A_330] : memref<80x768xf32, #tpu.memory_space<vmem>>[vector<16xi32>, vector<16xi32>], vector<16xf32>,
        tpu.vector_store_idx %arg17[%broadcast_in_dim3A_142, %add3A_330], %gather3A_331 {add = true} : memref<32x768xf32, #tpu.memory_space<vmem>>[vector<16xi32>, vector<16xi32>], vector<16xf32>,
        %add3A_332 = arith.constant 752 : i32
        %add3A_333 = vector.broadcast %add3A_332 : i32 to vector<16xi32>
        %add3A_334 = arith.addi %iota3A, %add3A_333 : vector<16xi32>
        %gather3A_335 = tpu.vector_load_idx %arg16[%gather3A_143, %add3A_334] : memref<80x768xf32, #tpu.memory_space<vmem>>[vector<16xi32>, vector<16xi32>], vector<16xf32>,
        tpu.vector_store_idx %arg17[%broadcast_in_dim3A_142, %add3A_334], %gather3A_335 {add = true} : memref<32x768xf32, #tpu.memory_space<vmem>>[vector<16xi32>, vector<16xi32>], vector<16xf32>,
      }
      %scan3A_76 = arith.constant 32 : i32
      %dma_start3A_77 = arith.constant 0 : i32
      %dma_start3A_78 = arith.constant 0 : i32
      %dma_start3A_79 = tpu.memref_slice %arg7[%dma_start3A_77, %dma_start3A_78] : memref<81920x768xf32, #tpu.memory_space<hbm>> -> memref<81920x768xf32, #tpu.memory_space<hbm>>
      tpu.enqueue_indirect_dma source(%arg17 : memref<32x768xf32, #tpu.memory_space<vmem>>) target(%dma_start3A_79 : memref<81920x768xf32, #tpu.memory_space<hbm>>) offsets(%arg12 : memref<32xi32, #tpu.memory_space<vmem>>) semaphore(%arg21 : memref<!tpu.dma_semaphore, #tpu.memory_space<semaphore_mem>>)
      %gt3A_80 = arith.constant 0 : i32
      %gt3A_81 = arith.cmpi sgt, %scan3A_25, %gt3A_80 : i32
      %convert_element_type3A_82 = arith.extui %gt3A_81 : i1 to i32
      %cond3A_83 = arith.constant 0 : i32
      %cond3A_84 = arith.cmpi ne, %convert_element_type3A_82, %cond3A_83 : i32
      scf.if %cond3A_84 {
        %dma_wait3A_141 = arith.constant 0 : i32
        %dma_wait3A_142 = arith.constant 0 : i32
        %dma_wait3A_143 = tpu.memref_slice %arg7[%dma_wait3A_141, %dma_wait3A_142] : memref<81920x768xf32, #tpu.memory_space<hbm>> -> memref<81920x768xf32, #tpu.memory_space<hbm>>
        tpu.wait_indirect_dma semaphore(%arg22 : memref<!tpu.dma_semaphore, #tpu.memory_space<semaphore_mem>>) src(%arg18 : memref<32x768xf32, #tpu.memory_space<vmem>>) dst(%dma_wait3A_143 : memref<81920x768xf32, #tpu.memory_space<hbm>>)
      } else {
      }
      %mul3A_85 = arith.constant 2 : i32
      %mul3A_86 = arith.muli %mul3A_85, %scan3A_25 : i32
      %add3A_87 = arith.constant 1 : i32
      %add3A_88 = arith.addi %mul3A_86, %add3A_87 : i32
      %mul3A_89 = arith.constant 2 : i32
      %mul3A_90 = arith.muli %mul3A_89, %add3A_88 : i32
      %add3A_91 = arith.addi %mul3A_2, %mul3A_90 : i32
      %broadcast_in_dim3A_92 = vector.broadcast %mul3A_90 : i32 to vector<16xi32>
      %gather3A_93 = tpu.vector_load_idx %arg8[%broadcast_in_dim3A_92] : memref<32xi32, #tpu.memory_space<vmem>>[vector<16xi32>], vector<16xi32>,
      %add3A_94 = arith.constant 1 : i32
      %add3A_95 = arith.addi %mul3A_90, %add3A_94 : i32
      %broadcast_in_dim3A_96 = vector.broadcast %add3A_95 : i32 to vector<16xi32>
      %gather3A_97 = tpu.vector_load_idx %arg8[%broadcast_in_dim3A_96] : memref<32xi32, #tpu.memory_space<vmem>>[vector<16xi32>], vector<16xi32>,
      %add3A_98 = arith.addi %gather3A_93, %iota3A : vector<16xi32>
      %swap3A_99 = arith.constant 0 : index
      %swap3A_100 = tpu.vector_load %arg11[%swap3A_99] {strides = array<i32>} : memref<32xi32, #tpu.memory_space<vmem>>, vector<16xi32>,
      tpu.vector_store %arg11[%swap3A_99], %add3A_98 {strides = array<i32>} : memref<32xi32, #tpu.memory_space<vmem>>, vector<16xi32>,
      %add3A_101 = arith.addi %gather3A_97, %iota3A : vector<16xi32>
      %swap3A_102 = arith.constant 16 : index
      %swap3A_103 = tpu.vector_load %arg11[%swap3A_102] {strides = array<i32>} : memref<32xi32, #tpu.memory_space<vmem>>, vector<16xi32>,
      tpu.vector_store %arg11[%swap3A_102], %add3A_101 {strides = array<i32>} : memref<32xi32, #tpu.memory_space<vmem>>, vector<16xi32>,
      %mul3A_104 = arith.constant 80 : i32
      %mul3A_105 = arith.muli %add3A_91, %mul3A_104 : i32
      %broadcast_in_dim3A_106 = vector.broadcast %mul3A_105 : i32 to vector<16xi32>
      %add3A_107 = arith.addi %broadcast_in_dim3A_106, %gather3A_93 : vector<16xi32>
      %add3A_108 = arith.addi %add3A_107, %iota3A : vector<16xi32>
      %swap3A_109 = arith.constant 0 : index
      %swap3A_110 = tpu.vector_load %arg13[%swap3A_109] {strides = array<i32>} : memref<32xi32, #tpu.memory_space<vmem>>, vector<16xi32>,
      tpu.vector_store %arg13[%swap3A_109], %add3A_108 {strides = array<i32>} : memref<32xi32, #tpu.memory_space<vmem>>, vector<16xi32>,
      %add3A_111 = arith.constant 1 : i32
      %add3A_112 = arith.addi %add3A_91, %add3A_111 : i32
      %mul3A_113 = arith.constant 80 : i32
      %mul3A_114 = arith.muli %add3A_112, %mul3A_113 : i32
      %broadcast_in_dim3A_115 = vector.broadcast %mul3A_114 : i32 to vector<16xi32>
      %add3A_116 = arith.addi %broadcast_in_dim3A_115, %gather3A_97 : vector<16xi32>
      %add3A_117 = arith.addi %add3A_116, %iota3A : vector<16xi32>
      %swap3A_118 = arith.constant 16 : index
      %swap3A_119 = tpu.vector_load %arg13[%swap3A_118] {strides = array<i32>} : memref<32xi32, #tpu.memory_space<vmem>>, vector<16xi32>,
      tpu.vector_store %arg13[%swap3A_118], %add3A_117 {strides = array<i32>} : memref<32xi32, #tpu.memory_space<vmem>>, vector<16xi32>,
      %mul3A_120 = arith.constant 16 : i32
      %mul3A_121 = arith.muli %add3A_91, %mul3A_120 : i32
      %dma_start3A_122 = arith.constant 0 : i32
      %dma_start3A_123 = tpu.memref_slice %arg4[%mul3A_121, %dma_start3A_122] : memref<16384x768xf32, #tpu.memory_space<hbm>> -> memref<32x768xf32, #tpu.memory_space<hbm>>
      %dma_start3A_124 = arith.constant 0 : i32
      %dma_start3A_125 = tpu.memref_slice %arg4[%mul3A_121, %dma_start3A_124] : memref<16384x768xf32, #tpu.memory_space<hbm>> -> memref<32x768xf32, #tpu.memory_space<hbm>>
      tpu.enqueue_dma source(%dma_start3A_125 : memref<32x768xf32, #tpu.memory_space<hbm>>) target(%arg18 : memref<32x768xf32, #tpu.memory_space<vmem>>) target_semaphore(%arg20 : memref<!tpu.dma_semaphore, #tpu.memory_space<semaphore_mem>>)
      %dma_wait3A_126 = arith.constant 0 : i32
      %dma_wait3A_127 = arith.constant 0 : i32
      %dma_wait3A_128 = tpu.memref_slice %arg4[%dma_wait3A_126, %dma_wait3A_127] : memref<16384x768xf32, #tpu.memory_space<hbm>> -> memref<32x768xf32, #tpu.memory_space<hbm>>
      %dma_wait3A_129 = arith.constant 0 : i32
      %dma_wait3A_130 = arith.constant 0 : i32
      %dma_wait3A_131 = tpu.memref_slice %arg4[%dma_wait3A_129, %dma_wait3A_130] : memref<16384x768xf32, #tpu.memory_space<hbm>> -> memref<32x768xf32, #tpu.memory_space<hbm>>
      tpu.wait_dma2 semaphore(%arg20 : memref<!tpu.dma_semaphore, #tpu.memory_space<semaphore_mem>>) src(%dma_wait3A_131 : memref<32x768xf32, #tpu.memory_space<hbm>>) dst(%arg18 : memref<32x768xf32, #tpu.memory_space<vmem>>)
      %scan3A_132 = arith.constant 0 : i32
      %scan3A_133 = arith.constant 0 : i32
      %scan3A_134 = arith.constant 32 : i32
      %scan3A_135 = arith.addi %scan3A_133, %scan3A_134 : i32
      %scan3A_136 = arith.constant 1 : i32
      scf.for %scan3A_141 = %scan3A_133 to %scan3A_135 step %scan3A_136  : i32 {
        %broadcast_in_dim3A_142 = vector.broadcast %scan3A_141 : i32 to vector<16xi32>
        %gather3A_143 = tpu.vector_load_idx %arg11[%broadcast_in_dim3A_142] : memref<32xi32, #tpu.memory_space<vmem>>[vector<16xi32>], vector<16xi32>,
        %add3A_144 = arith.constant 0 : i32
        %add3A_145 = vector.broadcast %add3A_144 : i32 to vector<16xi32>
        %add3A_146 = arith.addi %iota3A, %add3A_145 : vector<16xi32>
        %gather3A_147 = tpu.vector_load_idx %arg16[%gather3A_143, %add3A_146] : memref<80x768xf32, #tpu.memory_space<vmem>>[vector<16xi32>, vector<16xi32>], vector<16xf32>,
        tpu.vector_store_idx %arg18[%broadcast_in_dim3A_142, %add3A_146], %gather3A_147 {add = true} : memref<32x768xf32, #tpu.memory_space<vmem>>[vector<16xi32>, vector<16xi32>], vector<16xf32>,
        %add3A_148 = arith.constant 16 : i32
        %add3A_149 = vector.broadcast %add3A_148 : i32 to vector<16xi32>
        %add3A_150 = arith.addi %iota3A, %add3A_149 : vector<16xi32>
        %gather3A_151 = tpu.vector_load_idx %arg16[%gather3A_143, %add3A_150] : memref<80x768xf32, #tpu.memory_space<vmem>>[vector<16xi32>, vector<16xi32>], vector<16xf32>,
        tpu.vector_store_idx %arg18[%broadcast_in_dim3A_142, %add3A_150], %gather3A_151 {add = true} : memref<32x768xf32, #tpu.memory_space<vmem>>[vector<16xi32>, vector<16xi32>], vector<16xf32>,
        %add3A_152 = arith.constant 32 : i32
        %add3A_153 = vector.broadcast %add3A_152 : i32 to vector<16xi32>
        %add3A_154 = arith.addi %iota3A, %add3A_153 : vector<16xi32>
        %gather3A_155 = tpu.vector_load_idx %arg16[%gather3A_143, %add3A_154] : memref<80x768xf32, #tpu.memory_space<vmem>>[vector<16xi32>, vector<16xi32>], vector<16xf32>,
        tpu.vector_store_idx %arg18[%broadcast_in_dim3A_142, %add3A_154], %gather3A_155 {add = true} : memref<32x768xf32, #tpu.memory_space<vmem>>[vector<16xi32>, vector<16xi32>], vector<16xf32>,
        %add3A_156 = arith.constant 48 : i32
        %add3A_157 = vector.broadcast %add3A_156 : i32 to vector<16xi32>
        %add3A_158 = arith.addi %iota3A, %add3A_157 : vector<16xi32>
        %gather3A_159 = tpu.vector_load_idx %arg16[%gather3A_143, %add3A_158] : memref<80x768xf32, #tpu.memory_space<vmem>>[vector<16xi32>, vector<16xi32>], vector<16xf32>,
        tpu.vector_store_idx %arg18[%broadcast_in_dim3A_142, %add3A_158], %gather3A_159 {add = true} : memref<32x768xf32, #tpu.memory_space<vmem>>[vector<16xi32>, vector<16xi32>], vector<16xf32>,
        %add3A_160 = arith.constant 64 : i32
        %add3A_161 = vector.broadcast %add3A_160 : i32 to vector<16xi32>
        %add3A_162 = arith.addi %iota3A, %add3A_161 : vector<16xi32>
        %gather3A_163 = tpu.vector_load_idx %arg16[%gather3A_143, %add3A_162] : memref<80x768xf32, #tpu.memory_space<vmem>>[vector<16xi32>, vector<16xi32>], vector<16xf32>,
        tpu.vector_store_idx %arg18[%broadcast_in_dim3A_142, %add3A_162], %gather3A_163 {add = true} : memref<32x768xf32, #tpu.memory_space<vmem>>[vector<16xi32>, vector<16xi32>], vector<16xf32>,
        %add3A_164 = arith.constant 80 : i32
        %add3A_165 = vector.broadcast %add3A_164 : i32 to vector<16xi32>
        %add3A_166 = arith.addi %iota3A, %add3A_165 : vector<16xi32>
        %gather3A_167 = tpu.vector_load_idx %arg16[%gather3A_143, %add3A_166] : memref<80x768xf32, #tpu.memory_space<vmem>>[vector<16xi32>, vector<16xi32>], vector<16xf32>,
        tpu.vector_store_idx %arg18[%broadcast_in_dim3A_142, %add3A_166], %gather3A_167 {add = true} : memref<32x768xf32, #tpu.memory_space<vmem>>[vector<16xi32>, vector<16xi32>], vector<16xf32>,
        %add3A_168 = arith.constant 96 : i32
        %add3A_169 = vector.broadcast %add3A_168 : i32 to vector<16xi32>
        %add3A_170 = arith.addi %iota3A, %add3A_169 : vector<16xi32>
        %gather3A_171 = tpu.vector_load_idx %arg16[%gather3A_143, %add3A_170] : memref<80x768xf32, #tpu.memory_space<vmem>>[vector<16xi32>, vector<16xi32>], vector<16xf32>,
        tpu.vector_store_idx %arg18[%broadcast_in_dim3A_142, %add3A_170], %gather3A_171 {add = true} : memref<32x768xf32, #tpu.memory_space<vmem>>[vector<16xi32>, vector<16xi32>], vector<16xf32>,
        %add3A_172 = arith.constant 112 : i32
        %add3A_173 = vector.broadcast %add3A_172 : i32 to vector<16xi32>
        %add3A_174 = arith.addi %iota3A, %add3A_173 : vector<16xi32>
        %gather3A_175 = tpu.vector_load_idx %arg16[%gather3A_143, %add3A_174] : memref<80x768xf32, #tpu.memory_space<vmem>>[vector<16xi32>, vector<16xi32>], vector<16xf32>,
        tpu.vector_store_idx %arg18[%broadcast_in_dim3A_142, %add3A_174], %gather3A_175 {add = true} : memref<32x768xf32, #tpu.memory_space<vmem>>[vector<16xi32>, vector<16xi32>], vector<16xf32>,
        %add3A_176 = arith.constant 128 : i32
        %add3A_177 = vector.broadcast %add3A_176 : i32 to vector<16xi32>
        %add3A_178 = arith.addi %iota3A, %add3A_177 : vector<16xi32>
        %gather3A_179 = tpu.vector_load_idx %arg16[%gather3A_143, %add3A_178] : memref<80x768xf32, #tpu.memory_space<vmem>>[vector<16xi32>, vector<16xi32>], vector<16xf32>,
        tpu.vector_store_idx %arg18[%broadcast_in_dim3A_142, %add3A_178], %gather3A_179 {add = true} : memref<32x768xf32, #tpu.memory_space<vmem>>[vector<16xi32>, vector<16xi32>], vector<16xf32>,
        %add3A_180 = arith.constant 144 : i32
        %add3A_181 = vector.broadcast %add3A_180 : i32 to vector<16xi32>
        %add3A_182 = arith.addi %iota3A, %add3A_181 : vector<16xi32>
        %gather3A_183 = tpu.vector_load_idx %arg16[%gather3A_143, %add3A_182] : memref<80x768xf32, #tpu.memory_space<vmem>>[vector<16xi32>, vector<16xi32>], vector<16xf32>,
        tpu.vector_store_idx %arg18[%broadcast_in_dim3A_142, %add3A_182], %gather3A_183 {add = true} : memref<32x768xf32, #tpu.memory_space<vmem>>[vector<16xi32>, vector<16xi32>], vector<16xf32>,
        %add3A_184 = arith.constant 160 : i32
        %add3A_185 = vector.broadcast %add3A_184 : i32 to vector<16xi32>
        %add3A_186 = arith.addi %iota3A, %add3A_185 : vector<16xi32>
        %gather3A_187 = tpu.vector_load_idx %arg16[%gather3A_143, %add3A_186] : memref<80x768xf32, #tpu.memory_space<vmem>>[vector<16xi32>, vector<16xi32>], vector<16xf32>,
        tpu.vector_store_idx %arg18[%broadcast_in_dim3A_142, %add3A_186], %gather3A_187 {add = true} : memref<32x768xf32, #tpu.memory_space<vmem>>[vector<16xi32>, vector<16xi32>], vector<16xf32>,
        %add3A_188 = arith.constant 176 : i32
        %add3A_189 = vector.broadcast %add3A_188 : i32 to vector<16xi32>
        %add3A_190 = arith.addi %iota3A, %add3A_189 : vector<16xi32>
        %gather3A_191 = tpu.vector_load_idx %arg16[%gather3A_143, %add3A_190] : memref<80x768xf32, #tpu.memory_space<vmem>>[vector<16xi32>, vector<16xi32>], vector<16xf32>,
        tpu.vector_store_idx %arg18[%broadcast_in_dim3A_142, %add3A_190], %gather3A_191 {add = true} : memref<32x768xf32, #tpu.memory_space<vmem>>[vector<16xi32>, vector<16xi32>], vector<16xf32>,
        %add3A_192 = arith.constant 192 : i32
        %add3A_193 = vector.broadcast %add3A_192 : i32 to vector<16xi32>
        %add3A_194 = arith.addi %iota3A, %add3A_193 : vector<16xi32>
        %gather3A_195 = tpu.vector_load_idx %arg16[%gather3A_143, %add3A_194] : memref<80x768xf32, #tpu.memory_space<vmem>>[vector<16xi32>, vector<16xi32>], vector<16xf32>,
        tpu.vector_store_idx %arg18[%broadcast_in_dim3A_142, %add3A_194], %gather3A_195 {add = true} : memref<32x768xf32, #tpu.memory_space<vmem>>[vector<16xi32>, vector<16xi32>], vector<16xf32>,
        %add3A_196 = arith.constant 208 : i32
        %add3A_197 = vector.broadcast %add3A_196 : i32 to vector<16xi32>
        %add3A_198 = arith.addi %iota3A, %add3A_197 : vector<16xi32>
        %gather3A_199 = tpu.vector_load_idx %arg16[%gather3A_143, %add3A_198] : memref<80x768xf32, #tpu.memory_space<vmem>>[vector<16xi32>, vector<16xi32>], vector<16xf32>,
        tpu.vector_store_idx %arg18[%broadcast_in_dim3A_142, %add3A_198], %gather3A_199 {add = true} : memref<32x768xf32, #tpu.memory_space<vmem>>[vector<16xi32>, vector<16xi32>], vector<16xf32>,
        %add3A_200 = arith.constant 224 : i32
        %add3A_201 = vector.broadcast %add3A_200 : i32 to vector<16xi32>
        %add3A_202 = arith.addi %iota3A, %add3A_201 : vector<16xi32>
        %gather3A_203 = tpu.vector_load_idx %arg16[%gather3A_143, %add3A_202] : memref<80x768xf32, #tpu.memory_space<vmem>>[vector<16xi32>, vector<16xi32>], vector<16xf32>,
        tpu.vector_store_idx %arg18[%broadcast_in_dim3A_142, %add3A_202], %gather3A_203 {add = true} : memref<32x768xf32, #tpu.memory_space<vmem>>[vector<16xi32>, vector<16xi32>], vector<16xf32>,
        %add3A_204 = arith.constant 240 : i32
        %add3A_205 = vector.broadcast %add3A_204 : i32 to vector<16xi32>
        %add3A_206 = arith.addi %iota3A, %add3A_205 : vector<16xi32>
        %gather3A_207 = tpu.vector_load_idx %arg16[%gather3A_143, %add3A_206] : memref<80x768xf32, #tpu.memory_space<vmem>>[vector<16xi32>, vector<16xi32>], vector<16xf32>,
        tpu.vector_store_idx %arg18[%broadcast_in_dim3A_142, %add3A_206], %gather3A_207 {add = true} : memref<32x768xf32, #tpu.memory_space<vmem>>[vector<16xi32>, vector<16xi32>], vector<16xf32>,
        %add3A_208 = arith.constant 256 : i32
        %add3A_209 = vector.broadcast %add3A_208 : i32 to vector<16xi32>
        %add3A_210 = arith.addi %iota3A, %add3A_209 : vector<16xi32>
        %gather3A_211 = tpu.vector_load_idx %arg16[%gather3A_143, %add3A_210] : memref<80x768xf32, #tpu.memory_space<vmem>>[vector<16xi32>, vector<16xi32>], vector<16xf32>,
        tpu.vector_store_idx %arg18[%broadcast_in_dim3A_142, %add3A_210], %gather3A_211 {add = true} : memref<32x768xf32, #tpu.memory_space<vmem>>[vector<16xi32>, vector<16xi32>], vector<16xf32>,
        %add3A_212 = arith.constant 272 : i32
        %add3A_213 = vector.broadcast %add3A_212 : i32 to vector<16xi32>
        %add3A_214 = arith.addi %iota3A, %add3A_213 : vector<16xi32>
        %gather3A_215 = tpu.vector_load_idx %arg16[%gather3A_143, %add3A_214] : memref<80x768xf32, #tpu.memory_space<vmem>>[vector<16xi32>, vector<16xi32>], vector<16xf32>,
        tpu.vector_store_idx %arg18[%broadcast_in_dim3A_142, %add3A_214], %gather3A_215 {add = true} : memref<32x768xf32, #tpu.memory_space<vmem>>[vector<16xi32>, vector<16xi32>], vector<16xf32>,
        %add3A_216 = arith.constant 288 : i32
        %add3A_217 = vector.broadcast %add3A_216 : i32 to vector<16xi32>
        %add3A_218 = arith.addi %iota3A, %add3A_217 : vector<16xi32>
        %gather3A_219 = tpu.vector_load_idx %arg16[%gather3A_143, %add3A_218] : memref<80x768xf32, #tpu.memory_space<vmem>>[vector<16xi32>, vector<16xi32>], vector<16xf32>,
        tpu.vector_store_idx %arg18[%broadcast_in_dim3A_142, %add3A_218], %gather3A_219 {add = true} : memref<32x768xf32, #tpu.memory_space<vmem>>[vector<16xi32>, vector<16xi32>], vector<16xf32>,
        %add3A_220 = arith.constant 304 : i32
        %add3A_221 = vector.broadcast %add3A_220 : i32 to vector<16xi32>
        %add3A_222 = arith.addi %iota3A, %add3A_221 : vector<16xi32>
        %gather3A_223 = tpu.vector_load_idx %arg16[%gather3A_143, %add3A_222] : memref<80x768xf32, #tpu.memory_space<vmem>>[vector<16xi32>, vector<16xi32>], vector<16xf32>,
        tpu.vector_store_idx %arg18[%broadcast_in_dim3A_142, %add3A_222], %gather3A_223 {add = true} : memref<32x768xf32, #tpu.memory_space<vmem>>[vector<16xi32>, vector<16xi32>], vector<16xf32>,
        %add3A_224 = arith.constant 320 : i32
        %add3A_225 = vector.broadcast %add3A_224 : i32 to vector<16xi32>
        %add3A_226 = arith.addi %iota3A, %add3A_225 : vector<16xi32>
        %gather3A_227 = tpu.vector_load_idx %arg16[%gather3A_143, %add3A_226] : memref<80x768xf32, #tpu.memory_space<vmem>>[vector<16xi32>, vector<16xi32>], vector<16xf32>,
        tpu.vector_store_idx %arg18[%broadcast_in_dim3A_142, %add3A_226], %gather3A_227 {add = true} : memref<32x768xf32, #tpu.memory_space<vmem>>[vector<16xi32>, vector<16xi32>], vector<16xf32>,
        %add3A_228 = arith.constant 336 : i32
        %add3A_229 = vector.broadcast %add3A_228 : i32 to vector<16xi32>
        %add3A_230 = arith.addi %iota3A, %add3A_229 : vector<16xi32>
        %gather3A_231 = tpu.vector_load_idx %arg16[%gather3A_143, %add3A_230] : memref<80x768xf32, #tpu.memory_space<vmem>>[vector<16xi32>, vector<16xi32>], vector<16xf32>,
        tpu.vector_store_idx %arg18[%broadcast_in_dim3A_142, %add3A_230], %gather3A_231 {add = true} : memref<32x768xf32, #tpu.memory_space<vmem>>[vector<16xi32>, vector<16xi32>], vector<16xf32>,
        %add3A_232 = arith.constant 352 : i32
        %add3A_233 = vector.broadcast %add3A_232 : i32 to vector<16xi32>
        %add3A_234 = arith.addi %iota3A, %add3A_233 : vector<16xi32>
        %gather3A_235 = tpu.vector_load_idx %arg16[%gather3A_143, %add3A_234] : memref<80x768xf32, #tpu.memory_space<vmem>>[vector<16xi32>, vector<16xi32>], vector<16xf32>,
        tpu.vector_store_idx %arg18[%broadcast_in_dim3A_142, %add3A_234], %gather3A_235 {add = true} : memref<32x768xf32, #tpu.memory_space<vmem>>[vector<16xi32>, vector<16xi32>], vector<16xf32>,
        %add3A_236 = arith.constant 368 : i32
        %add3A_237 = vector.broadcast %add3A_236 : i32 to vector<16xi32>
        %add3A_238 = arith.addi %iota3A, %add3A_237 : vector<16xi32>
        %gather3A_239 = tpu.vector_load_idx %arg16[%gather3A_143, %add3A_238] : memref<80x768xf32, #tpu.memory_space<vmem>>[vector<16xi32>, vector<16xi32>], vector<16xf32>,
        tpu.vector_store_idx %arg18[%broadcast_in_dim3A_142, %add3A_238], %gather3A_239 {add = true} : memref<32x768xf32, #tpu.memory_space<vmem>>[vector<16xi32>, vector<16xi32>], vector<16xf32>,
        %add3A_240 = arith.constant 384 : i32
        %add3A_241 = vector.broadcast %add3A_240 : i32 to vector<16xi32>
        %add3A_242 = arith.addi %iota3A, %add3A_241 : vector<16xi32>
        %gather3A_243 = tpu.vector_load_idx %arg16[%gather3A_143, %add3A_242] : memref<80x768xf32, #tpu.memory_space<vmem>>[vector<16xi32>, vector<16xi32>], vector<16xf32>,
        tpu.vector_store_idx %arg18[%broadcast_in_dim3A_142, %add3A_242], %gather3A_243 {add = true} : memref<32x768xf32, #tpu.memory_space<vmem>>[vector<16xi32>, vector<16xi32>], vector<16xf32>,
        %add3A_244 = arith.constant 400 : i32
        %add3A_245 = vector.broadcast %add3A_244 : i32 to vector<16xi32>
        %add3A_246 = arith.addi %iota3A, %add3A_245 : vector<16xi32>
        %gather3A_247 = tpu.vector_load_idx %arg16[%gather3A_143, %add3A_246] : memref<80x768xf32, #tpu.memory_space<vmem>>[vector<16xi32>, vector<16xi32>], vector<16xf32>,
        tpu.vector_store_idx %arg18[%broadcast_in_dim3A_142, %add3A_246], %gather3A_247 {add = true} : memref<32x768xf32, #tpu.memory_space<vmem>>[vector<16xi32>, vector<16xi32>], vector<16xf32>,
        %add3A_248 = arith.constant 416 : i32
        %add3A_249 = vector.broadcast %add3A_248 : i32 to vector<16xi32>
        %add3A_250 = arith.addi %iota3A, %add3A_249 : vector<16xi32>
        %gather3A_251 = tpu.vector_load_idx %arg16[%gather3A_143, %add3A_250] : memref<80x768xf32, #tpu.memory_space<vmem>>[vector<16xi32>, vector<16xi32>], vector<16xf32>,
        tpu.vector_store_idx %arg18[%broadcast_in_dim3A_142, %add3A_250], %gather3A_251 {add = true} : memref<32x768xf32, #tpu.memory_space<vmem>>[vector<16xi32>, vector<16xi32>], vector<16xf32>,
        %add3A_252 = arith.constant 432 : i32
        %add3A_253 = vector.broadcast %add3A_252 : i32 to vector<16xi32>
        %add3A_254 = arith.addi %iota3A, %add3A_253 : vector<16xi32>
        %gather3A_255 = tpu.vector_load_idx %arg16[%gather3A_143, %add3A_254] : memref<80x768xf32, #tpu.memory_space<vmem>>[vector<16xi32>, vector<16xi32>], vector<16xf32>,
        tpu.vector_store_idx %arg18[%broadcast_in_dim3A_142, %add3A_254], %gather3A_255 {add = true} : memref<32x768xf32, #tpu.memory_space<vmem>>[vector<16xi32>, vector<16xi32>], vector<16xf32>,
        %add3A_256 = arith.constant 448 : i32
        %add3A_257 = vector.broadcast %add3A_256 : i32 to vector<16xi32>
        %add3A_258 = arith.addi %iota3A, %add3A_257 : vector<16xi32>
        %gather3A_259 = tpu.vector_load_idx %arg16[%gather3A_143, %add3A_258] : memref<80x768xf32, #tpu.memory_space<vmem>>[vector<16xi32>, vector<16xi32>], vector<16xf32>,
        tpu.vector_store_idx %arg18[%broadcast_in_dim3A_142, %add3A_258], %gather3A_259 {add = true} : memref<32x768xf32, #tpu.memory_space<vmem>>[vector<16xi32>, vector<16xi32>], vector<16xf32>,
        %add3A_260 = arith.constant 464 : i32
        %add3A_261 = vector.broadcast %add3A_260 : i32 to vector<16xi32>
        %add3A_262 = arith.addi %iota3A, %add3A_261 : vector<16xi32>
        %gather3A_263 = tpu.vector_load_idx %arg16[%gather3A_143, %add3A_262] : memref<80x768xf32, #tpu.memory_space<vmem>>[vector<16xi32>, vector<16xi32>], vector<16xf32>,
        tpu.vector_store_idx %arg18[%broadcast_in_dim3A_142, %add3A_262], %gather3A_263 {add = true} : memref<32x768xf32, #tpu.memory_space<vmem>>[vector<16xi32>, vector<16xi32>], vector<16xf32>,
        %add3A_264 = arith.constant 480 : i32
        %add3A_265 = vector.broadcast %add3A_264 : i32 to vector<16xi32>
        %add3A_266 = arith.addi %iota3A, %add3A_265 : vector<16xi32>
        %gather3A_267 = tpu.vector_load_idx %arg16[%gather3A_143, %add3A_266] : memref<80x768xf32, #tpu.memory_space<vmem>>[vector<16xi32>, vector<16xi32>], vector<16xf32>,
        tpu.vector_store_idx %arg18[%broadcast_in_dim3A_142, %add3A_266], %gather3A_267 {add = true} : memref<32x768xf32, #tpu.memory_space<vmem>>[vector<16xi32>, vector<16xi32>], vector<16xf32>,
        %add3A_268 = arith.constant 496 : i32
        %add3A_269 = vector.broadcast %add3A_268 : i32 to vector<16xi32>
        %add3A_270 = arith.addi %iota3A, %add3A_269 : vector<16xi32>
        %gather3A_271 = tpu.vector_load_idx %arg16[%gather3A_143, %add3A_270] : memref<80x768xf32, #tpu.memory_space<vmem>>[vector<16xi32>, vector<16xi32>], vector<16xf32>,
        tpu.vector_store_idx %arg18[%broadcast_in_dim3A_142, %add3A_270], %gather3A_271 {add = true} : memref<32x768xf32, #tpu.memory_space<vmem>>[vector<16xi32>, vector<16xi32>], vector<16xf32>,
        %add3A_272 = arith.constant 512 : i32
        %add3A_273 = vector.broadcast %add3A_272 : i32 to vector<16xi32>
        %add3A_274 = arith.addi %iota3A, %add3A_273 : vector<16xi32>
        %gather3A_275 = tpu.vector_load_idx %arg16[%gather3A_143, %add3A_274] : memref<80x768xf32, #tpu.memory_space<vmem>>[vector<16xi32>, vector<16xi32>], vector<16xf32>,
        tpu.vector_store_idx %arg18[%broadcast_in_dim3A_142, %add3A_274], %gather3A_275 {add = true} : memref<32x768xf32, #tpu.memory_space<vmem>>[vector<16xi32>, vector<16xi32>], vector<16xf32>,
        %add3A_276 = arith.constant 528 : i32
        %add3A_277 = vector.broadcast %add3A_276 : i32 to vector<16xi32>
        %add3A_278 = arith.addi %iota3A, %add3A_277 : vector<16xi32>
        %gather3A_279 = tpu.vector_load_idx %arg16[%gather3A_143, %add3A_278] : memref<80x768xf32, #tpu.memory_space<vmem>>[vector<16xi32>, vector<16xi32>], vector<16xf32>,
        tpu.vector_store_idx %arg18[%broadcast_in_dim3A_142, %add3A_278], %gather3A_279 {add = true} : memref<32x768xf32, #tpu.memory_space<vmem>>[vector<16xi32>, vector<16xi32>], vector<16xf32>,
        %add3A_280 = arith.constant 544 : i32
        %add3A_281 = vector.broadcast %add3A_280 : i32 to vector<16xi32>
        %add3A_282 = arith.addi %iota3A, %add3A_281 : vector<16xi32>
        %gather3A_283 = tpu.vector_load_idx %arg16[%gather3A_143, %add3A_282] : memref<80x768xf32, #tpu.memory_space<vmem>>[vector<16xi32>, vector<16xi32>], vector<16xf32>,
        tpu.vector_store_idx %arg18[%broadcast_in_dim3A_142, %add3A_282], %gather3A_283 {add = true} : memref<32x768xf32, #tpu.memory_space<vmem>>[vector<16xi32>, vector<16xi32>], vector<16xf32>,
        %add3A_284 = arith.constant 560 : i32
        %add3A_285 = vector.broadcast %add3A_284 : i32 to vector<16xi32>
        %add3A_286 = arith.addi %iota3A, %add3A_285 : vector<16xi32>
        %gather3A_287 = tpu.vector_load_idx %arg16[%gather3A_143, %add3A_286] : memref<80x768xf32, #tpu.memory_space<vmem>>[vector<16xi32>, vector<16xi32>], vector<16xf32>,
        tpu.vector_store_idx %arg18[%broadcast_in_dim3A_142, %add3A_286], %gather3A_287 {add = true} : memref<32x768xf32, #tpu.memory_space<vmem>>[vector<16xi32>, vector<16xi32>], vector<16xf32>,
        %add3A_288 = arith.constant 576 : i32
        %add3A_289 = vector.broadcast %add3A_288 : i32 to vector<16xi32>
        %add3A_290 = arith.addi %iota3A, %add3A_289 : vector<16xi32>
        %gather3A_291 = tpu.vector_load_idx %arg16[%gather3A_143, %add3A_290] : memref<80x768xf32, #tpu.memory_space<vmem>>[vector<16xi32>, vector<16xi32>], vector<16xf32>,
        tpu.vector_store_idx %arg18[%broadcast_in_dim3A_142, %add3A_290], %gather3A_291 {add = true} : memref<32x768xf32, #tpu.memory_space<vmem>>[vector<16xi32>, vector<16xi32>], vector<16xf32>,
        %add3A_292 = arith.constant 592 : i32
        %add3A_293 = vector.broadcast %add3A_292 : i32 to vector<16xi32>
        %add3A_294 = arith.addi %iota3A, %add3A_293 : vector<16xi32>
        %gather3A_295 = tpu.vector_load_idx %arg16[%gather3A_143, %add3A_294] : memref<80x768xf32, #tpu.memory_space<vmem>>[vector<16xi32>, vector<16xi32>], vector<16xf32>,
        tpu.vector_store_idx %arg18[%broadcast_in_dim3A_142, %add3A_294], %gather3A_295 {add = true} : memref<32x768xf32, #tpu.memory_space<vmem>>[vector<16xi32>, vector<16xi32>], vector<16xf32>,
        %add3A_296 = arith.constant 608 : i32
        %add3A_297 = vector.broadcast %add3A_296 : i32 to vector<16xi32>
        %add3A_298 = arith.addi %iota3A, %add3A_297 : vector<16xi32>
        %gather3A_299 = tpu.vector_load_idx %arg16[%gather3A_143, %add3A_298] : memref<80x768xf32, #tpu.memory_space<vmem>>[vector<16xi32>, vector<16xi32>], vector<16xf32>,
        tpu.vector_store_idx %arg18[%broadcast_in_dim3A_142, %add3A_298], %gather3A_299 {add = true} : memref<32x768xf32, #tpu.memory_space<vmem>>[vector<16xi32>, vector<16xi32>], vector<16xf32>,
        %add3A_300 = arith.constant 624 : i32
        %add3A_301 = vector.broadcast %add3A_300 : i32 to vector<16xi32>
        %add3A_302 = arith.addi %iota3A, %add3A_301 : vector<16xi32>
        %gather3A_303 = tpu.vector_load_idx %arg16[%gather3A_143, %add3A_302] : memref<80x768xf32, #tpu.memory_space<vmem>>[vector<16xi32>, vector<16xi32>], vector<16xf32>,
        tpu.vector_store_idx %arg18[%broadcast_in_dim3A_142, %add3A_302], %gather3A_303 {add = true} : memref<32x768xf32, #tpu.memory_space<vmem>>[vector<16xi32>, vector<16xi32>], vector<16xf32>,
        %add3A_304 = arith.constant 640 : i32
        %add3A_305 = vector.broadcast %add3A_304 : i32 to vector<16xi32>
        %add3A_306 = arith.addi %iota3A, %add3A_305 : vector<16xi32>
        %gather3A_307 = tpu.vector_load_idx %arg16[%gather3A_143, %add3A_306] : memref<80x768xf32, #tpu.memory_space<vmem>>[vector<16xi32>, vector<16xi32>], vector<16xf32>,
        tpu.vector_store_idx %arg18[%broadcast_in_dim3A_142, %add3A_306], %gather3A_307 {add = true} : memref<32x768xf32, #tpu.memory_space<vmem>>[vector<16xi32>, vector<16xi32>], vector<16xf32>,
        %add3A_308 = arith.constant 656 : i32
        %add3A_309 = vector.broadcast %add3A_308 : i32 to vector<16xi32>
        %add3A_310 = arith.addi %iota3A, %add3A_309 : vector<16xi32>
        %gather3A_311 = tpu.vector_load_idx %arg16[%gather3A_143, %add3A_310] : memref<80x768xf32, #tpu.memory_space<vmem>>[vector<16xi32>, vector<16xi32>], vector<16xf32>,
        tpu.vector_store_idx %arg18[%broadcast_in_dim3A_142, %add3A_310], %gather3A_311 {add = true} : memref<32x768xf32, #tpu.memory_space<vmem>>[vector<16xi32>, vector<16xi32>], vector<16xf32>,
        %add3A_312 = arith.constant 672 : i32
        %add3A_313 = vector.broadcast %add3A_312 : i32 to vector<16xi32>
        %add3A_314 = arith.addi %iota3A, %add3A_313 : vector<16xi32>
        %gather3A_315 = tpu.vector_load_idx %arg16[%gather3A_143, %add3A_314] : memref<80x768xf32, #tpu.memory_space<vmem>>[vector<16xi32>, vector<16xi32>], vector<16xf32>,
        tpu.vector_store_idx %arg18[%broadcast_in_dim3A_142, %add3A_314], %gather3A_315 {add = true} : memref<32x768xf32, #tpu.memory_space<vmem>>[vector<16xi32>, vector<16xi32>], vector<16xf32>,
        %add3A_316 = arith.constant 688 : i32
        %add3A_317 = vector.broadcast %add3A_316 : i32 to vector<16xi32>
        %add3A_318 = arith.addi %iota3A, %add3A_317 : vector<16xi32>
        %gather3A_319 = tpu.vector_load_idx %arg16[%gather3A_143, %add3A_318] : memref<80x768xf32, #tpu.memory_space<vmem>>[vector<16xi32>, vector<16xi32>], vector<16xf32>,
        tpu.vector_store_idx %arg18[%broadcast_in_dim3A_142, %add3A_318], %gather3A_319 {add = true} : memref<32x768xf32, #tpu.memory_space<vmem>>[vector<16xi32>, vector<16xi32>], vector<16xf32>,
        %add3A_320 = arith.constant 704 : i32
        %add3A_321 = vector.broadcast %add3A_320 : i32 to vector<16xi32>
        %add3A_322 = arith.addi %iota3A, %add3A_321 : vector<16xi32>
        %gather3A_323 = tpu.vector_load_idx %arg16[%gather3A_143, %add3A_322] : memref<80x768xf32, #tpu.memory_space<vmem>>[vector<16xi32>, vector<16xi32>], vector<16xf32>,
        tpu.vector_store_idx %arg18[%broadcast_in_dim3A_142, %add3A_322], %gather3A_323 {add = true} : memref<32x768xf32, #tpu.memory_space<vmem>>[vector<16xi32>, vector<16xi32>], vector<16xf32>,
        %add3A_324 = arith.constant 720 : i32
        %add3A_325 = vector.broadcast %add3A_324 : i32 to vector<16xi32>
        %add3A_326 = arith.addi %iota3A, %add3A_325 : vector<16xi32>
        %gather3A_327 = tpu.vector_load_idx %arg16[%gather3A_143, %add3A_326] : memref<80x768xf32, #tpu.memory_space<vmem>>[vector<16xi32>, vector<16xi32>], vector<16xf32>,
        tpu.vector_store_idx %arg18[%broadcast_in_dim3A_142, %add3A_326], %gather3A_327 {add = true} : memref<32x768xf32, #tpu.memory_space<vmem>>[vector<16xi32>, vector<16xi32>], vector<16xf32>,
        %add3A_328 = arith.constant 736 : i32
        %add3A_329 = vector.broadcast %add3A_328 : i32 to vector<16xi32>
        %add3A_330 = arith.addi %iota3A, %add3A_329 : vector<16xi32>
        %gather3A_331 = tpu.vector_load_idx %arg16[%gather3A_143, %add3A_330] : memref<80x768xf32, #tpu.memory_space<vmem>>[vector<16xi32>, vector<16xi32>], vector<16xf32>,
        tpu.vector_store_idx %arg18[%broadcast_in_dim3A_142, %add3A_330], %gather3A_331 {add = true} : memref<32x768xf32, #tpu.memory_space<vmem>>[vector<16xi32>, vector<16xi32>], vector<16xf32>,
        %add3A_332 = arith.constant 752 : i32
        %add3A_333 = vector.broadcast %add3A_332 : i32 to vector<16xi32>
        %add3A_334 = arith.addi %iota3A, %add3A_333 : vector<16xi32>
        %gather3A_335 = tpu.vector_load_idx %arg16[%gather3A_143, %add3A_334] : memref<80x768xf32, #tpu.memory_space<vmem>>[vector<16xi32>, vector<16xi32>], vector<16xf32>,
        tpu.vector_store_idx %arg18[%broadcast_in_dim3A_142, %add3A_334], %gather3A_335 {add = true} : memref<32x768xf32, #tpu.memory_space<vmem>>[vector<16xi32>, vector<16xi32>], vector<16xf32>,
      }
      %scan3A_137 = arith.constant 32 : i32
      %dma_start3A_138 = arith.constant 0 : i32
      %dma_start3A_139 = arith.constant 0 : i32
      %dma_start3A_140 = tpu.memref_slice %arg7[%dma_start3A_138, %dma_start3A_139] : memref<81920x768xf32, #tpu.memory_space<hbm>> -> memref<81920x768xf32, #tpu.memory_space<hbm>>
      tpu.enqueue_indirect_dma source(%arg18 : memref<32x768xf32, #tpu.memory_space<vmem>>) target(%dma_start3A_140 : memref<81920x768xf32, #tpu.memory_space<hbm>>) offsets(%arg13 : memref<32xi32, #tpu.memory_space<vmem>>) semaphore(%arg22 : memref<!tpu.dma_semaphore, #tpu.memory_space<semaphore_mem>>)
    }
    %scan3A_18 = arith.constant 8 : i32
    %dma_wait3A_19 = arith.constant 0 : i32
    %dma_wait3A_20 = arith.constant 0 : i32
    %dma_wait3A_21 = tpu.memref_slice %arg7[%dma_wait3A_19, %dma_wait3A_20] : memref<81920x768xf32, #tpu.memory_space<hbm>> -> memref<81920x768xf32, #tpu.memory_space<hbm>>
    tpu.wait_indirect_dma semaphore(%arg21 : memref<!tpu.dma_semaphore, #tpu.memory_space<semaphore_mem>>) src(%arg17 : memref<32x768xf32, #tpu.memory_space<vmem>>) dst(%dma_wait3A_21 : memref<81920x768xf32, #tpu.memory_space<hbm>>)
    %dma_wait3A_22 = arith.constant 0 : i32
    %dma_wait3A_23 = arith.constant 0 : i32
    %dma_wait3A_24 = tpu.memref_slice %arg7[%dma_wait3A_22, %dma_wait3A_23] : memref<81920x768xf32, #tpu.memory_space<hbm>> -> memref<81920x768xf32, #tpu.memory_space<hbm>>
    tpu.wait_indirect_dma semaphore(%arg22 : memref<!tpu.dma_semaphore, #tpu.memory_space<semaphore_mem>>) src(%arg18 : memref<32x768xf32, #tpu.memory_space<vmem>>) dst(%dma_wait3A_24 : memref<81920x768xf32, #tpu.memory_space<hbm>>)
    return
  }
}

</mosaic_0001>

<sc_bundles>
// kernel: _sc_embed.3.cloned.1.call-start
scs
__scs_entry_jumppad:
0x0: {  	(pc) =	sbr.rel $0x88, $3  }
0x1: {  	(tag) =	ssettag $0x0;
	lr =	simm.s32 $0x1  }
0x2: {  	[smem:$0x3F9C] =	sst lr;
	_ =	strace $0xD0000000  }
0x3: {  	_ = 	snop  }
0x4: {  	_ = 	snop  }
0x5: {  	_ = 	snop  }
0x6: {  	_ = 	snop  }
0x7: {  	_ = 	snop  }
__scs_overlays_trampoline_lowered:
0x8: {  	[smem:$0x3FAB] =	sst s0  }
0x9: {  	[smem:$0x3FAC] =	sst s1  }
0xa: {  	[smem:$0x3FAD] =	sst s2  }
0xb: {  	[smem:$0x3FAE] =	sst s3  }
0xc: {  	[smem:$0x3FAF] =	sst s4  }
0xd: {  	[smem:$0x3FB0] =	sst s5  }
0xe: {  	[smem:$0x3FB1] =	sst s6  }
0xf: {  	[smem:$0x3FB2] =	sst s7  }
0x10: {  	[smem:$0x3FB3] =	sst s8  }
0x11: {  	[smem:$0x3FB4] =	sst s9;
	s0 =	simm.s32 @!p0 $0x0  }
0x12: {  	s1 =	sld [smem:$0x3F9A];
	s0 =	simm.s32 @p0 $0x1  }
0x13: {  	[smem:$0x3FB5] =	sst s0;
	s0 =	simm.s32 @!p1 $0x0  }
0x14: {  	s2 =	sld [smem:$0x3F99];
	s0 =	simm.s32 @p1 $0x1  }
0x15: {  	[smem:$0x3FB6] =	sst s0;
	s0 =	simm.s32 @!p2 $0x0  }
0x16: {  	s3 =	sld [smem:$0x3FDB];
	s0 =	simm.s32 @p2 $0x1  }
0x17: {  	s4 =	simm.s32 $0x1BF5;
	[smem:$0x3FB8] =	sst s0  }
0x18: {  	s0 =	sld [smem:$0x3F9B];
	_ =	swait.ge [sflag:s4], $0x0  }
0x19: {  	s7 =	sld [smem:$0x3F9C]  }
0x1a: {  	s8 =	sadd.s32 $0xFFFFE003, lr  }
0x1b: {  	s9 =	sadd.s32 $0xFFFFFEF7, lr;
	s5 =	simm.s32 $0xFFFFFFFF;
	p2 =	slt.u32 s8, $0xFFFFF086  }
0x1c: {  	p1 =	slt.u32 s9, $0xF7A;
	s5 =	simm.s32 @!p2 $0x0  }
0x1d: {  	s5 =	simm.s32 @p1 $0x1;
	p0 =	seq.s32 s7, s2  }
0x1e: {  	s7 =	smul.u32 @!p0 $0xF7A, s2;
	p2 =	seq.s32 @!p0 s5, $0x0  }
0x1f: {  	s9 =	smul.u32 $0xF7A, s1;
	s8 =	simm.s32 @!p0 $0x1BF5;
	p2 =	por !p2, p0  }
0x20: {  	[sflag:s8] =	ssyncset.s32 @!p0 $0xFFFFF086;
	s6 =	sadd.s32 @!p0 s3, s7;
	s7 =	simm.s32 @!p0 $0x108  }
0x21: {  	s3 =	sadd.s32 s3, s9;
	s6 =	sadd.s32 @!p0 $0x88, s6;
	s7 =	simm.s32 @p2 $0x1082  }
0x22: {  	[simem:s7], [sflag:s8] =	dma.local @!p0 [hbm:s6], $0xF7A  }
0x23: {  	s9 =	sor.u32 $0xD0000000, s2;
	s6 =	simm.s32 $0x108;
	_ =	swait.ge @!p0 [sflag:s8], $0x0  }
0x24: {  	s3 =	sadd.s32 $0x88, s3;
	s6 =	simm.s32 @!p1 $0x1082;
	[sflag:s4] =	ssyncset.s32 $0xFFFFF086  }
0x25: {  	[simem:s6], [sflag:s4] =	dma.local [hbm:s3], $0xF7A  }
0x26: {  	[smem:$0x3F9C] =	sst s1;
	(tag) =	ssettag s2;
	_ =	strace s9  }
0x27: {  	s1 =	sld [smem:$0x3FAC]  }
0x28: {  	s2 =	sld [smem:$0x3FAD]  }
0x29: {  	s4 =	sld [smem:$0x3FAF]  }
0x2a: {  	p0 =	seq.s32 s5, $0x0;
	s5 =	sld [smem:$0x3FB0]  }
0x2b: {  	s6 =	sld [smem:$0x3FB1]  }
0x2c: {  	s7 =	sld [smem:$0x3FB2]  }
0x2d: {  	s3 =	simm.s32 $0x108;
	s8 =	sld [smem:$0x3FB3]  }
0x2e: {  	s3 =	simm.s32 @!p0 $0x1082;
	s9 =	sld [smem:$0x3FB4]  }
0x2f: {  	lr =	sadd.s32 s0, s3;
	s0 =	sld [smem:$0x3FAB]  }
0x30: {  	s3 =	sld [smem:$0x3FAE]  }
0x31: {  	[smem:$0x3FB7] =	sst s10  }
0x32: {  	s10 =	sld [smem:$0x3FB5];
	_ =	sdelay $0x3  }
0x33: {  	p0 =	seq.s32 s10, $0x1;
	s10 =	sld [smem:$0x3FB7];
	_ =	sdelay $0x3  }
0x34: {  	[smem:$0x3FB7] =	sst s10  }
0x35: {  	s10 =	sld [smem:$0x3FB6];
	_ =	sdelay $0x3  }
0x36: {  	p1 =	seq.s32 s10, $0x1;
	s10 =	sld [smem:$0x3FB7];
	_ =	sdelay $0x3  }
0x37: {  	[smem:$0x3FB7] =	sst s10  }
0x38: {  	s10 =	sld [smem:$0x3FB8]  }
0x39: {  	_ = 	snop;
	(pc) =	sbr.ind lr, $3  }
0x3a: {  	_ = 	snop  }
0x3b: {  	_ = 	snop  }
0x3c: {  	p2 =	seq.s32 s10, $0x1;
	s10 =	sld [smem:$0x3FB7]  }
0x3d: {  	_ =	shalt  }
0x3e: {  	_ =	shalt  }
0x3f: {  	_ =	shalt  }
0x40: {  	_ =	shalt  }
0x41: {  	_ =	shalt  }
0x42: {  	_ =	shalt  }
0x43: {  	_ =	shalt  }
0x44: {  	_ =	shalt  }
0x45: {  	_ =	shalt  }
0x46: {  	_ =	shalt  }
0x47: {  	_ =	shalt  }
0x48: {  	_ =	shalt  }
0x49: {  	_ =	shalt  }
0x4a: {  	_ =	shalt  }
0x4b: {  	_ =	shalt  }
0x4c: {  	_ =	shalt  }
0x4d: {  	_ =	shalt  }
0x4e: {  	_ =	shalt  }
0x4f: {  	_ =	shalt  }
0x50: {  	_ =	shalt  }
0x51: {  	_ =	shalt  }
0x52: {  	_ =	shalt  }
0x53: {  	_ =	shalt  }
0x54: {  	_ =	shalt  }
0x55: {  	_ =	shalt  }
0x56: {  	_ =	shalt  }
0x57: {  	_ =	shalt  }
0x58: {  	_ =	shalt  }
0x59: {  	_ =	shalt  }
0x5a: {  	_ =	shalt  }
0x5b: {  	_ =	shalt  }
0x5c: {  	_ =	shalt  }
0x5d: {  	_ =	shalt  }
0x5e: {  	_ =	shalt  }
0x5f: {  	_ =	shalt  }
0x60: {  	_ =	shalt  }
0x61: {  	_ =	shalt  }
0x62: {  	_ =	shalt  }
0x63: {  	_ =	shalt  }
0x64: {  	_ =	shalt  }
0x65: {  	_ =	shalt  }
0x66: {  	_ =	shalt  }
0x67: {  	_ =	shalt  }
0x68: {  	_ =	shalt  }
0x69: {  	_ =	shalt  }
0x6a: {  	_ =	shalt  }
0x6b: {  	_ =	shalt  }
0x6c: {  	_ =	shalt  }
0x6d: {  	_ =	shalt  }
0x6e: {  	_ =	shalt  }
0x6f: {  	_ =	shalt  }
0x70: {  	_ =	shalt  }
0x71: {  	_ =	shalt  }
0x72: {  	_ =	shalt  }
0x73: {  	_ =	shalt  }
0x74: {  	_ =	shalt  }
0x75: {  	_ =	shalt  }
0x76: {  	_ =	shalt  }
0x77: {  	_ =	shalt  }
0x78: {  	_ =	shalt  }
0x79: {  	_ =	shalt  }
0x7a: {  	_ =	shalt  }
0x7b: {  	_ =	shalt  }
0x7c: {  	_ =	shalt  }
0x7d: {  	_ =	shalt  }
0x7e: {  	_ =	shalt  }
0x7f: {  	_ =	shalt  }
0x80: {  	_ =	shalt  }
0x81: {  	_ =	shalt  }
0x82: {  	_ =	shalt  }
0x83: {  	_ =	shalt  }
0x84: {  	_ =	shalt  }
0x85: {  	_ =	shalt  }
0x86: {  	_ =	shalt  }
0x87: {  	_ =	shalt  }
.Lfunc_end0:
.L_simem_size_0:
called_computation_lowered:
.L_overlay_start_0:
0x88: {  	s2 =	sld [smem:$0x3FD9]  }
0x89: {  	s3 =	sld [smem:$0x3FFE];
	_ =	sdelay $0x1  }
0x8a: {  	s1 =	srdreg.scid  }
0x8b: {  	s0 =	sand.u32 $0x1, s1  }
0x8c: {  	s17 =	sshll.u32 s0, $0xA;
	s2 =	sadd.s32 s3, s2  }
0x8d: {  	s2 =	sadd.s32 s2, s17  }
0x8e: {  	[smem:$0x3FC3] =	sst s2  }
0x8f: {  	_ = 	snop  }
0x90: {  	s2 =	sld [smem:$0x3FC9]  }
0x91: {  	s18 =	sld [smem:$0x3FC7]  }
0x92: {  	s4 =	sld [smem:$0x3FC6]  }
0x93: {  	s5 =	sld [smem:$0x3FC5]  }
0x94: {  	s6 =	sld [smem:$0x3FD0];
	(tm) =	ssettm $0x1  }
0x95: {  	s7 =	sld [smem:$0x3FFB];
	_ =	sdelay $0x3  }
0x96: {  	_ =	strace s7  }
0x97: {  	s7 =	sld [smem:$0x3FFC];
	_ =	sdelay $0x3  }
0x98: {  	_ =	strace s7  }
0x99: {  	s7 =	sld [smem:$0x3FFD];
	_ =	sdelay $0x3  }
0x9a: {  	_ =	strace s7  }
0x9b: {  	_ =	strace $0x8FFFFFFF  }
0x9c: {  	s19 =	sld [smem:$0x3FDB];
	_ =	sdelay $0x1  }
0x9d: {  	s8 =	simm.s32 $_scs_section_size  }
0x9e: {  	s9 =	simm.s32 $_size__tile_overlayer_lowered;
	s10 =	simm.s32 $_tile_overlayer_lowered  }
0x9f: {  	s22 =	simm.s32 $0x1BFF;
	s21 =	sshll.u32 s10, $0x1;
	s7 =	sadd.s32 s8, s19  }
0xa0: {  	s11 =	simm.s32 $0x0;
	s20 =	sshll.u32 s9, $0x1;
	s9 =	sadd.s32 s21, s7  }
0xa1: {  	[timem:s11], [sflag:s22] =	dma.local [hbm:s9], s20  }
0xa2: {  	_ =	swait.ge [sflag:s22], s20  }
0xa3: {  	s8 =	ssub.s32 $0x0, s20;
	[sflag:s22] =	ssyncset.done $0x0  }
0xa4: {  	[sflag:s22] =	ssyncadd.s32 s8;
	_ =	sdelay $0x1  }
0xa5: {  	s23 =	simm.s32 $0x1B8B  }
0xa6: {  	_ =	swait.ge [sflag:s23], $0x1  }
0xa7: {  	[sflag:s23] =	ssyncset.done $0x0  }
0xa8: {  	s25 =	simm.s32 $0x1B8E;
	s24 =	sld [smem:$0x3FFE];
	[sflag:s23] =	ssyncadd.s32 $0xFFFFFFFF  }
0xa9: {  	s26 =	simm.s32 $execute0_lowered;
	[smem:$0x3FD2] =	sst s25  }
0xaa: {  	s9 =	sshll.u32 s26, $0x1;
	_ =	strace $0x80000046;
	[dreg:$0x1] =	wrdreg $0xFFFFFFFF  }
0xab: {  	s28 =	simm.s32 $_size_execute0_lowered;
	s7 =	sadd.s32 s7, s9;
	[dreg:$0x0] =	wrdreg $0x0  }
0xac: {  	s9 =	sshll.u32 s28, $0x1;
	[dreg:$0x2] =	wrdreg s7  }
0xad: {  	[dreg:$0x3] =	wrdreg s9  }
0xae: {  	[dreg:$0x4] =	wrdreg $0xC0  }
0xaf: {  	_ =	task [dreg:s11], $0x5FFFF  }
0xb0: {  	[dreg:$0x1] =	wrdreg $0xFFFFFFFF  }
0xb1: {  	[dreg:$0x0] =	wrdreg $0x60  }
0xb2: {  	[dreg:$0x2] =	wrdreg s2  }
0xb3: {  	[dreg:$0x3] =	wrdreg s24  }
0xb4: {  	[dreg:$0x4] =	wrdreg s18  }
0xb5: {  	[dreg:$0x5] =	wrdreg s4  }
0xb6: {  	[dreg:$0x6] =	wrdreg s5  }
0xb7: {  	[dreg:$0x7] =	wrdreg s6  }
0xb8: {  	[dreg:$0x8] =	wrdreg $0x9  }
0xb9: {  	_ =	task.clear_ibuf [dreg:s11], $0x9FFFF;
	_ =	strace $0x90000046  }
0xba: {  	s29 =	simm.s32 $0x9;
	_ =	strace $0x80000048  }
0xbb: {  	_ =	swait.ge [sflag:s29], $0x1  }
0xbc: {  	[sflag:s29] =	ssyncadd.s32 $0xFFFFFFFF  }
0xbd: {  	_ =	strace $0x90000048  }
0xbe: {  	_ =	sfence  }
0xbf: {  	s30 =	sld [smem:$0x0];
	_ =	sdelay $0x2  }
0xc0: {  	s31 =	sshll.u32 s1, $0xD;
	s1 =	sshrl.u32 s1, $0x2  }
0xc1: {  	s3 =	sand.u32 $0x4000, s31;
	s1 =	sadd.s32 s1, s30  }
0xc2: {  	s0 =	sor.u32 s3, s0;
	s1 =	sshll.u32 s1, $0x11  }
0xc3: {  	s0 =	sor.u32 s1, s0  }
0xc4: {  	s0 =	sadd.s32 $0x8F2B, s0  }
0xc5: {  	[sflag:s0] =	ssyncadd.remote.s32 $0x1  }
0xc6: {  	_ =	sfence.sel $0xFFFF  }
0xc7: {  	[dreg:$0x0] =	wrdreg $0xFFFFFFFF;
	(pc) =	sbr.abs _section_cstart, $3  }
0xc8: {  	[dreg:$0x1] =	wrdreg $0xFFFFFFFF  }
0xc9: {  	_ =	task.clear_ibuf [dreg:s11], $0x2FFFF;
	_ =	strace $0x9FFFFFFF  }
0xca: {  	(tm) =	ssettm $0x7FFFFFFF  }
0xcb: {  	_ =	shalt  }
tec
execute0_lowered:
.L_overlay_start_1:
0x0: {  	(tag) =	ssettag $0x1  }
0x1: {  	s0 =	rddreg [dreg:$0x0]  }
0x2: {  	s1 =	rddreg [dreg:$0x1];
	vm0 =	vmmov $0xffff;
	v0 =	vlaneseq.u32  }
0x3: {  	s2 =	rddreg [dreg:$0x3];
	v1 =	vor.u32 $0x10, v0;
	v2 =	vor.u32 $0x20, v0;
	v4 =	vshrl.u32 v0, $0x3  }
0x4: {  	s5 =	rddreg [dreg:$0x5];
	v3 =	vand.u32 $0x7, v0;
	v5 =	vor.u32 $0x8, v0;
	v6 =	vor.u32 $0x30, v0  }
0x5: {  	s3 =	srdreg.scid;
	s4 =	stileid.u32;
	s6 =	simm.s32 $0x0;
	v7 =	vor.u32 $0x40, v0;
	v8 =	vor.u32 $0x50, v0;
	v9 =	vor.u32 $0x60, v0  }
0x6: {  	s16 =	simm.s32 $0x80;
	s17 =	simm.s32 $0x1380;
	s18 =	simm.s32 $0x10380;
	v10 =	vor.u32 $0x70, v0;
	v11 =	vor.u32 $0x400, v0;
	v12 =	vor.u32 $0x410, v0  }
0x7: {  	s30 =	simm.s32 $0x10B80;
	s31 =	simm.s32 $0x1;
	s9 =	simm.s32 $0x17B80;
	v13 =	vor.u32 $0x420, v0;
	v14 =	vor.u32 $0x430, v0;
	v15 =	vor.u32 $0x440, v0  }
0x8: {  	s14 =	simm.s32 $0x18380;
	s15 =	simm.s32 $0x18B80;
	s19 =	simm.s32 $0x19B80;
	v16 =	vor.u32 $0x450, v0;
	v17 =	vor.u32 $0x460, v0;
	v18 =	vor.u32 $0x470, v0  }
0x9: {  	s20 =	simm.s32 $0x1A380;
	s21 =	simm.s32 $0x1AB80;
	s22 =	simm.s32 $0x1B380;
	v19 =	vor.u32 $0x800, v0;
	v20 =	vor.u32 $0x810, v0;
	v21 =	vor.u32 $0x820, v0  }
0xa: {  	s23 =	simm.s32 $0x1BB80;
	s24 =	simm.s32 $0x2;
	s28 =	simm.s32 $0x0;
	v22 =	vor.u32 $0x830, v0;
	v23 =	vor.u32 $0x840, v0;
	v24 =	vor.u32 $0x850, v0  }
0xb: {  	s3 =	sand.u32 $0x1, s3;
	s4 =	sshll.u32 s4, $0x6;
	[smem:$0x7FF] =	sst s6;
	v25 =	vor.u32 $0x860, v0;
	v26 =	vor.u32 $0x870, v0;
	v27 =	vor.u32 $0xC00, v0  }
0xc: {  	s10 =	sadd.s32 $0x100, s2;
	s11 =	sadd.s32 $0x200, s2;
	s12 =	sadd.s32 $0x100, s5;
	v28 =	vor.u32 $0xC10, v0;
	v29 =	vor.u32 $0xC20, v0;
	v30 =	vor.u32 $0xC30, v0  }
0xd: {  	s13 =	sadd.s32 $0x200, s5;
	v31 =	vor.u32 $0xC40, v0;
	v32 =	vor.u32 $0xC50, v0;
	v33 =	vor.u32 $0xC60, v0;
	s7 =	sshll.u32 s3, $0x5;
	s3 =	ssub.s32 $0x2, s3  }
0xe: {  	v34 =	vor.u32 $0xC70, v0;
	v35 =	vor.u32 $0x1000, v0;
	v36 =	vor.u32 $0x1010, v0;
	_ =	strace $0x80000047;
	s7 =	sor.u32 s7, s4;
	s25 =	sshrl.u32 s3, $0x1  }
0xf: {  	v37 =	vor.u32 $0x1020, v0;
	v38 =	vor.u32 $0x1030, v0;
	v39 =	vor.u32 $0x1040, v0;
	s4 =	sshll.u32 s7, $0x4;
	s8 =	sshrl.u32 s7, $0x3;
	s3 =	ssub.s32 s3, s25  }
0x10: {  	v40 =	vor.u32 $0x1050, v0;
	v41 =	vor.u32 $0x1060, v0;
	v42 =	vor.u32 $0x1070, v0;
	s25 =	simm.s32 $0x1100;
	s1 =	sadd.s32 s4, s1;
	s0 =	sadd.s32 s0, s8  }
0x11: {  	v43 =	vor.u32 $0x1400, v0;
	v44 =	vor.u32 $0x1410, v0;
	v45 =	vor.u32 $0x1420, v0;
	s29 =	smax.u32 s3, $0x1;
	s3 =	simm.s32 $0x16380;
	[dreg:$0x7] =	wrdreg s0  }
0x12: {  	v46 =	vor.u32 $0x1430, v0;
	v47 =	vor.u32 $0x1440, v0;
	v48 =	vor.u32 $0x1450, v0;
	s8 =	simm.s32 $0x17380;
	s26 =	sadd.s32 $0x400, s1;
	[dreg:$0x9] =	wrdreg s29  }
0x13: {  	v49 =	vor.u32 $0x1460, v0;
	v50 =	vor.u32 $0x1470, v0;
	v4 =	vmul.u32 $0x8, v4;
	s0 =	simm.s32 $0x1080;
	s1 =	simm.s32 $0x19380;
	[dreg:$0x8] =	wrdreg s26  }
.LBB2_1:
0x14: {  	[dreg:$0xa] =	wrdreg s28  }
0x15: {  	s4 =	rddreg [dreg:$0x7];
	s26 =	simm.s32 $0x5  }
0x16: {  	[tilespmem:s6], [sflag:$0x5] =	stream.linear.gather [hbm4b:s4+s6], $0x20, $0x38;
	[tilespmem:$0x1C380] =	vst v63  }
0x17: {  	_ =	swait.ge [sflag:s26], $0x20  }
0x18: {  	[sflag:s26] =	ssyncset.done $0x0  }
0x19: {  	s28 =	rddreg [dreg:$0x8];
	[sflag:s26] =	ssyncadd.s32 $0xFFFFFFE0  }
0x1a: {  	[tilespmem:s16], [sflag:$0x5] =	stream.linear.gather [hbm4b:s28+s6], $0x1000, $0x38;
	[tilespmem:$0x1C380] =	vst v63  }
0x1b: {  	_ =	swait.ge [sflag:s26], $0x1000  }
0x1c: {  	[sflag:s26] =	ssyncset.done $0x0  }
0x1d: {  	[sflag:s26] =	ssyncadd.s32 $0xFFFFF000  }
0x1e: {  	s29 =	rddreg [dreg:$0x4]  }
0x1f: {  	[tilespmem:s17], [sflag:$0x5] =	stream.linear.gather [hbm4b:s29+s6], $0xF000, $0x38;
	[tilespmem:$0x1C380] =	vst v63  }
0x20: {  	_ =	swait.ge [sflag:s26], $0xF000  }
0x21: {  	[sflag:s26] =	ssyncset.done $0x0  }
0x22: {  	[sflag:s26] =	ssyncadd.s32 $0xFFFF1000;
	s26 =	simm.s32 $0x0  }
.LBB2_2:
0x23: {  	p0 =	seq.s32 s26, $0x0;
	v52 =	vmov s26  }
0x24: {  	s4 =	simm.s32 @!p0 $0x3  }
0x25: {  	_ =	swait.ge @!p0 [sflag:s4], $0x6000  }
0x26: {  	[sflag:s4] =	ssyncset.done @!p0 $0x0  }
0x27: {  	s28 =	simm.s32 $0x0;
	[sflag:s4] =	ssyncadd.s32 @!p0 $0xFFFFA000  }
0x28: {  	v53 =	vld.idx.msk [tilespmem:v52+s28+$0x0], $0xffff;
	_ =	sdelay $0x2  }
0x29: {  	v51 =	vshll.u32 v52, $0x7  }
0x2a: {  	s29 =	sadd.s32 s7, s26;
	v54 =	vor.u32 v0, v51  }
0x2b: {  	s4 =	smul.u32 $0x50, s29;
	vm1 =	vgt.s32 v53, v0  }
0x2c: {  	v55 =	vsel vm1, v0, v1  }
0x2d: {  	[tilespmem:$0x1080] =	vst v55;
	v55 =	vadd.s32 s4, v55  }
0x2e: {  	[tilespmem:$0x1180] =	vst v55  }
0x2f: {  	v54 =	vld.idx.msk [tilespmem:v54+s16+$0x0], $0xffff;
	_ =	sdelay $0x4  }
0x30: {  	[tilespmem:$0x1280] =	vst v54  }
0x31: {  	v54 =	vld [tilespmem:$0x1280];
	_ =	sdelay $0x4  }
0x32: {  	v61 =	vor.u32 v1, v51;
	v56 =	vshrl.u32 v54, $0x3  }
0x33: {  	vm1 =	vgt.s32 v53, v1;
	v62 =	vmul.u32 $0x30, v56  }
0x34: {  	v63 =	vsel vm1, v1, v2;
	v54 =	vand.u32 $0x7, v54  }
0x35: {  	[tilespmem:$0x1090] =	vst v63;
	v56 =	vadd.s32 s4, v63;
	v53 =	vor.u32 v54, v62  }
0x36: {  	[tilespmem:$0x1190] =	vst v56;
	v54 =	vperm.xlane v53, v3  }
0x37: {  	v55 =	vld.idx.msk [tilespmem:v61+s16+$0x0], $0xffff  }
0x38: {  	v54 =	vadd.s32 v4, v54;
	_ =	sdelay $0x3  }
0x39: {  	v53 =	vperm.xlane v53, v5;
	[tilespmem:$0x1290] =	vst v55  }
0x3a: {  	[tilespmem:s18], [sflag:$0x1] =	stream.indirect_vreg.gather [hbm4b:s2+s28], $0x80, v54, vm0, $0xb8;
	[tilespmem:$0x1C380] =	vst v63  }
0x3b: {  	v53 =	vadd.s32 v4, v53  }
0x3c: {  	[tilespmem:s30], [sflag:$0x1] =	stream.indirect_vreg.gather [hbm4b:s10+s28], $0x80, v54, vm0, $0xb8;
	[tilespmem:$0x1C380] =	vst v63  }
0x3d: {  	s29 =	simm.s32 $0x11380  }
0x3e: {  	[tilespmem:s29], [sflag:$0x1] =	stream.indirect_vreg.gather [hbm4b:s11+s28], $0x80, v54, vm0, $0xb8;
	[tilespmem:$0x1C380] =	vst v63  }
0x3f: {  	s29 =	simm.s32 $0x11B80  }
0x40: {  	[tilespmem:s29], [sflag:$0x1] =	stream.indirect_vreg.gather [hbm4b:s2+s28], $0x80, v53, vm0, $0xb8;
	[tilespmem:$0x1C380] =	vst v63  }
0x41: {  	s29 =	simm.s32 $0x12380  }
0x42: {  	[tilespmem:s29], [sflag:$0x1] =	stream.indirect_vreg.gather [hbm4b:s10+s28], $0x80, v53, vm0, $0xb8;
	[tilespmem:$0x1C380] =	vst v63  }
0x43: {  	s29 =	simm.s32 $0x12B80  }
0x44: {  	[tilespmem:s29], [sflag:$0x1] =	stream.indirect_vreg.gather [hbm4b:s11+s28], $0x80, v53, vm0, $0xb8;
	[tilespmem:$0x1C380] =	vst v63  }
0x45: {  	v53 =	vld [tilespmem:$0x1290];
	_ =	sdelay $0x4  }
0x46: {  	v59 =	vshrl.u32 v53, $0x3  }
0x47: {  	v54 =	vmul.u32 $0x30, v59  }
0x48: {  	v53 =	vand.u32 $0x7, v53  }
0x49: {  	v53 =	vor.u32 v53, v54  }
0x4a: {  	v54 =	vperm.xlane v53, v3;
	_ =	sdelay $0x1  }
0x4b: {  	v54 =	vadd.s32 v4, v54;
	_ =	sdelay $0x3  }
0x4c: {  	s29 =	simm.s32 $0x13380;
	v53 =	vperm.xlane v53, v5  }
0x4d: {  	[tilespmem:s29], [sflag:$0x1] =	stream.indirect_vreg.gather [hbm4b:s2+s28], $0x80, v54, vm0, $0xb8;
	[tilespmem:$0x1C380] =	vst v63  }
0x4e: {  	v53 =	vadd.s32 v4, v53;
	s29 =	simm.s32 $0x13B80  }
0x4f: {  	[tilespmem:s29], [sflag:$0x1] =	stream.indirect_vreg.gather [hbm4b:s10+s28], $0x80, v54, vm0, $0xb8;
	[tilespmem:$0x1C380] =	vst v63  }
0x50: {  	s29 =	simm.s32 $0x14380  }
0x51: {  	[tilespmem:s29], [sflag:$0x1] =	stream.indirect_vreg.gather [hbm4b:s11+s28], $0x80, v54, vm0, $0xb8;
	[tilespmem:$0x1C380] =	vst v63  }
0x52: {  	s29 =	simm.s32 $0x14B80  }
0x53: {  	[tilespmem:s29], [sflag:$0x1] =	stream.indirect_vreg.gather [hbm4b:s2+s28], $0x80, v53, vm0, $0xb8;
	[tilespmem:$0x1C380] =	vst v63  }
0x54: {  	s29 =	simm.s32 $0x15380  }
0x55: {  	[tilespmem:s29], [sflag:$0x1] =	stream.indirect_vreg.gather [hbm4b:s10+s28], $0x80, v53, vm0, $0xb8;
	[tilespmem:$0x1C380] =	vst v63  }
0x56: {  	v60 =	vmov s28;
	s29 =	simm.s32 $0x15B80  }
0x57: {  	[tilespmem:s29], [sflag:$0x1] =	stream.indirect_vreg.gather [hbm4b:s11+s28], $0x80, v53, vm0, $0xb8;
	[tilespmem:$0x1C380] =	vst v63  }
0x58: {  	_ =	swait.ge [sflag:s31], $0x6000  }
0x59: {  	[sflag:s31] =	ssyncset.done $0x0  }
0x5a: {  	[sflag:s31] =	ssyncadd.s32 $0xFFFFA000  }
0x5b: {  	v61 =	vld.idx.msk [tilespmem:v60+s0+$0x0], $0xffff;
	_ =	sdelay $0x4  }
0x5c: {  	v62 =	vshrl.u32 v61, $0x3  }
0x5d: {  	v53 =	vshll.u32 v61, $0x7;
	v55 =	vmul.u32 $0x1800, v62  }
0x5e: {  	v53 =	vand.u32 $0x380, v53  }
0x5f: {  	v53 =	vor.u32 v53, v55  }
0x60: {  	v55 =	vor.u32 v0, v53  }
0x61: {  	v63 =	vshrl.u32 v60, $0x3  }
0x62: {  	v56 =	vmul.u32 $0x1800, v63;
	v54 =	vshll.u32 v60, $0x7  }
0x63: {  	v54 =	vand.u32 $0x380, v54  }
0x64: {  	v54 =	vor.u32 v54, v56  }
0x65: {  	v56 =	vor.u32 v0, v54;
	v55 =	vld.idx.msk [tilespmem:v55+s17+$0x0], $0xffff  }
0x66: {  	v57 =	vor.u32 v1, v53;
	_ =	sdelay $0x3  }
0x67: {  	[tilespmem:v56+s18+$0x0] =	vst.idx.add.f32.msk $0xffff, v55  }
0x68: {  	v60 =	vor.u32 v1, v54;
	v55 =	vld.idx.msk [tilespmem:v57+s17+$0x0], $0xffff  }
0x69: {  	v61 =	vor.u32 v2, v53;
	_ =	sdelay $0x3  }
0x6a: {  	[tilespmem:v60+s18+$0x0] =	vst.idx.add.f32.msk $0xffff, v55  }
0x6b: {  	v62 =	vor.u32 v2, v54;
	v55 =	vld.idx.msk [tilespmem:v61+s17+$0x0], $0xffff  }
0x6c: {  	v63 =	vor.u32 v6, v53;
	_ =	sdelay $0x3  }
0x6d: {  	[tilespmem:v62+s18+$0x0] =	vst.idx.add.f32.msk $0xffff, v55  }
0x6e: {  	v60 =	vor.u32 v6, v54;
	v55 =	vld.idx.msk [tilespmem:v63+s17+$0x0], $0xffff  }
0x6f: {  	v61 =	vor.u32 v7, v53;
	_ =	sdelay $0x3  }
0x70: {  	[tilespmem:v60+s18+$0x0] =	vst.idx.add.f32.msk $0xffff, v55  }
0x71: {  	v62 =	vor.u32 v7, v54;
	v55 =	vld.idx.msk [tilespmem:v61+s17+$0x0], $0xffff  }
0x72: {  	v63 =	vor.u32 v8, v53;
	_ =	sdelay $0x3  }
0x73: {  	[tilespmem:v62+s18+$0x0] =	vst.idx.add.f32.msk $0xffff, v55  }
0x74: {  	v60 =	vor.u32 v8, v54;
	v55 =	vld.idx.msk [tilespmem:v63+s17+$0x0], $0xffff  }
0x75: {  	v61 =	vor.u32 v9, v53;
	_ =	sdelay $0x3  }
0x76: {  	[tilespmem:v60+s18+$0x0] =	vst.idx.add.f32.msk $0xffff, v55  }
0x77: {  	v62 =	vor.u32 v9, v54;
	v55 =	vld.idx.msk [tilespmem:v61+s17+$0x0], $0xffff  }
0x78: {  	v63 =	vor.u32 v10, v53;
	_ =	sdelay $0x3  }
0x79: {  	[tilespmem:v62+s18+$0x0] =	vst.idx.add.f32.msk $0xffff, v55  }
0x7a: {  	v60 =	vor.u32 v10, v54;
	v55 =	vld.idx.msk [tilespmem:v63+s17+$0x0], $0xffff  }
0x7b: {  	v61 =	vor.u32 v11, v53;
	_ =	sdelay $0x3  }
0x7c: {  	[tilespmem:v60+s18+$0x0] =	vst.idx.add.f32.msk $0xffff, v55  }
0x7d: {  	v62 =	vor.u32 v11, v54;
	v55 =	vld.idx.msk [tilespmem:v61+s17+$0x0], $0xffff  }
0x7e: {  	v63 =	vor.u32 v12, v53;
	_ =	sdelay $0x3  }
0x7f: {  	[tilespmem:v62+s18+$0x0] =	vst.idx.add.f32.msk $0xffff, v55  }
0x80: {  	v60 =	vor.u32 v12, v54;
	v55 =	vld.idx.msk [tilespmem:v63+s17+$0x0], $0xffff  }
0x81: {  	v61 =	vor.u32 v13, v53;
	_ =	sdelay $0x3  }
0x82: {  	[tilespmem:v60+s18+$0x0] =	vst.idx.add.f32.msk $0xffff, v55  }
0x83: {  	v62 =	vor.u32 v13, v54;
	v55 =	vld.idx.msk [tilespmem:v61+s17+$0x0], $0xffff  }
0x84: {  	v63 =	vor.u32 v14, v53;
	_ =	sdelay $0x3  }
0x85: {  	[tilespmem:v62+s18+$0x0] =	vst.idx.add.f32.msk $0xffff, v55  }
0x86: {  	v60 =	vor.u32 v14, v54;
	v55 =	vld.idx.msk [tilespmem:v63+s17+$0x0], $0xffff  }
0x87: {  	v61 =	vor.u32 v15, v53;
	_ =	sdelay $0x3  }
0x88: {  	[tilespmem:v60+s18+$0x0] =	vst.idx.add.f32.msk $0xffff, v55  }
0x89: {  	v62 =	vor.u32 v15, v54;
	v55 =	vld.idx.msk [tilespmem:v61+s17+$0x0], $0xffff  }
0x8a: {  	v63 =	vor.u32 v16, v53;
	_ =	sdelay $0x3  }
0x8b: {  	[tilespmem:v62+s18+$0x0] =	vst.idx.add.f32.msk $0xffff, v55  }
0x8c: {  	v60 =	vor.u32 v16, v54;
	v55 =	vld.idx.msk [tilespmem:v63+s17+$0x0], $0xffff  }
0x8d: {  	v61 =	vor.u32 v17, v53;
	_ =	sdelay $0x3  }
0x8e: {  	[tilespmem:v60+s18+$0x0] =	vst.idx.add.f32.msk $0xffff, v55  }
0x8f: {  	v62 =	vor.u32 v17, v54;
	v55 =	vld.idx.msk [tilespmem:v61+s17+$0x0], $0xffff  }
0x90: {  	v63 =	vor.u32 v18, v53;
	_ =	sdelay $0x3  }
0x91: {  	[tilespmem:v62+s18+$0x0] =	vst.idx.add.f32.msk $0xffff, v55  }
0x92: {  	v60 =	vor.u32 v18, v54;
	v55 =	vld.idx.msk [tilespmem:v63+s17+$0x0], $0xffff  }
0x93: {  	v61 =	vadd.s32 v19, v53;
	_ =	sdelay $0x3  }
0x94: {  	[tilespmem:v60+s18+$0x0] =	vst.idx.add.f32.msk $0xffff, v55  }
0x95: {  	v62 =	vadd.s32 v19, v54;
	v55 =	vld.idx.msk [tilespmem:v61+s17+$0x0], $0xffff  }
0x96: {  	v63 =	vadd.s32 v20, v53;
	_ =	sdelay $0x3  }
0x97: {  	[tilespmem:v62+s18+$0x0] =	vst.idx.add.f32.msk $0xffff, v55  }
0x98: {  	v60 =	vadd.s32 v20, v54;
	v55 =	vld.idx.msk [tilespmem:v63+s17+$0x0], $0xffff  }
0x99: {  	v61 =	vadd.s32 v21, v53;
	_ =	sdelay $0x3  }
0x9a: {  	[tilespmem:v60+s18+$0x0] =	vst.idx.add.f32.msk $0xffff, v55  }
0x9b: {  	v62 =	vadd.s32 v21, v54;
	v55 =	vld.idx.msk [tilespmem:v61+s17+$0x0], $0xffff  }
0x9c: {  	v63 =	vadd.s32 v22, v53;
	_ =	sdelay $0x3  }
0x9d: {  	[tilespmem:v62+s18+$0x0] =	vst.idx.add.f32.msk $0xffff, v55  }
0x9e: {  	v60 =	vadd.s32 v22, v54;
	v55 =	vld.idx.msk [tilespmem:v63+s17+$0x0], $0xffff  }
0x9f: {  	v61 =	vadd.s32 v23, v53;
	_ =	sdelay $0x3  }
0xa0: {  	[tilespmem:v60+s18+$0x0] =	vst.idx.add.f32.msk $0xffff, v55  }
0xa1: {  	v62 =	vadd.s32 v23, v54;
	v55 =	vld.idx.msk [tilespmem:v61+s17+$0x0], $0xffff  }
0xa2: {  	v63 =	vadd.s32 v24, v53;
	_ =	sdelay $0x3  }
0xa3: {  	[tilespmem:v62+s18+$0x0] =	vst.idx.add.f32.msk $0xffff, v55  }
0xa4: {  	v60 =	vadd.s32 v24, v54;
	v55 =	vld.idx.msk [tilespmem:v63+s17+$0x0], $0xffff  }
0xa5: {  	v61 =	vadd.s32 v25, v53;
	_ =	sdelay $0x3  }
0xa6: {  	[tilespmem:v60+s18+$0x0] =	vst.idx.add.f32.msk $0xffff, v55  }
0xa7: {  	v62 =	vadd.s32 v25, v54;
	v55 =	vld.idx.msk [tilespmem:v61+s17+$0x0], $0xffff  }
0xa8: {  	v63 =	vadd.s32 v26, v53;
	_ =	sdelay $0x3  }
0xa9: {  	[tilespmem:v62+s18+$0x0] =	vst.idx.add.f32.msk $0xffff, v55  }
0xaa: {  	v60 =	vadd.s32 v26, v54;
	v55 =	vld.idx.msk [tilespmem:v63+s17+$0x0], $0xffff  }
0xab: {  	v61 =	vadd.s32 v27, v53;
	_ =	sdelay $0x3  }
0xac: {  	[tilespmem:v60+s18+$0x0] =	vst.idx.add.f32.msk $0xffff, v55  }
0xad: {  	v62 =	vadd.s32 v27, v54;
	v55 =	vld.idx.msk [tilespmem:v61+s17+$0x0], $0xffff  }
0xae: {  	v63 =	vadd.s32 v28, v53;
	_ =	sdelay $0x3  }
0xaf: {  	[tilespmem:v62+s18+$0x0] =	vst.idx.add.f32.msk $0xffff, v55  }
0xb0: {  	v60 =	vadd.s32 v28, v54;
	v55 =	vld.idx.msk [tilespmem:v63+s17+$0x0], $0xffff  }
0xb1: {  	v61 =	vadd.s32 v29, v53;
	_ =	sdelay $0x3  }
0xb2: {  	[tilespmem:v60+s18+$0x0] =	vst.idx.add.f32.msk $0xffff, v55  }
0xb3: {  	v62 =	vadd.s32 v29, v54;
	v55 =	vld.idx.msk [tilespmem:v61+s17+$0x0], $0xffff  }
0xb4: {  	v63 =	vadd.s32 v30, v53;
	_ =	sdelay $0x3  }
0xb5: {  	[tilespmem:v62+s18+$0x0] =	vst.idx.add.f32.msk $0xffff, v55  }
0xb6: {  	v60 =	vadd.s32 v30, v54;
	v55 =	vld.idx.msk [tilespmem:v63+s17+$0x0], $0xffff  }
0xb7: {  	v61 =	vadd.s32 v31, v53;
	_ =	sdelay $0x3  }
0xb8: {  	[tilespmem:v60+s18+$0x0] =	vst.idx.add.f32.msk $0xffff, v55  }
0xb9: {  	v62 =	vadd.s32 v31, v54;
	v55 =	vld.idx.msk [tilespmem:v61+s17+$0x0], $0xffff  }
0xba: {  	v63 =	vadd.s32 v32, v53;
	_ =	sdelay $0x3  }
0xbb: {  	[tilespmem:v62+s18+$0x0] =	vst.idx.add.f32.msk $0xffff, v55  }
0xbc: {  	v60 =	vadd.s32 v32, v54;
	v55 =	vld.idx.msk [tilespmem:v63+s17+$0x0], $0xffff  }
0xbd: {  	v61 =	vadd.s32 v33, v53;
	_ =	sdelay $0x3  }
0xbe: {  	[tilespmem:v60+s18+$0x0] =	vst.idx.add.f32.msk $0xffff, v55  }
0xbf: {  	v62 =	vadd.s32 v33, v54;
	v55 =	vld.idx.msk [tilespmem:v61+s17+$0x0], $0xffff  }
0xc0: {  	v63 =	vadd.s32 v34, v53;
	_ =	sdelay $0x3  }
0xc1: {  	[tilespmem:v62+s18+$0x0] =	vst.idx.add.f32.msk $0xffff, v55  }
0xc2: {  	v60 =	vadd.s32 v34, v54;
	v55 =	vld.idx.msk [tilespmem:v63+s17+$0x0], $0xffff  }
0xc3: {  	v61 =	vadd.s32 v35, v53;
	_ =	sdelay $0x3  }
0xc4: {  	[tilespmem:v60+s18+$0x0] =	vst.idx.add.f32.msk $0xffff, v55  }
0xc5: {  	v62 =	vadd.s32 v35, v54;
	v55 =	vld.idx.msk [tilespmem:v61+s17+$0x0], $0xffff  }
0xc6: {  	v63 =	vadd.s32 v36, v53;
	_ =	sdelay $0x3  }
0xc7: {  	[tilespmem:v62+s18+$0x0] =	vst.idx.add.f32.msk $0xffff, v55  }
0xc8: {  	v60 =	vadd.s32 v36, v54;
	v55 =	vld.idx.msk [tilespmem:v63+s17+$0x0], $0xffff  }
0xc9: {  	v61 =	vadd.s32 v37, v53;
	_ =	sdelay $0x3  }
0xca: {  	[tilespmem:v60+s18+$0x0] =	vst.idx.add.f32.msk $0xffff, v55  }
0xcb: {  	v62 =	vadd.s32 v37, v54;
	v55 =	vld.idx.msk [tilespmem:v61+s17+$0x0], $0xffff  }
0xcc: {  	v63 =	vadd.s32 v38, v53;
	_ =	sdelay $0x3  }
0xcd: {  	[tilespmem:v62+s18+$0x0] =	vst.idx.add.f32.msk $0xffff, v55  }
0xce: {  	v60 =	vadd.s32 v38, v54;
	v55 =	vld.idx.msk [tilespmem:v63+s17+$0x0], $0xffff  }
0xcf: {  	v61 =	vadd.s32 v39, v53;
	_ =	sdelay $0x3  }
0xd0: {  	[tilespmem:v60+s18+$0x0] =	vst.idx.add.f32.msk $0xffff, v55  }
0xd1: {  	v62 =	vadd.s32 v39, v54;
	v55 =	vld.idx.msk [tilespmem:v61+s17+$0x0], $0xffff  }
0xd2: {  	v63 =	vadd.s32 v40, v53;
	_ =	sdelay $0x3  }
0xd3: {  	[tilespmem:v62+s18+$0x0] =	vst.idx.add.f32.msk $0xffff, v55  }
0xd4: {  	v60 =	vadd.s32 v40, v54;
	v55 =	vld.idx.msk [tilespmem:v63+s17+$0x0], $0xffff  }
0xd5: {  	v61 =	vadd.s32 v41, v53;
	_ =	sdelay $0x3  }
0xd6: {  	[tilespmem:v60+s18+$0x0] =	vst.idx.add.f32.msk $0xffff, v55  }
0xd7: {  	v62 =	vadd.s32 v41, v54;
	v55 =	vld.idx.msk [tilespmem:v61+s17+$0x0], $0xffff  }
0xd8: {  	v63 =	vadd.s32 v42, v53;
	_ =	sdelay $0x3  }
0xd9: {  	[tilespmem:v62+s18+$0x0] =	vst.idx.add.f32.msk $0xffff, v55  }
0xda: {  	v60 =	vadd.s32 v42, v54;
	v55 =	vld.idx.msk [tilespmem:v63+s17+$0x0], $0xffff  }
0xdb: {  	v61 =	vadd.s32 v43, v53;
	_ =	sdelay $0x3  }
0xdc: {  	[tilespmem:v60+s18+$0x0] =	vst.idx.add.f32.msk $0xffff, v55  }
0xdd: {  	v62 =	vadd.s32 v43, v54;
	v55 =	vld.idx.msk [tilespmem:v61+s17+$0x0], $0xffff  }
0xde: {  	v63 =	vadd.s32 v44, v53;
	_ =	sdelay $0x3  }
0xdf: {  	[tilespmem:v62+s18+$0x0] =	vst.idx.add.f32.msk $0xffff, v55  }
0xe0: {  	v60 =	vadd.s32 v44, v54;
	v55 =	vld.idx.msk [tilespmem:v63+s17+$0x0], $0xffff  }
0xe1: {  	v61 =	vadd.s32 v45, v53;
	_ =	sdelay $0x3  }
0xe2: {  	[tilespmem:v60+s18+$0x0] =	vst.idx.add.f32.msk $0xffff, v55  }
0xe3: {  	v62 =	vadd.s32 v45, v54;
	v55 =	vld.idx.msk [tilespmem:v61+s17+$0x0], $0xffff  }
0xe4: {  	v63 =	vadd.s32 v46, v53;
	_ =	sdelay $0x3  }
0xe5: {  	[tilespmem:v62+s18+$0x0] =	vst.idx.add.f32.msk $0xffff, v55  }
0xe6: {  	v60 =	vadd.s32 v46, v54;
	v55 =	vld.idx.msk [tilespmem:v63+s17+$0x0], $0xffff  }
0xe7: {  	v61 =	vadd.s32 v47, v53;
	_ =	sdelay $0x3  }
0xe8: {  	[tilespmem:v60+s18+$0x0] =	vst.idx.add.f32.msk $0xffff, v55  }
0xe9: {  	v62 =	vadd.s32 v47, v54;
	v55 =	vld.idx.msk [tilespmem:v61+s17+$0x0], $0xffff  }
0xea: {  	v63 =	vadd.s32 v48, v53;
	_ =	sdelay $0x3  }
0xeb: {  	[tilespmem:v62+s18+$0x0] =	vst.idx.add.f32.msk $0xffff, v55  }
0xec: {  	v60 =	vadd.s32 v48, v54;
	v55 =	vld.idx.msk [tilespmem:v63+s17+$0x0], $0xffff  }
0xed: {  	v61 =	vadd.s32 v49, v53;
	_ =	sdelay $0x3  }
0xee: {  	[tilespmem:v60+s18+$0x0] =	vst.idx.add.f32.msk $0xffff, v55  }
0xef: {  	v62 =	vadd.s32 v49, v54;
	v55 =	vld.idx.msk [tilespmem:v61+s17+$0x0], $0xffff  }
0xf0: {  	v58 =	vadd.s32 v50, v53;
	_ =	sdelay $0x3  }
0xf1: {  	[tilespmem:v62+s18+$0x0] =	vst.idx.add.f32.msk $0xffff, v55  }
0xf2: {  	s28 =	simm.s32 $0x1;
	v54 =	vadd.s32 v50, v54;
	v58 =	vld.idx.msk [tilespmem:v58+s17+$0x0], $0xffff  }
0xf3: {  	v57 =	vmov s28  }
0xf4: {  	v63 =	vshrl.u32 v57, $0x3  }
0xf5: {  	s28 =	simm.s32 $0x2;
	v56 =	vshll.u32 v57, $0x7;
	v53 =	vmov s4;
	v55 =	vmul.u32 $0x1800, v63  }
.LBB2_3:
0xf6: {  	_ = 	snop  }
0xf7: {  	p1 =	sne.s32 s28, $0x1F;
	[tilespmem:v54+s18+$0x0] =	vst.idx.add.f32.msk $0xffff, v58;
	s29 =	smov.u32 s28;
	s28 =	sadd.s32 $0x1, s28  }
0xf8: {  	v54 =	vld.idx.msk [tilespmem:v57+s0+$0x0], $0xffff;
	_ =	sdelay $0x5  }
0xf9: {  	v57 =	vshrl.u32 v54, $0x3;
	v54 =	vshll.u32 v54, $0x7  }
0xfa: {  	v57 =	vmul.u32 $0x1800, v57  }
0xfb: {  	v54 =	vand.u32 $0x380, v54  }
0xfc: {  	v54 =	vor.u32 v54, v57  }
0xfd: {  	v57 =	vor.u32 v0, v54;
	_ =	sdelay $0x3  }
0xfe: {  	v56 =	vand.u32 $0x380, v56  }
0xff: {  	v55 =	vor.u32 v56, v55;
	v57 =	vld.idx.msk [tilespmem:v57+s17+$0x0], $0xffff  }
0x100: {  	v56 =	vor.u32 v0, v55  }
0x101: {  	v58 =	vor.u32 v1, v54;
	_ =	sdelay $0x3  }
0x102: {  	[tilespmem:v56+s18+$0x0] =	vst.idx.add.f32.msk $0xffff, v57  }
0x103: {  	v56 =	vld.idx.msk [tilespmem:v58+s17+$0x0], $0xffff  }
0x104: {  	v57 =	vor.u32 v1, v55  }
0x105: {  	v58 =	vor.u32 v2, v54;
	_ =	sdelay $0x3  }
0x106: {  	[tilespmem:v57+s18+$0x0] =	vst.idx.add.f32.msk $0xffff, v56  }
0x107: {  	v56 =	vld.idx.msk [tilespmem:v58+s17+$0x0], $0xffff  }
0x108: {  	v57 =	vor.u32 v2, v55  }
0x109: {  	v58 =	vor.u32 v6, v54;
	_ =	sdelay $0x3  }
0x10a: {  	[tilespmem:v57+s18+$0x0] =	vst.idx.add.f32.msk $0xffff, v56  }
0x10b: {  	v56 =	vld.idx.msk [tilespmem:v58+s17+$0x0], $0xffff  }
0x10c: {  	v57 =	vor.u32 v6, v55  }
0x10d: {  	v58 =	vor.u32 v7, v54;
	_ =	sdelay $0x3  }
0x10e: {  	[tilespmem:v57+s18+$0x0] =	vst.idx.add.f32.msk $0xffff, v56  }
0x10f: {  	v56 =	vld.idx.msk [tilespmem:v58+s17+$0x0], $0xffff  }
0x110: {  	v57 =	vor.u32 v7, v55  }
0x111: {  	v58 =	vor.u32 v8, v54;
	_ =	sdelay $0x3  }
0x112: {  	[tilespmem:v57+s18+$0x0] =	vst.idx.add.f32.msk $0xffff, v56  }
0x113: {  	v56 =	vld.idx.msk [tilespmem:v58+s17+$0x0], $0xffff  }
0x114: {  	v57 =	vor.u32 v8, v55  }
0x115: {  	v58 =	vor.u32 v9, v54;
	_ =	sdelay $0x3  }
0x116: {  	[tilespmem:v57+s18+$0x0] =	vst.idx.add.f32.msk $0xffff, v56  }
0x117: {  	v56 =	vld.idx.msk [tilespmem:v58+s17+$0x0], $0xffff  }
0x118: {  	v57 =	vor.u32 v9, v55  }
0x119: {  	v58 =	vor.u32 v10, v54;
	_ =	sdelay $0x3  }
0x11a: {  	[tilespmem:v57+s18+$0x0] =	vst.idx.add.f32.msk $0xffff, v56  }
0x11b: {  	v56 =	vld.idx.msk [tilespmem:v58+s17+$0x0], $0xffff  }
0x11c: {  	v57 =	vor.u32 v10, v55  }
0x11d: {  	v58 =	vor.u32 v11, v54;
	_ =	sdelay $0x3  }
0x11e: {  	[tilespmem:v57+s18+$0x0] =	vst.idx.add.f32.msk $0xffff, v56  }
0x11f: {  	v56 =	vld.idx.msk [tilespmem:v58+s17+$0x0], $0xffff  }
0x120: {  	v57 =	vor.u32 v11, v55  }
0x121: {  	v58 =	vor.u32 v12, v54;
	_ =	sdelay $0x3  }
0x122: {  	[tilespmem:v57+s18+$0x0] =	vst.idx.add.f32.msk $0xffff, v56  }
0x123: {  	v56 =	vld.idx.msk [tilespmem:v58+s17+$0x0], $0xffff  }
0x124: {  	v57 =	vor.u32 v12, v55  }
0x125: {  	v58 =	vor.u32 v13, v54;
	_ =	sdelay $0x3  }
0x126: {  	[tilespmem:v57+s18+$0x0] =	vst.idx.add.f32.msk $0xffff, v56  }
0x127: {  	v56 =	vld.idx.msk [tilespmem:v58+s17+$0x0], $0xffff  }
0x128: {  	v57 =	vor.u32 v13, v55  }
0x129: {  	v58 =	vor.u32 v14, v54;
	_ =	sdelay $0x3  }
0x12a: {  	[tilespmem:v57+s18+$0x0] =	vst.idx.add.f32.msk $0xffff, v56  }
0x12b: {  	v56 =	vld.idx.msk [tilespmem:v58+s17+$0x0], $0xffff  }
0x12c: {  	v57 =	vor.u32 v14, v55  }
0x12d: {  	v58 =	vor.u32 v15, v54;
	_ =	sdelay $0x3  }
0x12e: {  	[tilespmem:v57+s18+$0x0] =	vst.idx.add.f32.msk $0xffff, v56  }
0x12f: {  	v56 =	vld.idx.msk [tilespmem:v58+s17+$0x0], $0xffff  }
0x130: {  	v57 =	vor.u32 v15, v55  }
0x131: {  	v58 =	vor.u32 v16, v54;
	_ =	sdelay $0x3  }
0x132: {  	[tilespmem:v57+s18+$0x0] =	vst.idx.add.f32.msk $0xffff, v56  }
0x133: {  	v56 =	vld.idx.msk [tilespmem:v58+s17+$0x0], $0xffff  }
0x134: {  	v57 =	vor.u32 v16, v55  }
0x135: {  	v58 =	vor.u32 v17, v54;
	_ =	sdelay $0x3  }
0x136: {  	[tilespmem:v57+s18+$0x0] =	vst.idx.add.f32.msk $0xffff, v56  }
0x137: {  	v56 =	vld.idx.msk [tilespmem:v58+s17+$0x0], $0xffff  }
0x138: {  	v57 =	vor.u32 v17, v55  }
0x139: {  	v58 =	vor.u32 v18, v54;
	_ =	sdelay $0x3  }
0x13a: {  	[tilespmem:v57+s18+$0x0] =	vst.idx.add.f32.msk $0xffff, v56  }
0x13b: {  	v56 =	vld.idx.msk [tilespmem:v58+s17+$0x0], $0xffff  }
0x13c: {  	v57 =	vor.u32 v18, v55  }
0x13d: {  	v58 =	vadd.s32 v19, v54;
	_ =	sdelay $0x3  }
0x13e: {  	[tilespmem:v57+s18+$0x0] =	vst.idx.add.f32.msk $0xffff, v56  }
0x13f: {  	v56 =	vld.idx.msk [tilespmem:v58+s17+$0x0], $0xffff  }
0x140: {  	v57 =	vadd.s32 v19, v55  }
0x141: {  	v58 =	vadd.s32 v20, v54;
	_ =	sdelay $0x3  }
0x142: {  	[tilespmem:v57+s18+$0x0] =	vst.idx.add.f32.msk $0xffff, v56  }
0x143: {  	v56 =	vld.idx.msk [tilespmem:v58+s17+$0x0], $0xffff  }
0x144: {  	v57 =	vadd.s32 v20, v55  }
0x145: {  	v58 =	vadd.s32 v21, v54;
	_ =	sdelay $0x3  }
0x146: {  	[tilespmem:v57+s18+$0x0] =	vst.idx.add.f32.msk $0xffff, v56  }
0x147: {  	v56 =	vld.idx.msk [tilespmem:v58+s17+$0x0], $0xffff  }
0x148: {  	v57 =	vadd.s32 v21, v55  }
0x149: {  	v58 =	vadd.s32 v22, v54;
	_ =	sdelay $0x3  }
0x14a: {  	[tilespmem:v57+s18+$0x0] =	vst.idx.add.f32.msk $0xffff, v56  }
0x14b: {  	v56 =	vld.idx.msk [tilespmem:v58+s17+$0x0], $0xffff  }
0x14c: {  	v57 =	vadd.s32 v22, v55  }
0x14d: {  	v58 =	vadd.s32 v23, v54;
	_ =	sdelay $0x3  }
0x14e: {  	[tilespmem:v57+s18+$0x0] =	vst.idx.add.f32.msk $0xffff, v56  }
0x14f: {  	v56 =	vld.idx.msk [tilespmem:v58+s17+$0x0], $0xffff  }
0x150: {  	v57 =	vadd.s32 v23, v55  }
0x151: {  	v58 =	vadd.s32 v24, v54;
	_ =	sdelay $0x3  }
0x152: {  	[tilespmem:v57+s18+$0x0] =	vst.idx.add.f32.msk $0xffff, v56  }
0x153: {  	v56 =	vld.idx.msk [tilespmem:v58+s17+$0x0], $0xffff  }
0x154: {  	v57 =	vadd.s32 v24, v55  }
0x155: {  	v58 =	vadd.s32 v25, v54;
	_ =	sdelay $0x3  }
0x156: {  	[tilespmem:v57+s18+$0x0] =	vst.idx.add.f32.msk $0xffff, v56  }
0x157: {  	v56 =	vld.idx.msk [tilespmem:v58+s17+$0x0], $0xffff  }
0x158: {  	v57 =	vadd.s32 v25, v55  }
0x159: {  	v58 =	vadd.s32 v26, v54;
	_ =	sdelay $0x3  }
0x15a: {  	[tilespmem:v57+s18+$0x0] =	vst.idx.add.f32.msk $0xffff, v56  }
0x15b: {  	v56 =	vld.idx.msk [tilespmem:v58+s17+$0x0], $0xffff  }
0x15c: {  	v57 =	vadd.s32 v26, v55  }
0x15d: {  	v58 =	vadd.s32 v27, v54;
	_ =	sdelay $0x3  }
0x15e: {  	[tilespmem:v57+s18+$0x0] =	vst.idx.add.f32.msk $0xffff, v56  }
0x15f: {  	v56 =	vld.idx.msk [tilespmem:v58+s17+$0x0], $0xffff  }
0x160: {  	v57 =	vadd.s32 v27, v55  }
0x161: {  	v58 =	vadd.s32 v28, v54;
	_ =	sdelay $0x3  }
0x162: {  	[tilespmem:v57+s18+$0x0] =	vst.idx.add.f32.msk $0xffff, v56  }
0x163: {  	v56 =	vld.idx.msk [tilespmem:v58+s17+$0x0], $0xffff  }
0x164: {  	v57 =	vadd.s32 v28, v55  }
0x165: {  	v58 =	vadd.s32 v29, v54;
	_ =	sdelay $0x3  }
0x166: {  	[tilespmem:v57+s18+$0x0] =	vst.idx.add.f32.msk $0xffff, v56  }
0x167: {  	v56 =	vld.idx.msk [tilespmem:v58+s17+$0x0], $0xffff  }
0x168: {  	v57 =	vadd.s32 v29, v55  }
0x169: {  	v58 =	vadd.s32 v30, v54;
	_ =	sdelay $0x3  }
0x16a: {  	[tilespmem:v57+s18+$0x0] =	vst.idx.add.f32.msk $0xffff, v56  }
0x16b: {  	v56 =	vld.idx.msk [tilespmem:v58+s17+$0x0], $0xffff  }
0x16c: {  	v57 =	vadd.s32 v30, v55  }
0x16d: {  	v58 =	vadd.s32 v31, v54;
	_ =	sdelay $0x3  }
0x16e: {  	[tilespmem:v57+s18+$0x0] =	vst.idx.add.f32.msk $0xffff, v56  }
0x16f: {  	v56 =	vld.idx.msk [tilespmem:v58+s17+$0x0], $0xffff  }
0x170: {  	v57 =	vadd.s32 v31, v55  }
0x171: {  	v58 =	vadd.s32 v32, v54;
	_ =	sdelay $0x3  }
0x172: {  	[tilespmem:v57+s18+$0x0] =	vst.idx.add.f32.msk $0xffff, v56  }
0x173: {  	v56 =	vld.idx.msk [tilespmem:v58+s17+$0x0], $0xffff  }
0x174: {  	v57 =	vadd.s32 v32, v55  }
0x175: {  	v58 =	vadd.s32 v33, v54;
	_ =	sdelay $0x3  }
0x176: {  	[tilespmem:v57+s18+$0x0] =	vst.idx.add.f32.msk $0xffff, v56  }
0x177: {  	v56 =	vld.idx.msk [tilespmem:v58+s17+$0x0], $0xffff  }
0x178: {  	v57 =	vadd.s32 v33, v55  }
0x179: {  	v58 =	vadd.s32 v34, v54;
	_ =	sdelay $0x3  }
0x17a: {  	[tilespmem:v57+s18+$0x0] =	vst.idx.add.f32.msk $0xffff, v56  }
0x17b: {  	v56 =	vld.idx.msk [tilespmem:v58+s17+$0x0], $0xffff  }
0x17c: {  	v57 =	vadd.s32 v34, v55  }
0x17d: {  	v58 =	vadd.s32 v35, v54;
	_ =	sdelay $0x3  }
0x17e: {  	[tilespmem:v57+s18+$0x0] =	vst.idx.add.f32.msk $0xffff, v56  }
0x17f: {  	v56 =	vld.idx.msk [tilespmem:v58+s17+$0x0], $0xffff  }
0x180: {  	v57 =	vadd.s32 v35, v55  }
0x181: {  	v58 =	vadd.s32 v36, v54;
	_ =	sdelay $0x3  }
0x182: {  	[tilespmem:v57+s18+$0x0] =	vst.idx.add.f32.msk $0xffff, v56  }
0x183: {  	v56 =	vld.idx.msk [tilespmem:v58+s17+$0x0], $0xffff  }
0x184: {  	v57 =	vadd.s32 v36, v55  }
0x185: {  	v58 =	vadd.s32 v37, v54;
	_ =	sdelay $0x3  }
0x186: {  	[tilespmem:v57+s18+$0x0] =	vst.idx.add.f32.msk $0xffff, v56  }
0x187: {  	v56 =	vld.idx.msk [tilespmem:v58+s17+$0x0], $0xffff  }
0x188: {  	v57 =	vadd.s32 v37, v55  }
0x189: {  	v58 =	vadd.s32 v38, v54;
	_ =	sdelay $0x3  }
0x18a: {  	[tilespmem:v57+s18+$0x0] =	vst.idx.add.f32.msk $0xffff, v56  }
0x18b: {  	v56 =	vld.idx.msk [tilespmem:v58+s17+$0x0], $0xffff  }
0x18c: {  	v57 =	vadd.s32 v38, v55  }
0x18d: {  	v58 =	vadd.s32 v39, v54;
	_ =	sdelay $0x3  }
0x18e: {  	[tilespmem:v57+s18+$0x0] =	vst.idx.add.f32.msk $0xffff, v56  }
0x18f: {  	v56 =	vld.idx.msk [tilespmem:v58+s17+$0x0], $0xffff  }
0x190: {  	v57 =	vadd.s32 v39, v55  }
0x191: {  	v58 =	vadd.s32 v40, v54;
	_ =	sdelay $0x3  }
0x192: {  	[tilespmem:v57+s18+$0x0] =	vst.idx.add.f32.msk $0xffff, v56  }
0x193: {  	v56 =	vld.idx.msk [tilespmem:v58+s17+$0x0], $0xffff  }
0x194: {  	v57 =	vadd.s32 v40, v55  }
0x195: {  	v58 =	vadd.s32 v41, v54;
	_ =	sdelay $0x3  }
0x196: {  	[tilespmem:v57+s18+$0x0] =	vst.idx.add.f32.msk $0xffff, v56  }
0x197: {  	v56 =	vld.idx.msk [tilespmem:v58+s17+$0x0], $0xffff  }
0x198: {  	v57 =	vadd.s32 v41, v55  }
0x199: {  	v58 =	vadd.s32 v42, v54;
	_ =	sdelay $0x3  }
0x19a: {  	[tilespmem:v57+s18+$0x0] =	vst.idx.add.f32.msk $0xffff, v56  }
0x19b: {  	v56 =	vld.idx.msk [tilespmem:v58+s17+$0x0], $0xffff  }
0x19c: {  	v57 =	vadd.s32 v42, v55  }
0x19d: {  	v58 =	vadd.s32 v43, v54;
	_ =	sdelay $0x3  }
0x19e: {  	[tilespmem:v57+s18+$0x0] =	vst.idx.add.f32.msk $0xffff, v56  }
0x19f: {  	v56 =	vld.idx.msk [tilespmem:v58+s17+$0x0], $0xffff  }
0x1a0: {  	v57 =	vadd.s32 v43, v55  }
0x1a1: {  	v58 =	vadd.s32 v44, v54;
	_ =	sdelay $0x3  }
0x1a2: {  	[tilespmem:v57+s18+$0x0] =	vst.idx.add.f32.msk $0xffff, v56  }
0x1a3: {  	v56 =	vld.idx.msk [tilespmem:v58+s17+$0x0], $0xffff  }
0x1a4: {  	v57 =	vadd.s32 v44, v55  }
0x1a5: {  	v58 =	vadd.s32 v45, v54;
	_ =	sdelay $0x3  }
0x1a6: {  	[tilespmem:v57+s18+$0x0] =	vst.idx.add.f32.msk $0xffff, v56  }
0x1a7: {  	v56 =	vld.idx.msk [tilespmem:v58+s17+$0x0], $0xffff  }
0x1a8: {  	v57 =	vadd.s32 v45, v55  }
0x1a9: {  	v58 =	vadd.s32 v46, v54;
	_ =	sdelay $0x3  }
0x1aa: {  	[tilespmem:v57+s18+$0x0] =	vst.idx.add.f32.msk $0xffff, v56  }
0x1ab: {  	v56 =	vld.idx.msk [tilespmem:v58+s17+$0x0], $0xffff  }
0x1ac: {  	v57 =	vadd.s32 v46, v55  }
0x1ad: {  	v58 =	vadd.s32 v47, v54;
	_ =	sdelay $0x3  }
0x1ae: {  	[tilespmem:v57+s18+$0x0] =	vst.idx.add.f32.msk $0xffff, v56  }
0x1af: {  	v56 =	vld.idx.msk [tilespmem:v58+s17+$0x0], $0xffff  }
0x1b0: {  	v57 =	vadd.s32 v47, v55  }
0x1b1: {  	v58 =	vadd.s32 v48, v54;
	_ =	sdelay $0x3  }
0x1b2: {  	[tilespmem:v57+s18+$0x0] =	vst.idx.add.f32.msk $0xffff, v56  }
0x1b3: {  	v56 =	vld.idx.msk [tilespmem:v58+s17+$0x0], $0xffff  }
0x1b4: {  	v57 =	vadd.s32 v48, v55  }
0x1b5: {  	v58 =	vadd.s32 v49, v54;
	_ =	sdelay $0x3  }
0x1b6: {  	[tilespmem:v57+s18+$0x0] =	vst.idx.add.f32.msk $0xffff, v56  }
0x1b7: {  	v56 =	vld.idx.msk [tilespmem:v58+s17+$0x0], $0xffff  }
0x1b8: {  	v57 =	vadd.s32 v49, v55  }
0x1b9: {  	v54 =	vadd.s32 v50, v54;
	_ =	sdelay $0x3  }
0x1ba: {  	[tilespmem:v57+s18+$0x0] =	vst.idx.add.f32.msk $0xffff, v56  }
.Ltmp0:
0x1bb: {  	v58 =	vld.idx.msk [tilespmem:v54+s17+$0x0], $0xffff;
	(pc) =	sbr.rel @p1 .LBB2_3-.Ltmp0, $4  }
0x1bc: {  	v54 =	vadd.s32 v50, v55  }
0x1bd: {  	v57 =	vmov s29  }
0x1be: {  	v55 =	vshrl.u32 v57, $0x3;
	v56 =	vshll.u32 v57, $0x7  }
0x1bf: {  	v55 =	vmul.u32 $0x1800, v55  }
0x1c0: {  	_ =	sdelay $0x3  }
0x1c1: {  	[tilespmem:v54+s18+$0x0] =	vst.idx.add.f32.msk $0xffff, v58  }
0x1c2: {  	v54 =	vld.idx.msk [tilespmem:v57+s0+$0x0], $0xffff;
	_ =	sdelay $0x4  }
0x1c3: {  	v57 =	vshrl.u32 v54, $0x3  }
0x1c4: {  	v54 =	vshll.u32 v54, $0x7;
	v57 =	vmul.u32 $0x1800, v57  }
0x1c5: {  	v54 =	vand.u32 $0x380, v54  }
0x1c6: {  	v54 =	vor.u32 v54, v57  }
0x1c7: {  	v57 =	vor.u32 v0, v54;
	_ =	sdelay $0x2  }
0x1c8: {  	v56 =	vand.u32 $0x380, v56  }
0x1c9: {  	v55 =	vor.u32 v56, v55  }
0x1ca: {  	v63 =	vor.u32 v0, v55;
	v62 =	vld.idx.msk [tilespmem:v57+s17+$0x0], $0xffff  }
0x1cb: {  	v60 =	vor.u32 v1, v54;
	_ =	sdelay $0x3  }
0x1cc: {  	[tilespmem:v63+s18+$0x0] =	vst.idx.add.f32.msk $0xffff, v62  }
0x1cd: {  	v61 =	vor.u32 v1, v55;
	v56 =	vld.idx.msk [tilespmem:v60+s17+$0x0], $0xffff  }
0x1ce: {  	v62 =	vor.u32 v2, v54;
	_ =	sdelay $0x3  }
0x1cf: {  	[tilespmem:v61+s18+$0x0] =	vst.idx.add.f32.msk $0xffff, v56  }
0x1d0: {  	v63 =	vor.u32 v2, v55;
	v56 =	vld.idx.msk [tilespmem:v62+s17+$0x0], $0xffff  }
0x1d1: {  	v60 =	vor.u32 v6, v54;
	_ =	sdelay $0x3  }
0x1d2: {  	[tilespmem:v63+s18+$0x0] =	vst.idx.add.f32.msk $0xffff, v56  }
0x1d3: {  	v61 =	vor.u32 v6, v55;
	v56 =	vld.idx.msk [tilespmem:v60+s17+$0x0], $0xffff  }
0x1d4: {  	v62 =	vor.u32 v7, v54;
	_ =	sdelay $0x3  }
0x1d5: {  	[tilespmem:v61+s18+$0x0] =	vst.idx.add.f32.msk $0xffff, v56  }
0x1d6: {  	v63 =	vor.u32 v7, v55;
	v56 =	vld.idx.msk [tilespmem:v62+s17+$0x0], $0xffff  }
0x1d7: {  	v60 =	vor.u32 v8, v54;
	_ =	sdelay $0x3  }
0x1d8: {  	[tilespmem:v63+s18+$0x0] =	vst.idx.add.f32.msk $0xffff, v56  }
0x1d9: {  	v61 =	vor.u32 v8, v55;
	v56 =	vld.idx.msk [tilespmem:v60+s17+$0x0], $0xffff  }
0x1da: {  	v62 =	vor.u32 v9, v54;
	_ =	sdelay $0x3  }
0x1db: {  	[tilespmem:v61+s18+$0x0] =	vst.idx.add.f32.msk $0xffff, v56  }
0x1dc: {  	v63 =	vor.u32 v9, v55;
	v56 =	vld.idx.msk [tilespmem:v62+s17+$0x0], $0xffff  }
0x1dd: {  	v60 =	vor.u32 v10, v54;
	_ =	sdelay $0x3  }
0x1de: {  	[tilespmem:v63+s18+$0x0] =	vst.idx.add.f32.msk $0xffff, v56  }
0x1df: {  	v61 =	vor.u32 v10, v55;
	v56 =	vld.idx.msk [tilespmem:v60+s17+$0x0], $0xffff  }
0x1e0: {  	v62 =	vor.u32 v11, v54;
	_ =	sdelay $0x3  }
0x1e1: {  	[tilespmem:v61+s18+$0x0] =	vst.idx.add.f32.msk $0xffff, v56  }
0x1e2: {  	v63 =	vor.u32 v11, v55;
	v56 =	vld.idx.msk [tilespmem:v62+s17+$0x0], $0xffff  }
0x1e3: {  	v60 =	vor.u32 v12, v54;
	_ =	sdelay $0x3  }
0x1e4: {  	[tilespmem:v63+s18+$0x0] =	vst.idx.add.f32.msk $0xffff, v56  }
0x1e5: {  	v61 =	vor.u32 v12, v55;
	v56 =	vld.idx.msk [tilespmem:v60+s17+$0x0], $0xffff  }
0x1e6: {  	v62 =	vor.u32 v13, v54;
	_ =	sdelay $0x3  }
0x1e7: {  	[tilespmem:v61+s18+$0x0] =	vst.idx.add.f32.msk $0xffff, v56  }
0x1e8: {  	v63 =	vor.u32 v13, v55;
	v56 =	vld.idx.msk [tilespmem:v62+s17+$0x0], $0xffff  }
0x1e9: {  	v60 =	vor.u32 v14, v54;
	_ =	sdelay $0x3  }
0x1ea: {  	[tilespmem:v63+s18+$0x0] =	vst.idx.add.f32.msk $0xffff, v56  }
0x1eb: {  	v61 =	vor.u32 v14, v55;
	v56 =	vld.idx.msk [tilespmem:v60+s17+$0x0], $0xffff  }
0x1ec: {  	v62 =	vor.u32 v15, v54;
	_ =	sdelay $0x3  }
0x1ed: {  	[tilespmem:v61+s18+$0x0] =	vst.idx.add.f32.msk $0xffff, v56  }
0x1ee: {  	v63 =	vor.u32 v15, v55;
	v56 =	vld.idx.msk [tilespmem:v62+s17+$0x0], $0xffff  }
0x1ef: {  	v60 =	vor.u32 v16, v54;
	_ =	sdelay $0x3  }
0x1f0: {  	[tilespmem:v63+s18+$0x0] =	vst.idx.add.f32.msk $0xffff, v56  }
0x1f1: {  	v61 =	vor.u32 v16, v55;
	v56 =	vld.idx.msk [tilespmem:v60+s17+$0x0], $0xffff  }
0x1f2: {  	v62 =	vor.u32 v17, v54;
	_ =	sdelay $0x3  }
0x1f3: {  	[tilespmem:v61+s18+$0x0] =	vst.idx.add.f32.msk $0xffff, v56  }
0x1f4: {  	v63 =	vor.u32 v17, v55;
	v56 =	vld.idx.msk [tilespmem:v62+s17+$0x0], $0xffff  }
0x1f5: {  	v60 =	vor.u32 v18, v54;
	_ =	sdelay $0x3  }
0x1f6: {  	[tilespmem:v63+s18+$0x0] =	vst.idx.add.f32.msk $0xffff, v56  }
0x1f7: {  	v61 =	vor.u32 v18, v55;
	v56 =	vld.idx.msk [tilespmem:v60+s17+$0x0], $0xffff  }
0x1f8: {  	v62 =	vadd.s32 v19, v54;
	_ =	sdelay $0x3  }
0x1f9: {  	[tilespmem:v61+s18+$0x0] =	vst.idx.add.f32.msk $0xffff, v56  }
0x1fa: {  	v63 =	vadd.s32 v19, v55;
	v56 =	vld.idx.msk [tilespmem:v62+s17+$0x0], $0xffff  }
0x1fb: {  	v60 =	vadd.s32 v20, v54;
	_ =	sdelay $0x3  }
0x1fc: {  	[tilespmem:v63+s18+$0x0] =	vst.idx.add.f32.msk $0xffff, v56  }
0x1fd: {  	v61 =	vadd.s32 v20, v55;
	v56 =	vld.idx.msk [tilespmem:v60+s17+$0x0], $0xffff  }
0x1fe: {  	v62 =	vadd.s32 v21, v54;
	_ =	sdelay $0x3  }
0x1ff: {  	[tilespmem:v61+s18+$0x0] =	vst.idx.add.f32.msk $0xffff, v56  }
0x200: {  	v63 =	vadd.s32 v21, v55;
	v56 =	vld.idx.msk [tilespmem:v62+s17+$0x0], $0xffff  }
0x201: {  	v60 =	vadd.s32 v22, v54;
	_ =	sdelay $0x3  }
0x202: {  	[tilespmem:v63+s18+$0x0] =	vst.idx.add.f32.msk $0xffff, v56  }
0x203: {  	v61 =	vadd.s32 v22, v55;
	v56 =	vld.idx.msk [tilespmem:v60+s17+$0x0], $0xffff  }
0x204: {  	v62 =	vadd.s32 v23, v54;
	_ =	sdelay $0x3  }
0x205: {  	[tilespmem:v61+s18+$0x0] =	vst.idx.add.f32.msk $0xffff, v56  }
0x206: {  	v63 =	vadd.s32 v23, v55;
	v56 =	vld.idx.msk [tilespmem:v62+s17+$0x0], $0xffff  }
0x207: {  	v60 =	vadd.s32 v24, v54;
	_ =	sdelay $0x3  }
0x208: {  	[tilespmem:v63+s18+$0x0] =	vst.idx.add.f32.msk $0xffff, v56  }
0x209: {  	v61 =	vadd.s32 v24, v55;
	v56 =	vld.idx.msk [tilespmem:v60+s17+$0x0], $0xffff  }
0x20a: {  	v62 =	vadd.s32 v25, v54;
	_ =	sdelay $0x3  }
0x20b: {  	[tilespmem:v61+s18+$0x0] =	vst.idx.add.f32.msk $0xffff, v56  }
0x20c: {  	v63 =	vadd.s32 v25, v55;
	v56 =	vld.idx.msk [tilespmem:v62+s17+$0x0], $0xffff  }
0x20d: {  	v60 =	vadd.s32 v26, v54;
	_ =	sdelay $0x3  }
0x20e: {  	[tilespmem:v63+s18+$0x0] =	vst.idx.add.f32.msk $0xffff, v56  }
0x20f: {  	v61 =	vadd.s32 v26, v55;
	v56 =	vld.idx.msk [tilespmem:v60+s17+$0x0], $0xffff  }
0x210: {  	v62 =	vadd.s32 v27, v54;
	_ =	sdelay $0x3  }
0x211: {  	[tilespmem:v61+s18+$0x0] =	vst.idx.add.f32.msk $0xffff, v56  }
0x212: {  	v63 =	vadd.s32 v27, v55;
	v56 =	vld.idx.msk [tilespmem:v62+s17+$0x0], $0xffff  }
0x213: {  	v60 =	vadd.s32 v28, v54;
	_ =	sdelay $0x3  }
0x214: {  	[tilespmem:v63+s18+$0x0] =	vst.idx.add.f32.msk $0xffff, v56  }
0x215: {  	v61 =	vadd.s32 v28, v55;
	v56 =	vld.idx.msk [tilespmem:v60+s17+$0x0], $0xffff  }
0x216: {  	v62 =	vadd.s32 v29, v54;
	_ =	sdelay $0x3  }
0x217: {  	[tilespmem:v61+s18+$0x0] =	vst.idx.add.f32.msk $0xffff, v56  }
0x218: {  	v63 =	vadd.s32 v29, v55;
	v56 =	vld.idx.msk [tilespmem:v62+s17+$0x0], $0xffff  }
0x219: {  	v60 =	vadd.s32 v30, v54;
	_ =	sdelay $0x3  }
0x21a: {  	[tilespmem:v63+s18+$0x0] =	vst.idx.add.f32.msk $0xffff, v56  }
0x21b: {  	v61 =	vadd.s32 v30, v55;
	v56 =	vld.idx.msk [tilespmem:v60+s17+$0x0], $0xffff  }
0x21c: {  	v62 =	vadd.s32 v31, v54;
	_ =	sdelay $0x3  }
0x21d: {  	[tilespmem:v61+s18+$0x0] =	vst.idx.add.f32.msk $0xffff, v56  }
0x21e: {  	v63 =	vadd.s32 v31, v55;
	v56 =	vld.idx.msk [tilespmem:v62+s17+$0x0], $0xffff  }
0x21f: {  	v60 =	vadd.s32 v32, v54;
	_ =	sdelay $0x3  }
0x220: {  	[tilespmem:v63+s18+$0x0] =	vst.idx.add.f32.msk $0xffff, v56  }
0x221: {  	v61 =	vadd.s32 v32, v55;
	v56 =	vld.idx.msk [tilespmem:v60+s17+$0x0], $0xffff  }
0x222: {  	v62 =	vadd.s32 v33, v54;
	_ =	sdelay $0x3  }
0x223: {  	[tilespmem:v61+s18+$0x0] =	vst.idx.add.f32.msk $0xffff, v56  }
0x224: {  	v63 =	vadd.s32 v33, v55;
	v56 =	vld.idx.msk [tilespmem:v62+s17+$0x0], $0xffff  }
0x225: {  	v60 =	vadd.s32 v34, v54;
	_ =	sdelay $0x3  }
0x226: {  	[tilespmem:v63+s18+$0x0] =	vst.idx.add.f32.msk $0xffff, v56  }
0x227: {  	v61 =	vadd.s32 v34, v55;
	v56 =	vld.idx.msk [tilespmem:v60+s17+$0x0], $0xffff  }
0x228: {  	v62 =	vadd.s32 v35, v54;
	_ =	sdelay $0x3  }
0x229: {  	[tilespmem:v61+s18+$0x0] =	vst.idx.add.f32.msk $0xffff, v56  }
0x22a: {  	v63 =	vadd.s32 v35, v55;
	v56 =	vld.idx.msk [tilespmem:v62+s17+$0x0], $0xffff  }
0x22b: {  	v60 =	vadd.s32 v36, v54;
	_ =	sdelay $0x3  }
0x22c: {  	[tilespmem:v63+s18+$0x0] =	vst.idx.add.f32.msk $0xffff, v56  }
0x22d: {  	v61 =	vadd.s32 v36, v55;
	v56 =	vld.idx.msk [tilespmem:v60+s17+$0x0], $0xffff  }
0x22e: {  	v62 =	vadd.s32 v37, v54;
	_ =	sdelay $0x3  }
0x22f: {  	[tilespmem:v61+s18+$0x0] =	vst.idx.add.f32.msk $0xffff, v56  }
0x230: {  	v63 =	vadd.s32 v37, v55;
	v56 =	vld.idx.msk [tilespmem:v62+s17+$0x0], $0xffff  }
0x231: {  	v60 =	vadd.s32 v38, v54;
	_ =	sdelay $0x3  }
0x232: {  	[tilespmem:v63+s18+$0x0] =	vst.idx.add.f32.msk $0xffff, v56  }
0x233: {  	v61 =	vadd.s32 v38, v55;
	v56 =	vld.idx.msk [tilespmem:v60+s17+$0x0], $0xffff  }
0x234: {  	v62 =	vadd.s32 v39, v54;
	_ =	sdelay $0x3  }
0x235: {  	[tilespmem:v61+s18+$0x0] =	vst.idx.add.f32.msk $0xffff, v56  }
0x236: {  	v63 =	vadd.s32 v39, v55;
	v56 =	vld.idx.msk [tilespmem:v62+s17+$0x0], $0xffff  }
0x237: {  	v60 =	vadd.s32 v40, v54;
	_ =	sdelay $0x3  }
0x238: {  	[tilespmem:v63+s18+$0x0] =	vst.idx.add.f32.msk $0xffff, v56  }
0x239: {  	v61 =	vadd.s32 v40, v55;
	v56 =	vld.idx.msk [tilespmem:v60+s17+$0x0], $0xffff  }
0x23a: {  	v62 =	vadd.s32 v41, v54;
	_ =	sdelay $0x3  }
0x23b: {  	[tilespmem:v61+s18+$0x0] =	vst.idx.add.f32.msk $0xffff, v56  }
0x23c: {  	v63 =	vadd.s32 v41, v55;
	v56 =	vld.idx.msk [tilespmem:v62+s17+$0x0], $0xffff  }
0x23d: {  	v60 =	vadd.s32 v42, v54;
	_ =	sdelay $0x3  }
0x23e: {  	[tilespmem:v63+s18+$0x0] =	vst.idx.add.f32.msk $0xffff, v56  }
0x23f: {  	v61 =	vadd.s32 v42, v55;
	v56 =	vld.idx.msk [tilespmem:v60+s17+$0x0], $0xffff  }
0x240: {  	v62 =	vadd.s32 v43, v54;
	_ =	sdelay $0x3  }
0x241: {  	[tilespmem:v61+s18+$0x0] =	vst.idx.add.f32.msk $0xffff, v56  }
0x242: {  	v63 =	vadd.s32 v43, v55;
	v56 =	vld.idx.msk [tilespmem:v62+s17+$0x0], $0xffff  }
0x243: {  	v60 =	vadd.s32 v44, v54;
	_ =	sdelay $0x3  }
0x244: {  	[tilespmem:v63+s18+$0x0] =	vst.idx.add.f32.msk $0xffff, v56  }
0x245: {  	v61 =	vadd.s32 v44, v55;
	v56 =	vld.idx.msk [tilespmem:v60+s17+$0x0], $0xffff  }
0x246: {  	v62 =	vadd.s32 v45, v54;
	_ =	sdelay $0x3  }
0x247: {  	[tilespmem:v61+s18+$0x0] =	vst.idx.add.f32.msk $0xffff, v56  }
0x248: {  	v63 =	vadd.s32 v45, v55;
	v56 =	vld.idx.msk [tilespmem:v62+s17+$0x0], $0xffff  }
0x249: {  	v60 =	vadd.s32 v46, v54;
	_ =	sdelay $0x3  }
0x24a: {  	[tilespmem:v63+s18+$0x0] =	vst.idx.add.f32.msk $0xffff, v56  }
0x24b: {  	v61 =	vadd.s32 v46, v55;
	v56 =	vld.idx.msk [tilespmem:v60+s17+$0x0], $0xffff  }
0x24c: {  	v62 =	vadd.s32 v47, v54;
	_ =	sdelay $0x3  }
0x24d: {  	[tilespmem:v61+s18+$0x0] =	vst.idx.add.f32.msk $0xffff, v56  }
0x24e: {  	v63 =	vadd.s32 v47, v55;
	v56 =	vld.idx.msk [tilespmem:v62+s17+$0x0], $0xffff  }
0x24f: {  	v60 =	vadd.s32 v48, v54;
	_ =	sdelay $0x3  }
0x250: {  	[tilespmem:v63+s18+$0x0] =	vst.idx.add.f32.msk $0xffff, v56  }
0x251: {  	v61 =	vadd.s32 v48, v55;
	v56 =	vld.idx.msk [tilespmem:v60+s17+$0x0], $0xffff  }
0x252: {  	v62 =	vadd.s32 v49, v54;
	_ =	sdelay $0x3  }
0x253: {  	[tilespmem:v61+s18+$0x0] =	vst.idx.add.f32.msk $0xffff, v56  }
0x254: {  	v63 =	vadd.s32 v49, v55;
	v56 =	vld.idx.msk [tilespmem:v62+s17+$0x0], $0xffff  }
0x255: {  	v54 =	vadd.s32 v50, v54;
	_ =	sdelay $0x3  }
0x256: {  	[tilespmem:v63+s18+$0x0] =	vst.idx.add.f32.msk $0xffff, v56  }
0x257: {  	v55 =	vadd.s32 v50, v55;
	v54 =	vld.idx.msk [tilespmem:v54+s17+$0x0], $0xffff;
	_ =	sdelay $0x4  }
0x258: {  	[tilespmem:v55+s18+$0x0] =	vst.idx.add.f32.msk $0xffff, v54  }
0x259: {  	v54 =	vld [tilespmem:$0x1180];
	_ =	sdelay $0x4  }
0x25a: {  	v58 =	vshrl.u32 v54, $0x3  }
0x25b: {  	v55 =	vmul.u32 $0x30, v58  }
0x25c: {  	v54 =	vand.u32 $0x7, v54  }
0x25d: {  	v54 =	vor.u32 v54, v55  }
0x25e: {  	v55 =	vperm.xlane v54, v3;
	_ =	sdelay $0x1  }
0x25f: {  	v55 =	vadd.s32 v4, v55;
	_ =	sdelay $0x3  }
0x260: {  	v54 =	vperm.xlane v54, v5  }
0x261: {  	[hbm4b:s5+s6] =	stream.indirect_vreg.scatter [tilespmem:s18], [sflag:$0x3], $0x80, v55, vm0, $0xb8;
	[tilespmem:$0x1C380] =	vst v63  }
0x262: {  	v54 =	vadd.s32 v4, v54  }
0x263: {  	[hbm4b:s12+s6] =	stream.indirect_vreg.scatter [tilespmem:s30], [sflag:$0x3], $0x80, v55, vm0, $0xb8;
	[tilespmem:$0x1C380] =	vst v63  }
0x264: {  	s4 =	simm.s32 $0x11380  }
0x265: {  	[hbm4b:s13+s6] =	stream.indirect_vreg.scatter [tilespmem:s4], [sflag:$0x3], $0x80, v55, vm0, $0xb8;
	[tilespmem:$0x1C380] =	vst v63  }
0x266: {  	s29 =	simm.s32 $0x11B80  }
0x267: {  	[hbm4b:s5+s6] =	stream.indirect_vreg.scatter [tilespmem:s29], [sflag:$0x3], $0x80, v54, vm0, $0xb8;
	[tilespmem:$0x1C380] =	vst v63  }
0x268: {  	s29 =	simm.s32 $0x12380  }
0x269: {  	[hbm4b:s12+s6] =	stream.indirect_vreg.scatter [tilespmem:s29], [sflag:$0x3], $0x80, v54, vm0, $0xb8;
	[tilespmem:$0x1C380] =	vst v63  }
0x26a: {  	s29 =	simm.s32 $0x12B80  }
0x26b: {  	[hbm4b:s13+s6] =	stream.indirect_vreg.scatter [tilespmem:s29], [sflag:$0x3], $0x80, v54, vm0, $0xb8;
	[tilespmem:$0x1C380] =	vst v63  }
0x26c: {  	v54 =	vld [tilespmem:$0x1190];
	_ =	sdelay $0x4  }
0x26d: {  	v59 =	vshrl.u32 v54, $0x3  }
0x26e: {  	v55 =	vmul.u32 $0x30, v59  }
0x26f: {  	v54 =	vand.u32 $0x7, v54  }
0x270: {  	v54 =	vor.u32 v54, v55  }
0x271: {  	v55 =	vperm.xlane v54, v3;
	_ =	sdelay $0x1  }
0x272: {  	v55 =	vadd.s32 v4, v55;
	_ =	sdelay $0x3  }
0x273: {  	s29 =	simm.s32 $0x13380;
	v54 =	vperm.xlane v54, v5  }
0x274: {  	[hbm4b:s5+s6] =	stream.indirect_vreg.scatter [tilespmem:s29], [sflag:$0x3], $0x80, v55, vm0, $0xb8;
	[tilespmem:$0x1C380] =	vst v63  }
0x275: {  	v54 =	vadd.s32 v4, v54;
	s29 =	simm.s32 $0x13B80  }
0x276: {  	[hbm4b:s12+s6] =	stream.indirect_vreg.scatter [tilespmem:s29], [sflag:$0x3], $0x80, v55, vm0, $0xb8;
	[tilespmem:$0x1C380] =	vst v63  }
0x277: {  	s29 =	simm.s32 $0x14380  }
0x278: {  	[hbm4b:s13+s6] =	stream.indirect_vreg.scatter [tilespmem:s29], [sflag:$0x3], $0x80, v55, vm0, $0xb8;
	[tilespmem:$0x1C380] =	vst v63  }
0x279: {  	s29 =	simm.s32 $0x14B80  }
0x27a: {  	[hbm4b:s5+s6] =	stream.indirect_vreg.scatter [tilespmem:s29], [sflag:$0x3], $0x80, v54, vm0, $0xb8;
	[tilespmem:$0x1C380] =	vst v63  }
0x27b: {  	s29 =	simm.s32 $0x15380  }
0x27c: {  	[hbm4b:s12+s6] =	stream.indirect_vreg.scatter [tilespmem:s29], [sflag:$0x3], $0x80, v54, vm0, $0xb8;
	[tilespmem:$0x1C380] =	vst v63  }
0x27d: {  	s4 =	simm.s32 @!p0 $0x4;
	s29 =	simm.s32 $0x15B80  }
0x27e: {  	[hbm4b:s13+s6] =	stream.indirect_vreg.scatter [tilespmem:s29], [sflag:$0x3], $0x80, v54, vm0, $0xb8;
	[tilespmem:$0x1C380] =	vst v63  }
0x27f: {  	_ =	swait.ge @!p0 [sflag:s4], $0x6000  }
0x280: {  	[sflag:s4] =	ssyncset.done @!p0 $0x0  }
0x281: {  	s29 =	simm.s32 $0x0;
	[sflag:s4] =	ssyncadd.s32 @!p0 $0xFFFFA000  }
0x282: {  	v52 =	vld.idx.msk [tilespmem:v52+s29+$0x0], $0xffff;
	_ =	sdelay $0x3  }
0x283: {  	v60 =	vor.u32 v2, v51  }
0x284: {  	vm1 =	vgt.s32 v52, v2  }
0x285: {  	v61 =	vsel vm1, v2, v6  }
0x286: {  	[tilespmem:$0x1100] =	vst v61;
	v55 =	vadd.s32 v53, v61  }
0x287: {  	[tilespmem:$0x1200] =	vst v55  }
0x288: {  	v54 =	vld.idx.msk [tilespmem:v60+s16+$0x0], $0xffff;
	_ =	sdelay $0x4  }
0x289: {  	[tilespmem:$0x1300] =	vst v54  }
0x28a: {  	v54 =	vld [tilespmem:$0x1300];
	_ =	sdelay $0x4  }
0x28b: {  	v62 =	vor.u32 v6, v51;
	v63 =	vshrl.u32 v54, $0x3  }
0x28c: {  	vm1 =	vgt.s32 v52, v6;
	v57 =	vmul.u32 $0x30, v63  }
0x28d: {  	v58 =	vsel vm1, v6, v7;
	v54 =	vand.u32 $0x7, v54  }
0x28e: {  	v59 =	vadd.s32 v53, v58;
	[tilespmem:$0x1110] =	vst v58;
	v52 =	vor.u32 v54, v57  }
0x28f: {  	[tilespmem:$0x1210] =	vst v59;
	v60 =	vperm.xlane v52, v3  }
0x290: {  	v51 =	vld.idx.msk [tilespmem:v62+s16+$0x0], $0xffff  }
0x291: {  	v53 =	vadd.s32 v4, v60;
	_ =	sdelay $0x3  }
0x292: {  	[tilespmem:$0x1310] =	vst v51;
	v61 =	vperm.xlane v52, v5  }
0x293: {  	[tilespmem:s3], [sflag:$0x2] =	stream.indirect_vreg.gather [hbm4b:s2+s29], $0x80, v53, vm0, $0xb8;
	[tilespmem:$0x1C380] =	vst v63  }
0x294: {  	s28 =	simm.s32 $0x16B80;
	v51 =	vadd.s32 v4, v61  }
0x295: {  	[tilespmem:s28], [sflag:$0x2] =	stream.indirect_vreg.gather [hbm4b:s10+s29], $0x80, v53, vm0, $0xb8;
	[tilespmem:$0x1C380] =	vst v63  }
0x296: {  	_ = 	snop  }
0x297: {  	[tilespmem:s8], [sflag:$0x2] =	stream.indirect_vreg.gather [hbm4b:s11+s29], $0x80, v53, vm0, $0xb8;
	[tilespmem:$0x1C380] =	vst v63  }
0x298: {  	_ = 	snop  }
0x299: {  	[tilespmem:s9], [sflag:$0x2] =	stream.indirect_vreg.gather [hbm4b:s2+s29], $0x80, v51, vm0, $0xb8;
	[tilespmem:$0x1C380] =	vst v63  }
0x29a: {  	_ = 	snop  }
0x29b: {  	[tilespmem:s14], [sflag:$0x2] =	stream.indirect_vreg.gather [hbm4b:s10+s29], $0x80, v51, vm0, $0xb8;
	[tilespmem:$0x1C380] =	vst v63  }
0x29c: {  	_ = 	snop  }
0x29d: {  	[tilespmem:s15], [sflag:$0x2] =	stream.indirect_vreg.gather [hbm4b:s11+s29], $0x80, v51, vm0, $0xb8;
	[tilespmem:$0x1C380] =	vst v63  }
0x29e: {  	v51 =	vld [tilespmem:$0x1310];
	_ =	sdelay $0x4  }
0x29f: {  	v62 =	vshrl.u32 v51, $0x3  }
0x2a0: {  	v52 =	vmul.u32 $0x30, v62  }
0x2a1: {  	v51 =	vand.u32 $0x7, v51  }
0x2a2: {  	v51 =	vor.u32 v51, v52  }
0x2a3: {  	v52 =	vperm.xlane v51, v3;
	_ =	sdelay $0x1  }
0x2a4: {  	v52 =	vadd.s32 v4, v52;
	_ =	sdelay $0x3  }
0x2a5: {  	v51 =	vperm.xlane v51, v5  }
0x2a6: {  	[tilespmem:s1], [sflag:$0x2] =	stream.indirect_vreg.gather [hbm4b:s2+s29], $0x80, v52, vm0, $0xb8;
	[tilespmem:$0x1C380] =	vst v63  }
0x2a7: {  	v51 =	vadd.s32 v4, v51  }
0x2a8: {  	[tilespmem:s19], [sflag:$0x2] =	stream.indirect_vreg.gather [hbm4b:s10+s29], $0x80, v52, vm0, $0xb8;
	[tilespmem:$0x1C380] =	vst v63  }
0x2a9: {  	_ = 	snop  }
0x2aa: {  	[tilespmem:s20], [sflag:$0x2] =	stream.indirect_vreg.gather [hbm4b:s11+s29], $0x80, v52, vm0, $0xb8;
	[tilespmem:$0x1C380] =	vst v63  }
0x2ab: {  	_ = 	snop  }
0x2ac: {  	[tilespmem:s21], [sflag:$0x2] =	stream.indirect_vreg.gather [hbm4b:s2+s29], $0x80, v51, vm0, $0xb8;
	[tilespmem:$0x1C380] =	vst v63  }
0x2ad: {  	_ = 	snop  }
0x2ae: {  	[tilespmem:s22], [sflag:$0x2] =	stream.indirect_vreg.gather [hbm4b:s10+s29], $0x80, v51, vm0, $0xb8;
	[tilespmem:$0x1C380] =	vst v63  }
0x2af: {  	v63 =	vmov s29  }
0x2b0: {  	[tilespmem:s23], [sflag:$0x2] =	stream.indirect_vreg.gather [hbm4b:s11+s29], $0x80, v51, vm0, $0xb8;
	[tilespmem:$0x1C380] =	vst v63  }
0x2b1: {  	_ =	swait.ge [sflag:s24], $0x6000  }
0x2b2: {  	[sflag:s24] =	ssyncset.done $0x0  }
0x2b3: {  	[sflag:s24] =	ssyncadd.s32 $0xFFFFA000  }
0x2b4: {  	v56 =	vld.idx.msk [tilespmem:v63+s25+$0x0], $0xffff;
	_ =	sdelay $0x4  }
0x2b5: {  	v57 =	vshrl.u32 v56, $0x3  }
0x2b6: {  	v51 =	vshll.u32 v56, $0x7;
	v52 =	vmul.u32 $0x1800, v57  }
0x2b7: {  	v51 =	vand.u32 $0x380, v51  }
0x2b8: {  	v52 =	vor.u32 v51, v52  }
0x2b9: {  	v58 =	vor.u32 v0, v52  }
0x2ba: {  	v59 =	vshrl.u32 v63, $0x3  }
0x2bb: {  	v53 =	vshll.u32 v63, $0x7;
	v51 =	vmul.u32 $0x1800, v59  }
0x2bc: {  	v53 =	vand.u32 $0x380, v53  }
0x2bd: {  	v51 =	vor.u32 v53, v51  }
0x2be: {  	v61 =	vor.u32 v0, v51;
	v60 =	vld.idx.msk [tilespmem:v58+s17+$0x0], $0xffff  }
0x2bf: {  	v62 =	vor.u32 v1, v52;
	_ =	sdelay $0x3  }
0x2c0: {  	[tilespmem:v61+s3+$0x0] =	vst.idx.add.f32.msk $0xffff, v60  }
0x2c1: {  	v63 =	vor.u32 v1, v51;
	v53 =	vld.idx.msk [tilespmem:v62+s17+$0x0], $0xffff  }
0x2c2: {  	v57 =	vor.u32 v2, v52;
	_ =	sdelay $0x3  }
0x2c3: {  	[tilespmem:v63+s3+$0x0] =	vst.idx.add.f32.msk $0xffff, v53  }
0x2c4: {  	v58 =	vor.u32 v2, v51;
	v53 =	vld.idx.msk [tilespmem:v57+s17+$0x0], $0xffff  }
0x2c5: {  	v59 =	vor.u32 v6, v52;
	_ =	sdelay $0x3  }
0x2c6: {  	[tilespmem:v58+s3+$0x0] =	vst.idx.add.f32.msk $0xffff, v53  }
0x2c7: {  	v60 =	vor.u32 v6, v51;
	v53 =	vld.idx.msk [tilespmem:v59+s17+$0x0], $0xffff  }
0x2c8: {  	v61 =	vor.u32 v7, v52;
	_ =	sdelay $0x3  }
0x2c9: {  	[tilespmem:v60+s3+$0x0] =	vst.idx.add.f32.msk $0xffff, v53  }
0x2ca: {  	v62 =	vor.u32 v7, v51;
	v53 =	vld.idx.msk [tilespmem:v61+s17+$0x0], $0xffff  }
0x2cb: {  	v63 =	vor.u32 v8, v52;
	_ =	sdelay $0x3  }
0x2cc: {  	[tilespmem:v62+s3+$0x0] =	vst.idx.add.f32.msk $0xffff, v53  }
0x2cd: {  	v57 =	vor.u32 v8, v51;
	v53 =	vld.idx.msk [tilespmem:v63+s17+$0x0], $0xffff  }
0x2ce: {  	v58 =	vor.u32 v9, v52;
	_ =	sdelay $0x3  }
0x2cf: {  	[tilespmem:v57+s3+$0x0] =	vst.idx.add.f32.msk $0xffff, v53  }
0x2d0: {  	v59 =	vor.u32 v9, v51;
	v53 =	vld.idx.msk [tilespmem:v58+s17+$0x0], $0xffff  }
0x2d1: {  	v60 =	vor.u32 v10, v52;
	_ =	sdelay $0x3  }
0x2d2: {  	[tilespmem:v59+s3+$0x0] =	vst.idx.add.f32.msk $0xffff, v53  }
0x2d3: {  	v61 =	vor.u32 v10, v51;
	v53 =	vld.idx.msk [tilespmem:v60+s17+$0x0], $0xffff  }
0x2d4: {  	v62 =	vor.u32 v11, v52;
	_ =	sdelay $0x3  }
0x2d5: {  	[tilespmem:v61+s3+$0x0] =	vst.idx.add.f32.msk $0xffff, v53  }
0x2d6: {  	v63 =	vor.u32 v11, v51;
	v53 =	vld.idx.msk [tilespmem:v62+s17+$0x0], $0xffff  }
0x2d7: {  	v57 =	vor.u32 v12, v52;
	_ =	sdelay $0x3  }
0x2d8: {  	[tilespmem:v63+s3+$0x0] =	vst.idx.add.f32.msk $0xffff, v53  }
0x2d9: {  	v58 =	vor.u32 v12, v51;
	v53 =	vld.idx.msk [tilespmem:v57+s17+$0x0], $0xffff  }
0x2da: {  	v59 =	vor.u32 v13, v52;
	_ =	sdelay $0x3  }
0x2db: {  	[tilespmem:v58+s3+$0x0] =	vst.idx.add.f32.msk $0xffff, v53  }
0x2dc: {  	v60 =	vor.u32 v13, v51;
	v53 =	vld.idx.msk [tilespmem:v59+s17+$0x0], $0xffff  }
0x2dd: {  	v61 =	vor.u32 v14, v52;
	_ =	sdelay $0x3  }
0x2de: {  	[tilespmem:v60+s3+$0x0] =	vst.idx.add.f32.msk $0xffff, v53  }
0x2df: {  	v62 =	vor.u32 v14, v51;
	v53 =	vld.idx.msk [tilespmem:v61+s17+$0x0], $0xffff  }
0x2e0: {  	v63 =	vor.u32 v15, v52;
	_ =	sdelay $0x3  }
0x2e1: {  	[tilespmem:v62+s3+$0x0] =	vst.idx.add.f32.msk $0xffff, v53  }
0x2e2: {  	v57 =	vor.u32 v15, v51;
	v53 =	vld.idx.msk [tilespmem:v63+s17+$0x0], $0xffff  }
0x2e3: {  	v58 =	vor.u32 v16, v52;
	_ =	sdelay $0x3  }
0x2e4: {  	[tilespmem:v57+s3+$0x0] =	vst.idx.add.f32.msk $0xffff, v53  }
0x2e5: {  	v59 =	vor.u32 v16, v51;
	v53 =	vld.idx.msk [tilespmem:v58+s17+$0x0], $0xffff  }
0x2e6: {  	v60 =	vor.u32 v17, v52;
	_ =	sdelay $0x3  }
0x2e7: {  	[tilespmem:v59+s3+$0x0] =	vst.idx.add.f32.msk $0xffff, v53  }
0x2e8: {  	v61 =	vor.u32 v17, v51;
	v53 =	vld.idx.msk [tilespmem:v60+s17+$0x0], $0xffff  }
0x2e9: {  	v62 =	vor.u32 v18, v52;
	_ =	sdelay $0x3  }
0x2ea: {  	[tilespmem:v61+s3+$0x0] =	vst.idx.add.f32.msk $0xffff, v53  }
0x2eb: {  	v63 =	vor.u32 v18, v51;
	v53 =	vld.idx.msk [tilespmem:v62+s17+$0x0], $0xffff  }
0x2ec: {  	v57 =	vadd.s32 v19, v52;
	_ =	sdelay $0x3  }
0x2ed: {  	[tilespmem:v63+s3+$0x0] =	vst.idx.add.f32.msk $0xffff, v53  }
0x2ee: {  	v58 =	vadd.s32 v19, v51;
	v53 =	vld.idx.msk [tilespmem:v57+s17+$0x0], $0xffff  }
0x2ef: {  	v59 =	vadd.s32 v20, v52;
	_ =	sdelay $0x3  }
0x2f0: {  	[tilespmem:v58+s3+$0x0] =	vst.idx.add.f32.msk $0xffff, v53  }
0x2f1: {  	v60 =	vadd.s32 v20, v51;
	v53 =	vld.idx.msk [tilespmem:v59+s17+$0x0], $0xffff  }
0x2f2: {  	v61 =	vadd.s32 v21, v52;
	_ =	sdelay $0x3  }
0x2f3: {  	[tilespmem:v60+s3+$0x0] =	vst.idx.add.f32.msk $0xffff, v53  }
0x2f4: {  	v62 =	vadd.s32 v21, v51;
	v53 =	vld.idx.msk [tilespmem:v61+s17+$0x0], $0xffff  }
0x2f5: {  	v63 =	vadd.s32 v22, v52;
	_ =	sdelay $0x3  }
0x2f6: {  	[tilespmem:v62+s3+$0x0] =	vst.idx.add.f32.msk $0xffff, v53  }
0x2f7: {  	v57 =	vadd.s32 v22, v51;
	v53 =	vld.idx.msk [tilespmem:v63+s17+$0x0], $0xffff  }
0x2f8: {  	v58 =	vadd.s32 v23, v52;
	_ =	sdelay $0x3  }
0x2f9: {  	[tilespmem:v57+s3+$0x0] =	vst.idx.add.f32.msk $0xffff, v53  }
0x2fa: {  	v59 =	vadd.s32 v23, v51;
	v53 =	vld.idx.msk [tilespmem:v58+s17+$0x0], $0xffff  }
0x2fb: {  	v60 =	vadd.s32 v24, v52;
	_ =	sdelay $0x3  }
0x2fc: {  	[tilespmem:v59+s3+$0x0] =	vst.idx.add.f32.msk $0xffff, v53  }
0x2fd: {  	v61 =	vadd.s32 v24, v51;
	v53 =	vld.idx.msk [tilespmem:v60+s17+$0x0], $0xffff  }
0x2fe: {  	v62 =	vadd.s32 v25, v52;
	_ =	sdelay $0x3  }
0x2ff: {  	[tilespmem:v61+s3+$0x0] =	vst.idx.add.f32.msk $0xffff, v53  }
0x300: {  	v63 =	vadd.s32 v25, v51;
	v53 =	vld.idx.msk [tilespmem:v62+s17+$0x0], $0xffff  }
0x301: {  	v57 =	vadd.s32 v26, v52;
	_ =	sdelay $0x3  }
0x302: {  	[tilespmem:v63+s3+$0x0] =	vst.idx.add.f32.msk $0xffff, v53  }
0x303: {  	v58 =	vadd.s32 v26, v51;
	v53 =	vld.idx.msk [tilespmem:v57+s17+$0x0], $0xffff  }
0x304: {  	v59 =	vadd.s32 v27, v52;
	_ =	sdelay $0x3  }
0x305: {  	[tilespmem:v58+s3+$0x0] =	vst.idx.add.f32.msk $0xffff, v53  }
0x306: {  	v60 =	vadd.s32 v27, v51;
	v53 =	vld.idx.msk [tilespmem:v59+s17+$0x0], $0xffff  }
0x307: {  	v61 =	vadd.s32 v28, v52;
	_ =	sdelay $0x3  }
0x308: {  	[tilespmem:v60+s3+$0x0] =	vst.idx.add.f32.msk $0xffff, v53  }
0x309: {  	v62 =	vadd.s32 v28, v51;
	v53 =	vld.idx.msk [tilespmem:v61+s17+$0x0], $0xffff  }
0x30a: {  	v63 =	vadd.s32 v29, v52;
	_ =	sdelay $0x3  }
0x30b: {  	[tilespmem:v62+s3+$0x0] =	vst.idx.add.f32.msk $0xffff, v53  }
0x30c: {  	v57 =	vadd.s32 v29, v51;
	v53 =	vld.idx.msk [tilespmem:v63+s17+$0x0], $0xffff  }
0x30d: {  	v58 =	vadd.s32 v30, v52;
	_ =	sdelay $0x3  }
0x30e: {  	[tilespmem:v57+s3+$0x0] =	vst.idx.add.f32.msk $0xffff, v53  }
0x30f: {  	v59 =	vadd.s32 v30, v51;
	v53 =	vld.idx.msk [tilespmem:v58+s17+$0x0], $0xffff  }
0x310: {  	v60 =	vadd.s32 v31, v52;
	_ =	sdelay $0x3  }
0x311: {  	[tilespmem:v59+s3+$0x0] =	vst.idx.add.f32.msk $0xffff, v53  }
0x312: {  	v61 =	vadd.s32 v31, v51;
	v53 =	vld.idx.msk [tilespmem:v60+s17+$0x0], $0xffff  }
0x313: {  	v62 =	vadd.s32 v32, v52;
	_ =	sdelay $0x3  }
0x314: {  	[tilespmem:v61+s3+$0x0] =	vst.idx.add.f32.msk $0xffff, v53  }
0x315: {  	v63 =	vadd.s32 v32, v51;
	v53 =	vld.idx.msk [tilespmem:v62+s17+$0x0], $0xffff  }
0x316: {  	v57 =	vadd.s32 v33, v52;
	_ =	sdelay $0x3  }
0x317: {  	[tilespmem:v63+s3+$0x0] =	vst.idx.add.f32.msk $0xffff, v53  }
0x318: {  	v58 =	vadd.s32 v33, v51;
	v53 =	vld.idx.msk [tilespmem:v57+s17+$0x0], $0xffff  }
0x319: {  	v59 =	vadd.s32 v34, v52;
	_ =	sdelay $0x3  }
0x31a: {  	[tilespmem:v58+s3+$0x0] =	vst.idx.add.f32.msk $0xffff, v53  }
0x31b: {  	v60 =	vadd.s32 v34, v51;
	v53 =	vld.idx.msk [tilespmem:v59+s17+$0x0], $0xffff  }
0x31c: {  	v61 =	vadd.s32 v35, v52;
	_ =	sdelay $0x3  }
0x31d: {  	[tilespmem:v60+s3+$0x0] =	vst.idx.add.f32.msk $0xffff, v53  }
0x31e: {  	v62 =	vadd.s32 v35, v51;
	v53 =	vld.idx.msk [tilespmem:v61+s17+$0x0], $0xffff  }
0x31f: {  	v63 =	vadd.s32 v36, v52;
	_ =	sdelay $0x3  }
0x320: {  	[tilespmem:v62+s3+$0x0] =	vst.idx.add.f32.msk $0xffff, v53  }
0x321: {  	v57 =	vadd.s32 v36, v51;
	v53 =	vld.idx.msk [tilespmem:v63+s17+$0x0], $0xffff  }
0x322: {  	v58 =	vadd.s32 v37, v52;
	_ =	sdelay $0x3  }
0x323: {  	[tilespmem:v57+s3+$0x0] =	vst.idx.add.f32.msk $0xffff, v53  }
0x324: {  	v59 =	vadd.s32 v37, v51;
	v53 =	vld.idx.msk [tilespmem:v58+s17+$0x0], $0xffff  }
0x325: {  	v60 =	vadd.s32 v38, v52;
	_ =	sdelay $0x3  }
0x326: {  	[tilespmem:v59+s3+$0x0] =	vst.idx.add.f32.msk $0xffff, v53  }
0x327: {  	v61 =	vadd.s32 v38, v51;
	v53 =	vld.idx.msk [tilespmem:v60+s17+$0x0], $0xffff  }
0x328: {  	v62 =	vadd.s32 v39, v52;
	_ =	sdelay $0x3  }
0x329: {  	[tilespmem:v61+s3+$0x0] =	vst.idx.add.f32.msk $0xffff, v53  }
0x32a: {  	v63 =	vadd.s32 v39, v51;
	v53 =	vld.idx.msk [tilespmem:v62+s17+$0x0], $0xffff  }
0x32b: {  	v57 =	vadd.s32 v40, v52;
	_ =	sdelay $0x3  }
0x32c: {  	[tilespmem:v63+s3+$0x0] =	vst.idx.add.f32.msk $0xffff, v53  }
0x32d: {  	v58 =	vadd.s32 v40, v51;
	v53 =	vld.idx.msk [tilespmem:v57+s17+$0x0], $0xffff  }
0x32e: {  	v59 =	vadd.s32 v41, v52;
	_ =	sdelay $0x3  }
0x32f: {  	[tilespmem:v58+s3+$0x0] =	vst.idx.add.f32.msk $0xffff, v53  }
0x330: {  	v60 =	vadd.s32 v41, v51;
	v53 =	vld.idx.msk [tilespmem:v59+s17+$0x0], $0xffff  }
0x331: {  	v61 =	vadd.s32 v42, v52;
	_ =	sdelay $0x3  }
0x332: {  	[tilespmem:v60+s3+$0x0] =	vst.idx.add.f32.msk $0xffff, v53  }
0x333: {  	v62 =	vadd.s32 v42, v51;
	v53 =	vld.idx.msk [tilespmem:v61+s17+$0x0], $0xffff  }
0x334: {  	v63 =	vadd.s32 v43, v52;
	_ =	sdelay $0x3  }
0x335: {  	[tilespmem:v62+s3+$0x0] =	vst.idx.add.f32.msk $0xffff, v53  }
0x336: {  	v57 =	vadd.s32 v43, v51;
	v53 =	vld.idx.msk [tilespmem:v63+s17+$0x0], $0xffff  }
0x337: {  	v58 =	vadd.s32 v44, v52;
	_ =	sdelay $0x3  }
0x338: {  	[tilespmem:v57+s3+$0x0] =	vst.idx.add.f32.msk $0xffff, v53  }
0x339: {  	v59 =	vadd.s32 v44, v51;
	v53 =	vld.idx.msk [tilespmem:v58+s17+$0x0], $0xffff  }
0x33a: {  	v60 =	vadd.s32 v45, v52;
	_ =	sdelay $0x3  }
0x33b: {  	[tilespmem:v59+s3+$0x0] =	vst.idx.add.f32.msk $0xffff, v53  }
0x33c: {  	v61 =	vadd.s32 v45, v51;
	v53 =	vld.idx.msk [tilespmem:v60+s17+$0x0], $0xffff  }
0x33d: {  	v62 =	vadd.s32 v46, v52;
	_ =	sdelay $0x3  }
0x33e: {  	[tilespmem:v61+s3+$0x0] =	vst.idx.add.f32.msk $0xffff, v53  }
0x33f: {  	v63 =	vadd.s32 v46, v51;
	v53 =	vld.idx.msk [tilespmem:v62+s17+$0x0], $0xffff  }
0x340: {  	v57 =	vadd.s32 v47, v52;
	_ =	sdelay $0x3  }
0x341: {  	[tilespmem:v63+s3+$0x0] =	vst.idx.add.f32.msk $0xffff, v53  }
0x342: {  	v58 =	vadd.s32 v47, v51;
	v53 =	vld.idx.msk [tilespmem:v57+s17+$0x0], $0xffff  }
0x343: {  	v59 =	vadd.s32 v48, v52;
	_ =	sdelay $0x3  }
0x344: {  	[tilespmem:v58+s3+$0x0] =	vst.idx.add.f32.msk $0xffff, v53  }
0x345: {  	v60 =	vadd.s32 v48, v51;
	v53 =	vld.idx.msk [tilespmem:v59+s17+$0x0], $0xffff  }
0x346: {  	v61 =	vadd.s32 v49, v52;
	_ =	sdelay $0x3  }
0x347: {  	[tilespmem:v60+s3+$0x0] =	vst.idx.add.f32.msk $0xffff, v53  }
0x348: {  	v62 =	vadd.s32 v49, v51;
	v53 =	vld.idx.msk [tilespmem:v61+s17+$0x0], $0xffff  }
0x349: {  	v52 =	vadd.s32 v50, v52;
	_ =	sdelay $0x3  }
0x34a: {  	[tilespmem:v62+s3+$0x0] =	vst.idx.add.f32.msk $0xffff, v53  }
0x34b: {  	s29 =	simm.s32 $0x1;
	v51 =	vadd.s32 v50, v51;
	v55 =	vld.idx.msk [tilespmem:v52+s17+$0x0], $0xffff  }
0x34c: {  	v54 =	vmov s29  }
0x34d: {  	v63 =	vshrl.u32 v54, $0x3  }
0x34e: {  	s28 =	simm.s32 $0x2;
	v53 =	vshll.u32 v54, $0x7;
	v52 =	vmul.u32 $0x1800, v63  }
.LBB2_5:
0x34f: {  	_ = 	snop  }
0x350: {  	p0 =	sne.s32 s28, $0x1F;
	[tilespmem:v51+s3+$0x0] =	vst.idx.add.f32.msk $0xffff, v55;
	s29 =	smov.u32 s28;
	s28 =	sadd.s32 $0x1, s28  }
0x351: {  	v51 =	vld.idx.msk [tilespmem:v54+s25+$0x0], $0xffff;
	_ =	sdelay $0x5  }
0x352: {  	v54 =	vshrl.u32 v51, $0x3;
	v51 =	vshll.u32 v51, $0x7  }
0x353: {  	v54 =	vmul.u32 $0x1800, v54  }
0x354: {  	v51 =	vand.u32 $0x380, v51  }
0x355: {  	v51 =	vor.u32 v51, v54  }
0x356: {  	v54 =	vor.u32 v0, v51;
	_ =	sdelay $0x3  }
0x357: {  	v53 =	vand.u32 $0x380, v53  }
0x358: {  	v52 =	vor.u32 v53, v52;
	v54 =	vld.idx.msk [tilespmem:v54+s17+$0x0], $0xffff  }
0x359: {  	v53 =	vor.u32 v0, v52  }
0x35a: {  	v55 =	vor.u32 v1, v51;
	_ =	sdelay $0x3  }
0x35b: {  	[tilespmem:v53+s3+$0x0] =	vst.idx.add.f32.msk $0xffff, v54  }
0x35c: {  	v53 =	vld.idx.msk [tilespmem:v55+s17+$0x0], $0xffff  }
0x35d: {  	v54 =	vor.u32 v1, v52  }
0x35e: {  	v55 =	vor.u32 v2, v51;
	_ =	sdelay $0x3  }
0x35f: {  	[tilespmem:v54+s3+$0x0] =	vst.idx.add.f32.msk $0xffff, v53  }
0x360: {  	v53 =	vld.idx.msk [tilespmem:v55+s17+$0x0], $0xffff  }
0x361: {  	v54 =	vor.u32 v2, v52  }
0x362: {  	v55 =	vor.u32 v6, v51;
	_ =	sdelay $0x3  }
0x363: {  	[tilespmem:v54+s3+$0x0] =	vst.idx.add.f32.msk $0xffff, v53  }
0x364: {  	v53 =	vld.idx.msk [tilespmem:v55+s17+$0x0], $0xffff  }
0x365: {  	v54 =	vor.u32 v6, v52  }
0x366: {  	v55 =	vor.u32 v7, v51;
	_ =	sdelay $0x3  }
0x367: {  	[tilespmem:v54+s3+$0x0] =	vst.idx.add.f32.msk $0xffff, v53  }
0x368: {  	v53 =	vld.idx.msk [tilespmem:v55+s17+$0x0], $0xffff  }
0x369: {  	v54 =	vor.u32 v7, v52  }
0x36a: {  	v55 =	vor.u32 v8, v51;
	_ =	sdelay $0x3  }
0x36b: {  	[tilespmem:v54+s3+$0x0] =	vst.idx.add.f32.msk $0xffff, v53  }
0x36c: {  	v53 =	vld.idx.msk [tilespmem:v55+s17+$0x0], $0xffff  }
0x36d: {  	v54 =	vor.u32 v8, v52  }
0x36e: {  	v55 =	vor.u32 v9, v51;
	_ =	sdelay $0x3  }
0x36f: {  	[tilespmem:v54+s3+$0x0] =	vst.idx.add.f32.msk $0xffff, v53  }
0x370: {  	v53 =	vld.idx.msk [tilespmem:v55+s17+$0x0], $0xffff  }
0x371: {  	v54 =	vor.u32 v9, v52  }
0x372: {  	v55 =	vor.u32 v10, v51;
	_ =	sdelay $0x3  }
0x373: {  	[tilespmem:v54+s3+$0x0] =	vst.idx.add.f32.msk $0xffff, v53  }
0x374: {  	v53 =	vld.idx.msk [tilespmem:v55+s17+$0x0], $0xffff  }
0x375: {  	v54 =	vor.u32 v10, v52  }
0x376: {  	v55 =	vor.u32 v11, v51;
	_ =	sdelay $0x3  }
0x377: {  	[tilespmem:v54+s3+$0x0] =	vst.idx.add.f32.msk $0xffff, v53  }
0x378: {  	v53 =	vld.idx.msk [tilespmem:v55+s17+$0x0], $0xffff  }
0x379: {  	v54 =	vor.u32 v11, v52  }
0x37a: {  	v55 =	vor.u32 v12, v51;
	_ =	sdelay $0x3  }
0x37b: {  	[tilespmem:v54+s3+$0x0] =	vst.idx.add.f32.msk $0xffff, v53  }
0x37c: {  	v53 =	vld.idx.msk [tilespmem:v55+s17+$0x0], $0xffff  }
0x37d: {  	v54 =	vor.u32 v12, v52  }
0x37e: {  	v55 =	vor.u32 v13, v51;
	_ =	sdelay $0x3  }
0x37f: {  	[tilespmem:v54+s3+$0x0] =	vst.idx.add.f32.msk $0xffff, v53  }
0x380: {  	v53 =	vld.idx.msk [tilespmem:v55+s17+$0x0], $0xffff  }
0x381: {  	v54 =	vor.u32 v13, v52  }
0x382: {  	v55 =	vor.u32 v14, v51;
	_ =	sdelay $0x3  }
0x383: {  	[tilespmem:v54+s3+$0x0] =	vst.idx.add.f32.msk $0xffff, v53  }
0x384: {  	v53 =	vld.idx.msk [tilespmem:v55+s17+$0x0], $0xffff  }
0x385: {  	v54 =	vor.u32 v14, v52  }
0x386: {  	v55 =	vor.u32 v15, v51;
	_ =	sdelay $0x3  }
0x387: {  	[tilespmem:v54+s3+$0x0] =	vst.idx.add.f32.msk $0xffff, v53  }
0x388: {  	v53 =	vld.idx.msk [tilespmem:v55+s17+$0x0], $0xffff  }
0x389: {  	v54 =	vor.u32 v15, v52  }
0x38a: {  	v55 =	vor.u32 v16, v51;
	_ =	sdelay $0x3  }
0x38b: {  	[tilespmem:v54+s3+$0x0] =	vst.idx.add.f32.msk $0xffff, v53  }
0x38c: {  	v53 =	vld.idx.msk [tilespmem:v55+s17+$0x0], $0xffff  }
0x38d: {  	v54 =	vor.u32 v16, v52  }
0x38e: {  	v55 =	vor.u32 v17, v51;
	_ =	sdelay $0x3  }
0x38f: {  	[tilespmem:v54+s3+$0x0] =	vst.idx.add.f32.msk $0xffff, v53  }
0x390: {  	v53 =	vld.idx.msk [tilespmem:v55+s17+$0x0], $0xffff  }
0x391: {  	v54 =	vor.u32 v17, v52  }
0x392: {  	v55 =	vor.u32 v18, v51;
	_ =	sdelay $0x3  }
0x393: {  	[tilespmem:v54+s3+$0x0] =	vst.idx.add.f32.msk $0xffff, v53  }
0x394: {  	v53 =	vld.idx.msk [tilespmem:v55+s17+$0x0], $0xffff  }
0x395: {  	v54 =	vor.u32 v18, v52  }
0x396: {  	v55 =	vadd.s32 v19, v51;
	_ =	sdelay $0x3  }
0x397: {  	[tilespmem:v54+s3+$0x0] =	vst.idx.add.f32.msk $0xffff, v53  }
0x398: {  	v53 =	vld.idx.msk [tilespmem:v55+s17+$0x0], $0xffff  }
0x399: {  	v54 =	vadd.s32 v19, v52  }
0x39a: {  	v55 =	vadd.s32 v20, v51;
	_ =	sdelay $0x3  }
0x39b: {  	[tilespmem:v54+s3+$0x0] =	vst.idx.add.f32.msk $0xffff, v53  }
0x39c: {  	v53 =	vld.idx.msk [tilespmem:v55+s17+$0x0], $0xffff  }
0x39d: {  	v54 =	vadd.s32 v20, v52  }
0x39e: {  	v55 =	vadd.s32 v21, v51;
	_ =	sdelay $0x3  }
0x39f: {  	[tilespmem:v54+s3+$0x0] =	vst.idx.add.f32.msk $0xffff, v53  }
0x3a0: {  	v53 =	vld.idx.msk [tilespmem:v55+s17+$0x0], $0xffff  }
0x3a1: {  	v54 =	vadd.s32 v21, v52  }
0x3a2: {  	v55 =	vadd.s32 v22, v51;
	_ =	sdelay $0x3  }
0x3a3: {  	[tilespmem:v54+s3+$0x0] =	vst.idx.add.f32.msk $0xffff, v53  }
0x3a4: {  	v53 =	vld.idx.msk [tilespmem:v55+s17+$0x0], $0xffff  }
0x3a5: {  	v54 =	vadd.s32 v22, v52  }
0x3a6: {  	v55 =	vadd.s32 v23, v51;
	_ =	sdelay $0x3  }
0x3a7: {  	[tilespmem:v54+s3+$0x0] =	vst.idx.add.f32.msk $0xffff, v53  }
0x3a8: {  	v53 =	vld.idx.msk [tilespmem:v55+s17+$0x0], $0xffff  }
0x3a9: {  	v54 =	vadd.s32 v23, v52  }
0x3aa: {  	v55 =	vadd.s32 v24, v51;
	_ =	sdelay $0x3  }
0x3ab: {  	[tilespmem:v54+s3+$0x0] =	vst.idx.add.f32.msk $0xffff, v53  }
0x3ac: {  	v53 =	vld.idx.msk [tilespmem:v55+s17+$0x0], $0xffff  }
0x3ad: {  	v54 =	vadd.s32 v24, v52  }
0x3ae: {  	v55 =	vadd.s32 v25, v51;
	_ =	sdelay $0x3  }
0x3af: {  	[tilespmem:v54+s3+$0x0] =	vst.idx.add.f32.msk $0xffff, v53  }
0x3b0: {  	v53 =	vld.idx.msk [tilespmem:v55+s17+$0x0], $0xffff  }
0x3b1: {  	v54 =	vadd.s32 v25, v52  }
0x3b2: {  	v55 =	vadd.s32 v26, v51;
	_ =	sdelay $0x3  }
0x3b3: {  	[tilespmem:v54+s3+$0x0] =	vst.idx.add.f32.msk $0xffff, v53  }
0x3b4: {  	v53 =	vld.idx.msk [tilespmem:v55+s17+$0x0], $0xffff  }
0x3b5: {  	v54 =	vadd.s32 v26, v52  }
0x3b6: {  	v55 =	vadd.s32 v27, v51;
	_ =	sdelay $0x3  }
0x3b7: {  	[tilespmem:v54+s3+$0x0] =	vst.idx.add.f32.msk $0xffff, v53  }
0x3b8: {  	v53 =	vld.idx.msk [tilespmem:v55+s17+$0x0], $0xffff  }
0x3b9: {  	v54 =	vadd.s32 v27, v52  }
0x3ba: {  	v55 =	vadd.s32 v28, v51;
	_ =	sdelay $0x3  }
0x3bb: {  	[tilespmem:v54+s3+$0x0] =	vst.idx.add.f32.msk $0xffff, v53  }
0x3bc: {  	v53 =	vld.idx.msk [tilespmem:v55+s17+$0x0], $0xffff  }
0x3bd: {  	v54 =	vadd.s32 v28, v52  }
0x3be: {  	v55 =	vadd.s32 v29, v51;
	_ =	sdelay $0x3  }
0x3bf: {  	[tilespmem:v54+s3+$0x0] =	vst.idx.add.f32.msk $0xffff, v53  }
0x3c0: {  	v53 =	vld.idx.msk [tilespmem:v55+s17+$0x0], $0xffff  }
0x3c1: {  	v54 =	vadd.s32 v29, v52  }
0x3c2: {  	v55 =	vadd.s32 v30, v51;
	_ =	sdelay $0x3  }
0x3c3: {  	[tilespmem:v54+s3+$0x0] =	vst.idx.add.f32.msk $0xffff, v53  }
0x3c4: {  	v53 =	vld.idx.msk [tilespmem:v55+s17+$0x0], $0xffff  }
0x3c5: {  	v54 =	vadd.s32 v30, v52  }
0x3c6: {  	v55 =	vadd.s32 v31, v51;
	_ =	sdelay $0x3  }
0x3c7: {  	[tilespmem:v54+s3+$0x0] =	vst.idx.add.f32.msk $0xffff, v53  }
0x3c8: {  	v53 =	vld.idx.msk [tilespmem:v55+s17+$0x0], $0xffff  }
0x3c9: {  	v54 =	vadd.s32 v31, v52  }
0x3ca: {  	v55 =	vadd.s32 v32, v51;
	_ =	sdelay $0x3  }
0x3cb: {  	[tilespmem:v54+s3+$0x0] =	vst.idx.add.f32.msk $0xffff, v53  }
0x3cc: {  	v53 =	vld.idx.msk [tilespmem:v55+s17+$0x0], $0xffff  }
0x3cd: {  	v54 =	vadd.s32 v32, v52  }
0x3ce: {  	v55 =	vadd.s32 v33, v51;
	_ =	sdelay $0x3  }
0x3cf: {  	[tilespmem:v54+s3+$0x0] =	vst.idx.add.f32.msk $0xffff, v53  }
0x3d0: {  	v53 =	vld.idx.msk [tilespmem:v55+s17+$0x0], $0xffff  }
0x3d1: {  	v54 =	vadd.s32 v33, v52  }
0x3d2: {  	v55 =	vadd.s32 v34, v51;
	_ =	sdelay $0x3  }
0x3d3: {  	[tilespmem:v54+s3+$0x0] =	vst.idx.add.f32.msk $0xffff, v53  }
0x3d4: {  	v53 =	vld.idx.msk [tilespmem:v55+s17+$0x0], $0xffff  }
0x3d5: {  	v54 =	vadd.s32 v34, v52  }
0x3d6: {  	v55 =	vadd.s32 v35, v51;
	_ =	sdelay $0x3  }
0x3d7: {  	[tilespmem:v54+s3+$0x0] =	vst.idx.add.f32.msk $0xffff, v53  }
0x3d8: {  	v53 =	vld.idx.msk [tilespmem:v55+s17+$0x0], $0xffff  }
0x3d9: {  	v54 =	vadd.s32 v35, v52  }
0x3da: {  	v55 =	vadd.s32 v36, v51;
	_ =	sdelay $0x3  }
0x3db: {  	[tilespmem:v54+s3+$0x0] =	vst.idx.add.f32.msk $0xffff, v53  }
0x3dc: {  	v53 =	vld.idx.msk [tilespmem:v55+s17+$0x0], $0xffff  }
0x3dd: {  	v54 =	vadd.s32 v36, v52  }
0x3de: {  	v55 =	vadd.s32 v37, v51;
	_ =	sdelay $0x3  }
0x3df: {  	[tilespmem:v54+s3+$0x0] =	vst.idx.add.f32.msk $0xffff, v53  }
0x3e0: {  	v53 =	vld.idx.msk [tilespmem:v55+s17+$0x0], $0xffff  }
0x3e1: {  	v54 =	vadd.s32 v37, v52  }
0x3e2: {  	v55 =	vadd.s32 v38, v51;
	_ =	sdelay $0x3  }
0x3e3: {  	[tilespmem:v54+s3+$0x0] =	vst.idx.add.f32.msk $0xffff, v53  }
0x3e4: {  	v53 =	vld.idx.msk [tilespmem:v55+s17+$0x0], $0xffff  }
0x3e5: {  	v54 =	vadd.s32 v38, v52  }
0x3e6: {  	v55 =	vadd.s32 v39, v51;
	_ =	sdelay $0x3  }
0x3e7: {  	[tilespmem:v54+s3+$0x0] =	vst.idx.add.f32.msk $0xffff, v53  }
0x3e8: {  	v53 =	vld.idx.msk [tilespmem:v55+s17+$0x0], $0xffff  }
0x3e9: {  	v54 =	vadd.s32 v39, v52  }
0x3ea: {  	v55 =	vadd.s32 v40, v51;
	_ =	sdelay $0x3  }
0x3eb: {  	[tilespmem:v54+s3+$0x0] =	vst.idx.add.f32.msk $0xffff, v53  }
0x3ec: {  	v53 =	vld.idx.msk [tilespmem:v55+s17+$0x0], $0xffff  }
0x3ed: {  	v54 =	vadd.s32 v40, v52  }
0x3ee: {  	v55 =	vadd.s32 v41, v51;
	_ =	sdelay $0x3  }
0x3ef: {  	[tilespmem:v54+s3+$0x0] =	vst.idx.add.f32.msk $0xffff, v53  }
0x3f0: {  	v53 =	vld.idx.msk [tilespmem:v55+s17+$0x0], $0xffff  }
0x3f1: {  	v54 =	vadd.s32 v41, v52  }
0x3f2: {  	v55 =	vadd.s32 v42, v51;
	_ =	sdelay $0x3  }
0x3f3: {  	[tilespmem:v54+s3+$0x0] =	vst.idx.add.f32.msk $0xffff, v53  }
0x3f4: {  	v53 =	vld.idx.msk [tilespmem:v55+s17+$0x0], $0xffff  }
0x3f5: {  	v54 =	vadd.s32 v42, v52  }
0x3f6: {  	v55 =	vadd.s32 v43, v51;
	_ =	sdelay $0x3  }
0x3f7: {  	[tilespmem:v54+s3+$0x0] =	vst.idx.add.f32.msk $0xffff, v53  }
0x3f8: {  	v53 =	vld.idx.msk [tilespmem:v55+s17+$0x0], $0xffff  }
0x3f9: {  	v54 =	vadd.s32 v43, v52  }
0x3fa: {  	v55 =	vadd.s32 v44, v51;
	_ =	sdelay $0x3  }
0x3fb: {  	[tilespmem:v54+s3+$0x0] =	vst.idx.add.f32.msk $0xffff, v53  }
0x3fc: {  	v53 =	vld.idx.msk [tilespmem:v55+s17+$0x0], $0xffff  }
0x3fd: {  	v54 =	vadd.s32 v44, v52  }
0x3fe: {  	v55 =	vadd.s32 v45, v51;
	_ =	sdelay $0x3  }
0x3ff: {  	[tilespmem:v54+s3+$0x0] =	vst.idx.add.f32.msk $0xffff, v53  }
0x400: {  	v53 =	vld.idx.msk [tilespmem:v55+s17+$0x0], $0xffff  }
0x401: {  	v54 =	vadd.s32 v45, v52  }
0x402: {  	v55 =	vadd.s32 v46, v51;
	_ =	sdelay $0x3  }
0x403: {  	[tilespmem:v54+s3+$0x0] =	vst.idx.add.f32.msk $0xffff, v53  }
0x404: {  	v53 =	vld.idx.msk [tilespmem:v55+s17+$0x0], $0xffff  }
0x405: {  	v54 =	vadd.s32 v46, v52  }
0x406: {  	v55 =	vadd.s32 v47, v51;
	_ =	sdelay $0x3  }
0x407: {  	[tilespmem:v54+s3+$0x0] =	vst.idx.add.f32.msk $0xffff, v53  }
0x408: {  	v53 =	vld.idx.msk [tilespmem:v55+s17+$0x0], $0xffff  }
0x409: {  	v54 =	vadd.s32 v47, v52  }
0x40a: {  	v55 =	vadd.s32 v48, v51;
	_ =	sdelay $0x3  }
0x40b: {  	[tilespmem:v54+s3+$0x0] =	vst.idx.add.f32.msk $0xffff, v53  }
0x40c: {  	v53 =	vld.idx.msk [tilespmem:v55+s17+$0x0], $0xffff  }
0x40d: {  	v54 =	vadd.s32 v48, v52  }
0x40e: {  	v55 =	vadd.s32 v49, v51;
	_ =	sdelay $0x3  }
0x40f: {  	[tilespmem:v54+s3+$0x0] =	vst.idx.add.f32.msk $0xffff, v53  }
0x410: {  	v53 =	vld.idx.msk [tilespmem:v55+s17+$0x0], $0xffff  }
0x411: {  	v54 =	vadd.s32 v49, v52  }
0x412: {  	v51 =	vadd.s32 v50, v51;
	_ =	sdelay $0x3  }
0x413: {  	[tilespmem:v54+s3+$0x0] =	vst.idx.add.f32.msk $0xffff, v53  }
.Ltmp1:
0x414: {  	v55 =	vld.idx.msk [tilespmem:v51+s17+$0x0], $0xffff;
	(pc) =	sbr.rel @p0 .LBB2_5-.Ltmp1, $4  }
0x415: {  	v51 =	vadd.s32 v50, v52  }
0x416: {  	v54 =	vmov s29  }
0x417: {  	v52 =	vshrl.u32 v54, $0x3;
	v53 =	vshll.u32 v54, $0x7  }
0x418: {  	v52 =	vmul.u32 $0x1800, v52  }
0x419: {  	_ =	sdelay $0x3  }
0x41a: {  	[tilespmem:v51+s3+$0x0] =	vst.idx.add.f32.msk $0xffff, v55  }
0x41b: {  	v51 =	vld.idx.msk [tilespmem:v54+s25+$0x0], $0xffff;
	_ =	sdelay $0x4  }
0x41c: {  	v54 =	vshrl.u32 v51, $0x3  }
0x41d: {  	v51 =	vshll.u32 v51, $0x7;
	v54 =	vmul.u32 $0x1800, v54  }
0x41e: {  	v51 =	vand.u32 $0x380, v51  }
0x41f: {  	v51 =	vor.u32 v51, v54  }
0x420: {  	v54 =	vor.u32 v0, v51;
	_ =	sdelay $0x2  }
0x421: {  	v53 =	vand.u32 $0x380, v53  }
0x422: {  	v52 =	vor.u32 v53, v52  }
0x423: {  	v60 =	vor.u32 v0, v52;
	v59 =	vld.idx.msk [tilespmem:v54+s17+$0x0], $0xffff  }
0x424: {  	v61 =	vor.u32 v1, v51;
	_ =	sdelay $0x3  }
0x425: {  	[tilespmem:v60+s3+$0x0] =	vst.idx.add.f32.msk $0xffff, v59  }
0x426: {  	v62 =	vor.u32 v1, v52;
	v53 =	vld.idx.msk [tilespmem:v61+s17+$0x0], $0xffff  }
0x427: {  	v63 =	vor.u32 v2, v51;
	_ =	sdelay $0x3  }
0x428: {  	[tilespmem:v62+s3+$0x0] =	vst.idx.add.f32.msk $0xffff, v53  }
0x429: {  	v57 =	vor.u32 v2, v52;
	v53 =	vld.idx.msk [tilespmem:v63+s17+$0x0], $0xffff  }
0x42a: {  	v58 =	vor.u32 v6, v51;
	_ =	sdelay $0x3  }
0x42b: {  	[tilespmem:v57+s3+$0x0] =	vst.idx.add.f32.msk $0xffff, v53  }
0x42c: {  	v59 =	vor.u32 v6, v52;
	v53 =	vld.idx.msk [tilespmem:v58+s17+$0x0], $0xffff  }
0x42d: {  	v60 =	vor.u32 v7, v51;
	_ =	sdelay $0x3  }
0x42e: {  	[tilespmem:v59+s3+$0x0] =	vst.idx.add.f32.msk $0xffff, v53  }
0x42f: {  	v61 =	vor.u32 v7, v52;
	v53 =	vld.idx.msk [tilespmem:v60+s17+$0x0], $0xffff  }
0x430: {  	v62 =	vor.u32 v8, v51;
	_ =	sdelay $0x3  }
0x431: {  	[tilespmem:v61+s3+$0x0] =	vst.idx.add.f32.msk $0xffff, v53  }
0x432: {  	v63 =	vor.u32 v8, v52;
	v53 =	vld.idx.msk [tilespmem:v62+s17+$0x0], $0xffff  }
0x433: {  	v57 =	vor.u32 v9, v51;
	_ =	sdelay $0x3  }
0x434: {  	[tilespmem:v63+s3+$0x0] =	vst.idx.add.f32.msk $0xffff, v53  }
0x435: {  	v58 =	vor.u32 v9, v52;
	v53 =	vld.idx.msk [tilespmem:v57+s17+$0x0], $0xffff  }
0x436: {  	v59 =	vor.u32 v10, v51;
	_ =	sdelay $0x3  }
0x437: {  	[tilespmem:v58+s3+$0x0] =	vst.idx.add.f32.msk $0xffff, v53  }
0x438: {  	v60 =	vor.u32 v10, v52;
	v53 =	vld.idx.msk [tilespmem:v59+s17+$0x0], $0xffff  }
0x439: {  	v61 =	vor.u32 v11, v51;
	_ =	sdelay $0x3  }
0x43a: {  	[tilespmem:v60+s3+$0x0] =	vst.idx.add.f32.msk $0xffff, v53  }
0x43b: {  	v62 =	vor.u32 v11, v52;
	v53 =	vld.idx.msk [tilespmem:v61+s17+$0x0], $0xffff  }
0x43c: {  	v63 =	vor.u32 v12, v51;
	_ =	sdelay $0x3  }
0x43d: {  	[tilespmem:v62+s3+$0x0] =	vst.idx.add.f32.msk $0xffff, v53  }
0x43e: {  	v57 =	vor.u32 v12, v52;
	v53 =	vld.idx.msk [tilespmem:v63+s17+$0x0], $0xffff  }
0x43f: {  	v58 =	vor.u32 v13, v51;
	_ =	sdelay $0x3  }
0x440: {  	[tilespmem:v57+s3+$0x0] =	vst.idx.add.f32.msk $0xffff, v53  }
0x441: {  	v59 =	vor.u32 v13, v52;
	v53 =	vld.idx.msk [tilespmem:v58+s17+$0x0], $0xffff  }
0x442: {  	v60 =	vor.u32 v14, v51;
	_ =	sdelay $0x3  }
0x443: {  	[tilespmem:v59+s3+$0x0] =	vst.idx.add.f32.msk $0xffff, v53  }
0x444: {  	v61 =	vor.u32 v14, v52;
	v53 =	vld.idx.msk [tilespmem:v60+s17+$0x0], $0xffff  }
0x445: {  	v62 =	vor.u32 v15, v51;
	_ =	sdelay $0x3  }
0x446: {  	[tilespmem:v61+s3+$0x0] =	vst.idx.add.f32.msk $0xffff, v53  }
0x447: {  	v63 =	vor.u32 v15, v52;
	v53 =	vld.idx.msk [tilespmem:v62+s17+$0x0], $0xffff  }
0x448: {  	v57 =	vor.u32 v16, v51;
	_ =	sdelay $0x3  }
0x449: {  	[tilespmem:v63+s3+$0x0] =	vst.idx.add.f32.msk $0xffff, v53  }
0x44a: {  	v58 =	vor.u32 v16, v52;
	v53 =	vld.idx.msk [tilespmem:v57+s17+$0x0], $0xffff  }
0x44b: {  	v59 =	vor.u32 v17, v51;
	_ =	sdelay $0x3  }
0x44c: {  	[tilespmem:v58+s3+$0x0] =	vst.idx.add.f32.msk $0xffff, v53  }
0x44d: {  	v60 =	vor.u32 v17, v52;
	v53 =	vld.idx.msk [tilespmem:v59+s17+$0x0], $0xffff  }
0x44e: {  	v61 =	vor.u32 v18, v51;
	_ =	sdelay $0x3  }
0x44f: {  	[tilespmem:v60+s3+$0x0] =	vst.idx.add.f32.msk $0xffff, v53  }
0x450: {  	v62 =	vor.u32 v18, v52;
	v53 =	vld.idx.msk [tilespmem:v61+s17+$0x0], $0xffff  }
0x451: {  	v63 =	vadd.s32 v19, v51;
	_ =	sdelay $0x3  }
0x452: {  	[tilespmem:v62+s3+$0x0] =	vst.idx.add.f32.msk $0xffff, v53  }
0x453: {  	v57 =	vadd.s32 v19, v52;
	v53 =	vld.idx.msk [tilespmem:v63+s17+$0x0], $0xffff  }
0x454: {  	v58 =	vadd.s32 v20, v51;
	_ =	sdelay $0x3  }
0x455: {  	[tilespmem:v57+s3+$0x0] =	vst.idx.add.f32.msk $0xffff, v53  }
0x456: {  	v59 =	vadd.s32 v20, v52;
	v53 =	vld.idx.msk [tilespmem:v58+s17+$0x0], $0xffff  }
0x457: {  	v60 =	vadd.s32 v21, v51;
	_ =	sdelay $0x3  }
0x458: {  	[tilespmem:v59+s3+$0x0] =	vst.idx.add.f32.msk $0xffff, v53  }
0x459: {  	v61 =	vadd.s32 v21, v52;
	v53 =	vld.idx.msk [tilespmem:v60+s17+$0x0], $0xffff  }
0x45a: {  	v62 =	vadd.s32 v22, v51;
	_ =	sdelay $0x3  }
0x45b: {  	[tilespmem:v61+s3+$0x0] =	vst.idx.add.f32.msk $0xffff, v53  }
0x45c: {  	v63 =	vadd.s32 v22, v52;
	v53 =	vld.idx.msk [tilespmem:v62+s17+$0x0], $0xffff  }
0x45d: {  	v57 =	vadd.s32 v23, v51;
	_ =	sdelay $0x3  }
0x45e: {  	[tilespmem:v63+s3+$0x0] =	vst.idx.add.f32.msk $0xffff, v53  }
0x45f: {  	v58 =	vadd.s32 v23, v52;
	v53 =	vld.idx.msk [tilespmem:v57+s17+$0x0], $0xffff  }
0x460: {  	v59 =	vadd.s32 v24, v51;
	_ =	sdelay $0x3  }
0x461: {  	[tilespmem:v58+s3+$0x0] =	vst.idx.add.f32.msk $0xffff, v53  }
0x462: {  	v60 =	vadd.s32 v24, v52;
	v53 =	vld.idx.msk [tilespmem:v59+s17+$0x0], $0xffff  }
0x463: {  	v61 =	vadd.s32 v25, v51;
	_ =	sdelay $0x3  }
0x464: {  	[tilespmem:v60+s3+$0x0] =	vst.idx.add.f32.msk $0xffff, v53  }
0x465: {  	v62 =	vadd.s32 v25, v52;
	v53 =	vld.idx.msk [tilespmem:v61+s17+$0x0], $0xffff  }
0x466: {  	v63 =	vadd.s32 v26, v51;
	_ =	sdelay $0x3  }
0x467: {  	[tilespmem:v62+s3+$0x0] =	vst.idx.add.f32.msk $0xffff, v53  }
0x468: {  	v57 =	vadd.s32 v26, v52;
	v53 =	vld.idx.msk [tilespmem:v63+s17+$0x0], $0xffff  }
0x469: {  	v58 =	vadd.s32 v27, v51;
	_ =	sdelay $0x3  }
0x46a: {  	[tilespmem:v57+s3+$0x0] =	vst.idx.add.f32.msk $0xffff, v53  }
0x46b: {  	v59 =	vadd.s32 v27, v52;
	v53 =	vld.idx.msk [tilespmem:v58+s17+$0x0], $0xffff  }
0x46c: {  	v60 =	vadd.s32 v28, v51;
	_ =	sdelay $0x3  }
0x46d: {  	[tilespmem:v59+s3+$0x0] =	vst.idx.add.f32.msk $0xffff, v53  }
0x46e: {  	v61 =	vadd.s32 v28, v52;
	v53 =	vld.idx.msk [tilespmem:v60+s17+$0x0], $0xffff  }
0x46f: {  	v62 =	vadd.s32 v29, v51;
	_ =	sdelay $0x3  }
0x470: {  	[tilespmem:v61+s3+$0x0] =	vst.idx.add.f32.msk $0xffff, v53  }
0x471: {  	v63 =	vadd.s32 v29, v52;
	v53 =	vld.idx.msk [tilespmem:v62+s17+$0x0], $0xffff  }
0x472: {  	v57 =	vadd.s32 v30, v51;
	_ =	sdelay $0x3  }
0x473: {  	[tilespmem:v63+s3+$0x0] =	vst.idx.add.f32.msk $0xffff, v53  }
0x474: {  	v58 =	vadd.s32 v30, v52;
	v53 =	vld.idx.msk [tilespmem:v57+s17+$0x0], $0xffff  }
0x475: {  	v59 =	vadd.s32 v31, v51;
	_ =	sdelay $0x3  }
0x476: {  	[tilespmem:v58+s3+$0x0] =	vst.idx.add.f32.msk $0xffff, v53  }
0x477: {  	v60 =	vadd.s32 v31, v52;
	v53 =	vld.idx.msk [tilespmem:v59+s17+$0x0], $0xffff  }
0x478: {  	v61 =	vadd.s32 v32, v51;
	_ =	sdelay $0x3  }
0x479: {  	[tilespmem:v60+s3+$0x0] =	vst.idx.add.f32.msk $0xffff, v53  }
0x47a: {  	v62 =	vadd.s32 v32, v52;
	v53 =	vld.idx.msk [tilespmem:v61+s17+$0x0], $0xffff  }
0x47b: {  	v63 =	vadd.s32 v33, v51;
	_ =	sdelay $0x3  }
0x47c: {  	[tilespmem:v62+s3+$0x0] =	vst.idx.add.f32.msk $0xffff, v53  }
0x47d: {  	v57 =	vadd.s32 v33, v52;
	v53 =	vld.idx.msk [tilespmem:v63+s17+$0x0], $0xffff  }
0x47e: {  	v58 =	vadd.s32 v34, v51;
	_ =	sdelay $0x3  }
0x47f: {  	[tilespmem:v57+s3+$0x0] =	vst.idx.add.f32.msk $0xffff, v53  }
0x480: {  	v59 =	vadd.s32 v34, v52;
	v53 =	vld.idx.msk [tilespmem:v58+s17+$0x0], $0xffff  }
0x481: {  	v60 =	vadd.s32 v35, v51;
	_ =	sdelay $0x3  }
0x482: {  	[tilespmem:v59+s3+$0x0] =	vst.idx.add.f32.msk $0xffff, v53  }
0x483: {  	v61 =	vadd.s32 v35, v52;
	v53 =	vld.idx.msk [tilespmem:v60+s17+$0x0], $0xffff  }
0x484: {  	v62 =	vadd.s32 v36, v51;
	_ =	sdelay $0x3  }
0x485: {  	[tilespmem:v61+s3+$0x0] =	vst.idx.add.f32.msk $0xffff, v53  }
0x486: {  	v63 =	vadd.s32 v36, v52;
	v53 =	vld.idx.msk [tilespmem:v62+s17+$0x0], $0xffff  }
0x487: {  	v57 =	vadd.s32 v37, v51;
	_ =	sdelay $0x3  }
0x488: {  	[tilespmem:v63+s3+$0x0] =	vst.idx.add.f32.msk $0xffff, v53  }
0x489: {  	v58 =	vadd.s32 v37, v52;
	v53 =	vld.idx.msk [tilespmem:v57+s17+$0x0], $0xffff  }
0x48a: {  	v59 =	vadd.s32 v38, v51;
	_ =	sdelay $0x3  }
0x48b: {  	[tilespmem:v58+s3+$0x0] =	vst.idx.add.f32.msk $0xffff, v53  }
0x48c: {  	v60 =	vadd.s32 v38, v52;
	v53 =	vld.idx.msk [tilespmem:v59+s17+$0x0], $0xffff  }
0x48d: {  	v61 =	vadd.s32 v39, v51;
	_ =	sdelay $0x3  }
0x48e: {  	[tilespmem:v60+s3+$0x0] =	vst.idx.add.f32.msk $0xffff, v53  }
0x48f: {  	v62 =	vadd.s32 v39, v52;
	v53 =	vld.idx.msk [tilespmem:v61+s17+$0x0], $0xffff  }
0x490: {  	v63 =	vadd.s32 v40, v51;
	_ =	sdelay $0x3  }
0x491: {  	[tilespmem:v62+s3+$0x0] =	vst.idx.add.f32.msk $0xffff, v53  }
0x492: {  	v57 =	vadd.s32 v40, v52;
	v53 =	vld.idx.msk [tilespmem:v63+s17+$0x0], $0xffff  }
0x493: {  	v58 =	vadd.s32 v41, v51;
	_ =	sdelay $0x3  }
0x494: {  	[tilespmem:v57+s3+$0x0] =	vst.idx.add.f32.msk $0xffff, v53  }
0x495: {  	v59 =	vadd.s32 v41, v52;
	v53 =	vld.idx.msk [tilespmem:v58+s17+$0x0], $0xffff  }
0x496: {  	v60 =	vadd.s32 v42, v51;
	_ =	sdelay $0x3  }
0x497: {  	[tilespmem:v59+s3+$0x0] =	vst.idx.add.f32.msk $0xffff, v53  }
0x498: {  	v61 =	vadd.s32 v42, v52;
	v53 =	vld.idx.msk [tilespmem:v60+s17+$0x0], $0xffff  }
0x499: {  	v62 =	vadd.s32 v43, v51;
	_ =	sdelay $0x3  }
0x49a: {  	[tilespmem:v61+s3+$0x0] =	vst.idx.add.f32.msk $0xffff, v53  }
0x49b: {  	v63 =	vadd.s32 v43, v52;
	v53 =	vld.idx.msk [tilespmem:v62+s17+$0x0], $0xffff  }
0x49c: {  	v57 =	vadd.s32 v44, v51;
	_ =	sdelay $0x3  }
0x49d: {  	[tilespmem:v63+s3+$0x0] =	vst.idx.add.f32.msk $0xffff, v53  }
0x49e: {  	v58 =	vadd.s32 v44, v52;
	v53 =	vld.idx.msk [tilespmem:v57+s17+$0x0], $0xffff  }
0x49f: {  	v59 =	vadd.s32 v45, v51;
	_ =	sdelay $0x3  }
0x4a0: {  	[tilespmem:v58+s3+$0x0] =	vst.idx.add.f32.msk $0xffff, v53  }
0x4a1: {  	v60 =	vadd.s32 v45, v52;
	v53 =	vld.idx.msk [tilespmem:v59+s17+$0x0], $0xffff  }
0x4a2: {  	v61 =	vadd.s32 v46, v51;
	_ =	sdelay $0x3  }
0x4a3: {  	[tilespmem:v60+s3+$0x0] =	vst.idx.add.f32.msk $0xffff, v53  }
0x4a4: {  	v62 =	vadd.s32 v46, v52;
	v53 =	vld.idx.msk [tilespmem:v61+s17+$0x0], $0xffff  }
0x4a5: {  	v63 =	vadd.s32 v47, v51;
	_ =	sdelay $0x3  }
0x4a6: {  	[tilespmem:v62+s3+$0x0] =	vst.idx.add.f32.msk $0xffff, v53  }
0x4a7: {  	v57 =	vadd.s32 v47, v52;
	v53 =	vld.idx.msk [tilespmem:v63+s17+$0x0], $0xffff  }
0x4a8: {  	v58 =	vadd.s32 v48, v51;
	_ =	sdelay $0x3  }
0x4a9: {  	[tilespmem:v57+s3+$0x0] =	vst.idx.add.f32.msk $0xffff, v53  }
0x4aa: {  	v59 =	vadd.s32 v48, v52;
	v53 =	vld.idx.msk [tilespmem:v58+s17+$0x0], $0xffff  }
0x4ab: {  	v60 =	vadd.s32 v49, v51;
	_ =	sdelay $0x3  }
0x4ac: {  	[tilespmem:v59+s3+$0x0] =	vst.idx.add.f32.msk $0xffff, v53  }
0x4ad: {  	v61 =	vadd.s32 v49, v52;
	v53 =	vld.idx.msk [tilespmem:v60+s17+$0x0], $0xffff  }
0x4ae: {  	v51 =	vadd.s32 v50, v51;
	_ =	sdelay $0x3  }
0x4af: {  	[tilespmem:v61+s3+$0x0] =	vst.idx.add.f32.msk $0xffff, v53  }
0x4b0: {  	v52 =	vadd.s32 v50, v52;
	v51 =	vld.idx.msk [tilespmem:v51+s17+$0x0], $0xffff;
	_ =	sdelay $0x4  }
0x4b1: {  	[tilespmem:v52+s3+$0x0] =	vst.idx.add.f32.msk $0xffff, v51  }
0x4b2: {  	v51 =	vld [tilespmem:$0x1200];
	_ =	sdelay $0x4  }
0x4b3: {  	v62 =	vshrl.u32 v51, $0x3  }
0x4b4: {  	v52 =	vmul.u32 $0x30, v62  }
0x4b5: {  	v51 =	vand.u32 $0x7, v51  }
0x4b6: {  	v51 =	vor.u32 v51, v52  }
0x4b7: {  	v52 =	vperm.xlane v51, v3;
	_ =	sdelay $0x1  }
0x4b8: {  	v52 =	vadd.s32 v4, v52;
	_ =	sdelay $0x3  }
0x4b9: {  	v51 =	vperm.xlane v51, v5  }
0x4ba: {  	[hbm4b:s5+s6] =	stream.indirect_vreg.scatter [tilespmem:s3], [sflag:$0x4], $0x80, v52, vm0, $0xb8;
	[tilespmem:$0x1C380] =	vst v63  }
0x4bb: {  	s4 =	simm.s32 $0x16B80;
	v51 =	vadd.s32 v4, v51  }
0x4bc: {  	[hbm4b:s12+s6] =	stream.indirect_vreg.scatter [tilespmem:s4], [sflag:$0x4], $0x80, v52, vm0, $0xb8;
	[tilespmem:$0x1C380] =	vst v63  }
0x4bd: {  	_ = 	snop  }
0x4be: {  	[hbm4b:s13+s6] =	stream.indirect_vreg.scatter [tilespmem:s8], [sflag:$0x4], $0x80, v52, vm0, $0xb8;
	[tilespmem:$0x1C380] =	vst v63  }
0x4bf: {  	_ = 	snop  }
0x4c0: {  	[hbm4b:s5+s6] =	stream.indirect_vreg.scatter [tilespmem:s9], [sflag:$0x4], $0x80, v51, vm0, $0xb8;
	[tilespmem:$0x1C380] =	vst v63  }
0x4c1: {  	_ = 	snop  }
0x4c2: {  	[hbm4b:s12+s6] =	stream.indirect_vreg.scatter [tilespmem:s14], [sflag:$0x4], $0x80, v51, vm0, $0xb8;
	[tilespmem:$0x1C380] =	vst v63  }
0x4c3: {  	_ = 	snop  }
0x4c4: {  	[hbm4b:s13+s6] =	stream.indirect_vreg.scatter [tilespmem:s15], [sflag:$0x4], $0x80, v51, vm0, $0xb8;
	[tilespmem:$0x1C380] =	vst v63  }
0x4c5: {  	v51 =	vld [tilespmem:$0x1210];
	_ =	sdelay $0x4  }
0x4c6: {  	v63 =	vshrl.u32 v51, $0x3  }
0x4c7: {  	v52 =	vmul.u32 $0x30, v63  }
0x4c8: {  	v51 =	vand.u32 $0x7, v51  }
0x4c9: {  	v51 =	vor.u32 v51, v52  }
0x4ca: {  	v52 =	vperm.xlane v51, v3;
	_ =	sdelay $0x1  }
0x4cb: {  	v52 =	vadd.s32 v4, v52;
	_ =	sdelay $0x3  }
0x4cc: {  	v51 =	vperm.xlane v51, v5  }
0x4cd: {  	[hbm4b:s5+s6] =	stream.indirect_vreg.scatter [tilespmem:s1], [sflag:$0x4], $0x80, v52, vm0, $0xb8;
	[tilespmem:$0x1C380] =	vst v63  }
0x4ce: {  	v51 =	vadd.s32 v4, v51  }
0x4cf: {  	[hbm4b:s12+s6] =	stream.indirect_vreg.scatter [tilespmem:s19], [sflag:$0x4], $0x80, v52, vm0, $0xb8;
	[tilespmem:$0x1C380] =	vst v63  }
0x4d0: {  	s26 =	sadd.s32 $0x1, s26  }
0x4d1: {  	[hbm4b:s13+s6] =	stream.indirect_vreg.scatter [tilespmem:s20], [sflag:$0x4], $0x80, v52, vm0, $0xb8;
	[tilespmem:$0x1C380] =	vst v63  }
0x4d2: {  	p0 =	sne.s32 s26, $0x20  }
0x4d3: {  	[hbm4b:s5+s6] =	stream.indirect_vreg.scatter [tilespmem:s21], [sflag:$0x4], $0x80, v51, vm0, $0xb8;
	[tilespmem:$0x1C380] =	vst v63  }
.Ltmp2:
0x4d4: {  	_ = 	snop;
	(pc) =	sbr.rel @p0 .LBB2_2-.Ltmp2, $4  }
0x4d5: {  	_ = 	snop  }
0x4d6: {  	[hbm4b:s12+s6] =	stream.indirect_vreg.scatter [tilespmem:s22], [sflag:$0x4], $0x80, v51, vm0, $0xb8;
	[tilespmem:$0x1C380] =	vst v63  }
0x4d7: {  	_ = 	snop  }
0x4d8: {  	[hbm4b:s13+s6] =	stream.indirect_vreg.scatter [tilespmem:s23], [sflag:$0x4], $0x80, v51, vm0, $0xb8;
	[tilespmem:$0x1C380] =	vst v63  }
0x4d9: {  	s4 =	simm.s32 $0x3  }
0x4da: {  	_ =	swait.ge [sflag:s4], $0x6000  }
0x4db: {  	[sflag:s4] =	ssyncset.done $0x0  }
0x4dc: {  	s30 =	simm.s32 $0x4;
	[sflag:s4] =	ssyncadd.s32 $0xFFFFA000  }
0x4dd: {  	_ =	swait.ge [sflag:s30], $0x6000  }
0x4de: {  	[sflag:s30] =	ssyncset.done $0x0  }
0x4df: {  	s26 =	simm.s32 $0x0;
	s28 =	simm.s32 $0x0;
	[sflag:s30] =	ssyncadd.s32 $0xFFFFA000  }
.LBB2_8:
0x4e0: {  	s29 =	sshll.u32 s28, $0x2  }
0x4e1: {  	v51 =	vmov s29;
	s4 =	sor.u32 $0x1, s29  }
0x4e2: {  	v51 =	vbroadcast v51, $0x0;
	v52 =	vmov s4  }
0x4e3: {  	p0 =	seq.s32 s28, $0x0;
	v52 =	vbroadcast v52, $0x0  }
0x4e4: {  	s4 =	simm.s32 @!p0 $0x3  }
0x4e5: {  	_ =	swait.ge @!p0 [sflag:s4], $0x6000  }
0x4e6: {  	[sflag:s4] =	ssyncset.done @!p0 $0x0  }
0x4e7: {  	[sflag:s4] =	ssyncadd.s32 @!p0 $0xFFFFA000  }
0x4e8: {  	v51 =	vld.idx.msk [tilespmem:v51+s26+$0x0], $0xffff  }
0x4e9: {  	v52 =	vld.idx.msk [tilespmem:v52+s26+$0x0], $0xffff;
	_ =	sdelay $0x2  }
0x4ea: {  	s4 =	sor.u32 s7, s29  }
0x4eb: {  	s30 =	smul.u32 $0x50, s4;
	v51 =	vadd.s32 v0, v51  }
0x4ec: {  	[tilespmem:$0x1080] =	vst v51;
	v52 =	vadd.s32 v0, v52  }
0x4ed: {  	s4 =	smul.u32 $0x600, s4;
	v51 =	vadd.s32 s30, v51;
	s30 =	sadd.s32 $0x50, s30;
	[tilespmem:$0x1090] =	vst v52  }
0x4ee: {  	[tilespmem:$0x1180] =	vst v51;
	v62 =	vadd.s32 s30, v52;
	s30 =	rddreg [dreg:$0x2]  }
0x4ef: {  	v63 =	vmov s26;
	[tilespmem:$0x1190] =	vst v62;
	s4 =	sadd.s32 s30, s4  }
0x4f0: {  	[tilespmem:s18], [sflag:$0x1] =	stream.linear.gather [hbm4b:s4+s26], $0x6000, $0x38;
	[tilespmem:$0x1C380] =	vst v63  }
0x4f1: {  	_ =	swait.ge [sflag:s31], $0x6000  }
0x4f2: {  	[sflag:s31] =	ssyncset.done $0x0  }
0x4f3: {  	[sflag:s31] =	ssyncadd.s32 $0xFFFFA000  }
0x4f4: {  	v56 =	vld.idx.msk [tilespmem:v63+s0+$0x0], $0xffff;
	_ =	sdelay $0x4  }
0x4f5: {  	v53 =	vshrl.u32 v56, $0x3  }
0x4f6: {  	v52 =	vshll.u32 v56, $0x7;
	v53 =	vmul.u32 $0x1800, v53  }
0x4f7: {  	v52 =	vand.u32 $0x380, v52  }
0x4f8: {  	v52 =	vor.u32 v52, v53  }
0x4f9: {  	v53 =	vor.u32 v0, v52  }
0x4fa: {  	v54 =	vshrl.u32 v63, $0x3  }
0x4fb: {  	v54 =	vmul.u32 $0x1800, v54;
	v51 =	vshll.u32 v63, $0x7  }
0x4fc: {  	v51 =	vand.u32 $0x380, v51  }
0x4fd: {  	v51 =	vor.u32 v51, v54  }
0x4fe: {  	v54 =	vor.u32 v0, v51;
	v53 =	vld.idx.msk [tilespmem:v53+s17+$0x0], $0xffff  }
0x4ff: {  	v55 =	vor.u32 v1, v52;
	_ =	sdelay $0x3  }
0x500: {  	[tilespmem:v54+s18+$0x0] =	vst.idx.add.f32.msk $0xffff, v53  }
0x501: {  	v57 =	vor.u32 v1, v51;
	v53 =	vld.idx.msk [tilespmem:v55+s17+$0x0], $0xffff  }
0x502: {  	v58 =	vor.u32 v2, v52;
	_ =	sdelay $0x3  }
0x503: {  	[tilespmem:v57+s18+$0x0] =	vst.idx.add.f32.msk $0xffff, v53  }
0x504: {  	v59 =	vor.u32 v2, v51;
	v53 =	vld.idx.msk [tilespmem:v58+s17+$0x0], $0xffff  }
0x505: {  	v60 =	vor.u32 v6, v52;
	_ =	sdelay $0x3  }
0x506: {  	[tilespmem:v59+s18+$0x0] =	vst.idx.add.f32.msk $0xffff, v53  }
0x507: {  	v61 =	vor.u32 v6, v51;
	v53 =	vld.idx.msk [tilespmem:v60+s17+$0x0], $0xffff  }
0x508: {  	v62 =	vor.u32 v7, v52;
	_ =	sdelay $0x3  }
0x509: {  	[tilespmem:v61+s18+$0x0] =	vst.idx.add.f32.msk $0xffff, v53  }
0x50a: {  	v63 =	vor.u32 v7, v51;
	v53 =	vld.idx.msk [tilespmem:v62+s17+$0x0], $0xffff  }
0x50b: {  	v57 =	vor.u32 v8, v52;
	_ =	sdelay $0x3  }
0x50c: {  	[tilespmem:v63+s18+$0x0] =	vst.idx.add.f32.msk $0xffff, v53  }
0x50d: {  	v58 =	vor.u32 v8, v51;
	v53 =	vld.idx.msk [tilespmem:v57+s17+$0x0], $0xffff  }
0x50e: {  	v59 =	vor.u32 v9, v52;
	_ =	sdelay $0x3  }
0x50f: {  	[tilespmem:v58+s18+$0x0] =	vst.idx.add.f32.msk $0xffff, v53  }
0x510: {  	v60 =	vor.u32 v9, v51;
	v53 =	vld.idx.msk [tilespmem:v59+s17+$0x0], $0xffff  }
0x511: {  	v61 =	vor.u32 v10, v52;
	_ =	sdelay $0x3  }
0x512: {  	[tilespmem:v60+s18+$0x0] =	vst.idx.add.f32.msk $0xffff, v53  }
0x513: {  	v62 =	vor.u32 v10, v51;
	v53 =	vld.idx.msk [tilespmem:v61+s17+$0x0], $0xffff  }
0x514: {  	v63 =	vor.u32 v11, v52;
	_ =	sdelay $0x3  }
0x515: {  	[tilespmem:v62+s18+$0x0] =	vst.idx.add.f32.msk $0xffff, v53  }
0x516: {  	v57 =	vor.u32 v11, v51;
	v53 =	vld.idx.msk [tilespmem:v63+s17+$0x0], $0xffff  }
0x517: {  	v58 =	vor.u32 v12, v52;
	_ =	sdelay $0x3  }
0x518: {  	[tilespmem:v57+s18+$0x0] =	vst.idx.add.f32.msk $0xffff, v53  }
0x519: {  	v59 =	vor.u32 v12, v51;
	v53 =	vld.idx.msk [tilespmem:v58+s17+$0x0], $0xffff  }
0x51a: {  	v60 =	vor.u32 v13, v52;
	_ =	sdelay $0x3  }
0x51b: {  	[tilespmem:v59+s18+$0x0] =	vst.idx.add.f32.msk $0xffff, v53  }
0x51c: {  	v61 =	vor.u32 v13, v51;
	v53 =	vld.idx.msk [tilespmem:v60+s17+$0x0], $0xffff  }
0x51d: {  	v62 =	vor.u32 v14, v52;
	_ =	sdelay $0x3  }
0x51e: {  	[tilespmem:v61+s18+$0x0] =	vst.idx.add.f32.msk $0xffff, v53  }
0x51f: {  	v63 =	vor.u32 v14, v51;
	v53 =	vld.idx.msk [tilespmem:v62+s17+$0x0], $0xffff  }
0x520: {  	v57 =	vor.u32 v15, v52;
	_ =	sdelay $0x3  }
0x521: {  	[tilespmem:v63+s18+$0x0] =	vst.idx.add.f32.msk $0xffff, v53  }
0x522: {  	v58 =	vor.u32 v15, v51;
	v53 =	vld.idx.msk [tilespmem:v57+s17+$0x0], $0xffff  }
0x523: {  	v59 =	vor.u32 v16, v52;
	_ =	sdelay $0x3  }
0x524: {  	[tilespmem:v58+s18+$0x0] =	vst.idx.add.f32.msk $0xffff, v53  }
0x525: {  	v60 =	vor.u32 v16, v51;
	v53 =	vld.idx.msk [tilespmem:v59+s17+$0x0], $0xffff  }
0x526: {  	v61 =	vor.u32 v17, v52;
	_ =	sdelay $0x3  }
0x527: {  	[tilespmem:v60+s18+$0x0] =	vst.idx.add.f32.msk $0xffff, v53  }
0x528: {  	v62 =	vor.u32 v17, v51;
	v53 =	vld.idx.msk [tilespmem:v61+s17+$0x0], $0xffff  }
0x529: {  	v63 =	vor.u32 v18, v52;
	_ =	sdelay $0x3  }
0x52a: {  	[tilespmem:v62+s18+$0x0] =	vst.idx.add.f32.msk $0xffff, v53  }
0x52b: {  	v57 =	vor.u32 v18, v51;
	v53 =	vld.idx.msk [tilespmem:v63+s17+$0x0], $0xffff  }
0x52c: {  	v58 =	vadd.s32 v19, v52;
	_ =	sdelay $0x3  }
0x52d: {  	[tilespmem:v57+s18+$0x0] =	vst.idx.add.f32.msk $0xffff, v53  }
0x52e: {  	v59 =	vadd.s32 v19, v51;
	v53 =	vld.idx.msk [tilespmem:v58+s17+$0x0], $0xffff  }
0x52f: {  	v60 =	vadd.s32 v20, v52;
	_ =	sdelay $0x3  }
0x530: {  	[tilespmem:v59+s18+$0x0] =	vst.idx.add.f32.msk $0xffff, v53  }
0x531: {  	v61 =	vadd.s32 v20, v51;
	v53 =	vld.idx.msk [tilespmem:v60+s17+$0x0], $0xffff  }
0x532: {  	v62 =	vadd.s32 v21, v52;
	_ =	sdelay $0x3  }
0x533: {  	[tilespmem:v61+s18+$0x0] =	vst.idx.add.f32.msk $0xffff, v53  }
0x534: {  	v63 =	vadd.s32 v21, v51;
	v53 =	vld.idx.msk [tilespmem:v62+s17+$0x0], $0xffff  }
0x535: {  	v57 =	vadd.s32 v22, v52;
	_ =	sdelay $0x3  }
0x536: {  	[tilespmem:v63+s18+$0x0] =	vst.idx.add.f32.msk $0xffff, v53  }
0x537: {  	v58 =	vadd.s32 v22, v51;
	v53 =	vld.idx.msk [tilespmem:v57+s17+$0x0], $0xffff  }
0x538: {  	v59 =	vadd.s32 v23, v52;
	_ =	sdelay $0x3  }
0x539: {  	[tilespmem:v58+s18+$0x0] =	vst.idx.add.f32.msk $0xffff, v53  }
0x53a: {  	v60 =	vadd.s32 v23, v51;
	v53 =	vld.idx.msk [tilespmem:v59+s17+$0x0], $0xffff  }
0x53b: {  	v61 =	vadd.s32 v24, v52;
	_ =	sdelay $0x3  }
0x53c: {  	[tilespmem:v60+s18+$0x0] =	vst.idx.add.f32.msk $0xffff, v53  }
0x53d: {  	v62 =	vadd.s32 v24, v51;
	v53 =	vld.idx.msk [tilespmem:v61+s17+$0x0], $0xffff  }
0x53e: {  	v63 =	vadd.s32 v25, v52;
	_ =	sdelay $0x3  }
0x53f: {  	[tilespmem:v62+s18+$0x0] =	vst.idx.add.f32.msk $0xffff, v53  }
0x540: {  	v57 =	vadd.s32 v25, v51;
	v53 =	vld.idx.msk [tilespmem:v63+s17+$0x0], $0xffff  }
0x541: {  	v58 =	vadd.s32 v26, v52;
	_ =	sdelay $0x3  }
0x542: {  	[tilespmem:v57+s18+$0x0] =	vst.idx.add.f32.msk $0xffff, v53  }
0x543: {  	v59 =	vadd.s32 v26, v51;
	v53 =	vld.idx.msk [tilespmem:v58+s17+$0x0], $0xffff  }
0x544: {  	v60 =	vadd.s32 v27, v52;
	_ =	sdelay $0x3  }
0x545: {  	[tilespmem:v59+s18+$0x0] =	vst.idx.add.f32.msk $0xffff, v53  }
0x546: {  	v61 =	vadd.s32 v27, v51;
	v53 =	vld.idx.msk [tilespmem:v60+s17+$0x0], $0xffff  }
0x547: {  	v62 =	vadd.s32 v28, v52;
	_ =	sdelay $0x3  }
0x548: {  	[tilespmem:v61+s18+$0x0] =	vst.idx.add.f32.msk $0xffff, v53  }
0x549: {  	v63 =	vadd.s32 v28, v51;
	v53 =	vld.idx.msk [tilespmem:v62+s17+$0x0], $0xffff  }
0x54a: {  	v57 =	vadd.s32 v29, v52;
	_ =	sdelay $0x3  }
0x54b: {  	[tilespmem:v63+s18+$0x0] =	vst.idx.add.f32.msk $0xffff, v53  }
0x54c: {  	v58 =	vadd.s32 v29, v51;
	v53 =	vld.idx.msk [tilespmem:v57+s17+$0x0], $0xffff  }
0x54d: {  	v59 =	vadd.s32 v30, v52;
	_ =	sdelay $0x3  }
0x54e: {  	[tilespmem:v58+s18+$0x0] =	vst.idx.add.f32.msk $0xffff, v53  }
0x54f: {  	v60 =	vadd.s32 v30, v51;
	v53 =	vld.idx.msk [tilespmem:v59+s17+$0x0], $0xffff  }
0x550: {  	v61 =	vadd.s32 v31, v52;
	_ =	sdelay $0x3  }
0x551: {  	[tilespmem:v60+s18+$0x0] =	vst.idx.add.f32.msk $0xffff, v53  }
0x552: {  	v62 =	vadd.s32 v31, v51;
	v53 =	vld.idx.msk [tilespmem:v61+s17+$0x0], $0xffff  }
0x553: {  	v63 =	vadd.s32 v32, v52;
	_ =	sdelay $0x3  }
0x554: {  	[tilespmem:v62+s18+$0x0] =	vst.idx.add.f32.msk $0xffff, v53  }
0x555: {  	v57 =	vadd.s32 v32, v51;
	v53 =	vld.idx.msk [tilespmem:v63+s17+$0x0], $0xffff  }
0x556: {  	v58 =	vadd.s32 v33, v52;
	_ =	sdelay $0x3  }
0x557: {  	[tilespmem:v57+s18+$0x0] =	vst.idx.add.f32.msk $0xffff, v53  }
0x558: {  	v59 =	vadd.s32 v33, v51;
	v53 =	vld.idx.msk [tilespmem:v58+s17+$0x0], $0xffff  }
0x559: {  	v60 =	vadd.s32 v34, v52;
	_ =	sdelay $0x3  }
0x55a: {  	[tilespmem:v59+s18+$0x0] =	vst.idx.add.f32.msk $0xffff, v53  }
0x55b: {  	v61 =	vadd.s32 v34, v51;
	v53 =	vld.idx.msk [tilespmem:v60+s17+$0x0], $0xffff  }
0x55c: {  	v62 =	vadd.s32 v35, v52;
	_ =	sdelay $0x3  }
0x55d: {  	[tilespmem:v61+s18+$0x0] =	vst.idx.add.f32.msk $0xffff, v53  }
0x55e: {  	v63 =	vadd.s32 v35, v51;
	v53 =	vld.idx.msk [tilespmem:v62+s17+$0x0], $0xffff  }
0x55f: {  	v57 =	vadd.s32 v36, v52;
	_ =	sdelay $0x3  }
0x560: {  	[tilespmem:v63+s18+$0x0] =	vst.idx.add.f32.msk $0xffff, v53  }
0x561: {  	v58 =	vadd.s32 v36, v51;
	v53 =	vld.idx.msk [tilespmem:v57+s17+$0x0], $0xffff  }
0x562: {  	v59 =	vadd.s32 v37, v52;
	_ =	sdelay $0x3  }
0x563: {  	[tilespmem:v58+s18+$0x0] =	vst.idx.add.f32.msk $0xffff, v53  }
0x564: {  	v60 =	vadd.s32 v37, v51;
	v53 =	vld.idx.msk [tilespmem:v59+s17+$0x0], $0xffff  }
0x565: {  	v61 =	vadd.s32 v38, v52;
	_ =	sdelay $0x3  }
0x566: {  	[tilespmem:v60+s18+$0x0] =	vst.idx.add.f32.msk $0xffff, v53  }
0x567: {  	v62 =	vadd.s32 v38, v51;
	v53 =	vld.idx.msk [tilespmem:v61+s17+$0x0], $0xffff  }
0x568: {  	v63 =	vadd.s32 v39, v52;
	_ =	sdelay $0x3  }
0x569: {  	[tilespmem:v62+s18+$0x0] =	vst.idx.add.f32.msk $0xffff, v53  }
0x56a: {  	v57 =	vadd.s32 v39, v51;
	v53 =	vld.idx.msk [tilespmem:v63+s17+$0x0], $0xffff  }
0x56b: {  	v58 =	vadd.s32 v40, v52;
	_ =	sdelay $0x3  }
0x56c: {  	[tilespmem:v57+s18+$0x0] =	vst.idx.add.f32.msk $0xffff, v53  }
0x56d: {  	v59 =	vadd.s32 v40, v51;
	v53 =	vld.idx.msk [tilespmem:v58+s17+$0x0], $0xffff  }
0x56e: {  	v60 =	vadd.s32 v41, v52;
	_ =	sdelay $0x3  }
0x56f: {  	[tilespmem:v59+s18+$0x0] =	vst.idx.add.f32.msk $0xffff, v53  }
0x570: {  	v61 =	vadd.s32 v41, v51;
	v53 =	vld.idx.msk [tilespmem:v60+s17+$0x0], $0xffff  }
0x571: {  	v62 =	vadd.s32 v42, v52;
	_ =	sdelay $0x3  }
0x572: {  	[tilespmem:v61+s18+$0x0] =	vst.idx.add.f32.msk $0xffff, v53  }
0x573: {  	v63 =	vadd.s32 v42, v51;
	v53 =	vld.idx.msk [tilespmem:v62+s17+$0x0], $0xffff  }
0x574: {  	v57 =	vadd.s32 v43, v52;
	_ =	sdelay $0x3  }
0x575: {  	[tilespmem:v63+s18+$0x0] =	vst.idx.add.f32.msk $0xffff, v53  }
0x576: {  	v58 =	vadd.s32 v43, v51;
	v53 =	vld.idx.msk [tilespmem:v57+s17+$0x0], $0xffff  }
0x577: {  	v59 =	vadd.s32 v44, v52;
	_ =	sdelay $0x3  }
0x578: {  	[tilespmem:v58+s18+$0x0] =	vst.idx.add.f32.msk $0xffff, v53  }
0x579: {  	v60 =	vadd.s32 v44, v51;
	v53 =	vld.idx.msk [tilespmem:v59+s17+$0x0], $0xffff  }
0x57a: {  	v61 =	vadd.s32 v45, v52;
	_ =	sdelay $0x3  }
0x57b: {  	[tilespmem:v60+s18+$0x0] =	vst.idx.add.f32.msk $0xffff, v53  }
0x57c: {  	v62 =	vadd.s32 v45, v51;
	v53 =	vld.idx.msk [tilespmem:v61+s17+$0x0], $0xffff  }
0x57d: {  	v63 =	vadd.s32 v46, v52;
	_ =	sdelay $0x3  }
0x57e: {  	[tilespmem:v62+s18+$0x0] =	vst.idx.add.f32.msk $0xffff, v53  }
0x57f: {  	v57 =	vadd.s32 v46, v51;
	v53 =	vld.idx.msk [tilespmem:v63+s17+$0x0], $0xffff  }
0x580: {  	v58 =	vadd.s32 v47, v52;
	_ =	sdelay $0x3  }
0x581: {  	[tilespmem:v57+s18+$0x0] =	vst.idx.add.f32.msk $0xffff, v53  }
0x582: {  	v59 =	vadd.s32 v47, v51;
	v53 =	vld.idx.msk [tilespmem:v58+s17+$0x0], $0xffff  }
0x583: {  	v60 =	vadd.s32 v48, v52;
	_ =	sdelay $0x3  }
0x584: {  	[tilespmem:v59+s18+$0x0] =	vst.idx.add.f32.msk $0xffff, v53  }
0x585: {  	v61 =	vadd.s32 v48, v51;
	v53 =	vld.idx.msk [tilespmem:v60+s17+$0x0], $0xffff  }
0x586: {  	v62 =	vadd.s32 v49, v52;
	_ =	sdelay $0x3  }
0x587: {  	[tilespmem:v61+s18+$0x0] =	vst.idx.add.f32.msk $0xffff, v53  }
0x588: {  	v63 =	vadd.s32 v49, v51;
	v53 =	vld.idx.msk [tilespmem:v62+s17+$0x0], $0xffff  }
0x589: {  	v52 =	vadd.s32 v50, v52;
	_ =	sdelay $0x3  }
0x58a: {  	[tilespmem:v63+s18+$0x0] =	vst.idx.add.f32.msk $0xffff, v53  }
0x58b: {  	s4 =	simm.s32 $0x1;
	v51 =	vadd.s32 v50, v51;
	v55 =	vld.idx.msk [tilespmem:v52+s17+$0x0], $0xffff  }
0x58c: {  	v54 =	vmov s4  }
0x58d: {  	v56 =	vshrl.u32 v54, $0x3  }
0x58e: {  	s30 =	simm.s32 $0x2;
	v53 =	vshll.u32 v54, $0x7;
	v52 =	vmul.u32 $0x1800, v56  }
.LBB2_9:
0x58f: {  	_ = 	snop  }
0x590: {  	p1 =	sne.s32 s30, $0x1F;
	[tilespmem:v51+s18+$0x0] =	vst.idx.add.f32.msk $0xffff, v55;
	s4 =	smov.u32 s30;
	s30 =	sadd.s32 $0x1, s30  }
0x591: {  	v51 =	vld.idx.msk [tilespmem:v54+s0+$0x0], $0xffff;
	_ =	sdelay $0x5  }
0x592: {  	v54 =	vshrl.u32 v51, $0x3;
	v51 =	vshll.u32 v51, $0x7  }
0x593: {  	v54 =	vmul.u32 $0x1800, v54  }
0x594: {  	v51 =	vand.u32 $0x380, v51  }
0x595: {  	v51 =	vor.u32 v51, v54  }
0x596: {  	v54 =	vor.u32 v0, v51;
	_ =	sdelay $0x3  }
0x597: {  	v53 =	vand.u32 $0x380, v53  }
0x598: {  	v52 =	vor.u32 v53, v52;
	v54 =	vld.idx.msk [tilespmem:v54+s17+$0x0], $0xffff  }
0x599: {  	v53 =	vor.u32 v0, v52  }
0x59a: {  	v55 =	vor.u32 v1, v51;
	_ =	sdelay $0x3  }
0x59b: {  	[tilespmem:v53+s18+$0x0] =	vst.idx.add.f32.msk $0xffff, v54  }
0x59c: {  	v53 =	vld.idx.msk [tilespmem:v55+s17+$0x0], $0xffff  }
0x59d: {  	v54 =	vor.u32 v1, v52  }
0x59e: {  	v55 =	vor.u32 v2, v51;
	_ =	sdelay $0x3  }
0x59f: {  	[tilespmem:v54+s18+$0x0] =	vst.idx.add.f32.msk $0xffff, v53  }
0x5a0: {  	v53 =	vld.idx.msk [tilespmem:v55+s17+$0x0], $0xffff  }
0x5a1: {  	v54 =	vor.u32 v2, v52  }
0x5a2: {  	v55 =	vor.u32 v6, v51;
	_ =	sdelay $0x3  }
0x5a3: {  	[tilespmem:v54+s18+$0x0] =	vst.idx.add.f32.msk $0xffff, v53  }
0x5a4: {  	v53 =	vld.idx.msk [tilespmem:v55+s17+$0x0], $0xffff  }
0x5a5: {  	v54 =	vor.u32 v6, v52  }
0x5a6: {  	v55 =	vor.u32 v7, v51;
	_ =	sdelay $0x3  }
0x5a7: {  	[tilespmem:v54+s18+$0x0] =	vst.idx.add.f32.msk $0xffff, v53  }
0x5a8: {  	v53 =	vld.idx.msk [tilespmem:v55+s17+$0x0], $0xffff  }
0x5a9: {  	v54 =	vor.u32 v7, v52  }
0x5aa: {  	v55 =	vor.u32 v8, v51;
	_ =	sdelay $0x3  }
0x5ab: {  	[tilespmem:v54+s18+$0x0] =	vst.idx.add.f32.msk $0xffff, v53  }
0x5ac: {  	v53 =	vld.idx.msk [tilespmem:v55+s17+$0x0], $0xffff  }
0x5ad: {  	v54 =	vor.u32 v8, v52  }
0x5ae: {  	v55 =	vor.u32 v9, v51;
	_ =	sdelay $0x3  }
0x5af: {  	[tilespmem:v54+s18+$0x0] =	vst.idx.add.f32.msk $0xffff, v53  }
0x5b0: {  	v53 =	vld.idx.msk [tilespmem:v55+s17+$0x0], $0xffff  }
0x5b1: {  	v54 =	vor.u32 v9, v52  }
0x5b2: {  	v55 =	vor.u32 v10, v51;
	_ =	sdelay $0x3  }
0x5b3: {  	[tilespmem:v54+s18+$0x0] =	vst.idx.add.f32.msk $0xffff, v53  }
0x5b4: {  	v53 =	vld.idx.msk [tilespmem:v55+s17+$0x0], $0xffff  }
0x5b5: {  	v54 =	vor.u32 v10, v52  }
0x5b6: {  	v55 =	vor.u32 v11, v51;
	_ =	sdelay $0x3  }
0x5b7: {  	[tilespmem:v54+s18+$0x0] =	vst.idx.add.f32.msk $0xffff, v53  }
0x5b8: {  	v53 =	vld.idx.msk [tilespmem:v55+s17+$0x0], $0xffff  }
0x5b9: {  	v54 =	vor.u32 v11, v52  }
0x5ba: {  	v55 =	vor.u32 v12, v51;
	_ =	sdelay $0x3  }
0x5bb: {  	[tilespmem:v54+s18+$0x0] =	vst.idx.add.f32.msk $0xffff, v53  }
0x5bc: {  	v53 =	vld.idx.msk [tilespmem:v55+s17+$0x0], $0xffff  }
0x5bd: {  	v54 =	vor.u32 v12, v52  }
0x5be: {  	v55 =	vor.u32 v13, v51;
	_ =	sdelay $0x3  }
0x5bf: {  	[tilespmem:v54+s18+$0x0] =	vst.idx.add.f32.msk $0xffff, v53  }
0x5c0: {  	v53 =	vld.idx.msk [tilespmem:v55+s17+$0x0], $0xffff  }
0x5c1: {  	v54 =	vor.u32 v13, v52  }
0x5c2: {  	v55 =	vor.u32 v14, v51;
	_ =	sdelay $0x3  }
0x5c3: {  	[tilespmem:v54+s18+$0x0] =	vst.idx.add.f32.msk $0xffff, v53  }
0x5c4: {  	v53 =	vld.idx.msk [tilespmem:v55+s17+$0x0], $0xffff  }
0x5c5: {  	v54 =	vor.u32 v14, v52  }
0x5c6: {  	v55 =	vor.u32 v15, v51;
	_ =	sdelay $0x3  }
0x5c7: {  	[tilespmem:v54+s18+$0x0] =	vst.idx.add.f32.msk $0xffff, v53  }
0x5c8: {  	v53 =	vld.idx.msk [tilespmem:v55+s17+$0x0], $0xffff  }
0x5c9: {  	v54 =	vor.u32 v15, v52  }
0x5ca: {  	v55 =	vor.u32 v16, v51;
	_ =	sdelay $0x3  }
0x5cb: {  	[tilespmem:v54+s18+$0x0] =	vst.idx.add.f32.msk $0xffff, v53  }
0x5cc: {  	v53 =	vld.idx.msk [tilespmem:v55+s17+$0x0], $0xffff  }
0x5cd: {  	v54 =	vor.u32 v16, v52  }
0x5ce: {  	v55 =	vor.u32 v17, v51;
	_ =	sdelay $0x3  }
0x5cf: {  	[tilespmem:v54+s18+$0x0] =	vst.idx.add.f32.msk $0xffff, v53  }
0x5d0: {  	v53 =	vld.idx.msk [tilespmem:v55+s17+$0x0], $0xffff  }
0x5d1: {  	v54 =	vor.u32 v17, v52  }
0x5d2: {  	v55 =	vor.u32 v18, v51;
	_ =	sdelay $0x3  }
0x5d3: {  	[tilespmem:v54+s18+$0x0] =	vst.idx.add.f32.msk $0xffff, v53  }
0x5d4: {  	v53 =	vld.idx.msk [tilespmem:v55+s17+$0x0], $0xffff  }
0x5d5: {  	v54 =	vor.u32 v18, v52  }
0x5d6: {  	v55 =	vadd.s32 v19, v51;
	_ =	sdelay $0x3  }
0x5d7: {  	[tilespmem:v54+s18+$0x0] =	vst.idx.add.f32.msk $0xffff, v53  }
0x5d8: {  	v53 =	vld.idx.msk [tilespmem:v55+s17+$0x0], $0xffff  }
0x5d9: {  	v54 =	vadd.s32 v19, v52  }
0x5da: {  	v55 =	vadd.s32 v20, v51;
	_ =	sdelay $0x3  }
0x5db: {  	[tilespmem:v54+s18+$0x0] =	vst.idx.add.f32.msk $0xffff, v53  }
0x5dc: {  	v53 =	vld.idx.msk [tilespmem:v55+s17+$0x0], $0xffff  }
0x5dd: {  	v54 =	vadd.s32 v20, v52  }
0x5de: {  	v55 =	vadd.s32 v21, v51;
	_ =	sdelay $0x3  }
0x5df: {  	[tilespmem:v54+s18+$0x0] =	vst.idx.add.f32.msk $0xffff, v53  }
0x5e0: {  	v53 =	vld.idx.msk [tilespmem:v55+s17+$0x0], $0xffff  }
0x5e1: {  	v54 =	vadd.s32 v21, v52  }
0x5e2: {  	v55 =	vadd.s32 v22, v51;
	_ =	sdelay $0x3  }
0x5e3: {  	[tilespmem:v54+s18+$0x0] =	vst.idx.add.f32.msk $0xffff, v53  }
0x5e4: {  	v53 =	vld.idx.msk [tilespmem:v55+s17+$0x0], $0xffff  }
0x5e5: {  	v54 =	vadd.s32 v22, v52  }
0x5e6: {  	v55 =	vadd.s32 v23, v51;
	_ =	sdelay $0x3  }
0x5e7: {  	[tilespmem:v54+s18+$0x0] =	vst.idx.add.f32.msk $0xffff, v53  }
0x5e8: {  	v53 =	vld.idx.msk [tilespmem:v55+s17+$0x0], $0xffff  }
0x5e9: {  	v54 =	vadd.s32 v23, v52  }
0x5ea: {  	v55 =	vadd.s32 v24, v51;
	_ =	sdelay $0x3  }
0x5eb: {  	[tilespmem:v54+s18+$0x0] =	vst.idx.add.f32.msk $0xffff, v53  }
0x5ec: {  	v53 =	vld.idx.msk [tilespmem:v55+s17+$0x0], $0xffff  }
0x5ed: {  	v54 =	vadd.s32 v24, v52  }
0x5ee: {  	v55 =	vadd.s32 v25, v51;
	_ =	sdelay $0x3  }
0x5ef: {  	[tilespmem:v54+s18+$0x0] =	vst.idx.add.f32.msk $0xffff, v53  }
0x5f0: {  	v53 =	vld.idx.msk [tilespmem:v55+s17+$0x0], $0xffff  }
0x5f1: {  	v54 =	vadd.s32 v25, v52  }
0x5f2: {  	v55 =	vadd.s32 v26, v51;
	_ =	sdelay $0x3  }
0x5f3: {  	[tilespmem:v54+s18+$0x0] =	vst.idx.add.f32.msk $0xffff, v53  }
0x5f4: {  	v53 =	vld.idx.msk [tilespmem:v55+s17+$0x0], $0xffff  }
0x5f5: {  	v54 =	vadd.s32 v26, v52  }
0x5f6: {  	v55 =	vadd.s32 v27, v51;
	_ =	sdelay $0x3  }
0x5f7: {  	[tilespmem:v54+s18+$0x0] =	vst.idx.add.f32.msk $0xffff, v53  }
0x5f8: {  	v53 =	vld.idx.msk [tilespmem:v55+s17+$0x0], $0xffff  }
0x5f9: {  	v54 =	vadd.s32 v27, v52  }
0x5fa: {  	v55 =	vadd.s32 v28, v51;
	_ =	sdelay $0x3  }
0x5fb: {  	[tilespmem:v54+s18+$0x0] =	vst.idx.add.f32.msk $0xffff, v53  }
0x5fc: {  	v53 =	vld.idx.msk [tilespmem:v55+s17+$0x0], $0xffff  }
0x5fd: {  	v54 =	vadd.s32 v28, v52  }
0x5fe: {  	v55 =	vadd.s32 v29, v51;
	_ =	sdelay $0x3  }
0x5ff: {  	[tilespmem:v54+s18+$0x0] =	vst.idx.add.f32.msk $0xffff, v53  }
0x600: {  	v53 =	vld.idx.msk [tilespmem:v55+s17+$0x0], $0xffff  }
0x601: {  	v54 =	vadd.s32 v29, v52  }
0x602: {  	v55 =	vadd.s32 v30, v51;
	_ =	sdelay $0x3  }
0x603: {  	[tilespmem:v54+s18+$0x0] =	vst.idx.add.f32.msk $0xffff, v53  }
0x604: {  	v53 =	vld.idx.msk [tilespmem:v55+s17+$0x0], $0xffff  }
0x605: {  	v54 =	vadd.s32 v30, v52  }
0x606: {  	v55 =	vadd.s32 v31, v51;
	_ =	sdelay $0x3  }
0x607: {  	[tilespmem:v54+s18+$0x0] =	vst.idx.add.f32.msk $0xffff, v53  }
0x608: {  	v53 =	vld.idx.msk [tilespmem:v55+s17+$0x0], $0xffff  }
0x609: {  	v54 =	vadd.s32 v31, v52  }
0x60a: {  	v55 =	vadd.s32 v32, v51;
	_ =	sdelay $0x3  }
0x60b: {  	[tilespmem:v54+s18+$0x0] =	vst.idx.add.f32.msk $0xffff, v53  }
0x60c: {  	v53 =	vld.idx.msk [tilespmem:v55+s17+$0x0], $0xffff  }
0x60d: {  	v54 =	vadd.s32 v32, v52  }
0x60e: {  	v55 =	vadd.s32 v33, v51;
	_ =	sdelay $0x3  }
0x60f: {  	[tilespmem:v54+s18+$0x0] =	vst.idx.add.f32.msk $0xffff, v53  }
0x610: {  	v53 =	vld.idx.msk [tilespmem:v55+s17+$0x0], $0xffff  }
0x611: {  	v54 =	vadd.s32 v33, v52  }
0x612: {  	v55 =	vadd.s32 v34, v51;
	_ =	sdelay $0x3  }
0x613: {  	[tilespmem:v54+s18+$0x0] =	vst.idx.add.f32.msk $0xffff, v53  }
0x614: {  	v53 =	vld.idx.msk [tilespmem:v55+s17+$0x0], $0xffff  }
0x615: {  	v54 =	vadd.s32 v34, v52  }
0x616: {  	v55 =	vadd.s32 v35, v51;
	_ =	sdelay $0x3  }
0x617: {  	[tilespmem:v54+s18+$0x0] =	vst.idx.add.f32.msk $0xffff, v53  }
0x618: {  	v53 =	vld.idx.msk [tilespmem:v55+s17+$0x0], $0xffff  }
0x619: {  	v54 =	vadd.s32 v35, v52  }
0x61a: {  	v55 =	vadd.s32 v36, v51;
	_ =	sdelay $0x3  }
0x61b: {  	[tilespmem:v54+s18+$0x0] =	vst.idx.add.f32.msk $0xffff, v53  }
0x61c: {  	v53 =	vld.idx.msk [tilespmem:v55+s17+$0x0], $0xffff  }
0x61d: {  	v54 =	vadd.s32 v36, v52  }
0x61e: {  	v55 =	vadd.s32 v37, v51;
	_ =	sdelay $0x3  }
0x61f: {  	[tilespmem:v54+s18+$0x0] =	vst.idx.add.f32.msk $0xffff, v53  }
0x620: {  	v53 =	vld.idx.msk [tilespmem:v55+s17+$0x0], $0xffff  }
0x621: {  	v54 =	vadd.s32 v37, v52  }
0x622: {  	v55 =	vadd.s32 v38, v51;
	_ =	sdelay $0x3  }
0x623: {  	[tilespmem:v54+s18+$0x0] =	vst.idx.add.f32.msk $0xffff, v53  }
0x624: {  	v53 =	vld.idx.msk [tilespmem:v55+s17+$0x0], $0xffff  }
0x625: {  	v54 =	vadd.s32 v38, v52  }
0x626: {  	v55 =	vadd.s32 v39, v51;
	_ =	sdelay $0x3  }
0x627: {  	[tilespmem:v54+s18+$0x0] =	vst.idx.add.f32.msk $0xffff, v53  }
0x628: {  	v53 =	vld.idx.msk [tilespmem:v55+s17+$0x0], $0xffff  }
0x629: {  	v54 =	vadd.s32 v39, v52  }
0x62a: {  	v55 =	vadd.s32 v40, v51;
	_ =	sdelay $0x3  }
0x62b: {  	[tilespmem:v54+s18+$0x0] =	vst.idx.add.f32.msk $0xffff, v53  }
0x62c: {  	v53 =	vld.idx.msk [tilespmem:v55+s17+$0x0], $0xffff  }
0x62d: {  	v54 =	vadd.s32 v40, v52  }
0x62e: {  	v55 =	vadd.s32 v41, v51;
	_ =	sdelay $0x3  }
0x62f: {  	[tilespmem:v54+s18+$0x0] =	vst.idx.add.f32.msk $0xffff, v53  }
0x630: {  	v53 =	vld.idx.msk [tilespmem:v55+s17+$0x0], $0xffff  }
0x631: {  	v54 =	vadd.s32 v41, v52  }
0x632: {  	v55 =	vadd.s32 v42, v51;
	_ =	sdelay $0x3  }
0x633: {  	[tilespmem:v54+s18+$0x0] =	vst.idx.add.f32.msk $0xffff, v53  }
0x634: {  	v53 =	vld.idx.msk [tilespmem:v55+s17+$0x0], $0xffff  }
0x635: {  	v54 =	vadd.s32 v42, v52  }
0x636: {  	v55 =	vadd.s32 v43, v51;
	_ =	sdelay $0x3  }
0x637: {  	[tilespmem:v54+s18+$0x0] =	vst.idx.add.f32.msk $0xffff, v53  }
0x638: {  	v53 =	vld.idx.msk [tilespmem:v55+s17+$0x0], $0xffff  }
0x639: {  	v54 =	vadd.s32 v43, v52  }
0x63a: {  	v55 =	vadd.s32 v44, v51;
	_ =	sdelay $0x3  }
0x63b: {  	[tilespmem:v54+s18+$0x0] =	vst.idx.add.f32.msk $0xffff, v53  }
0x63c: {  	v53 =	vld.idx.msk [tilespmem:v55+s17+$0x0], $0xffff  }
0x63d: {  	v54 =	vadd.s32 v44, v52  }
0x63e: {  	v55 =	vadd.s32 v45, v51;
	_ =	sdelay $0x3  }
0x63f: {  	[tilespmem:v54+s18+$0x0] =	vst.idx.add.f32.msk $0xffff, v53  }
0x640: {  	v53 =	vld.idx.msk [tilespmem:v55+s17+$0x0], $0xffff  }
0x641: {  	v54 =	vadd.s32 v45, v52  }
0x642: {  	v55 =	vadd.s32 v46, v51;
	_ =	sdelay $0x3  }
0x643: {  	[tilespmem:v54+s18+$0x0] =	vst.idx.add.f32.msk $0xffff, v53  }
0x644: {  	v53 =	vld.idx.msk [tilespmem:v55+s17+$0x0], $0xffff  }
0x645: {  	v54 =	vadd.s32 v46, v52  }
0x646: {  	v55 =	vadd.s32 v47, v51;
	_ =	sdelay $0x3  }
0x647: {  	[tilespmem:v54+s18+$0x0] =	vst.idx.add.f32.msk $0xffff, v53  }
0x648: {  	v53 =	vld.idx.msk [tilespmem:v55+s17+$0x0], $0xffff  }
0x649: {  	v54 =	vadd.s32 v47, v52  }
0x64a: {  	v55 =	vadd.s32 v48, v51;
	_ =	sdelay $0x3  }
0x64b: {  	[tilespmem:v54+s18+$0x0] =	vst.idx.add.f32.msk $0xffff, v53  }
0x64c: {  	v53 =	vld.idx.msk [tilespmem:v55+s17+$0x0], $0xffff  }
0x64d: {  	v54 =	vadd.s32 v48, v52  }
0x64e: {  	v55 =	vadd.s32 v49, v51;
	_ =	sdelay $0x3  }
0x64f: {  	[tilespmem:v54+s18+$0x0] =	vst.idx.add.f32.msk $0xffff, v53  }
0x650: {  	v53 =	vld.idx.msk [tilespmem:v55+s17+$0x0], $0xffff  }
0x651: {  	v54 =	vadd.s32 v49, v52  }
0x652: {  	v51 =	vadd.s32 v50, v51;
	_ =	sdelay $0x3  }
0x653: {  	[tilespmem:v54+s18+$0x0] =	vst.idx.add.f32.msk $0xffff, v53  }
.Ltmp3:
0x654: {  	v55 =	vld.idx.msk [tilespmem:v51+s17+$0x0], $0xffff;
	(pc) =	sbr.rel @p1 .LBB2_9-.Ltmp3, $4  }
0x655: {  	v51 =	vadd.s32 v50, v52  }
0x656: {  	v54 =	vmov s4  }
0x657: {  	v52 =	vshrl.u32 v54, $0x3;
	v53 =	vshll.u32 v54, $0x7  }
0x658: {  	v52 =	vmul.u32 $0x1800, v52  }
0x659: {  	_ =	sdelay $0x3  }
0x65a: {  	[tilespmem:v51+s18+$0x0] =	vst.idx.add.f32.msk $0xffff, v55  }
0x65b: {  	v51 =	vld.idx.msk [tilespmem:v54+s0+$0x0], $0xffff;
	_ =	sdelay $0x4  }
0x65c: {  	v54 =	vshrl.u32 v51, $0x3  }
0x65d: {  	v51 =	vshll.u32 v51, $0x7;
	v54 =	vmul.u32 $0x1800, v54  }
0x65e: {  	v51 =	vand.u32 $0x380, v51  }
0x65f: {  	v51 =	vor.u32 v51, v54  }
0x660: {  	v54 =	vor.u32 v0, v51;
	_ =	sdelay $0x2  }
0x661: {  	v53 =	vand.u32 $0x380, v53  }
0x662: {  	v52 =	vor.u32 v53, v52  }
0x663: {  	v59 =	vor.u32 v0, v52;
	v58 =	vld.idx.msk [tilespmem:v54+s17+$0x0], $0xffff  }
0x664: {  	v60 =	vor.u32 v1, v51;
	_ =	sdelay $0x3  }
0x665: {  	[tilespmem:v59+s18+$0x0] =	vst.idx.add.f32.msk $0xffff, v58  }
0x666: {  	v61 =	vor.u32 v1, v52;
	v53 =	vld.idx.msk [tilespmem:v60+s17+$0x0], $0xffff  }
0x667: {  	v62 =	vor.u32 v2, v51;
	_ =	sdelay $0x3  }
0x668: {  	[tilespmem:v61+s18+$0x0] =	vst.idx.add.f32.msk $0xffff, v53  }
0x669: {  	v63 =	vor.u32 v2, v52;
	v53 =	vld.idx.msk [tilespmem:v62+s17+$0x0], $0xffff  }
0x66a: {  	v57 =	vor.u32 v6, v51;
	_ =	sdelay $0x3  }
0x66b: {  	[tilespmem:v63+s18+$0x0] =	vst.idx.add.f32.msk $0xffff, v53  }
0x66c: {  	v58 =	vor.u32 v6, v52;
	v53 =	vld.idx.msk [tilespmem:v57+s17+$0x0], $0xffff  }
0x66d: {  	v59 =	vor.u32 v7, v51;
	_ =	sdelay $0x3  }
0x66e: {  	[tilespmem:v58+s18+$0x0] =	vst.idx.add.f32.msk $0xffff, v53  }
0x66f: {  	v60 =	vor.u32 v7, v52;
	v53 =	vld.idx.msk [tilespmem:v59+s17+$0x0], $0xffff  }
0x670: {  	v61 =	vor.u32 v8, v51;
	_ =	sdelay $0x3  }
0x671: {  	[tilespmem:v60+s18+$0x0] =	vst.idx.add.f32.msk $0xffff, v53  }
0x672: {  	v62 =	vor.u32 v8, v52;
	v53 =	vld.idx.msk [tilespmem:v61+s17+$0x0], $0xffff  }
0x673: {  	v63 =	vor.u32 v9, v51;
	_ =	sdelay $0x3  }
0x674: {  	[tilespmem:v62+s18+$0x0] =	vst.idx.add.f32.msk $0xffff, v53  }
0x675: {  	v57 =	vor.u32 v9, v52;
	v53 =	vld.idx.msk [tilespmem:v63+s17+$0x0], $0xffff  }
0x676: {  	v58 =	vor.u32 v10, v51;
	_ =	sdelay $0x3  }
0x677: {  	[tilespmem:v57+s18+$0x0] =	vst.idx.add.f32.msk $0xffff, v53  }
0x678: {  	v59 =	vor.u32 v10, v52;
	v53 =	vld.idx.msk [tilespmem:v58+s17+$0x0], $0xffff  }
0x679: {  	v60 =	vor.u32 v11, v51;
	_ =	sdelay $0x3  }
0x67a: {  	[tilespmem:v59+s18+$0x0] =	vst.idx.add.f32.msk $0xffff, v53  }
0x67b: {  	v61 =	vor.u32 v11, v52;
	v53 =	vld.idx.msk [tilespmem:v60+s17+$0x0], $0xffff  }
0x67c: {  	v62 =	vor.u32 v12, v51;
	_ =	sdelay $0x3  }
0x67d: {  	[tilespmem:v61+s18+$0x0] =	vst.idx.add.f32.msk $0xffff, v53  }
0x67e: {  	v63 =	vor.u32 v12, v52;
	v53 =	vld.idx.msk [tilespmem:v62+s17+$0x0], $0xffff  }
0x67f: {  	v57 =	vor.u32 v13, v51;
	_ =	sdelay $0x3  }
0x680: {  	[tilespmem:v63+s18+$0x0] =	vst.idx.add.f32.msk $0xffff, v53  }
0x681: {  	v58 =	vor.u32 v13, v52;
	v53 =	vld.idx.msk [tilespmem:v57+s17+$0x0], $0xffff  }
0x682: {  	v59 =	vor.u32 v14, v51;
	_ =	sdelay $0x3  }
0x683: {  	[tilespmem:v58+s18+$0x0] =	vst.idx.add.f32.msk $0xffff, v53  }
0x684: {  	v60 =	vor.u32 v14, v52;
	v53 =	vld.idx.msk [tilespmem:v59+s17+$0x0], $0xffff  }
0x685: {  	v61 =	vor.u32 v15, v51;
	_ =	sdelay $0x3  }
0x686: {  	[tilespmem:v60+s18+$0x0] =	vst.idx.add.f32.msk $0xffff, v53  }
0x687: {  	v62 =	vor.u32 v15, v52;
	v53 =	vld.idx.msk [tilespmem:v61+s17+$0x0], $0xffff  }
0x688: {  	v63 =	vor.u32 v16, v51;
	_ =	sdelay $0x3  }
0x689: {  	[tilespmem:v62+s18+$0x0] =	vst.idx.add.f32.msk $0xffff, v53  }
0x68a: {  	v57 =	vor.u32 v16, v52;
	v53 =	vld.idx.msk [tilespmem:v63+s17+$0x0], $0xffff  }
0x68b: {  	v58 =	vor.u32 v17, v51;
	_ =	sdelay $0x3  }
0x68c: {  	[tilespmem:v57+s18+$0x0] =	vst.idx.add.f32.msk $0xffff, v53  }
0x68d: {  	v59 =	vor.u32 v17, v52;
	v53 =	vld.idx.msk [tilespmem:v58+s17+$0x0], $0xffff  }
0x68e: {  	v60 =	vor.u32 v18, v51;
	_ =	sdelay $0x3  }
0x68f: {  	[tilespmem:v59+s18+$0x0] =	vst.idx.add.f32.msk $0xffff, v53  }
0x690: {  	v61 =	vor.u32 v18, v52;
	v53 =	vld.idx.msk [tilespmem:v60+s17+$0x0], $0xffff  }
0x691: {  	v62 =	vadd.s32 v19, v51;
	_ =	sdelay $0x3  }
0x692: {  	[tilespmem:v61+s18+$0x0] =	vst.idx.add.f32.msk $0xffff, v53  }
0x693: {  	v63 =	vadd.s32 v19, v52;
	v53 =	vld.idx.msk [tilespmem:v62+s17+$0x0], $0xffff  }
0x694: {  	v57 =	vadd.s32 v20, v51;
	_ =	sdelay $0x3  }
0x695: {  	[tilespmem:v63+s18+$0x0] =	vst.idx.add.f32.msk $0xffff, v53  }
0x696: {  	v58 =	vadd.s32 v20, v52;
	v53 =	vld.idx.msk [tilespmem:v57+s17+$0x0], $0xffff  }
0x697: {  	v59 =	vadd.s32 v21, v51;
	_ =	sdelay $0x3  }
0x698: {  	[tilespmem:v58+s18+$0x0] =	vst.idx.add.f32.msk $0xffff, v53  }
0x699: {  	v60 =	vadd.s32 v21, v52;
	v53 =	vld.idx.msk [tilespmem:v59+s17+$0x0], $0xffff  }
0x69a: {  	v61 =	vadd.s32 v22, v51;
	_ =	sdelay $0x3  }
0x69b: {  	[tilespmem:v60+s18+$0x0] =	vst.idx.add.f32.msk $0xffff, v53  }
0x69c: {  	v62 =	vadd.s32 v22, v52;
	v53 =	vld.idx.msk [tilespmem:v61+s17+$0x0], $0xffff  }
0x69d: {  	v63 =	vadd.s32 v23, v51;
	_ =	sdelay $0x3  }
0x69e: {  	[tilespmem:v62+s18+$0x0] =	vst.idx.add.f32.msk $0xffff, v53  }
0x69f: {  	v57 =	vadd.s32 v23, v52;
	v53 =	vld.idx.msk [tilespmem:v63+s17+$0x0], $0xffff  }
0x6a0: {  	v58 =	vadd.s32 v24, v51;
	_ =	sdelay $0x3  }
0x6a1: {  	[tilespmem:v57+s18+$0x0] =	vst.idx.add.f32.msk $0xffff, v53  }
0x6a2: {  	v59 =	vadd.s32 v24, v52;
	v53 =	vld.idx.msk [tilespmem:v58+s17+$0x0], $0xffff  }
0x6a3: {  	v60 =	vadd.s32 v25, v51;
	_ =	sdelay $0x3  }
0x6a4: {  	[tilespmem:v59+s18+$0x0] =	vst.idx.add.f32.msk $0xffff, v53  }
0x6a5: {  	v61 =	vadd.s32 v25, v52;
	v53 =	vld.idx.msk [tilespmem:v60+s17+$0x0], $0xffff  }
0x6a6: {  	v62 =	vadd.s32 v26, v51;
	_ =	sdelay $0x3  }
0x6a7: {  	[tilespmem:v61+s18+$0x0] =	vst.idx.add.f32.msk $0xffff, v53  }
0x6a8: {  	v63 =	vadd.s32 v26, v52;
	v53 =	vld.idx.msk [tilespmem:v62+s17+$0x0], $0xffff  }
0x6a9: {  	v57 =	vadd.s32 v27, v51;
	_ =	sdelay $0x3  }
0x6aa: {  	[tilespmem:v63+s18+$0x0] =	vst.idx.add.f32.msk $0xffff, v53  }
0x6ab: {  	v58 =	vadd.s32 v27, v52;
	v53 =	vld.idx.msk [tilespmem:v57+s17+$0x0], $0xffff  }
0x6ac: {  	v59 =	vadd.s32 v28, v51;
	_ =	sdelay $0x3  }
0x6ad: {  	[tilespmem:v58+s18+$0x0] =	vst.idx.add.f32.msk $0xffff, v53  }
0x6ae: {  	v60 =	vadd.s32 v28, v52;
	v53 =	vld.idx.msk [tilespmem:v59+s17+$0x0], $0xffff  }
0x6af: {  	v61 =	vadd.s32 v29, v51;
	_ =	sdelay $0x3  }
0x6b0: {  	[tilespmem:v60+s18+$0x0] =	vst.idx.add.f32.msk $0xffff, v53  }
0x6b1: {  	v62 =	vadd.s32 v29, v52;
	v53 =	vld.idx.msk [tilespmem:v61+s17+$0x0], $0xffff  }
0x6b2: {  	v63 =	vadd.s32 v30, v51;
	_ =	sdelay $0x3  }
0x6b3: {  	[tilespmem:v62+s18+$0x0] =	vst.idx.add.f32.msk $0xffff, v53  }
0x6b4: {  	v57 =	vadd.s32 v30, v52;
	v53 =	vld.idx.msk [tilespmem:v63+s17+$0x0], $0xffff  }
0x6b5: {  	v58 =	vadd.s32 v31, v51;
	_ =	sdelay $0x3  }
0x6b6: {  	[tilespmem:v57+s18+$0x0] =	vst.idx.add.f32.msk $0xffff, v53  }
0x6b7: {  	v59 =	vadd.s32 v31, v52;
	v53 =	vld.idx.msk [tilespmem:v58+s17+$0x0], $0xffff  }
0x6b8: {  	v60 =	vadd.s32 v32, v51;
	_ =	sdelay $0x3  }
0x6b9: {  	[tilespmem:v59+s18+$0x0] =	vst.idx.add.f32.msk $0xffff, v53  }
0x6ba: {  	v61 =	vadd.s32 v32, v52;
	v53 =	vld.idx.msk [tilespmem:v60+s17+$0x0], $0xffff  }
0x6bb: {  	v62 =	vadd.s32 v33, v51;
	_ =	sdelay $0x3  }
0x6bc: {  	[tilespmem:v61+s18+$0x0] =	vst.idx.add.f32.msk $0xffff, v53  }
0x6bd: {  	v63 =	vadd.s32 v33, v52;
	v53 =	vld.idx.msk [tilespmem:v62+s17+$0x0], $0xffff  }
0x6be: {  	v57 =	vadd.s32 v34, v51;
	_ =	sdelay $0x3  }
0x6bf: {  	[tilespmem:v63+s18+$0x0] =	vst.idx.add.f32.msk $0xffff, v53  }
0x6c0: {  	v58 =	vadd.s32 v34, v52;
	v53 =	vld.idx.msk [tilespmem:v57+s17+$0x0], $0xffff  }
0x6c1: {  	v59 =	vadd.s32 v35, v51;
	_ =	sdelay $0x3  }
0x6c2: {  	[tilespmem:v58+s18+$0x0] =	vst.idx.add.f32.msk $0xffff, v53  }
0x6c3: {  	v60 =	vadd.s32 v35, v52;
	v53 =	vld.idx.msk [tilespmem:v59+s17+$0x0], $0xffff  }
0x6c4: {  	v61 =	vadd.s32 v36, v51;
	_ =	sdelay $0x3  }
0x6c5: {  	[tilespmem:v60+s18+$0x0] =	vst.idx.add.f32.msk $0xffff, v53  }
0x6c6: {  	v62 =	vadd.s32 v36, v52;
	v53 =	vld.idx.msk [tilespmem:v61+s17+$0x0], $0xffff  }
0x6c7: {  	v63 =	vadd.s32 v37, v51;
	_ =	sdelay $0x3  }
0x6c8: {  	[tilespmem:v62+s18+$0x0] =	vst.idx.add.f32.msk $0xffff, v53  }
0x6c9: {  	v57 =	vadd.s32 v37, v52;
	v53 =	vld.idx.msk [tilespmem:v63+s17+$0x0], $0xffff  }
0x6ca: {  	v58 =	vadd.s32 v38, v51;
	_ =	sdelay $0x3  }
0x6cb: {  	[tilespmem:v57+s18+$0x0] =	vst.idx.add.f32.msk $0xffff, v53  }
0x6cc: {  	v59 =	vadd.s32 v38, v52;
	v53 =	vld.idx.msk [tilespmem:v58+s17+$0x0], $0xffff  }
0x6cd: {  	v60 =	vadd.s32 v39, v51;
	_ =	sdelay $0x3  }
0x6ce: {  	[tilespmem:v59+s18+$0x0] =	vst.idx.add.f32.msk $0xffff, v53  }
0x6cf: {  	v61 =	vadd.s32 v39, v52;
	v53 =	vld.idx.msk [tilespmem:v60+s17+$0x0], $0xffff  }
0x6d0: {  	v62 =	vadd.s32 v40, v51;
	_ =	sdelay $0x3  }
0x6d1: {  	[tilespmem:v61+s18+$0x0] =	vst.idx.add.f32.msk $0xffff, v53  }
0x6d2: {  	v63 =	vadd.s32 v40, v52;
	v53 =	vld.idx.msk [tilespmem:v62+s17+$0x0], $0xffff  }
0x6d3: {  	v57 =	vadd.s32 v41, v51;
	_ =	sdelay $0x3  }
0x6d4: {  	[tilespmem:v63+s18+$0x0] =	vst.idx.add.f32.msk $0xffff, v53  }
0x6d5: {  	v58 =	vadd.s32 v41, v52;
	v53 =	vld.idx.msk [tilespmem:v57+s17+$0x0], $0xffff  }
0x6d6: {  	v59 =	vadd.s32 v42, v51;
	_ =	sdelay $0x3  }
0x6d7: {  	[tilespmem:v58+s18+$0x0] =	vst.idx.add.f32.msk $0xffff, v53  }
0x6d8: {  	v60 =	vadd.s32 v42, v52;
	v53 =	vld.idx.msk [tilespmem:v59+s17+$0x0], $0xffff  }
0x6d9: {  	v61 =	vadd.s32 v43, v51;
	_ =	sdelay $0x3  }
0x6da: {  	[tilespmem:v60+s18+$0x0] =	vst.idx.add.f32.msk $0xffff, v53  }
0x6db: {  	v62 =	vadd.s32 v43, v52;
	v53 =	vld.idx.msk [tilespmem:v61+s17+$0x0], $0xffff  }
0x6dc: {  	v63 =	vadd.s32 v44, v51;
	_ =	sdelay $0x3  }
0x6dd: {  	[tilespmem:v62+s18+$0x0] =	vst.idx.add.f32.msk $0xffff, v53  }
0x6de: {  	v57 =	vadd.s32 v44, v52;
	v53 =	vld.idx.msk [tilespmem:v63+s17+$0x0], $0xffff  }
0x6df: {  	v58 =	vadd.s32 v45, v51;
	_ =	sdelay $0x3  }
0x6e0: {  	[tilespmem:v57+s18+$0x0] =	vst.idx.add.f32.msk $0xffff, v53  }
0x6e1: {  	v59 =	vadd.s32 v45, v52;
	v53 =	vld.idx.msk [tilespmem:v58+s17+$0x0], $0xffff  }
0x6e2: {  	v60 =	vadd.s32 v46, v51;
	_ =	sdelay $0x3  }
0x6e3: {  	[tilespmem:v59+s18+$0x0] =	vst.idx.add.f32.msk $0xffff, v53  }
0x6e4: {  	v61 =	vadd.s32 v46, v52;
	v53 =	vld.idx.msk [tilespmem:v60+s17+$0x0], $0xffff  }
0x6e5: {  	v62 =	vadd.s32 v47, v51;
	_ =	sdelay $0x3  }
0x6e6: {  	[tilespmem:v61+s18+$0x0] =	vst.idx.add.f32.msk $0xffff, v53  }
0x6e7: {  	v63 =	vadd.s32 v47, v52;
	v53 =	vld.idx.msk [tilespmem:v62+s17+$0x0], $0xffff  }
0x6e8: {  	v57 =	vadd.s32 v48, v51;
	_ =	sdelay $0x3  }
0x6e9: {  	[tilespmem:v63+s18+$0x0] =	vst.idx.add.f32.msk $0xffff, v53  }
0x6ea: {  	v58 =	vadd.s32 v48, v52;
	v53 =	vld.idx.msk [tilespmem:v57+s17+$0x0], $0xffff  }
0x6eb: {  	v59 =	vadd.s32 v49, v51;
	_ =	sdelay $0x3  }
0x6ec: {  	[tilespmem:v58+s18+$0x0] =	vst.idx.add.f32.msk $0xffff, v53  }
0x6ed: {  	v60 =	vadd.s32 v49, v52;
	v53 =	vld.idx.msk [tilespmem:v59+s17+$0x0], $0xffff  }
0x6ee: {  	v51 =	vadd.s32 v50, v51;
	_ =	sdelay $0x3  }
0x6ef: {  	[tilespmem:v60+s18+$0x0] =	vst.idx.add.f32.msk $0xffff, v53  }
0x6f0: {  	v52 =	vadd.s32 v50, v52;
	v51 =	vld.idx.msk [tilespmem:v51+s17+$0x0], $0xffff;
	_ =	sdelay $0x4  }
0x6f1: {  	[tilespmem:v52+s18+$0x0] =	vst.idx.add.f32.msk $0xffff, v51  }
0x6f2: {  	v51 =	vld [tilespmem:$0x1180];
	_ =	sdelay $0x4  }
0x6f3: {  	v61 =	vshrl.u32 v51, $0x3  }
0x6f4: {  	v52 =	vmul.u32 $0x30, v61  }
0x6f5: {  	v51 =	vand.u32 $0x7, v51  }
0x6f6: {  	v51 =	vor.u32 v51, v52  }
0x6f7: {  	v52 =	vperm.xlane v51, v3;
	_ =	sdelay $0x1  }
0x6f8: {  	v52 =	vadd.s32 v4, v52;
	_ =	sdelay $0x3  }
0x6f9: {  	v51 =	vperm.xlane v51, v5  }
0x6fa: {  	[hbm4b:s5+s6] =	stream.indirect_vreg.scatter [tilespmem:s18], [sflag:$0x3], $0x80, v52, vm0, $0xb8;
	[tilespmem:$0x1C380] =	vst v63  }
0x6fb: {  	s4 =	simm.s32 $0x10B80;
	v51 =	vadd.s32 v4, v51  }
0x6fc: {  	[hbm4b:s12+s6] =	stream.indirect_vreg.scatter [tilespmem:s4], [sflag:$0x3], $0x80, v52, vm0, $0xb8;
	[tilespmem:$0x1C380] =	vst v63  }
0x6fd: {  	s30 =	simm.s32 $0x11380  }
0x6fe: {  	[hbm4b:s13+s6] =	stream.indirect_vreg.scatter [tilespmem:s30], [sflag:$0x3], $0x80, v52, vm0, $0xb8;
	[tilespmem:$0x1C380] =	vst v63  }
0x6ff: {  	s30 =	simm.s32 $0x11B80  }
0x700: {  	[hbm4b:s5+s6] =	stream.indirect_vreg.scatter [tilespmem:s30], [sflag:$0x3], $0x80, v51, vm0, $0xb8;
	[tilespmem:$0x1C380] =	vst v63  }
0x701: {  	s30 =	simm.s32 $0x12380  }
0x702: {  	[hbm4b:s12+s6] =	stream.indirect_vreg.scatter [tilespmem:s30], [sflag:$0x3], $0x80, v51, vm0, $0xb8;
	[tilespmem:$0x1C380] =	vst v63  }
0x703: {  	s30 =	simm.s32 $0x12B80  }
0x704: {  	[hbm4b:s13+s6] =	stream.indirect_vreg.scatter [tilespmem:s30], [sflag:$0x3], $0x80, v51, vm0, $0xb8;
	[tilespmem:$0x1C380] =	vst v63  }
0x705: {  	v51 =	vld [tilespmem:$0x1190];
	_ =	sdelay $0x4  }
0x706: {  	v62 =	vshrl.u32 v51, $0x3  }
0x707: {  	v52 =	vmul.u32 $0x30, v62  }
0x708: {  	v51 =	vand.u32 $0x7, v51  }
0x709: {  	v51 =	vor.u32 v51, v52  }
0x70a: {  	v52 =	vperm.xlane v51, v3;
	_ =	sdelay $0x1  }
0x70b: {  	v52 =	vadd.s32 v4, v52;
	_ =	sdelay $0x3  }
0x70c: {  	s30 =	simm.s32 $0x13380;
	v51 =	vperm.xlane v51, v5  }
0x70d: {  	[hbm4b:s5+s6] =	stream.indirect_vreg.scatter [tilespmem:s30], [sflag:$0x3], $0x80, v52, vm0, $0xb8;
	[tilespmem:$0x1C380] =	vst v63  }
0x70e: {  	v51 =	vadd.s32 v4, v51;
	s30 =	simm.s32 $0x13B80  }
0x70f: {  	[hbm4b:s12+s6] =	stream.indirect_vreg.scatter [tilespmem:s30], [sflag:$0x3], $0x80, v52, vm0, $0xb8;
	[tilespmem:$0x1C380] =	vst v63  }
0x710: {  	s30 =	simm.s32 $0x14380  }
0x711: {  	[hbm4b:s13+s6] =	stream.indirect_vreg.scatter [tilespmem:s30], [sflag:$0x3], $0x80, v52, vm0, $0xb8;
	[tilespmem:$0x1C380] =	vst v63  }
0x712: {  	s4 =	sor.u32 $0x2, s29;
	s30 =	simm.s32 $0x14B80  }
0x713: {  	[hbm4b:s5+s6] =	stream.indirect_vreg.scatter [tilespmem:s30], [sflag:$0x3], $0x80, v51, vm0, $0xb8;
	[tilespmem:$0x1C380] =	vst v63  }
0x714: {  	v63 =	vmov s4;
	s30 =	simm.s32 $0x15380  }
0x715: {  	v52 =	vand.u32 $0xFFFFFFFE, v63;
	[hbm4b:s12+s6] =	stream.indirect_vreg.scatter [tilespmem:s30], [sflag:$0x3], $0x80, v51, vm0, $0xb8;
	[tilespmem:$0x1C380] =	vst v63  }
0x716: {  	s29 =	sor.u32 $0x3, s29;
	v56 =	vbroadcast v52, $0x0;
	s30 =	simm.s32 $0x15B80  }
0x717: {  	[hbm4b:s13+s6] =	stream.indirect_vreg.scatter [tilespmem:s30], [sflag:$0x3], $0x80, v51, vm0, $0xb8;
	[tilespmem:$0x1C380] =	vst v63  }
0x718: {  	v57 =	vmov s29;
	s30 =	simm.s32 @!p0 $0x4  }
0x719: {  	_ =	swait.ge @!p0 [sflag:s30], $0x6000  }
0x71a: {  	[sflag:s30] =	ssyncset.done @!p0 $0x0  }
0x71b: {  	s29 =	simm.s32 $0x0;
	[sflag:s30] =	ssyncadd.s32 @!p0 $0xFFFFA000  }
0x71c: {  	v51 =	vld.idx.msk [tilespmem:v56+s29+$0x0], $0xffff  }
0x71d: {  	v52 =	vld.idx.msk [tilespmem:v57+s29+$0x0], $0xffff;
	_ =	sdelay $0x2  }
0x71e: {  	s4 =	sor.u32 s7, s4  }
0x71f: {  	s30 =	smul.u32 $0x50, s4;
	v51 =	vadd.s32 v0, v51  }
0x720: {  	v52 =	vadd.s32 v0, v52;
	[tilespmem:$0x1100] =	vst v51  }
0x721: {  	s4 =	smul.u32 $0x600, s4;
	[tilespmem:$0x1110] =	vst v52;
	v51 =	vadd.s32 s30, v51;
	s30 =	sadd.s32 $0x50, s30  }
0x722: {  	[tilespmem:$0x1200] =	vst v51;
	v58 =	vadd.s32 s30, v52;
	s30 =	rddreg [dreg:$0x2]  }
0x723: {  	v59 =	vmov s29;
	[tilespmem:$0x1210] =	vst v58;
	s4 =	sadd.s32 s30, s4  }
0x724: {  	[tilespmem:s3], [sflag:$0x2] =	stream.linear.gather [hbm4b:s4+s29], $0x6000, $0x38;
	[tilespmem:$0x1C380] =	vst v63  }
0x725: {  	_ =	swait.ge [sflag:s24], $0x6000  }
0x726: {  	[sflag:s24] =	ssyncset.done $0x0  }
0x727: {  	[sflag:s24] =	ssyncadd.s32 $0xFFFFA000  }
0x728: {  	v60 =	vld.idx.msk [tilespmem:v59+s25+$0x0], $0xffff;
	_ =	sdelay $0x4  }
0x729: {  	v61 =	vshrl.u32 v60, $0x3  }
0x72a: {  	v52 =	vshll.u32 v60, $0x7;
	v53 =	vmul.u32 $0x1800, v61  }
0x72b: {  	v52 =	vand.u32 $0x380, v52  }
0x72c: {  	v52 =	vor.u32 v52, v53  }
0x72d: {  	v53 =	vor.u32 v0, v52  }
0x72e: {  	v62 =	vshrl.u32 v59, $0x3  }
0x72f: {  	v54 =	vmul.u32 $0x1800, v62;
	v51 =	vshll.u32 v59, $0x7  }
0x730: {  	v51 =	vand.u32 $0x380, v51  }
0x731: {  	v51 =	vor.u32 v51, v54  }
0x732: {  	v54 =	vor.u32 v0, v51;
	v53 =	vld.idx.msk [tilespmem:v53+s17+$0x0], $0xffff  }
0x733: {  	v63 =	vor.u32 v1, v52;
	_ =	sdelay $0x3  }
0x734: {  	[tilespmem:v54+s3+$0x0] =	vst.idx.add.f32.msk $0xffff, v53  }
0x735: {  	v57 =	vor.u32 v1, v51;
	v53 =	vld.idx.msk [tilespmem:v63+s17+$0x0], $0xffff  }
0x736: {  	v58 =	vor.u32 v2, v52;
	_ =	sdelay $0x3  }
0x737: {  	[tilespmem:v57+s3+$0x0] =	vst.idx.add.f32.msk $0xffff, v53  }
0x738: {  	v59 =	vor.u32 v2, v51;
	v53 =	vld.idx.msk [tilespmem:v58+s17+$0x0], $0xffff  }
0x739: {  	v60 =	vor.u32 v6, v52;
	_ =	sdelay $0x3  }
0x73a: {  	[tilespmem:v59+s3+$0x0] =	vst.idx.add.f32.msk $0xffff, v53  }
0x73b: {  	v61 =	vor.u32 v6, v51;
	v53 =	vld.idx.msk [tilespmem:v60+s17+$0x0], $0xffff  }
0x73c: {  	v62 =	vor.u32 v7, v52;
	_ =	sdelay $0x3  }
0x73d: {  	[tilespmem:v61+s3+$0x0] =	vst.idx.add.f32.msk $0xffff, v53  }
0x73e: {  	v63 =	vor.u32 v7, v51;
	v53 =	vld.idx.msk [tilespmem:v62+s17+$0x0], $0xffff  }
0x73f: {  	v57 =	vor.u32 v8, v52;
	_ =	sdelay $0x3  }
0x740: {  	[tilespmem:v63+s3+$0x0] =	vst.idx.add.f32.msk $0xffff, v53  }
0x741: {  	v58 =	vor.u32 v8, v51;
	v53 =	vld.idx.msk [tilespmem:v57+s17+$0x0], $0xffff  }
0x742: {  	v59 =	vor.u32 v9, v52;
	_ =	sdelay $0x3  }
0x743: {  	[tilespmem:v58+s3+$0x0] =	vst.idx.add.f32.msk $0xffff, v53  }
0x744: {  	v60 =	vor.u32 v9, v51;
	v53 =	vld.idx.msk [tilespmem:v59+s17+$0x0], $0xffff  }
0x745: {  	v61 =	vor.u32 v10, v52;
	_ =	sdelay $0x3  }
0x746: {  	[tilespmem:v60+s3+$0x0] =	vst.idx.add.f32.msk $0xffff, v53  }
0x747: {  	v62 =	vor.u32 v10, v51;
	v53 =	vld.idx.msk [tilespmem:v61+s17+$0x0], $0xffff  }
0x748: {  	v63 =	vor.u32 v11, v52;
	_ =	sdelay $0x3  }
0x749: {  	[tilespmem:v62+s3+$0x0] =	vst.idx.add.f32.msk $0xffff, v53  }
0x74a: {  	v57 =	vor.u32 v11, v51;
	v53 =	vld.idx.msk [tilespmem:v63+s17+$0x0], $0xffff  }
0x74b: {  	v58 =	vor.u32 v12, v52;
	_ =	sdelay $0x3  }
0x74c: {  	[tilespmem:v57+s3+$0x0] =	vst.idx.add.f32.msk $0xffff, v53  }
0x74d: {  	v59 =	vor.u32 v12, v51;
	v53 =	vld.idx.msk [tilespmem:v58+s17+$0x0], $0xffff  }
0x74e: {  	v60 =	vor.u32 v13, v52;
	_ =	sdelay $0x3  }
0x74f: {  	[tilespmem:v59+s3+$0x0] =	vst.idx.add.f32.msk $0xffff, v53  }
0x750: {  	v61 =	vor.u32 v13, v51;
	v53 =	vld.idx.msk [tilespmem:v60+s17+$0x0], $0xffff  }
0x751: {  	v62 =	vor.u32 v14, v52;
	_ =	sdelay $0x3  }
0x752: {  	[tilespmem:v61+s3+$0x0] =	vst.idx.add.f32.msk $0xffff, v53  }
0x753: {  	v63 =	vor.u32 v14, v51;
	v53 =	vld.idx.msk [tilespmem:v62+s17+$0x0], $0xffff  }
0x754: {  	v57 =	vor.u32 v15, v52;
	_ =	sdelay $0x3  }
0x755: {  	[tilespmem:v63+s3+$0x0] =	vst.idx.add.f32.msk $0xffff, v53  }
0x756: {  	v58 =	vor.u32 v15, v51;
	v53 =	vld.idx.msk [tilespmem:v57+s17+$0x0], $0xffff  }
0x757: {  	v59 =	vor.u32 v16, v52;
	_ =	sdelay $0x3  }
0x758: {  	[tilespmem:v58+s3+$0x0] =	vst.idx.add.f32.msk $0xffff, v53  }
0x759: {  	v60 =	vor.u32 v16, v51;
	v53 =	vld.idx.msk [tilespmem:v59+s17+$0x0], $0xffff  }
0x75a: {  	v61 =	vor.u32 v17, v52;
	_ =	sdelay $0x3  }
0x75b: {  	[tilespmem:v60+s3+$0x0] =	vst.idx.add.f32.msk $0xffff, v53  }
0x75c: {  	v62 =	vor.u32 v17, v51;
	v53 =	vld.idx.msk [tilespmem:v61+s17+$0x0], $0xffff  }
0x75d: {  	v63 =	vor.u32 v18, v52;
	_ =	sdelay $0x3  }
0x75e: {  	[tilespmem:v62+s3+$0x0] =	vst.idx.add.f32.msk $0xffff, v53  }
0x75f: {  	v57 =	vor.u32 v18, v51;
	v53 =	vld.idx.msk [tilespmem:v63+s17+$0x0], $0xffff  }
0x760: {  	v58 =	vadd.s32 v19, v52;
	_ =	sdelay $0x3  }
0x761: {  	[tilespmem:v57+s3+$0x0] =	vst.idx.add.f32.msk $0xffff, v53  }
0x762: {  	v59 =	vadd.s32 v19, v51;
	v53 =	vld.idx.msk [tilespmem:v58+s17+$0x0], $0xffff  }
0x763: {  	v60 =	vadd.s32 v20, v52;
	_ =	sdelay $0x3  }
0x764: {  	[tilespmem:v59+s3+$0x0] =	vst.idx.add.f32.msk $0xffff, v53  }
0x765: {  	v61 =	vadd.s32 v20, v51;
	v53 =	vld.idx.msk [tilespmem:v60+s17+$0x0], $0xffff  }
0x766: {  	v62 =	vadd.s32 v21, v52;
	_ =	sdelay $0x3  }
0x767: {  	[tilespmem:v61+s3+$0x0] =	vst.idx.add.f32.msk $0xffff, v53  }
0x768: {  	v63 =	vadd.s32 v21, v51;
	v53 =	vld.idx.msk [tilespmem:v62+s17+$0x0], $0xffff  }
0x769: {  	v57 =	vadd.s32 v22, v52;
	_ =	sdelay $0x3  }
0x76a: {  	[tilespmem:v63+s3+$0x0] =	vst.idx.add.f32.msk $0xffff, v53  }
0x76b: {  	v58 =	vadd.s32 v22, v51;
	v53 =	vld.idx.msk [tilespmem:v57+s17+$0x0], $0xffff  }
0x76c: {  	v59 =	vadd.s32 v23, v52;
	_ =	sdelay $0x3  }
0x76d: {  	[tilespmem:v58+s3+$0x0] =	vst.idx.add.f32.msk $0xffff, v53  }
0x76e: {  	v60 =	vadd.s32 v23, v51;
	v53 =	vld.idx.msk [tilespmem:v59+s17+$0x0], $0xffff  }
0x76f: {  	v61 =	vadd.s32 v24, v52;
	_ =	sdelay $0x3  }
0x770: {  	[tilespmem:v60+s3+$0x0] =	vst.idx.add.f32.msk $0xffff, v53  }
0x771: {  	v62 =	vadd.s32 v24, v51;
	v53 =	vld.idx.msk [tilespmem:v61+s17+$0x0], $0xffff  }
0x772: {  	v63 =	vadd.s32 v25, v52;
	_ =	sdelay $0x3  }
0x773: {  	[tilespmem:v62+s3+$0x0] =	vst.idx.add.f32.msk $0xffff, v53  }
0x774: {  	v57 =	vadd.s32 v25, v51;
	v53 =	vld.idx.msk [tilespmem:v63+s17+$0x0], $0xffff  }
0x775: {  	v58 =	vadd.s32 v26, v52;
	_ =	sdelay $0x3  }
0x776: {  	[tilespmem:v57+s3+$0x0] =	vst.idx.add.f32.msk $0xffff, v53  }
0x777: {  	v59 =	vadd.s32 v26, v51;
	v53 =	vld.idx.msk [tilespmem:v58+s17+$0x0], $0xffff  }
0x778: {  	v60 =	vadd.s32 v27, v52;
	_ =	sdelay $0x3  }
0x779: {  	[tilespmem:v59+s3+$0x0] =	vst.idx.add.f32.msk $0xffff, v53  }
0x77a: {  	v61 =	vadd.s32 v27, v51;
	v53 =	vld.idx.msk [tilespmem:v60+s17+$0x0], $0xffff  }
0x77b: {  	v62 =	vadd.s32 v28, v52;
	_ =	sdelay $0x3  }
0x77c: {  	[tilespmem:v61+s3+$0x0] =	vst.idx.add.f32.msk $0xffff, v53  }
0x77d: {  	v63 =	vadd.s32 v28, v51;
	v53 =	vld.idx.msk [tilespmem:v62+s17+$0x0], $0xffff  }
0x77e: {  	v57 =	vadd.s32 v29, v52;
	_ =	sdelay $0x3  }
0x77f: {  	[tilespmem:v63+s3+$0x0] =	vst.idx.add.f32.msk $0xffff, v53  }
0x780: {  	v58 =	vadd.s32 v29, v51;
	v53 =	vld.idx.msk [tilespmem:v57+s17+$0x0], $0xffff  }
0x781: {  	v59 =	vadd.s32 v30, v52;
	_ =	sdelay $0x3  }
0x782: {  	[tilespmem:v58+s3+$0x0] =	vst.idx.add.f32.msk $0xffff, v53  }
0x783: {  	v60 =	vadd.s32 v30, v51;
	v53 =	vld.idx.msk [tilespmem:v59+s17+$0x0], $0xffff  }
0x784: {  	v61 =	vadd.s32 v31, v52;
	_ =	sdelay $0x3  }
0x785: {  	[tilespmem:v60+s3+$0x0] =	vst.idx.add.f32.msk $0xffff, v53  }
0x786: {  	v62 =	vadd.s32 v31, v51;
	v53 =	vld.idx.msk [tilespmem:v61+s17+$0x0], $0xffff  }
0x787: {  	v63 =	vadd.s32 v32, v52;
	_ =	sdelay $0x3  }
0x788: {  	[tilespmem:v62+s3+$0x0] =	vst.idx.add.f32.msk $0xffff, v53  }
0x789: {  	v57 =	vadd.s32 v32, v51;
	v53 =	vld.idx.msk [tilespmem:v63+s17+$0x0], $0xffff  }
0x78a: {  	v58 =	vadd.s32 v33, v52;
	_ =	sdelay $0x3  }
0x78b: {  	[tilespmem:v57+s3+$0x0] =	vst.idx.add.f32.msk $0xffff, v53  }
0x78c: {  	v59 =	vadd.s32 v33, v51;
	v53 =	vld.idx.msk [tilespmem:v58+s17+$0x0], $0xffff  }
0x78d: {  	v60 =	vadd.s32 v34, v52;
	_ =	sdelay $0x3  }
0x78e: {  	[tilespmem:v59+s3+$0x0] =	vst.idx.add.f32.msk $0xffff, v53  }
0x78f: {  	v61 =	vadd.s32 v34, v51;
	v53 =	vld.idx.msk [tilespmem:v60+s17+$0x0], $0xffff  }
0x790: {  	v62 =	vadd.s32 v35, v52;
	_ =	sdelay $0x3  }
0x791: {  	[tilespmem:v61+s3+$0x0] =	vst.idx.add.f32.msk $0xffff, v53  }
0x792: {  	v63 =	vadd.s32 v35, v51;
	v53 =	vld.idx.msk [tilespmem:v62+s17+$0x0], $0xffff  }
0x793: {  	v57 =	vadd.s32 v36, v52;
	_ =	sdelay $0x3  }
0x794: {  	[tilespmem:v63+s3+$0x0] =	vst.idx.add.f32.msk $0xffff, v53  }
0x795: {  	v58 =	vadd.s32 v36, v51;
	v53 =	vld.idx.msk [tilespmem:v57+s17+$0x0], $0xffff  }
0x796: {  	v59 =	vadd.s32 v37, v52;
	_ =	sdelay $0x3  }
0x797: {  	[tilespmem:v58+s3+$0x0] =	vst.idx.add.f32.msk $0xffff, v53  }
0x798: {  	v60 =	vadd.s32 v37, v51;
	v53 =	vld.idx.msk [tilespmem:v59+s17+$0x0], $0xffff  }
0x799: {  	v61 =	vadd.s32 v38, v52;
	_ =	sdelay $0x3  }
0x79a: {  	[tilespmem:v60+s3+$0x0] =	vst.idx.add.f32.msk $0xffff, v53  }
0x79b: {  	v62 =	vadd.s32 v38, v51;
	v53 =	vld.idx.msk [tilespmem:v61+s17+$0x0], $0xffff  }
0x79c: {  	v63 =	vadd.s32 v39, v52;
	_ =	sdelay $0x3  }
0x79d: {  	[tilespmem:v62+s3+$0x0] =	vst.idx.add.f32.msk $0xffff, v53  }
0x79e: {  	v57 =	vadd.s32 v39, v51;
	v53 =	vld.idx.msk [tilespmem:v63+s17+$0x0], $0xffff  }
0x79f: {  	v58 =	vadd.s32 v40, v52;
	_ =	sdelay $0x3  }
0x7a0: {  	[tilespmem:v57+s3+$0x0] =	vst.idx.add.f32.msk $0xffff, v53  }
0x7a1: {  	v59 =	vadd.s32 v40, v51;
	v53 =	vld.idx.msk [tilespmem:v58+s17+$0x0], $0xffff  }
0x7a2: {  	v60 =	vadd.s32 v41, v52;
	_ =	sdelay $0x3  }
0x7a3: {  	[tilespmem:v59+s3+$0x0] =	vst.idx.add.f32.msk $0xffff, v53  }
0x7a4: {  	v61 =	vadd.s32 v41, v51;
	v53 =	vld.idx.msk [tilespmem:v60+s17+$0x0], $0xffff  }
0x7a5: {  	v62 =	vadd.s32 v42, v52;
	_ =	sdelay $0x3  }
0x7a6: {  	[tilespmem:v61+s3+$0x0] =	vst.idx.add.f32.msk $0xffff, v53  }
0x7a7: {  	v63 =	vadd.s32 v42, v51;
	v53 =	vld.idx.msk [tilespmem:v62+s17+$0x0], $0xffff  }
0x7a8: {  	v57 =	vadd.s32 v43, v52;
	_ =	sdelay $0x3  }
0x7a9: {  	[tilespmem:v63+s3+$0x0] =	vst.idx.add.f32.msk $0xffff, v53  }
0x7aa: {  	v58 =	vadd.s32 v43, v51;
	v53 =	vld.idx.msk [tilespmem:v57+s17+$0x0], $0xffff  }
0x7ab: {  	v59 =	vadd.s32 v44, v52;
	_ =	sdelay $0x3  }
0x7ac: {  	[tilespmem:v58+s3+$0x0] =	vst.idx.add.f32.msk $0xffff, v53  }
0x7ad: {  	v60 =	vadd.s32 v44, v51;
	v53 =	vld.idx.msk [tilespmem:v59+s17+$0x0], $0xffff  }
0x7ae: {  	v61 =	vadd.s32 v45, v52;
	_ =	sdelay $0x3  }
0x7af: {  	[tilespmem:v60+s3+$0x0] =	vst.idx.add.f32.msk $0xffff, v53  }
0x7b0: {  	v62 =	vadd.s32 v45, v51;
	v53 =	vld.idx.msk [tilespmem:v61+s17+$0x0], $0xffff  }
0x7b1: {  	v63 =	vadd.s32 v46, v52;
	_ =	sdelay $0x3  }
0x7b2: {  	[tilespmem:v62+s3+$0x0] =	vst.idx.add.f32.msk $0xffff, v53  }
0x7b3: {  	v57 =	vadd.s32 v46, v51;
	v53 =	vld.idx.msk [tilespmem:v63+s17+$0x0], $0xffff  }
0x7b4: {  	v58 =	vadd.s32 v47, v52;
	_ =	sdelay $0x3  }
0x7b5: {  	[tilespmem:v57+s3+$0x0] =	vst.idx.add.f32.msk $0xffff, v53  }
0x7b6: {  	v59 =	vadd.s32 v47, v51;
	v53 =	vld.idx.msk [tilespmem:v58+s17+$0x0], $0xffff  }
0x7b7: {  	v60 =	vadd.s32 v48, v52;
	_ =	sdelay $0x3  }
0x7b8: {  	[tilespmem:v59+s3+$0x0] =	vst.idx.add.f32.msk $0xffff, v53  }
0x7b9: {  	v61 =	vadd.s32 v48, v51;
	v53 =	vld.idx.msk [tilespmem:v60+s17+$0x0], $0xffff  }
0x7ba: {  	v62 =	vadd.s32 v49, v52;
	_ =	sdelay $0x3  }
0x7bb: {  	[tilespmem:v61+s3+$0x0] =	vst.idx.add.f32.msk $0xffff, v53  }
0x7bc: {  	v63 =	vadd.s32 v49, v51;
	v53 =	vld.idx.msk [tilespmem:v62+s17+$0x0], $0xffff  }
0x7bd: {  	v52 =	vadd.s32 v50, v52;
	_ =	sdelay $0x3  }
0x7be: {  	[tilespmem:v63+s3+$0x0] =	vst.idx.add.f32.msk $0xffff, v53  }
0x7bf: {  	s30 =	simm.s32 $0x1;
	v51 =	vadd.s32 v50, v51;
	v55 =	vld.idx.msk [tilespmem:v52+s17+$0x0], $0xffff  }
0x7c0: {  	v54 =	vmov s30  }
0x7c1: {  	v56 =	vshrl.u32 v54, $0x3  }
0x7c2: {  	s29 =	simm.s32 $0x2;
	v53 =	vshll.u32 v54, $0x7;
	v52 =	vmul.u32 $0x1800, v56  }
.LBB2_11:
0x7c3: {  	_ = 	snop  }
0x7c4: {  	p0 =	sne.s32 s29, $0x1F;
	[tilespmem:v51+s3+$0x0] =	vst.idx.add.f32.msk $0xffff, v55;
	s4 =	smov.u32 s29;
	s29 =	sadd.s32 $0x1, s29  }
0x7c5: {  	v51 =	vld.idx.msk [tilespmem:v54+s25+$0x0], $0xffff;
	_ =	sdelay $0x5  }
0x7c6: {  	v54 =	vshrl.u32 v51, $0x3;
	v51 =	vshll.u32 v51, $0x7  }
0x7c7: {  	v54 =	vmul.u32 $0x1800, v54  }
0x7c8: {  	v51 =	vand.u32 $0x380, v51  }
0x7c9: {  	v51 =	vor.u32 v51, v54  }
0x7ca: {  	v54 =	vor.u32 v0, v51;
	_ =	sdelay $0x3  }
0x7cb: {  	v53 =	vand.u32 $0x380, v53  }
0x7cc: {  	v52 =	vor.u32 v53, v52;
	v54 =	vld.idx.msk [tilespmem:v54+s17+$0x0], $0xffff  }
0x7cd: {  	v53 =	vor.u32 v0, v52  }
0x7ce: {  	v55 =	vor.u32 v1, v51;
	_ =	sdelay $0x3  }
0x7cf: {  	[tilespmem:v53+s3+$0x0] =	vst.idx.add.f32.msk $0xffff, v54  }
0x7d0: {  	v53 =	vld.idx.msk [tilespmem:v55+s17+$0x0], $0xffff  }
0x7d1: {  	v54 =	vor.u32 v1, v52  }
0x7d2: {  	v55 =	vor.u32 v2, v51;
	_ =	sdelay $0x3  }
0x7d3: {  	[tilespmem:v54+s3+$0x0] =	vst.idx.add.f32.msk $0xffff, v53  }
0x7d4: {  	v53 =	vld.idx.msk [tilespmem:v55+s17+$0x0], $0xffff  }
0x7d5: {  	v54 =	vor.u32 v2, v52  }
0x7d6: {  	v55 =	vor.u32 v6, v51;
	_ =	sdelay $0x3  }
0x7d7: {  	[tilespmem:v54+s3+$0x0] =	vst.idx.add.f32.msk $0xffff, v53  }
0x7d8: {  	v53 =	vld.idx.msk [tilespmem:v55+s17+$0x0], $0xffff  }
0x7d9: {  	v54 =	vor.u32 v6, v52  }
0x7da: {  	v55 =	vor.u32 v7, v51;
	_ =	sdelay $0x3  }
0x7db: {  	[tilespmem:v54+s3+$0x0] =	vst.idx.add.f32.msk $0xffff, v53  }
0x7dc: {  	v53 =	vld.idx.msk [tilespmem:v55+s17+$0x0], $0xffff  }
0x7dd: {  	v54 =	vor.u32 v7, v52  }
0x7de: {  	v55 =	vor.u32 v8, v51;
	_ =	sdelay $0x3  }
0x7df: {  	[tilespmem:v54+s3+$0x0] =	vst.idx.add.f32.msk $0xffff, v53  }
0x7e0: {  	v53 =	vld.idx.msk [tilespmem:v55+s17+$0x0], $0xffff  }
0x7e1: {  	v54 =	vor.u32 v8, v52  }
0x7e2: {  	v55 =	vor.u32 v9, v51;
	_ =	sdelay $0x3  }
0x7e3: {  	[tilespmem:v54+s3+$0x0] =	vst.idx.add.f32.msk $0xffff, v53  }
0x7e4: {  	v53 =	vld.idx.msk [tilespmem:v55+s17+$0x0], $0xffff  }
0x7e5: {  	v54 =	vor.u32 v9, v52  }
0x7e6: {  	v55 =	vor.u32 v10, v51;
	_ =	sdelay $0x3  }
0x7e7: {  	[tilespmem:v54+s3+$0x0] =	vst.idx.add.f32.msk $0xffff, v53  }
0x7e8: {  	v53 =	vld.idx.msk [tilespmem:v55+s17+$0x0], $0xffff  }
0x7e9: {  	v54 =	vor.u32 v10, v52  }
0x7ea: {  	v55 =	vor.u32 v11, v51;
	_ =	sdelay $0x3  }
0x7eb: {  	[tilespmem:v54+s3+$0x0] =	vst.idx.add.f32.msk $0xffff, v53  }
0x7ec: {  	v53 =	vld.idx.msk [tilespmem:v55+s17+$0x0], $0xffff  }
0x7ed: {  	v54 =	vor.u32 v11, v52  }
0x7ee: {  	v55 =	vor.u32 v12, v51;
	_ =	sdelay $0x3  }
0x7ef: {  	[tilespmem:v54+s3+$0x0] =	vst.idx.add.f32.msk $0xffff, v53  }
0x7f0: {  	v53 =	vld.idx.msk [tilespmem:v55+s17+$0x0], $0xffff  }
0x7f1: {  	v54 =	vor.u32 v12, v52  }
0x7f2: {  	v55 =	vor.u32 v13, v51;
	_ =	sdelay $0x3  }
0x7f3: {  	[tilespmem:v54+s3+$0x0] =	vst.idx.add.f32.msk $0xffff, v53  }
0x7f4: {  	v53 =	vld.idx.msk [tilespmem:v55+s17+$0x0], $0xffff  }
0x7f5: {  	v54 =	vor.u32 v13, v52  }
0x7f6: {  	v55 =	vor.u32 v14, v51;
	_ =	sdelay $0x3  }
0x7f7: {  	[tilespmem:v54+s3+$0x0] =	vst.idx.add.f32.msk $0xffff, v53  }
0x7f8: {  	v53 =	vld.idx.msk [tilespmem:v55+s17+$0x0], $0xffff  }
0x7f9: {  	v54 =	vor.u32 v14, v52  }
0x7fa: {  	v55 =	vor.u32 v15, v51;
	_ =	sdelay $0x3  }
0x7fb: {  	[tilespmem:v54+s3+$0x0] =	vst.idx.add.f32.msk $0xffff, v53  }
0x7fc: {  	v53 =	vld.idx.msk [tilespmem:v55+s17+$0x0], $0xffff  }
0x7fd: {  	v54 =	vor.u32 v15, v52  }
0x7fe: {  	v55 =	vor.u32 v16, v51;
	_ =	sdelay $0x3  }
0x7ff: {  	[tilespmem:v54+s3+$0x0] =	vst.idx.add.f32.msk $0xffff, v53  }
0x800: {  	v53 =	vld.idx.msk [tilespmem:v55+s17+$0x0], $0xffff  }
0x801: {  	v54 =	vor.u32 v16, v52  }
0x802: {  	v55 =	vor.u32 v17, v51;
	_ =	sdelay $0x3  }
0x803: {  	[tilespmem:v54+s3+$0x0] =	vst.idx.add.f32.msk $0xffff, v53  }
0x804: {  	v53 =	vld.idx.msk [tilespmem:v55+s17+$0x0], $0xffff  }
0x805: {  	v54 =	vor.u32 v17, v52  }
0x806: {  	v55 =	vor.u32 v18, v51;
	_ =	sdelay $0x3  }
0x807: {  	[tilespmem:v54+s3+$0x0] =	vst.idx.add.f32.msk $0xffff, v53  }
0x808: {  	v53 =	vld.idx.msk [tilespmem:v55+s17+$0x0], $0xffff  }
0x809: {  	v54 =	vor.u32 v18, v52  }
0x80a: {  	v55 =	vadd.s32 v19, v51;
	_ =	sdelay $0x3  }
0x80b: {  	[tilespmem:v54+s3+$0x0] =	vst.idx.add.f32.msk $0xffff, v53  }
0x80c: {  	v53 =	vld.idx.msk [tilespmem:v55+s17+$0x0], $0xffff  }
0x80d: {  	v54 =	vadd.s32 v19, v52  }
0x80e: {  	v55 =	vadd.s32 v20, v51;
	_ =	sdelay $0x3  }
0x80f: {  	[tilespmem:v54+s3+$0x0] =	vst.idx.add.f32.msk $0xffff, v53  }
0x810: {  	v53 =	vld.idx.msk [tilespmem:v55+s17+$0x0], $0xffff  }
0x811: {  	v54 =	vadd.s32 v20, v52  }
0x812: {  	v55 =	vadd.s32 v21, v51;
	_ =	sdelay $0x3  }
0x813: {  	[tilespmem:v54+s3+$0x0] =	vst.idx.add.f32.msk $0xffff, v53  }
0x814: {  	v53 =	vld.idx.msk [tilespmem:v55+s17+$0x0], $0xffff  }
0x815: {  	v54 =	vadd.s32 v21, v52  }
0x816: {  	v55 =	vadd.s32 v22, v51;
	_ =	sdelay $0x3  }
0x817: {  	[tilespmem:v54+s3+$0x0] =	vst.idx.add.f32.msk $0xffff, v53  }
0x818: {  	v53 =	vld.idx.msk [tilespmem:v55+s17+$0x0], $0xffff  }
0x819: {  	v54 =	vadd.s32 v22, v52  }
0x81a: {  	v55 =	vadd.s32 v23, v51;
	_ =	sdelay $0x3  }
0x81b: {  	[tilespmem:v54+s3+$0x0] =	vst.idx.add.f32.msk $0xffff, v53  }
0x81c: {  	v53 =	vld.idx.msk [tilespmem:v55+s17+$0x0], $0xffff  }
0x81d: {  	v54 =	vadd.s32 v23, v52  }
0x81e: {  	v55 =	vadd.s32 v24, v51;
	_ =	sdelay $0x3  }
0x81f: {  	[tilespmem:v54+s3+$0x0] =	vst.idx.add.f32.msk $0xffff, v53  }
0x820: {  	v53 =	vld.idx.msk [tilespmem:v55+s17+$0x0], $0xffff  }
0x821: {  	v54 =	vadd.s32 v24, v52  }
0x822: {  	v55 =	vadd.s32 v25, v51;
	_ =	sdelay $0x3  }
0x823: {  	[tilespmem:v54+s3+$0x0] =	vst.idx.add.f32.msk $0xffff, v53  }
0x824: {  	v53 =	vld.idx.msk [tilespmem:v55+s17+$0x0], $0xffff  }
0x825: {  	v54 =	vadd.s32 v25, v52  }
0x826: {  	v55 =	vadd.s32 v26, v51;
	_ =	sdelay $0x3  }
0x827: {  	[tilespmem:v54+s3+$0x0] =	vst.idx.add.f32.msk $0xffff, v53  }
0x828: {  	v53 =	vld.idx.msk [tilespmem:v55+s17+$0x0], $0xffff  }
0x829: {  	v54 =	vadd.s32 v26, v52  }
0x82a: {  	v55 =	vadd.s32 v27, v51;
	_ =	sdelay $0x3  }
0x82b: {  	[tilespmem:v54+s3+$0x0] =	vst.idx.add.f32.msk $0xffff, v53  }
0x82c: {  	v53 =	vld.idx.msk [tilespmem:v55+s17+$0x0], $0xffff  }
0x82d: {  	v54 =	vadd.s32 v27, v52  }
0x82e: {  	v55 =	vadd.s32 v28, v51;
	_ =	sdelay $0x3  }
0x82f: {  	[tilespmem:v54+s3+$0x0] =	vst.idx.add.f32.msk $0xffff, v53  }
0x830: {  	v53 =	vld.idx.msk [tilespmem:v55+s17+$0x0], $0xffff  }
0x831: {  	v54 =	vadd.s32 v28, v52  }
0x832: {  	v55 =	vadd.s32 v29, v51;
	_ =	sdelay $0x3  }
0x833: {  	[tilespmem:v54+s3+$0x0] =	vst.idx.add.f32.msk $0xffff, v53  }
0x834: {  	v53 =	vld.idx.msk [tilespmem:v55+s17+$0x0], $0xffff  }
0x835: {  	v54 =	vadd.s32 v29, v52  }
0x836: {  	v55 =	vadd.s32 v30, v51;
	_ =	sdelay $0x3  }
0x837: {  	[tilespmem:v54+s3+$0x0] =	vst.idx.add.f32.msk $0xffff, v53  }
0x838: {  	v53 =	vld.idx.msk [tilespmem:v55+s17+$0x0], $0xffff  }
0x839: {  	v54 =	vadd.s32 v30, v52  }
0x83a: {  	v55 =	vadd.s32 v31, v51;
	_ =	sdelay $0x3  }
0x83b: {  	[tilespmem:v54+s3+$0x0] =	vst.idx.add.f32.msk $0xffff, v53  }
0x83c: {  	v53 =	vld.idx.msk [tilespmem:v55+s17+$0x0], $0xffff  }
0x83d: {  	v54 =	vadd.s32 v31, v52  }
0x83e: {  	v55 =	vadd.s32 v32, v51;
	_ =	sdelay $0x3  }
0x83f: {  	[tilespmem:v54+s3+$0x0] =	vst.idx.add.f32.msk $0xffff, v53  }
0x840: {  	v53 =	vld.idx.msk [tilespmem:v55+s17+$0x0], $0xffff  }
0x841: {  	v54 =	vadd.s32 v32, v52  }
0x842: {  	v55 =	vadd.s32 v33, v51;
	_ =	sdelay $0x3  }
0x843: {  	[tilespmem:v54+s3+$0x0] =	vst.idx.add.f32.msk $0xffff, v53  }
0x844: {  	v53 =	vld.idx.msk [tilespmem:v55+s17+$0x0], $0xffff  }
0x845: {  	v54 =	vadd.s32 v33, v52  }
0x846: {  	v55 =	vadd.s32 v34, v51;
	_ =	sdelay $0x3  }
0x847: {  	[tilespmem:v54+s3+$0x0] =	vst.idx.add.f32.msk $0xffff, v53  }
0x848: {  	v53 =	vld.idx.msk [tilespmem:v55+s17+$0x0], $0xffff  }
0x849: {  	v54 =	vadd.s32 v34, v52  }
0x84a: {  	v55 =	vadd.s32 v35, v51;
	_ =	sdelay $0x3  }
0x84b: {  	[tilespmem:v54+s3+$0x0] =	vst.idx.add.f32.msk $0xffff, v53  }
0x84c: {  	v53 =	vld.idx.msk [tilespmem:v55+s17+$0x0], $0xffff  }
0x84d: {  	v54 =	vadd.s32 v35, v52  }
0x84e: {  	v55 =	vadd.s32 v36, v51;
	_ =	sdelay $0x3  }
0x84f: {  	[tilespmem:v54+s3+$0x0] =	vst.idx.add.f32.msk $0xffff, v53  }
0x850: {  	v53 =	vld.idx.msk [tilespmem:v55+s17+$0x0], $0xffff  }
0x851: {  	v54 =	vadd.s32 v36, v52  }
0x852: {  	v55 =	vadd.s32 v37, v51;
	_ =	sdelay $0x3  }
0x853: {  	[tilespmem:v54+s3+$0x0] =	vst.idx.add.f32.msk $0xffff, v53  }
0x854: {  	v53 =	vld.idx.msk [tilespmem:v55+s17+$0x0], $0xffff  }
0x855: {  	v54 =	vadd.s32 v37, v52  }
0x856: {  	v55 =	vadd.s32 v38, v51;
	_ =	sdelay $0x3  }
0x857: {  	[tilespmem:v54+s3+$0x0] =	vst.idx.add.f32.msk $0xffff, v53  }
0x858: {  	v53 =	vld.idx.msk [tilespmem:v55+s17+$0x0], $0xffff  }
0x859: {  	v54 =	vadd.s32 v38, v52  }
0x85a: {  	v55 =	vadd.s32 v39, v51;
	_ =	sdelay $0x3  }
0x85b: {  	[tilespmem:v54+s3+$0x0] =	vst.idx.add.f32.msk $0xffff, v53  }
0x85c: {  	v53 =	vld.idx.msk [tilespmem:v55+s17+$0x0], $0xffff  }
0x85d: {  	v54 =	vadd.s32 v39, v52  }
0x85e: {  	v55 =	vadd.s32 v40, v51;
	_ =	sdelay $0x3  }
0x85f: {  	[tilespmem:v54+s3+$0x0] =	vst.idx.add.f32.msk $0xffff, v53  }
0x860: {  	v53 =	vld.idx.msk [tilespmem:v55+s17+$0x0], $0xffff  }
0x861: {  	v54 =	vadd.s32 v40, v52  }
0x862: {  	v55 =	vadd.s32 v41, v51;
	_ =	sdelay $0x3  }
0x863: {  	[tilespmem:v54+s3+$0x0] =	vst.idx.add.f32.msk $0xffff, v53  }
0x864: {  	v53 =	vld.idx.msk [tilespmem:v55+s17+$0x0], $0xffff  }
0x865: {  	v54 =	vadd.s32 v41, v52  }
0x866: {  	v55 =	vadd.s32 v42, v51;
	_ =	sdelay $0x3  }
0x867: {  	[tilespmem:v54+s3+$0x0] =	vst.idx.add.f32.msk $0xffff, v53  }
0x868: {  	v53 =	vld.idx.msk [tilespmem:v55+s17+$0x0], $0xffff  }
0x869: {  	v54 =	vadd.s32 v42, v52  }
0x86a: {  	v55 =	vadd.s32 v43, v51;
	_ =	sdelay $0x3  }
0x86b: {  	[tilespmem:v54+s3+$0x0] =	vst.idx.add.f32.msk $0xffff, v53  }
0x86c: {  	v53 =	vld.idx.msk [tilespmem:v55+s17+$0x0], $0xffff  }
0x86d: {  	v54 =	vadd.s32 v43, v52  }
0x86e: {  	v55 =	vadd.s32 v44, v51;
	_ =	sdelay $0x3  }
0x86f: {  	[tilespmem:v54+s3+$0x0] =	vst.idx.add.f32.msk $0xffff, v53  }
0x870: {  	v53 =	vld.idx.msk [tilespmem:v55+s17+$0x0], $0xffff  }
0x871: {  	v54 =	vadd.s32 v44, v52  }
0x872: {  	v55 =	vadd.s32 v45, v51;
	_ =	sdelay $0x3  }
0x873: {  	[tilespmem:v54+s3+$0x0] =	vst.idx.add.f32.msk $0xffff, v53  }
0x874: {  	v53 =	vld.idx.msk [tilespmem:v55+s17+$0x0], $0xffff  }
0x875: {  	v54 =	vadd.s32 v45, v52  }
0x876: {  	v55 =	vadd.s32 v46, v51;
	_ =	sdelay $0x3  }
0x877: {  	[tilespmem:v54+s3+$0x0] =	vst.idx.add.f32.msk $0xffff, v53  }
0x878: {  	v53 =	vld.idx.msk [tilespmem:v55+s17+$0x0], $0xffff  }
0x879: {  	v54 =	vadd.s32 v46, v52  }
0x87a: {  	v55 =	vadd.s32 v47, v51;
	_ =	sdelay $0x3  }
0x87b: {  	[tilespmem:v54+s3+$0x0] =	vst.idx.add.f32.msk $0xffff, v53  }
0x87c: {  	v53 =	vld.idx.msk [tilespmem:v55+s17+$0x0], $0xffff  }
0x87d: {  	v54 =	vadd.s32 v47, v52  }
0x87e: {  	v55 =	vadd.s32 v48, v51;
	_ =	sdelay $0x3  }
0x87f: {  	[tilespmem:v54+s3+$0x0] =	vst.idx.add.f32.msk $0xffff, v53  }
0x880: {  	v53 =	vld.idx.msk [tilespmem:v55+s17+$0x0], $0xffff  }
0x881: {  	v54 =	vadd.s32 v48, v52  }
0x882: {  	v55 =	vadd.s32 v49, v51;
	_ =	sdelay $0x3  }
0x883: {  	[tilespmem:v54+s3+$0x0] =	vst.idx.add.f32.msk $0xffff, v53  }
0x884: {  	v53 =	vld.idx.msk [tilespmem:v55+s17+$0x0], $0xffff  }
0x885: {  	v54 =	vadd.s32 v49, v52  }
0x886: {  	v51 =	vadd.s32 v50, v51;
	_ =	sdelay $0x3  }
0x887: {  	[tilespmem:v54+s3+$0x0] =	vst.idx.add.f32.msk $0xffff, v53  }
.Ltmp4:
0x888: {  	v55 =	vld.idx.msk [tilespmem:v51+s17+$0x0], $0xffff;
	(pc) =	sbr.rel @p0 .LBB2_11-.Ltmp4, $4  }
0x889: {  	v51 =	vadd.s32 v50, v52  }
0x88a: {  	v54 =	vmov s4  }
0x88b: {  	v52 =	vshrl.u32 v54, $0x3;
	v53 =	vshll.u32 v54, $0x7  }
0x88c: {  	v52 =	vmul.u32 $0x1800, v52  }
0x88d: {  	_ =	sdelay $0x3  }
0x88e: {  	[tilespmem:v51+s3+$0x0] =	vst.idx.add.f32.msk $0xffff, v55  }
0x88f: {  	v51 =	vld.idx.msk [tilespmem:v54+s25+$0x0], $0xffff;
	_ =	sdelay $0x4  }
0x890: {  	v54 =	vshrl.u32 v51, $0x3  }
0x891: {  	v51 =	vshll.u32 v51, $0x7;
	v54 =	vmul.u32 $0x1800, v54  }
0x892: {  	v51 =	vand.u32 $0x380, v51  }
0x893: {  	v51 =	vor.u32 v51, v54  }
0x894: {  	v54 =	vor.u32 v0, v51;
	_ =	sdelay $0x2  }
0x895: {  	v53 =	vand.u32 $0x380, v53  }
0x896: {  	v52 =	vor.u32 v53, v52  }
0x897: {  	v60 =	vor.u32 v0, v52;
	v59 =	vld.idx.msk [tilespmem:v54+s17+$0x0], $0xffff  }
0x898: {  	v61 =	vor.u32 v1, v51;
	_ =	sdelay $0x3  }
0x899: {  	[tilespmem:v60+s3+$0x0] =	vst.idx.add.f32.msk $0xffff, v59  }
0x89a: {  	v62 =	vor.u32 v1, v52;
	v53 =	vld.idx.msk [tilespmem:v61+s17+$0x0], $0xffff  }
0x89b: {  	v63 =	vor.u32 v2, v51;
	_ =	sdelay $0x3  }
0x89c: {  	[tilespmem:v62+s3+$0x0] =	vst.idx.add.f32.msk $0xffff, v53  }
0x89d: {  	v57 =	vor.u32 v2, v52;
	v53 =	vld.idx.msk [tilespmem:v63+s17+$0x0], $0xffff  }
0x89e: {  	v58 =	vor.u32 v6, v51;
	_ =	sdelay $0x3  }
0x89f: {  	[tilespmem:v57+s3+$0x0] =	vst.idx.add.f32.msk $0xffff, v53  }
0x8a0: {  	v59 =	vor.u32 v6, v52;
	v53 =	vld.idx.msk [tilespmem:v58+s17+$0x0], $0xffff  }
0x8a1: {  	v60 =	vor.u32 v7, v51;
	_ =	sdelay $0x3  }
0x8a2: {  	[tilespmem:v59+s3+$0x0] =	vst.idx.add.f32.msk $0xffff, v53  }
0x8a3: {  	v61 =	vor.u32 v7, v52;
	v53 =	vld.idx.msk [tilespmem:v60+s17+$0x0], $0xffff  }
0x8a4: {  	v62 =	vor.u32 v8, v51;
	_ =	sdelay $0x3  }
0x8a5: {  	[tilespmem:v61+s3+$0x0] =	vst.idx.add.f32.msk $0xffff, v53  }
0x8a6: {  	v63 =	vor.u32 v8, v52;
	v53 =	vld.idx.msk [tilespmem:v62+s17+$0x0], $0xffff  }
0x8a7: {  	v57 =	vor.u32 v9, v51;
	_ =	sdelay $0x3  }
0x8a8: {  	[tilespmem:v63+s3+$0x0] =	vst.idx.add.f32.msk $0xffff, v53  }
0x8a9: {  	v58 =	vor.u32 v9, v52;
	v53 =	vld.idx.msk [tilespmem:v57+s17+$0x0], $0xffff  }
0x8aa: {  	v59 =	vor.u32 v10, v51;
	_ =	sdelay $0x3  }
0x8ab: {  	[tilespmem:v58+s3+$0x0] =	vst.idx.add.f32.msk $0xffff, v53  }
0x8ac: {  	v60 =	vor.u32 v10, v52;
	v53 =	vld.idx.msk [tilespmem:v59+s17+$0x0], $0xffff  }
0x8ad: {  	v61 =	vor.u32 v11, v51;
	_ =	sdelay $0x3  }
0x8ae: {  	[tilespmem:v60+s3+$0x0] =	vst.idx.add.f32.msk $0xffff, v53  }
0x8af: {  	v62 =	vor.u32 v11, v52;
	v53 =	vld.idx.msk [tilespmem:v61+s17+$0x0], $0xffff  }
0x8b0: {  	v63 =	vor.u32 v12, v51;
	_ =	sdelay $0x3  }
0x8b1: {  	[tilespmem:v62+s3+$0x0] =	vst.idx.add.f32.msk $0xffff, v53  }
0x8b2: {  	v57 =	vor.u32 v12, v52;
	v53 =	vld.idx.msk [tilespmem:v63+s17+$0x0], $0xffff  }
0x8b3: {  	v58 =	vor.u32 v13, v51;
	_ =	sdelay $0x3  }
0x8b4: {  	[tilespmem:v57+s3+$0x0] =	vst.idx.add.f32.msk $0xffff, v53  }
0x8b5: {  	v59 =	vor.u32 v13, v52;
	v53 =	vld.idx.msk [tilespmem:v58+s17+$0x0], $0xffff  }
0x8b6: {  	v60 =	vor.u32 v14, v51;
	_ =	sdelay $0x3  }
0x8b7: {  	[tilespmem:v59+s3+$0x0] =	vst.idx.add.f32.msk $0xffff, v53  }
0x8b8: {  	v61 =	vor.u32 v14, v52;
	v53 =	vld.idx.msk [tilespmem:v60+s17+$0x0], $0xffff  }
0x8b9: {  	v62 =	vor.u32 v15, v51;
	_ =	sdelay $0x3  }
0x8ba: {  	[tilespmem:v61+s3+$0x0] =	vst.idx.add.f32.msk $0xffff, v53  }
0x8bb: {  	v63 =	vor.u32 v15, v52;
	v53 =	vld.idx.msk [tilespmem:v62+s17+$0x0], $0xffff  }
0x8bc: {  	v57 =	vor.u32 v16, v51;
	_ =	sdelay $0x3  }
0x8bd: {  	[tilespmem:v63+s3+$0x0] =	vst.idx.add.f32.msk $0xffff, v53  }
0x8be: {  	v58 =	vor.u32 v16, v52;
	v53 =	vld.idx.msk [tilespmem:v57+s17+$0x0], $0xffff  }
0x8bf: {  	v59 =	vor.u32 v17, v51;
	_ =	sdelay $0x3  }
0x8c0: {  	[tilespmem:v58+s3+$0x0] =	vst.idx.add.f32.msk $0xffff, v53  }
0x8c1: {  	v60 =	vor.u32 v17, v52;
	v53 =	vld.idx.msk [tilespmem:v59+s17+$0x0], $0xffff  }
0x8c2: {  	v61 =	vor.u32 v18, v51;
	_ =	sdelay $0x3  }
0x8c3: {  	[tilespmem:v60+s3+$0x0] =	vst.idx.add.f32.msk $0xffff, v53  }
0x8c4: {  	v62 =	vor.u32 v18, v52;
	v53 =	vld.idx.msk [tilespmem:v61+s17+$0x0], $0xffff  }
0x8c5: {  	v63 =	vadd.s32 v19, v51;
	_ =	sdelay $0x3  }
0x8c6: {  	[tilespmem:v62+s3+$0x0] =	vst.idx.add.f32.msk $0xffff, v53  }
0x8c7: {  	v57 =	vadd.s32 v19, v52;
	v53 =	vld.idx.msk [tilespmem:v63+s17+$0x0], $0xffff  }
0x8c8: {  	v58 =	vadd.s32 v20, v51;
	_ =	sdelay $0x3  }
0x8c9: {  	[tilespmem:v57+s3+$0x0] =	vst.idx.add.f32.msk $0xffff, v53  }
0x8ca: {  	v59 =	vadd.s32 v20, v52;
	v53 =	vld.idx.msk [tilespmem:v58+s17+$0x0], $0xffff  }
0x8cb: {  	v60 =	vadd.s32 v21, v51;
	_ =	sdelay $0x3  }
0x8cc: {  	[tilespmem:v59+s3+$0x0] =	vst.idx.add.f32.msk $0xffff, v53  }
0x8cd: {  	v61 =	vadd.s32 v21, v52;
	v53 =	vld.idx.msk [tilespmem:v60+s17+$0x0], $0xffff  }
0x8ce: {  	v62 =	vadd.s32 v22, v51;
	_ =	sdelay $0x3  }
0x8cf: {  	[tilespmem:v61+s3+$0x0] =	vst.idx.add.f32.msk $0xffff, v53  }
0x8d0: {  	v63 =	vadd.s32 v22, v52;
	v53 =	vld.idx.msk [tilespmem:v62+s17+$0x0], $0xffff  }
0x8d1: {  	v57 =	vadd.s32 v23, v51;
	_ =	sdelay $0x3  }
0x8d2: {  	[tilespmem:v63+s3+$0x0] =	vst.idx.add.f32.msk $0xffff, v53  }
0x8d3: {  	v58 =	vadd.s32 v23, v52;
	v53 =	vld.idx.msk [tilespmem:v57+s17+$0x0], $0xffff  }
0x8d4: {  	v59 =	vadd.s32 v24, v51;
	_ =	sdelay $0x3  }
0x8d5: {  	[tilespmem:v58+s3+$0x0] =	vst.idx.add.f32.msk $0xffff, v53  }
0x8d6: {  	v60 =	vadd.s32 v24, v52;
	v53 =	vld.idx.msk [tilespmem:v59+s17+$0x0], $0xffff  }
0x8d7: {  	v61 =	vadd.s32 v25, v51;
	_ =	sdelay $0x3  }
0x8d8: {  	[tilespmem:v60+s3+$0x0] =	vst.idx.add.f32.msk $0xffff, v53  }
0x8d9: {  	v62 =	vadd.s32 v25, v52;
	v53 =	vld.idx.msk [tilespmem:v61+s17+$0x0], $0xffff  }
0x8da: {  	v63 =	vadd.s32 v26, v51;
	_ =	sdelay $0x3  }
0x8db: {  	[tilespmem:v62+s3+$0x0] =	vst.idx.add.f32.msk $0xffff, v53  }
0x8dc: {  	v57 =	vadd.s32 v26, v52;
	v53 =	vld.idx.msk [tilespmem:v63+s17+$0x0], $0xffff  }
0x8dd: {  	v58 =	vadd.s32 v27, v51;
	_ =	sdelay $0x3  }
0x8de: {  	[tilespmem:v57+s3+$0x0] =	vst.idx.add.f32.msk $0xffff, v53  }
0x8df: {  	v59 =	vadd.s32 v27, v52;
	v53 =	vld.idx.msk [tilespmem:v58+s17+$0x0], $0xffff  }
0x8e0: {  	v60 =	vadd.s32 v28, v51;
	_ =	sdelay $0x3  }
0x8e1: {  	[tilespmem:v59+s3+$0x0] =	vst.idx.add.f32.msk $0xffff, v53  }
0x8e2: {  	v61 =	vadd.s32 v28, v52;
	v53 =	vld.idx.msk [tilespmem:v60+s17+$0x0], $0xffff  }
0x8e3: {  	v62 =	vadd.s32 v29, v51;
	_ =	sdelay $0x3  }
0x8e4: {  	[tilespmem:v61+s3+$0x0] =	vst.idx.add.f32.msk $0xffff, v53  }
0x8e5: {  	v63 =	vadd.s32 v29, v52;
	v53 =	vld.idx.msk [tilespmem:v62+s17+$0x0], $0xffff  }
0x8e6: {  	v57 =	vadd.s32 v30, v51;
	_ =	sdelay $0x3  }
0x8e7: {  	[tilespmem:v63+s3+$0x0] =	vst.idx.add.f32.msk $0xffff, v53  }
0x8e8: {  	v58 =	vadd.s32 v30, v52;
	v53 =	vld.idx.msk [tilespmem:v57+s17+$0x0], $0xffff  }
0x8e9: {  	v59 =	vadd.s32 v31, v51;
	_ =	sdelay $0x3  }
0x8ea: {  	[tilespmem:v58+s3+$0x0] =	vst.idx.add.f32.msk $0xffff, v53  }
0x8eb: {  	v60 =	vadd.s32 v31, v52;
	v53 =	vld.idx.msk [tilespmem:v59+s17+$0x0], $0xffff  }
0x8ec: {  	v61 =	vadd.s32 v32, v51;
	_ =	sdelay $0x3  }
0x8ed: {  	[tilespmem:v60+s3+$0x0] =	vst.idx.add.f32.msk $0xffff, v53  }
0x8ee: {  	v62 =	vadd.s32 v32, v52;
	v53 =	vld.idx.msk [tilespmem:v61+s17+$0x0], $0xffff  }
0x8ef: {  	v63 =	vadd.s32 v33, v51;
	_ =	sdelay $0x3  }
0x8f0: {  	[tilespmem:v62+s3+$0x0] =	vst.idx.add.f32.msk $0xffff, v53  }
0x8f1: {  	v57 =	vadd.s32 v33, v52;
	v53 =	vld.idx.msk [tilespmem:v63+s17+$0x0], $0xffff  }
0x8f2: {  	v58 =	vadd.s32 v34, v51;
	_ =	sdelay $0x3  }
0x8f3: {  	[tilespmem:v57+s3+$0x0] =	vst.idx.add.f32.msk $0xffff, v53  }
0x8f4: {  	v59 =	vadd.s32 v34, v52;
	v53 =	vld.idx.msk [tilespmem:v58+s17+$0x0], $0xffff  }
0x8f5: {  	v60 =	vadd.s32 v35, v51;
	_ =	sdelay $0x3  }
0x8f6: {  	[tilespmem:v59+s3+$0x0] =	vst.idx.add.f32.msk $0xffff, v53  }
0x8f7: {  	v61 =	vadd.s32 v35, v52;
	v53 =	vld.idx.msk [tilespmem:v60+s17+$0x0], $0xffff  }
0x8f8: {  	v62 =	vadd.s32 v36, v51;
	_ =	sdelay $0x3  }
0x8f9: {  	[tilespmem:v61+s3+$0x0] =	vst.idx.add.f32.msk $0xffff, v53  }
0x8fa: {  	v63 =	vadd.s32 v36, v52;
	v53 =	vld.idx.msk [tilespmem:v62+s17+$0x0], $0xffff  }
0x8fb: {  	v57 =	vadd.s32 v37, v51;
	_ =	sdelay $0x3  }
0x8fc: {  	[tilespmem:v63+s3+$0x0] =	vst.idx.add.f32.msk $0xffff, v53  }
0x8fd: {  	v58 =	vadd.s32 v37, v52;
	v53 =	vld.idx.msk [tilespmem:v57+s17+$0x0], $0xffff  }
0x8fe: {  	v59 =	vadd.s32 v38, v51;
	_ =	sdelay $0x3  }
0x8ff: {  	[tilespmem:v58+s3+$0x0] =	vst.idx.add.f32.msk $0xffff, v53  }
0x900: {  	v60 =	vadd.s32 v38, v52;
	v53 =	vld.idx.msk [tilespmem:v59+s17+$0x0], $0xffff  }
0x901: {  	v61 =	vadd.s32 v39, v51;
	_ =	sdelay $0x3  }
0x902: {  	[tilespmem:v60+s3+$0x0] =	vst.idx.add.f32.msk $0xffff, v53  }
0x903: {  	v62 =	vadd.s32 v39, v52;
	v53 =	vld.idx.msk [tilespmem:v61+s17+$0x0], $0xffff  }
0x904: {  	v63 =	vadd.s32 v40, v51;
	_ =	sdelay $0x3  }
0x905: {  	[tilespmem:v62+s3+$0x0] =	vst.idx.add.f32.msk $0xffff, v53  }
0x906: {  	v57 =	vadd.s32 v40, v52;
	v53 =	vld.idx.msk [tilespmem:v63+s17+$0x0], $0xffff  }
0x907: {  	v58 =	vadd.s32 v41, v51;
	_ =	sdelay $0x3  }
0x908: {  	[tilespmem:v57+s3+$0x0] =	vst.idx.add.f32.msk $0xffff, v53  }
0x909: {  	v59 =	vadd.s32 v41, v52;
	v53 =	vld.idx.msk [tilespmem:v58+s17+$0x0], $0xffff  }
0x90a: {  	v60 =	vadd.s32 v42, v51;
	_ =	sdelay $0x3  }
0x90b: {  	[tilespmem:v59+s3+$0x0] =	vst.idx.add.f32.msk $0xffff, v53  }
0x90c: {  	v61 =	vadd.s32 v42, v52;
	v53 =	vld.idx.msk [tilespmem:v60+s17+$0x0], $0xffff  }
0x90d: {  	v62 =	vadd.s32 v43, v51;
	_ =	sdelay $0x3  }
0x90e: {  	[tilespmem:v61+s3+$0x0] =	vst.idx.add.f32.msk $0xffff, v53  }
0x90f: {  	v63 =	vadd.s32 v43, v52;
	v53 =	vld.idx.msk [tilespmem:v62+s17+$0x0], $0xffff  }
0x910: {  	v57 =	vadd.s32 v44, v51;
	_ =	sdelay $0x3  }
0x911: {  	[tilespmem:v63+s3+$0x0] =	vst.idx.add.f32.msk $0xffff, v53  }
0x912: {  	v58 =	vadd.s32 v44, v52;
	v53 =	vld.idx.msk [tilespmem:v57+s17+$0x0], $0xffff  }
0x913: {  	v59 =	vadd.s32 v45, v51;
	_ =	sdelay $0x3  }
0x914: {  	[tilespmem:v58+s3+$0x0] =	vst.idx.add.f32.msk $0xffff, v53  }
0x915: {  	v60 =	vadd.s32 v45, v52;
	v53 =	vld.idx.msk [tilespmem:v59+s17+$0x0], $0xffff  }
0x916: {  	v61 =	vadd.s32 v46, v51;
	_ =	sdelay $0x3  }
0x917: {  	[tilespmem:v60+s3+$0x0] =	vst.idx.add.f32.msk $0xffff, v53  }
0x918: {  	v62 =	vadd.s32 v46, v52;
	v53 =	vld.idx.msk [tilespmem:v61+s17+$0x0], $0xffff  }
0x919: {  	v63 =	vadd.s32 v47, v51;
	_ =	sdelay $0x3  }
0x91a: {  	[tilespmem:v62+s3+$0x0] =	vst.idx.add.f32.msk $0xffff, v53  }
0x91b: {  	v57 =	vadd.s32 v47, v52;
	v53 =	vld.idx.msk [tilespmem:v63+s17+$0x0], $0xffff  }
0x91c: {  	v58 =	vadd.s32 v48, v51;
	_ =	sdelay $0x3  }
0x91d: {  	[tilespmem:v57+s3+$0x0] =	vst.idx.add.f32.msk $0xffff, v53  }
0x91e: {  	v59 =	vadd.s32 v48, v52;
	v53 =	vld.idx.msk [tilespmem:v58+s17+$0x0], $0xffff  }
0x91f: {  	v60 =	vadd.s32 v49, v51;
	_ =	sdelay $0x3  }
0x920: {  	[tilespmem:v59+s3+$0x0] =	vst.idx.add.f32.msk $0xffff, v53  }
0x921: {  	v61 =	vadd.s32 v49, v52;
	v53 =	vld.idx.msk [tilespmem:v60+s17+$0x0], $0xffff  }
0x922: {  	v51 =	vadd.s32 v50, v51;
	_ =	sdelay $0x3  }
0x923: {  	[tilespmem:v61+s3+$0x0] =	vst.idx.add.f32.msk $0xffff, v53  }
0x924: {  	v52 =	vadd.s32 v50, v52;
	v51 =	vld.idx.msk [tilespmem:v51+s17+$0x0], $0xffff;
	_ =	sdelay $0x4  }
0x925: {  	[tilespmem:v52+s3+$0x0] =	vst.idx.add.f32.msk $0xffff, v51  }
0x926: {  	v51 =	vld [tilespmem:$0x1200];
	_ =	sdelay $0x4  }
0x927: {  	v62 =	vshrl.u32 v51, $0x3  }
0x928: {  	v52 =	vmul.u32 $0x30, v62  }
0x929: {  	v51 =	vand.u32 $0x7, v51  }
0x92a: {  	v51 =	vor.u32 v51, v52  }
0x92b: {  	v52 =	vperm.xlane v51, v3;
	_ =	sdelay $0x1  }
0x92c: {  	v52 =	vadd.s32 v4, v52;
	_ =	sdelay $0x3  }
0x92d: {  	v51 =	vperm.xlane v51, v5  }
0x92e: {  	[hbm4b:s5+s6] =	stream.indirect_vreg.scatter [tilespmem:s3], [sflag:$0x4], $0x80, v52, vm0, $0xb8;
	[tilespmem:$0x1C380] =	vst v63  }
0x92f: {  	s4 =	simm.s32 $0x16B80;
	v51 =	vadd.s32 v4, v51  }
0x930: {  	[hbm4b:s12+s6] =	stream.indirect_vreg.scatter [tilespmem:s4], [sflag:$0x4], $0x80, v52, vm0, $0xb8;
	[tilespmem:$0x1C380] =	vst v63  }
0x931: {  	_ = 	snop  }
0x932: {  	[hbm4b:s13+s6] =	stream.indirect_vreg.scatter [tilespmem:s8], [sflag:$0x4], $0x80, v52, vm0, $0xb8;
	[tilespmem:$0x1C380] =	vst v63  }
0x933: {  	_ = 	snop  }
0x934: {  	[hbm4b:s5+s6] =	stream.indirect_vreg.scatter [tilespmem:s9], [sflag:$0x4], $0x80, v51, vm0, $0xb8;
	[tilespmem:$0x1C380] =	vst v63  }
0x935: {  	_ = 	snop  }
0x936: {  	[hbm4b:s12+s6] =	stream.indirect_vreg.scatter [tilespmem:s14], [sflag:$0x4], $0x80, v51, vm0, $0xb8;
	[tilespmem:$0x1C380] =	vst v63  }
0x937: {  	_ = 	snop  }
0x938: {  	[hbm4b:s13+s6] =	stream.indirect_vreg.scatter [tilespmem:s15], [sflag:$0x4], $0x80, v51, vm0, $0xb8;
	[tilespmem:$0x1C380] =	vst v63  }
0x939: {  	v51 =	vld [tilespmem:$0x1210];
	_ =	sdelay $0x4  }
0x93a: {  	v63 =	vshrl.u32 v51, $0x3  }
0x93b: {  	v52 =	vmul.u32 $0x30, v63  }
0x93c: {  	v51 =	vand.u32 $0x7, v51  }
0x93d: {  	v51 =	vor.u32 v51, v52  }
0x93e: {  	v52 =	vperm.xlane v51, v3;
	_ =	sdelay $0x1  }
0x93f: {  	v52 =	vadd.s32 v4, v52;
	_ =	sdelay $0x3  }
0x940: {  	v51 =	vperm.xlane v51, v5  }
0x941: {  	[hbm4b:s5+s6] =	stream.indirect_vreg.scatter [tilespmem:s1], [sflag:$0x4], $0x80, v52, vm0, $0xb8;
	[tilespmem:$0x1C380] =	vst v63  }
0x942: {  	v51 =	vadd.s32 v4, v51  }
0x943: {  	[hbm4b:s12+s6] =	stream.indirect_vreg.scatter [tilespmem:s19], [sflag:$0x4], $0x80, v52, vm0, $0xb8;
	[tilespmem:$0x1C380] =	vst v63  }
0x944: {  	s28 =	sadd.s32 $0x1, s28  }
0x945: {  	[hbm4b:s13+s6] =	stream.indirect_vreg.scatter [tilespmem:s20], [sflag:$0x4], $0x80, v52, vm0, $0xb8;
	[tilespmem:$0x1C380] =	vst v63  }
0x946: {  	p0 =	sne.s32 s28, $0x8  }
0x947: {  	[hbm4b:s5+s6] =	stream.indirect_vreg.scatter [tilespmem:s21], [sflag:$0x4], $0x80, v51, vm0, $0xb8;
	[tilespmem:$0x1C380] =	vst v63  }
.Ltmp5:
0x948: {  	_ = 	snop;
	(pc) =	sbr.rel @p0 .LBB2_8-.Ltmp5, $4  }
0x949: {  	_ = 	snop  }
0x94a: {  	[hbm4b:s12+s6] =	stream.indirect_vreg.scatter [tilespmem:s22], [sflag:$0x4], $0x80, v51, vm0, $0xb8;
	[tilespmem:$0x1C380] =	vst v63  }
0x94b: {  	_ = 	snop  }
0x94c: {  	[hbm4b:s13+s6] =	stream.indirect_vreg.scatter [tilespmem:s23], [sflag:$0x4], $0x80, v51, vm0, $0xb8;
	[tilespmem:$0x1C380] =	vst v63  }
0x94d: {  	s4 =	simm.s32 $0x3  }
0x94e: {  	_ =	swait.ge [sflag:s4], $0x6000  }
0x94f: {  	[sflag:s4] =	ssyncset.done $0x0  }
0x950: {  	s26 =	simm.s32 $0x4;
	[sflag:s4] =	ssyncadd.s32 $0xFFFFA000  }
0x951: {  	_ =	swait.ge [sflag:s26], $0x6000  }
0x952: {  	s28 =	rddreg [dreg:$0xa]  }
0x953: {  	s29 =	rddreg [dreg:$0x9];
	s28 =	sadd.s32 $0x1, s28  }
0x954: {  	p0 =	sne.s32 s28, s29  }
.Ltmp6:
0x955: {  	_ = 	snop;
	(pc) =	sbr.rel @p0 .LBB2_1-.Ltmp6, $3  }
0x956: {  	_ =	sdelay $0x1  }
0x957: {  	[sflag:s26] =	ssyncset.done $0x0  }
0x958: {  	s30 =	simm.s32 $0x10B80;
	[sflag:s26] =	ssyncadd.s32 $0xFFFFA000  }
0x959: {  	_ =	sfence.sel $0x180000  }
0x95a: {  	[bflag:$0x0] =	sbarrier.arrive $0xFFFF  }
0x95b: {  	_ =	strace $0x90000047  }
0x95c: {  	s0 =	stileid.u32;
	[bflag:$0x2] =	sbarrier.arrive $0xFFFF  }
0x95d: {  	p0 =	sne.s32 s0, $0x0;
	s0 =	rddreg [dreg:$0x6]  }
0x95e: {  	s0 =	sadd.s32 @!p0 $0x100000, s0  }
0x95f: {  	[sflag:s0] =	ssyncadd.tile.s32 @!p0 $0x1;
	_ =	shalt  }
.Lfunc_end2:
_tile_overlayer_lowered:
.L_overlay_start_2:
0x960: {  	(tag) =	ssettag $0x2  }
0x961: {  	s0 =	rddreg [dreg:$0x0];
	s2 =	stileid.u32  }
0x962: {  	s1 =	rddreg [dreg:$0x1];
	p0 =	sne.s32 s2, $0x0  }
0x963: {  	s3 =	rddreg [dreg:$0x2];
	[bflag:$0x3] =	sbarrier.arrive $0xFFFF;
	s2 =	simm.s32 @!p0 $0x1C05  }
0x964: {  	[timem:s3], [sflag:s2] =	dma.local @!p0 [hbm:s0], s1  }
0x965: {  	s0 =	simm.s32 @!p0 $0x5  }
0x966: {  	_ =	swait.ge @!p0 [sflag:s0], s1  }
0x967: {  	s1 =	ssub.s32 @!p0 $0x0, s1;
	[sflag:s0] =	ssyncset.done @!p0 $0x0  }
0x968: {  	[sflag:s0] =	ssyncadd.s32 @!p0 s1  }
0x969: {  	[bflag:$0x3] =	sbarrier.arrive $0xFFFF  }
0x96a: {  	_ =	shalt  }

</sc_bundles>
